<compile_context>
chip_gen: v7x
topology: tpu7x:2x2x1
jax: 0.10.2.dev20260603
libtpu: 0.0.44.dev20260713+nightly
codegen_flags: <defaults>
</compile_context>

<pallas_src>
import jax
import jax.numpy as jnp
from jax import lax
from jax.experimental import pallas as pl
from jax.experimental.pallas import tpu as pltpu
from jax.experimental.pallas import tpu_sc as plsc

N_NODES = 10000
C_DIM = 128
NUM_PERIODS = 4
NC, NS = 2, 16
NB = NUM_PERIODS * NC
K_CHUNK = 128
ALIGN = NS * K_CHUNK
E_EDGES = 320000
E_TOT = E_EDGES + NB * ALIGN
E_TOT_W = E_TOT + 64
EPT = E_EDGES // 32
K_ROUTE = 128
N_RCH = (EPT + K_ROUTE - 1) // K_ROUTE
HALF = 5120
RPC_ACC = 5248
RPT_Z = RPC_ACC // NS
RPT_D = HALF // NS
ROWS_OUT = NC * HALF


def _sc_route():
  mesh = plsc.VectorSubcoreMesh(core_axis_name="c", subcore_axis_name="s",
                                num_cores=NC, num_subcores=NS)
  out_type = [jax.ShapeDtypeStruct((E_TOT_W,), jnp.int32)] * 3
  scratch = [
      pltpu.VMEM((K_ROUTE,), jnp.int32),
      pltpu.VMEM((K_ROUTE,), jnp.int32),
      pltpu.VMEM((K_ROUTE,), jnp.int32),
      pltpu.VMEM((K_ROUTE,), jnp.int32),
      pltpu.VMEM((K_ROUTE,), jnp.int32),
      pltpu.VMEM((K_ROUTE,), jnp.int32),
      pltpu.SemaphoreType.DMA,
      pltpu.SemaphoreType.DMA,
  ]

  def body(e_src, e_dstl, e_pos, e_src2, e_pos2, p_pos, p_vsrc, p_pos2,
           halfbuf, out_src, out_dst, out_src2,
           b_pos, b_src, b_dstl, b_pos2, b_src2, half_v, sem_l, sem_s):
    c = lax.axis_index("c")
    s = lax.axis_index("s")
    wid = c * NS + s
    base = wid * EPT
    pltpu.sync_copy(halfbuf, half_v)

    @pl.loop(0, N_RCH)
    def _route(j):
      off = pl.multiple_of(
          jnp.minimum(base + j * K_ROUTE, base + EPT - K_ROUTE), 8)
      loads = [
          pltpu.async_copy(e_pos.at[pl.ds(off, K_ROUTE)], b_pos, sem_l),
          pltpu.async_copy(e_src.at[pl.ds(off, K_ROUTE)], b_src, sem_l),
          pltpu.async_copy(e_dstl.at[pl.ds(off, K_ROUTE)], b_dstl, sem_l),
          pltpu.async_copy(e_pos2.at[pl.ds(off, K_ROUTE)], b_pos2, sem_l),
          pltpu.async_copy(e_src2.at[pl.ds(off, K_ROUTE)], b_src2, sem_l),
      ]
      for d in loads:
        d.wait()
      stores = [
          pltpu.async_copy(b_src, out_src.at[b_pos], sem_s),
          pltpu.async_copy(b_dstl, out_dst.at[b_pos], sem_s),
          pltpu.async_copy(b_src2, out_src2.at[b_pos2], sem_s),
      ]
      for d in stores:
        d.wait()

    pbase = wid * (NB * ALIGN // 32)
    for j in range(NB * ALIGN // 32 // K_ROUTE):
      off = pbase + j * K_ROUTE
      l1 = pltpu.async_copy(p_pos.at[pl.ds(off, K_ROUTE)], b_pos, sem_l)
      l2 = pltpu.async_copy(p_vsrc.at[pl.ds(off, K_ROUTE)], b_src, sem_l)
      l3 = pltpu.async_copy(p_pos2.at[pl.ds(off, K_ROUTE)], b_pos2, sem_l)
      l1.wait(); l2.wait(); l3.wait()
      s1 = pltpu.async_copy(b_src, out_src.at[b_pos], sem_s)
      s2 = pltpu.async_copy(half_v, out_dst.at[b_pos], sem_s)
      s3 = pltpu.async_copy(half_v, out_src2.at[b_pos2], sem_s)
      s1.wait(); s2.wait(); s3.wait()

  return pl.kernel(
      body, out_type=out_type, mesh=mesh, scratch_types=scratch,
      compiler_params=pltpu.CompilerParams(use_tc_tiling_on_sc=False))


def _sc_segment_sum(with_counts):
  mesh = plsc.VectorSubcoreMesh(core_axis_name="c", subcore_axis_name="s",
                                num_cores=NC, num_subcores=NS)
  out_type = [jax.ShapeDtypeStruct((ROWS_OUT, C_DIM), jnp.float32)]
  scratch = [
      pltpu.VMEM((16,), jnp.int32),
      pltpu.VMEM((K_CHUNK,), jnp.int32),
      pltpu.VMEM((K_CHUNK,), jnp.int32),
      pltpu.VMEM((K_CHUNK, C_DIM), jnp.float32),
      pltpu.VMEM_SHARED((RPC_ACC, C_DIM), jnp.float32),
      pltpu.SemaphoreType.DMA,
  ]
  if with_counts:
    out_type += [jax.ShapeDtypeStruct((ROWS_OUT, 16), jnp.float32)]
    scratch += [
        pltpu.VMEM((K_CHUNK,), jnp.int32),
        pltpu.VMEM((K_CHUNK, 16), jnp.float32),
        pltpu.VMEM((K_CHUNK, 16), jnp.float32),
        pltpu.VMEM_SHARED((RPC_ACC, 16), jnp.float32),
    ]

  def body(*refs):
    if with_counts:
      (tab, srce, dste, srcl2, seg, zrows, zcnt, ones_d_h, ones_s_h,
       out_agg, out_cnt,
       seg_v, src_v, dst_v, rows_v, acc, sem,
       src2_v, ones_d, ones_s, acc_cnt) = refs
    else:
      (tab, srce, dste, seg, zrows,
       out_agg, seg_v, src_v, dst_v, rows_v, acc, sem) = refs
    c = lax.axis_index("c")
    s = lax.axis_index("s")
    zbase = s * RPT_Z
    pltpu.sync_copy(zrows, acc.at[pl.ds(zbase, RPT_Z)])
    if with_counts:
      pltpu.sync_copy(zcnt, acc_cnt.at[pl.ds(zbase, RPT_Z)])
      pltpu.sync_copy(ones_d_h, ones_d)
      pltpu.sync_copy(ones_s_h, ones_s)
    pltpu.sync_copy(seg, seg_v)
    plsc.subcore_barrier()
    vec = seg_v[...]

    def pick(i0, i1):
      return jnp.where(c == 0, vec[i0], vec[i1])

    start = pick(0, 2)
    nch = pick(1, 3)
    base = start + s * nch * K_CHUNK

    def chunk(j, carry):
      off = pl.multiple_of(base + j * K_CHUNK, K_CHUNK)
      pltpu.sync_copy(srce.at[pl.ds(off, K_CHUNK)], src_v)
      pltpu.sync_copy(dste.at[pl.ds(off, K_CHUNK)], dst_v)
      pltpu.async_copy(tab.at[src_v], rows_v, sem).wait()
      pltpu.sync_copy(rows_v, acc.at[dst_v], add=True)
      if with_counts:
        pltpu.sync_copy(ones_d, acc_cnt.at[dst_v], add=True)
      return carry

    lax.fori_loop(0, nch, chunk, 0)
    if with_counts:
      start2 = pick(4, 6)
      nch2 = pick(5, 7)
      base2 = start2 + s * nch2 * K_CHUNK

      def chunk2(j, carry):
        off = pl.multiple_of(base2 + j * K_CHUNK, K_CHUNK)
        pltpu.sync_copy(srcl2.at[pl.ds(off, K_CHUNK)], src2_v)
        pltpu.sync_copy(ones_s, acc_cnt.at[src2_v], add=True)
        return carry

      lax.fori_loop(0, nch2, chunk2, 0)
    plsc.subcore_barrier()
    dbase = s * RPT_D
    obase = c * HALF + dbase
    pltpu.sync_copy(acc.at[pl.ds(dbase, RPT_D)],
                    out_agg.at[pl.ds(obase, RPT_D)])
    if with_counts:
      pltpu.sync_copy(acc_cnt.at[pl.ds(dbase, RPT_D)],
                      out_cnt.at[pl.ds(obase, RPT_D)])

  return pl.kernel(
      body, out_type=out_type, mesh=mesh, scratch_types=scratch,
      compiler_params=pltpu.CompilerParams(use_tc_tiling_on_sc=False))


_BR = 1000


def _tc_layer1(x, agg, cd, ws, wn, b):
  def body(x_r, agg_r, cd_r, ws_r, wn_r, b_r, out_r):
    cnt = cd_r[...][:, 0]
    inv = 1.0 / jnp.maximum(cnt, 1.0)
    agg_n = agg_r[...] * inv[:, None]
    h = (jnp.dot(x_r[...], ws_r[...], preferred_element_type=jnp.float32)
         + jnp.dot(agg_n, wn_r[...], preferred_element_type=jnp.float32)
         + b_r[...])
    out_r[...] = jnp.maximum(h, 0.0)

  grid = (N_NODES // _BR,)
  return pl.pallas_call(
      body,
      grid=grid,
      in_specs=[
          pl.BlockSpec((_BR, C_DIM), lambda i: (i, 0)),
          pl.BlockSpec((_BR, C_DIM), lambda i: (i, 0)),
          pl.BlockSpec((_BR, 16), lambda i: (i, 0)),
          pl.BlockSpec((C_DIM, C_DIM), lambda i: (0, 0)),
          pl.BlockSpec((C_DIM, C_DIM), lambda i: (0, 0)),
          pl.BlockSpec((1, C_DIM), lambda i: (0, 0)),
      ],
      out_specs=pl.BlockSpec((_BR, C_DIM), lambda i: (i, 0)),
      out_shape=jax.ShapeDtypeStruct((N_NODES, C_DIM), jnp.float32),
  )(x, agg, cd, ws, wn, b)


def _tc_layer2(x, h1, agg, cd, ws, wn, b):
  def body(x_r, h1_r, agg_r, cd_r, ws_r, wn_r, b_r, out_r):
    cd = cd_r[...]
    cnt = cd[:, 0]
    inv = 1.0 / jnp.maximum(cnt, 1.0)
    involved = (cnt + cd[:, 1]) > 0.0
    agg_n = agg_r[...] * inv[:, None]
    h = (jnp.dot(h1_r[...], ws_r[...], preferred_element_type=jnp.float32)
         + jnp.dot(agg_n, wn_r[...], preferred_element_type=jnp.float32)
         + b_r[...])
    out_r[...] = x_r[...] + jnp.where(involved[:, None], h, 0.0)

  grid = (N_NODES // _BR,)
  return pl.pallas_call(
      body,
      grid=grid,
      in_specs=[
          pl.BlockSpec((_BR, C_DIM), lambda i: (i, 0)),
          pl.BlockSpec((_BR, C_DIM), lambda i: (i, 0)),
          pl.BlockSpec((_BR, C_DIM), lambda i: (i, 0)),
          pl.BlockSpec((_BR, 16), lambda i: (i, 0)),
          pl.BlockSpec((C_DIM, C_DIM), lambda i: (0, 0)),
          pl.BlockSpec((C_DIM, C_DIM), lambda i: (0, 0)),
          pl.BlockSpec((1, C_DIM), lambda i: (0, 0)),
      ],
      out_specs=pl.BlockSpec((_BR, C_DIM), lambda i: (i, 0)),
      out_shape=jax.ShapeDtypeStruct((N_NODES, C_DIM), jnp.float32),
  )(x, h1, agg, cd, ws, wn, b)


def _tc_head(x, w_row, batch):
  def body(x_r, w_r, out_r):
    out_r[...] = jnp.sum(x_r[...] * w_r[...], axis=1, keepdims=True)

  return pl.pallas_call(
      body,
      grid=(1,),
      in_specs=[
          pl.BlockSpec((batch, C_DIM), lambda i: (0, 0)),
          pl.BlockSpec((1, C_DIM), lambda i: (0, 0)),
      ],
      out_specs=pl.BlockSpec((batch, 1), lambda i: (0, 0)),
      out_shape=jax.ShapeDtypeStruct((batch, 1), jnp.float32),
  )(x, w_row)


def kernel(x, node_time, edge_index, seed_time, min_timestamp, max_timestamp,
           update_period, W_self_0, W_neigh_0, b_0, W_self_1, W_neigh_1, b_1,
           W_head, b_head):
  src = edge_index[0]
  dst = edge_index[1]
  intro = jnp.maximum(node_time[src], node_time[dst])
  per = ((intro - min_timestamp) // update_period).astype(jnp.int32)

  def bucketize(half_id):
    key = per * NC + half_id
    onehots = key[None, :] == jnp.arange(NB, dtype=jnp.int32)[:, None]
    ranks = jnp.cumsum(onehots, axis=1, dtype=jnp.int32)
    cntb = ranks[:, -1]
    lenb = ((cntb + ALIGN - 1) // ALIGN) * ALIGN
    boff = jnp.concatenate(
        [jnp.zeros((1,), jnp.int32), jnp.cumsum(lenb)[:-1].astype(jnp.int32)])
    rank_e = jnp.sum(jnp.where(onehots, ranks - 1, 0), axis=0)
    pos = boff[key] + rank_e
    nchb = (lenb // ALIGN).astype(jnp.int32)
    return boff, cntb, lenb, nchb, pos, onehots

  dhalf = (dst >= HALF).astype(jnp.int32)
  boff, cntb, lenb, nchb, pos, onehots_d = bucketize(dhalf)
  shalf = (src >= HALF).astype(jnp.int32)
  boff2, cntb2, lenb2, nchb2, pos2, _ = bucketize(shalf)

  jj = jnp.arange(ALIGN, dtype=jnp.int32)[None, :]

  def padtab(bo, cn, ln):
    npad = (ln - cn)[:, None]
    ppos = jnp.where(jj < npad, bo[:, None] + cn[:, None] + jj, E_TOT)
    return ppos.reshape(-1).astype(jnp.int32)

  ppos_d = padtab(boff, cntb, lenb)
  ppos_s = padtab(boff2, cntb2, lenb2)
  first_src = src[jnp.argmax(onehots_d, axis=1)]
  p_vsrc = jnp.broadcast_to(first_src[:, None], (NB, ALIGN)).reshape(-1)
  halfbuf = jnp.full((K_ROUTE,), HALF, jnp.int32)

  route = _sc_route()
  src_p, dst_p, src_p2 = route(src, dst - dhalf * HALF, pos,
                               src - shalf * HALF, pos2,
                               ppos_d, p_vsrc, ppos_s, halfbuf)

  seg_all = jnp.zeros((NUM_PERIODS, 16), jnp.int32)
  bo = boff.reshape(NUM_PERIODS, NC)
  nc_ = nchb.reshape(NUM_PERIODS, NC)
  bo2 = boff2.reshape(NUM_PERIODS, NC)
  nc2_ = nchb2.reshape(NUM_PERIODS, NC)
  seg_all = (seg_all.at[:, 0].set(bo[:, 0]).at[:, 1].set(nc_[:, 0])
             .at[:, 2].set(bo[:, 1]).at[:, 3].set(nc_[:, 1])
             .at[:, 4].set(bo2[:, 0]).at[:, 5].set(nc2_[:, 0])
             .at[:, 6].set(bo2[:, 1]).at[:, 7].set(nc2_[:, 1]))

  zrows = jnp.zeros((RPT_Z, C_DIM), jnp.float32)
  zcnt = jnp.zeros((RPT_Z, 16), jnp.float32)
  ones_d_pat = jnp.zeros((K_CHUNK, 16), jnp.float32).at[:, 0].set(1.0)
  ones_s_pat = jnp.zeros((K_CHUNK, 16), jnp.float32).at[:, 1].set(1.0)

  sc0 = _sc_segment_sum(with_counts=True)
  sc1 = _sc_segment_sum(with_counts=False)

  b0r = b_0.reshape(1, C_DIM)
  b1r = b_1.reshape(1, C_DIM)

  xc = x
  for p in range(NUM_PERIODS):
    segp = seg_all[p]
    agg0, cd = sc0(xc, src_p, dst_p, src_p2, segp, zrows, zcnt, ones_d_pat,
                   ones_s_pat)
    h1 = _tc_layer1(xc, agg0, cd, W_self_0, W_neigh_0, b0r)
    (agg1,) = sc1(h1, src_p, dst_p, segp, zrows)
    xc = _tc_layer2(xc, h1, agg1, cd, W_self_1, W_neigh_1, b1r)

  batch = int(seed_time.shape[0])
  w_row = W_head.reshape(1, C_DIM)
  out = _tc_head(xc, w_row, batch) + b_head
  return out

# --- scband reference (transcript-rebuilt; emitter-appended) ---
"""Pipeline reference for scband-model-14585708937301 (READ-ONLY COPY).

The authoritative reference and input builder live on the scoring server;
editing this copy changes nothing except your own understanding.
"""

import jax, jax.numpy as jnp
import numpy as np


def setup_inputs(seed: int = 0) -> dict:
    key = jax.random.key(seed)
    ks = jax.random.split(key, 12)
    N, E, C, B = 10000, 320000, 128, 512
    x = jax.random.normal(ks[0], (N, C), dtype=jnp.float32)
    node_time = jax.random.randint(ks[1], (N,), 0, 100, dtype=jnp.int32)
    edge_index = jax.random.randint(ks[2], (2, E), 0, N, dtype=jnp.int32)
    seed_time = jax.random.randint(ks[3], (B,), 0, 100, dtype=jnp.int32)
    s = 1.0 / np.sqrt(C)
    W_self_0 = jax.random.normal(ks[4], (C, C), dtype=jnp.float32) * s
    W_neigh_0 = jax.random.normal(ks[5], (C, C), dtype=jnp.float32) * s
    b_0 = jnp.zeros((C,), dtype=jnp.float32)
    W_self_1 = jax.random.normal(ks[6], (C, C), dtype=jnp.float32) * s
    W_neigh_1 = jax.random.normal(ks[7], (C, C), dtype=jnp.float32) * s
    b_1 = jnp.zeros((C,), dtype=jnp.float32)
    W_head = jax.random.normal(ks[8], (C, 1), dtype=jnp.float32) * s
    b_head = jnp.zeros((1,), dtype=jnp.float32)
    return {
        'x': x, 'node_time': node_time, 'edge_index': edge_index, 'seed_time': seed_time,
        'min_timestamp': 0, 'max_timestamp': 99, 'update_period': 25,
        'W_self_0': W_self_0, 'W_neigh_0': W_neigh_0, 'b_0': b_0,
        'W_self_1': W_self_1, 'W_neigh_1': W_neigh_1, 'b_1': b_1,
        'W_head': W_head, 'b_head': b_head,
    }


def reference(x, node_time, edge_index, seed_time, min_timestamp, max_timestamp, update_period,
              W_self_0, W_neigh_0, b_0, W_self_1, W_neigh_1, b_1, W_head, b_head):
    # forward path with hidden_dict provided (encoder/temporal encoder skipped),
    # homogeneous single node/edge type instance of the hetero model.
    num_periods = 4  # static bound for the constants always passed (0, 99, 25)
    num_periods_t = (max_timestamp - min_timestamp + update_period) // update_period
    N = x.shape[0]
    src = edge_index[0]
    dst = edge_index[1]
    # partition_edges_by_time: intro time = max(time[src], time[dst])
    intro = jnp.maximum(node_time[src], node_time[dst])
    periods = (intro - min_timestamp) // update_period
    layers = [(W_self_0, W_neigh_0, b_0), (W_self_1, W_neigh_1, b_1)]
    for p in range(num_periods):
        mask = (periods == p) & (jnp.int32(p) < num_periods_t)
        w = mask.astype(jnp.float32)
        h = x
        # HeteroGraphSAGE (mean aggr, 2 layers) on the masked edge set
        for li, (Ws, Wn, b) in enumerate(layers):
            msg = jnp.where(mask[:, None], h[src], 0.0)
            agg = jax.ops.segment_sum(msg, dst, num_segments=N)
            cnt = jax.ops.segment_sum(w, dst, num_segments=N)
            agg = agg / jnp.maximum(cnt, 1.0)[:, None]
            h = h @ Ws + agg @ Wn + b
            if li < len(layers) - 1:
                h = jax.nn.relu(h)
        # residual scatter-add update restricted to involved nodes
        cnt_src = jax.ops.segment_sum(w, src, num_segments=N)
        cnt_dst = jax.ops.segment_sum(w, dst, num_segments=N)
        involved = (cnt_src + cnt_dst) > 0.0
        x = x + jnp.where(involved[:, None], h, 0.0)
    B = int(seed_time.shape[0])
    # head MLP (num_layers=1 -> single linear) on seed rows
    return x[:B] @ W_head + b_head

if __name__ == "__main__":
    import jax
    _d = setup_inputs()
    print(jax.jit(kernel)(*tuple(_d.values())))

</pallas_src>

<mosaic_0001>
#map = affine_map<(d0, d1) -> (0, 0)>
#map1 = affine_map<(d0, d1) -> (0)>
module attributes {stable_mosaic.version = 14 : i64} {
  func.func @body(%arg0: i32, %arg1: i32, %arg2: memref<10000x128xf32, #tpu.memory_space<hbm>>, %arg3: memref<336448xi32, #tpu.memory_space<hbm>>, %arg4: memref<336448xi32, #tpu.memory_space<hbm>>, %arg5: memref<16xi32, #tpu.memory_space<hbm>>, %arg6: memref<328x128xf32, #tpu.memory_space<hbm>>, %arg7: memref<10240x128xf32, #tpu.memory_space<hbm>>, %arg8: memref<16xi32, #tpu.memory_space<vmem>>, %arg9: memref<128xi32, #tpu.memory_space<vmem>>, %arg10: memref<128xi32, #tpu.memory_space<vmem>>, %arg11: memref<128x128xf32, #tpu.memory_space<vmem>>, %arg12: memref<5248x128xf32, #tpu.memory_space<vmem_shared>>, %arg13: memref<!tpu.dma_semaphore, #tpu.memory_space<semaphore_mem>>) attributes {dimension_semantics = [#tpu.dimension_semantics<core_parallel>, #tpu.dimension_semantics<subcore_parallel>], iteration_bounds = array<i64: 2, 16>, scalar_prefetch = 0 : i64, scratch_operands = 6 : i64, tpu.core_type = #tpu.core_type<sc_vector_subcore>, window_params = [{transform_indices = #map}, {transform_indices = #map1}, {transform_indices = #map1}, {transform_indices = #map1}, {transform_indices = #map}, {transform_indices = #map}]} {
    %mul3A = arith.constant 328 : i32
    %mul3A_0 = arith.muli %arg1, %mul3A : i32
    "tpu.region"() ({
      %run_scoped3A = tpu.sem_alloc : memref<!tpu.dma_semaphore, #tpu.memory_space<semaphore_mem>>
      %dma_start3A = arith.constant 0 : i32
      %dma_start3A_31 = tpu.memref_slice %arg12[%mul3A_0, %dma_start3A] : memref<5248x128xf32, #tpu.memory_space<vmem_shared>> -> memref<328x128xf32, #tpu.memory_space<vmem_shared>>
      tpu.enqueue_dma source(%arg6 : memref<328x128xf32, #tpu.memory_space<hbm>>) target(%dma_start3A_31 : memref<328x128xf32, #tpu.memory_space<vmem_shared>>) target_semaphore(%run_scoped3A : memref<!tpu.dma_semaphore, #tpu.memory_space<semaphore_mem>>)
      %dma_wait3A = arith.constant 0 : i32
      %dma_wait3A_32 = tpu.memref_slice %arg12[%mul3A_0, %dma_wait3A] : memref<5248x128xf32, #tpu.memory_space<vmem_shared>> -> memref<328x128xf32, #tpu.memory_space<vmem_shared>>
      tpu.wait_dma2 semaphore(%run_scoped3A : memref<!tpu.dma_semaphore, #tpu.memory_space<semaphore_mem>>) src(%arg6 : memref<328x128xf32, #tpu.memory_space<hbm>>) dst(%dma_wait3A_32 : memref<328x128xf32, #tpu.memory_space<vmem_shared>>)
      tpu.yield
    }) : () -> ()
    "tpu.region"() ({
      %run_scoped3A = tpu.sem_alloc : memref<!tpu.dma_semaphore, #tpu.memory_space<semaphore_mem>>
      tpu.enqueue_dma source(%arg5 : memref<16xi32, #tpu.memory_space<hbm>>) target(%arg8 : memref<16xi32, #tpu.memory_space<vmem>>) target_semaphore(%run_scoped3A : memref<!tpu.dma_semaphore, #tpu.memory_space<semaphore_mem>>)
      tpu.wait_dma2 semaphore(%run_scoped3A : memref<!tpu.dma_semaphore, #tpu.memory_space<semaphore_mem>>) src(%arg5 : memref<16xi32, #tpu.memory_space<hbm>>) dst(%arg8 : memref<16xi32, #tpu.memory_space<vmem>>)
      tpu.yield
    }) : () -> ()
    %barrier3A = arith.constant 0 : index
    tpu.barrier barrier_id(%barrier3A)
    %get3A = arith.constant 0 : index
    %get3A_1 = tpu.vector_load %arg8[%get3A] {strides = array<i32>} : memref<16xi32, #tpu.memory_space<vmem>>, vector<16xi32>,
    %get3A_2 = vector.shape_cast %get3A_1 : vector<16xi32> to vector<16xi32>
    %eq3A = arith.constant 0 : i32
    %eq3A_3 = arith.cmpi eq, %arg0, %eq3A : i32
    %slice3A = vector.extract_strided_slice %get3A_2 {offsets = [0], sizes = [1], strides = [1]} : vector<16xi32> to vector<1xi32>
    %squeeze3A = vector.extract %slice3A[0] : i32 from vector<1xi32>
    %slice3A_4 = vector.extract_strided_slice %get3A_2 {offsets = [2], sizes = [1], strides = [1]} : vector<16xi32> to vector<1xi32>
    %squeeze3A_5 = vector.extract %slice3A_4[0] : i32 from vector<1xi32>
    %select_n3A = arith.select %eq3A_3, %squeeze3A, %squeeze3A_5 : i32
    %eq3A_6 = arith.constant 0 : i32
    %eq3A_7 = arith.cmpi eq, %arg0, %eq3A_6 : i32
    %slice3A_8 = vector.extract_strided_slice %get3A_2 {offsets = [1], sizes = [1], strides = [1]} : vector<16xi32> to vector<1xi32>
    %squeeze3A_9 = vector.extract %slice3A_8[0] : i32 from vector<1xi32>
    %slice3A_10 = vector.extract_strided_slice %get3A_2 {offsets = [3], sizes = [1], strides = [1]} : vector<16xi32> to vector<1xi32>
    %squeeze3A_11 = vector.extract %slice3A_10[0] : i32 from vector<1xi32>
    %select_n3A_12 = arith.select %eq3A_7, %squeeze3A_9, %squeeze3A_11 : i32
    %mul3A_13 = arith.muli %arg1, %select_n3A_12 : i32
    %mul3A_14 = arith.constant 128 : i32
    %mul3A_15 = arith.muli %mul3A_13, %mul3A_14 : i32
    %add3A = arith.addi %select_n3A, %mul3A_15 : i32
    %while3A = arith.constant 0 : i32
    %while3A_16 = arith.constant 0 : i32
    %while3A_17 = arith.subi %select_n3A_12, %while3A_16 : i32
    %while3A_18 = arith.addi %while3A_16, %while3A_17 : i32
    %while3A_19 = arith.constant 1 : i32
    %while3A_20 = arith.divsi %while3A_17, %while3A_19 : i32
    %while3A_21 = arith.muli %while3A_20, %while3A_19 : i32
    %while3A_22 = arith.addi %while3A_16, %while3A_21 : i32
    %while3A_23 = arith.constant 1 : i32
    scf.for %while3A_31 = %while3A_16 to %while3A_22 step %while3A_23  : i32 {
      %mul3A_32 = arith.constant 128 : i32
      %mul3A_33 = arith.muli %while3A_31, %mul3A_32 : i32
      %add3A_34 = arith.addi %add3A, %mul3A_33 : i32
      %multiple_of3A = tpu.assume_multiple %add3A_34, 128 : i32
      "tpu.region"() ({
        %run_scoped3A = tpu.sem_alloc : memref<!tpu.dma_semaphore, #tpu.memory_space<semaphore_mem>>
        %dma_start3A_39 = tpu.memref_slice %arg3[%multiple_of3A] : memref<336448xi32, #tpu.memory_space<hbm>> -> memref<128xi32, #tpu.memory_space<hbm>>
        %dma_start3A_40 = tpu.memref_slice %arg3[%multiple_of3A] : memref<336448xi32, #tpu.memory_space<hbm>> -> memref<128xi32, #tpu.memory_space<hbm>>
        tpu.enqueue_dma source(%dma_start3A_40 : memref<128xi32, #tpu.memory_space<hbm>>) target(%arg9 : memref<128xi32, #tpu.memory_space<vmem>>) target_semaphore(%run_scoped3A : memref<!tpu.dma_semaphore, #tpu.memory_space<semaphore_mem>>)
        %dma_wait3A_41 = tpu.memref_slice %arg3[%multiple_of3A] : memref<336448xi32, #tpu.memory_space<hbm>> -> memref<128xi32, #tpu.memory_space<hbm>>
        %dma_wait3A_42 = tpu.memref_slice %arg3[%multiple_of3A] : memref<336448xi32, #tpu.memory_space<hbm>> -> memref<128xi32, #tpu.memory_space<hbm>>
        tpu.wait_dma2 semaphore(%run_scoped3A : memref<!tpu.dma_semaphore, #tpu.memory_space<semaphore_mem>>) src(%dma_wait3A_42 : memref<128xi32, #tpu.memory_space<hbm>>) dst(%arg9 : memref<128xi32, #tpu.memory_space<vmem>>)
        tpu.yield
      }) : () -> ()
      "tpu.region"() ({
        %run_scoped3A = tpu.sem_alloc : memref<!tpu.dma_semaphore, #tpu.memory_space<semaphore_mem>>
        %dma_start3A_39 = tpu.memref_slice %arg4[%multiple_of3A] : memref<336448xi32, #tpu.memory_space<hbm>> -> memref<128xi32, #tpu.memory_space<hbm>>
        %dma_start3A_40 = tpu.memref_slice %arg4[%multiple_of3A] : memref<336448xi32, #tpu.memory_space<hbm>> -> memref<128xi32, #tpu.memory_space<hbm>>
        tpu.enqueue_dma source(%dma_start3A_40 : memref<128xi32, #tpu.memory_space<hbm>>) target(%arg10 : memref<128xi32, #tpu.memory_space<vmem>>) target_semaphore(%run_scoped3A : memref<!tpu.dma_semaphore, #tpu.memory_space<semaphore_mem>>)
        %dma_wait3A_41 = tpu.memref_slice %arg4[%multiple_of3A] : memref<336448xi32, #tpu.memory_space<hbm>> -> memref<128xi32, #tpu.memory_space<hbm>>
        %dma_wait3A_42 = tpu.memref_slice %arg4[%multiple_of3A] : memref<336448xi32, #tpu.memory_space<hbm>> -> memref<128xi32, #tpu.memory_space<hbm>>
        tpu.wait_dma2 semaphore(%run_scoped3A : memref<!tpu.dma_semaphore, #tpu.memory_space<semaphore_mem>>) src(%dma_wait3A_42 : memref<128xi32, #tpu.memory_space<hbm>>) dst(%arg10 : memref<128xi32, #tpu.memory_space<vmem>>)
        tpu.yield
      }) : () -> ()
      %dma_start3A = arith.constant 0 : i32
      %dma_start3A_35 = arith.constant 0 : i32
      %dma_start3A_36 = tpu.memref_slice %arg2[%dma_start3A, %dma_start3A_35] : memref<10000x128xf32, #tpu.memory_space<hbm>> -> memref<10000x128xf32, #tpu.memory_space<hbm>>
      tpu.enqueue_indirect_dma source(%dma_start3A_36 : memref<10000x128xf32, #tpu.memory_space<hbm>>) target(%arg11 : memref<128x128xf32, #tpu.memory_space<vmem>>) offsets(%arg9 : memref<128xi32, #tpu.memory_space<vmem>>) semaphore(%arg13 : memref<!tpu.dma_semaphore, #tpu.memory_space<semaphore_mem>>)
      %dma_wait3A = arith.constant 0 : i32
      %dma_wait3A_37 = arith.constant 0 : i32
      %dma_wait3A_38 = tpu.memref_slice %arg2[%dma_wait3A, %dma_wait3A_37] : memref<10000x128xf32, #tpu.memory_space<hbm>> -> memref<10000x128xf32, #tpu.memory_space<hbm>>
      tpu.wait_indirect_dma semaphore(%arg13 : memref<!tpu.dma_semaphore, #tpu.memory_space<semaphore_mem>>) src(%dma_wait3A_38 : memref<10000x128xf32, #tpu.memory_space<hbm>>) dst(%arg11 : memref<128x128xf32, #tpu.memory_space<vmem>>)
      "tpu.region"() ({
        %run_scoped3A = tpu.sem_alloc : memref<!tpu.dma_semaphore, #tpu.memory_space<semaphore_mem>>
        %dma_start3A_39 = arith.constant 0 : i32
        %dma_start3A_40 = arith.constant 0 : i32
        %dma_start3A_41 = tpu.memref_slice %arg12[%dma_start3A_39, %dma_start3A_40] : memref<5248x128xf32, #tpu.memory_space<vmem_shared>> -> memref<5248x128xf32, #tpu.memory_space<vmem_shared>>
        tpu.enqueue_indirect_dma source(%arg11 : memref<128x128xf32, #tpu.memory_space<vmem>>) target(%dma_start3A_41 : memref<5248x128xf32, #tpu.memory_space<vmem_shared>>) offsets(%arg10 : memref<128xi32, #tpu.memory_space<vmem>>) semaphore(%run_scoped3A : memref<!tpu.dma_semaphore, #tpu.memory_space<semaphore_mem>>) {add = true}
        %dma_wait3A_42 = arith.constant 0 : i32
        %dma_wait3A_43 = arith.constant 0 : i32
        %dma_wait3A_44 = tpu.memref_slice %arg12[%dma_wait3A_42, %dma_wait3A_43] : memref<5248x128xf32, #tpu.memory_space<vmem_shared>> -> memref<5248x128xf32, #tpu.memory_space<vmem_shared>>
        tpu.wait_indirect_dma semaphore(%run_scoped3A : memref<!tpu.dma_semaphore, #tpu.memory_space<semaphore_mem>>) src(%arg11 : memref<128x128xf32, #tpu.memory_space<vmem>>) dst(%dma_wait3A_44 : memref<5248x128xf32, #tpu.memory_space<vmem_shared>>)
        tpu.yield
      }) : () -> ()
    }
    %while3A_24 = arith.constant 1 : i32
    scf.for %while3A_31 = %while3A_22 to %while3A_18 step %while3A_24  : i32 {
      %mul3A_32 = arith.constant 128 : i32
      %mul3A_33 = arith.muli %while3A_31, %mul3A_32 : i32
      %add3A_34 = arith.addi %add3A, %mul3A_33 : i32
      %multiple_of3A = tpu.assume_multiple %add3A_34, 128 : i32
      "tpu.region"() ({
        %run_scoped3A = tpu.sem_alloc : memref<!tpu.dma_semaphore, #tpu.memory_space<semaphore_mem>>
        %dma_start3A_39 = tpu.memref_slice %arg3[%multiple_of3A] : memref<336448xi32, #tpu.memory_space<hbm>> -> memref<128xi32, #tpu.memory_space<hbm>>
        %dma_start3A_40 = tpu.memref_slice %arg3[%multiple_of3A] : memref<336448xi32, #tpu.memory_space<hbm>> -> memref<128xi32, #tpu.memory_space<hbm>>
        tpu.enqueue_dma source(%dma_start3A_40 : memref<128xi32, #tpu.memory_space<hbm>>) target(%arg9 : memref<128xi32, #tpu.memory_space<vmem>>) target_semaphore(%run_scoped3A : memref<!tpu.dma_semaphore, #tpu.memory_space<semaphore_mem>>)
        %dma_wait3A_41 = tpu.memref_slice %arg3[%multiple_of3A] : memref<336448xi32, #tpu.memory_space<hbm>> -> memref<128xi32, #tpu.memory_space<hbm>>
        %dma_wait3A_42 = tpu.memref_slice %arg3[%multiple_of3A] : memref<336448xi32, #tpu.memory_space<hbm>> -> memref<128xi32, #tpu.memory_space<hbm>>
        tpu.wait_dma2 semaphore(%run_scoped3A : memref<!tpu.dma_semaphore, #tpu.memory_space<semaphore_mem>>) src(%dma_wait3A_42 : memref<128xi32, #tpu.memory_space<hbm>>) dst(%arg9 : memref<128xi32, #tpu.memory_space<vmem>>)
        tpu.yield
      }) : () -> ()
      "tpu.region"() ({
        %run_scoped3A = tpu.sem_alloc : memref<!tpu.dma_semaphore, #tpu.memory_space<semaphore_mem>>
        %dma_start3A_39 = tpu.memref_slice %arg4[%multiple_of3A] : memref<336448xi32, #tpu.memory_space<hbm>> -> memref<128xi32, #tpu.memory_space<hbm>>
        %dma_start3A_40 = tpu.memref_slice %arg4[%multiple_of3A] : memref<336448xi32, #tpu.memory_space<hbm>> -> memref<128xi32, #tpu.memory_space<hbm>>
        tpu.enqueue_dma source(%dma_start3A_40 : memref<128xi32, #tpu.memory_space<hbm>>) target(%arg10 : memref<128xi32, #tpu.memory_space<vmem>>) target_semaphore(%run_scoped3A : memref<!tpu.dma_semaphore, #tpu.memory_space<semaphore_mem>>)
        %dma_wait3A_41 = tpu.memref_slice %arg4[%multiple_of3A] : memref<336448xi32, #tpu.memory_space<hbm>> -> memref<128xi32, #tpu.memory_space<hbm>>
        %dma_wait3A_42 = tpu.memref_slice %arg4[%multiple_of3A] : memref<336448xi32, #tpu.memory_space<hbm>> -> memref<128xi32, #tpu.memory_space<hbm>>
        tpu.wait_dma2 semaphore(%run_scoped3A : memref<!tpu.dma_semaphore, #tpu.memory_space<semaphore_mem>>) src(%dma_wait3A_42 : memref<128xi32, #tpu.memory_space<hbm>>) dst(%arg10 : memref<128xi32, #tpu.memory_space<vmem>>)
        tpu.yield
      }) : () -> ()
      %dma_start3A = arith.constant 0 : i32
      %dma_start3A_35 = arith.constant 0 : i32
      %dma_start3A_36 = tpu.memref_slice %arg2[%dma_start3A, %dma_start3A_35] : memref<10000x128xf32, #tpu.memory_space<hbm>> -> memref<10000x128xf32, #tpu.memory_space<hbm>>
      tpu.enqueue_indirect_dma source(%dma_start3A_36 : memref<10000x128xf32, #tpu.memory_space<hbm>>) target(%arg11 : memref<128x128xf32, #tpu.memory_space<vmem>>) offsets(%arg9 : memref<128xi32, #tpu.memory_space<vmem>>) semaphore(%arg13 : memref<!tpu.dma_semaphore, #tpu.memory_space<semaphore_mem>>)
      %dma_wait3A = arith.constant 0 : i32
      %dma_wait3A_37 = arith.constant 0 : i32
      %dma_wait3A_38 = tpu.memref_slice %arg2[%dma_wait3A, %dma_wait3A_37] : memref<10000x128xf32, #tpu.memory_space<hbm>> -> memref<10000x128xf32, #tpu.memory_space<hbm>>
      tpu.wait_indirect_dma semaphore(%arg13 : memref<!tpu.dma_semaphore, #tpu.memory_space<semaphore_mem>>) src(%dma_wait3A_38 : memref<10000x128xf32, #tpu.memory_space<hbm>>) dst(%arg11 : memref<128x128xf32, #tpu.memory_space<vmem>>)
      "tpu.region"() ({
        %run_scoped3A = tpu.sem_alloc : memref<!tpu.dma_semaphore, #tpu.memory_space<semaphore_mem>>
        %dma_start3A_39 = arith.constant 0 : i32
        %dma_start3A_40 = arith.constant 0 : i32
        %dma_start3A_41 = tpu.memref_slice %arg12[%dma_start3A_39, %dma_start3A_40] : memref<5248x128xf32, #tpu.memory_space<vmem_shared>> -> memref<5248x128xf32, #tpu.memory_space<vmem_shared>>
        tpu.enqueue_indirect_dma source(%arg11 : memref<128x128xf32, #tpu.memory_space<vmem>>) target(%dma_start3A_41 : memref<5248x128xf32, #tpu.memory_space<vmem_shared>>) offsets(%arg10 : memref<128xi32, #tpu.memory_space<vmem>>) semaphore(%run_scoped3A : memref<!tpu.dma_semaphore, #tpu.memory_space<semaphore_mem>>) {add = true}
        %dma_wait3A_42 = arith.constant 0 : i32
        %dma_wait3A_43 = arith.constant 0 : i32
        %dma_wait3A_44 = tpu.memref_slice %arg12[%dma_wait3A_42, %dma_wait3A_43] : memref<5248x128xf32, #tpu.memory_space<vmem_shared>> -> memref<5248x128xf32, #tpu.memory_space<vmem_shared>>
        tpu.wait_indirect_dma semaphore(%run_scoped3A : memref<!tpu.dma_semaphore, #tpu.memory_space<semaphore_mem>>) src(%arg11 : memref<128x128xf32, #tpu.memory_space<vmem>>) dst(%dma_wait3A_44 : memref<5248x128xf32, #tpu.memory_space<vmem_shared>>)
        tpu.yield
      }) : () -> ()
    }
    %barrier3A_25 = arith.constant 0 : index
    tpu.barrier barrier_id(%barrier3A_25)
    %mul3A_26 = arith.constant 320 : i32
    %mul3A_27 = arith.muli %arg1, %mul3A_26 : i32
    %mul3A_28 = arith.constant 5120 : i32
    %mul3A_29 = arith.muli %arg0, %mul3A_28 : i32
    %add3A_30 = arith.addi %mul3A_29, %mul3A_27 : i32
    "tpu.region"() ({
      %run_scoped3A = tpu.sem_alloc : memref<!tpu.dma_semaphore, #tpu.memory_space<semaphore_mem>>
      %dma_start3A = arith.constant 0 : i32
      %dma_start3A_31 = tpu.memref_slice %arg7[%add3A_30, %dma_start3A] : memref<10240x128xf32, #tpu.memory_space<hbm>> -> memref<320x128xf32, #tpu.memory_space<hbm>>
      %dma_start3A_32 = arith.constant 0 : i32
      %dma_start3A_33 = tpu.memref_slice %arg12[%mul3A_27, %dma_start3A_32] : memref<5248x128xf32, #tpu.memory_space<vmem_shared>> -> memref<320x128xf32, #tpu.memory_space<vmem_shared>>
      tpu.enqueue_dma source(%dma_start3A_33 : memref<320x128xf32, #tpu.memory_space<vmem_shared>>) target(%dma_start3A_31 : memref<320x128xf32, #tpu.memory_space<hbm>>) target_semaphore(%run_scoped3A : memref<!tpu.dma_semaphore, #tpu.memory_space<semaphore_mem>>)
      %dma_wait3A = arith.constant 0 : i32
      %dma_wait3A_34 = tpu.memref_slice %arg7[%add3A_30, %dma_wait3A] : memref<10240x128xf32, #tpu.memory_space<hbm>> -> memref<320x128xf32, #tpu.memory_space<hbm>>
      %dma_wait3A_35 = arith.constant 0 : i32
      %dma_wait3A_36 = tpu.memref_slice %arg12[%mul3A_27, %dma_wait3A_35] : memref<5248x128xf32, #tpu.memory_space<vmem_shared>> -> memref<320x128xf32, #tpu.memory_space<vmem_shared>>
      tpu.wait_dma2 semaphore(%run_scoped3A : memref<!tpu.dma_semaphore, #tpu.memory_space<semaphore_mem>>) src(%dma_wait3A_36 : memref<320x128xf32, #tpu.memory_space<vmem_shared>>) dst(%dma_wait3A_34 : memref<320x128xf32, #tpu.memory_space<hbm>>)
      tpu.yield
    }) : () -> ()
    return
  }
}

#map = affine_map<(d0, d1) -> (0)>
module attributes {stable_mosaic.version = 14 : i64} {
  func.func @body(%arg0: i32, %arg1: i32, %arg2: memref<320000xi32, #tpu.memory_space<hbm>>, %arg3: memref<320000xi32, #tpu.memory_space<hbm>>, %arg4: memref<320000xi32, #tpu.memory_space<hbm>>, %arg5: memref<320000xi32, #tpu.memory_space<hbm>>, %arg6: memref<320000xi32, #tpu.memory_space<hbm>>, %arg7: memref<16384xi32, #tpu.memory_space<hbm>>, %arg8: memref<16384xi32, #tpu.memory_space<hbm>>, %arg9: memref<16384xi32, #tpu.memory_space<hbm>>, %arg10: memref<128xi32, #tpu.memory_space<hbm>>, %arg11: memref<336448xi32, #tpu.memory_space<hbm>>, %arg12: memref<336448xi32, #tpu.memory_space<hbm>>, %arg13: memref<336448xi32, #tpu.memory_space<hbm>>, %arg14: memref<128xi32, #tpu.memory_space<vmem>>, %arg15: memref<128xi32, #tpu.memory_space<vmem>>, %arg16: memref<128xi32, #tpu.memory_space<vmem>>, %arg17: memref<128xi32, #tpu.memory_space<vmem>>, %arg18: memref<128xi32, #tpu.memory_space<vmem>>, %arg19: memref<128xi32, #tpu.memory_space<vmem>>, %arg20: memref<!tpu.dma_semaphore, #tpu.memory_space<semaphore_mem>>, %arg21: memref<!tpu.dma_semaphore, #tpu.memory_space<semaphore_mem>>) attributes {dimension_semantics = [#tpu.dimension_semantics<core_parallel>, #tpu.dimension_semantics<subcore_parallel>], iteration_bounds = array<i64: 2, 16>, scalar_prefetch = 0 : i64, scratch_operands = 8 : i64, tpu.core_type = #tpu.core_type<sc_vector_subcore>, window_params = [{transform_indices = #map}, {transform_indices = #map}, {transform_indices = #map}, {transform_indices = #map}, {transform_indices = #map}, {transform_indices = #map}, {transform_indices = #map}, {transform_indices = #map}, {transform_indices = #map}, {transform_indices = #map}, {transform_indices = #map}, {transform_indices = #map}]} {
    %mul3A = arith.constant 16 : i32
    %mul3A_0 = arith.muli %arg0, %mul3A : i32
    %add3A = arith.addi %mul3A_0, %arg1 : i32
    %mul3A_1 = arith.constant 10000 : i32
    %mul3A_2 = arith.muli %add3A, %mul3A_1 : i32
    "tpu.region"() ({
      %run_scoped3A = tpu.sem_alloc : memref<!tpu.dma_semaphore, #tpu.memory_space<semaphore_mem>>
      tpu.enqueue_dma source(%arg10 : memref<128xi32, #tpu.memory_space<hbm>>) target(%arg19 : memref<128xi32, #tpu.memory_space<vmem>>) target_semaphore(%run_scoped3A : memref<!tpu.dma_semaphore, #tpu.memory_space<semaphore_mem>>)
      tpu.wait_dma2 semaphore(%run_scoped3A : memref<!tpu.dma_semaphore, #tpu.memory_space<semaphore_mem>>) src(%arg10 : memref<128xi32, #tpu.memory_space<hbm>>) dst(%arg19 : memref<128xi32, #tpu.memory_space<vmem>>)
      tpu.yield
    }) : () -> ()
    %scan3A = arith.constant 0 : i32
    %scan3A_3 = arith.constant 79 : i32
    %scan3A_4 = arith.addi %scan3A, %scan3A_3 : i32
    %scan3A_5 = arith.constant 1 : i32
    scf.for %scan3A_111 = %scan3A to %scan3A_4 step %scan3A_5  : i32 {
      %mul3A_112 = arith.constant 1 : i32
      %mul3A_113 = arith.muli %scan3A_111, %mul3A_112 : i32
      %add3A_114 = arith.constant 0 : i32
      %add3A_115 = arith.addi %add3A_114, %mul3A_113 : i32
      %mul3A_116 = arith.constant 128 : i32
      %mul3A_117 = arith.muli %add3A_115, %mul3A_116 : i32
      %add3A_118 = arith.addi %mul3A_2, %mul3A_117 : i32
      %add3A_119 = arith.constant 10000 : i32
      %add3A_120 = arith.addi %mul3A_2, %add3A_119 : i32
      %sub3A = arith.constant 128 : i32
      %sub3A_121 = arith.subi %add3A_120, %sub3A : i32
      %min3A = arith.minsi %add3A_118, %sub3A_121 : i32
      %multiple_of3A = tpu.assume_multiple %min3A, 8 : i32
      %dma_start3A_122 = tpu.memref_slice %arg4[%multiple_of3A] : memref<320000xi32, #tpu.memory_space<hbm>> -> memref<128xi32, #tpu.memory_space<hbm>>
      %dma_start3A_123 = tpu.memref_slice %arg4[%multiple_of3A] : memref<320000xi32, #tpu.memory_space<hbm>> -> memref<128xi32, #tpu.memory_space<hbm>>
      tpu.enqueue_dma source(%dma_start3A_123 : memref<128xi32, #tpu.memory_space<hbm>>) target(%arg14 : memref<128xi32, #tpu.memory_space<vmem>>) target_semaphore(%arg20 : memref<!tpu.dma_semaphore, #tpu.memory_space<semaphore_mem>>)
      %dma_start3A_124 = tpu.memref_slice %arg2[%multiple_of3A] : memref<320000xi32, #tpu.memory_space<hbm>> -> memref<128xi32, #tpu.memory_space<hbm>>
      %dma_start3A_125 = tpu.memref_slice %arg2[%multiple_of3A] : memref<320000xi32, #tpu.memory_space<hbm>> -> memref<128xi32, #tpu.memory_space<hbm>>
      tpu.enqueue_dma source(%dma_start3A_125 : memref<128xi32, #tpu.memory_space<hbm>>) target(%arg15 : memref<128xi32, #tpu.memory_space<vmem>>) target_semaphore(%arg20 : memref<!tpu.dma_semaphore, #tpu.memory_space<semaphore_mem>>)
      %dma_start3A_126 = tpu.memref_slice %arg3[%multiple_of3A] : memref<320000xi32, #tpu.memory_space<hbm>> -> memref<128xi32, #tpu.memory_space<hbm>>
      %dma_start3A_127 = tpu.memref_slice %arg3[%multiple_of3A] : memref<320000xi32, #tpu.memory_space<hbm>> -> memref<128xi32, #tpu.memory_space<hbm>>
      tpu.enqueue_dma source(%dma_start3A_127 : memref<128xi32, #tpu.memory_space<hbm>>) target(%arg16 : memref<128xi32, #tpu.memory_space<vmem>>) target_semaphore(%arg20 : memref<!tpu.dma_semaphore, #tpu.memory_space<semaphore_mem>>)
      %dma_start3A_128 = tpu.memref_slice %arg6[%multiple_of3A] : memref<320000xi32, #tpu.memory_space<hbm>> -> memref<128xi32, #tpu.memory_space<hbm>>
      %dma_start3A_129 = tpu.memref_slice %arg6[%multiple_of3A] : memref<320000xi32, #tpu.memory_space<hbm>> -> memref<128xi32, #tpu.memory_space<hbm>>
      tpu.enqueue_dma source(%dma_start3A_129 : memref<128xi32, #tpu.memory_space<hbm>>) target(%arg17 : memref<128xi32, #tpu.memory_space<vmem>>) target_semaphore(%arg20 : memref<!tpu.dma_semaphore, #tpu.memory_space<semaphore_mem>>)
      %dma_start3A_130 = tpu.memref_slice %arg5[%multiple_of3A] : memref<320000xi32, #tpu.memory_space<hbm>> -> memref<128xi32, #tpu.memory_space<hbm>>
      %dma_start3A_131 = tpu.memref_slice %arg5[%multiple_of3A] : memref<320000xi32, #tpu.memory_space<hbm>> -> memref<128xi32, #tpu.memory_space<hbm>>
      tpu.enqueue_dma source(%dma_start3A_131 : memref<128xi32, #tpu.memory_space<hbm>>) target(%arg18 : memref<128xi32, #tpu.memory_space<vmem>>) target_semaphore(%arg20 : memref<!tpu.dma_semaphore, #tpu.memory_space<semaphore_mem>>)
      %dma_wait3A_132 = tpu.memref_slice %arg4[%multiple_of3A] : memref<320000xi32, #tpu.memory_space<hbm>> -> memref<128xi32, #tpu.memory_space<hbm>>
      %dma_wait3A_133 = tpu.memref_slice %arg4[%multiple_of3A] : memref<320000xi32, #tpu.memory_space<hbm>> -> memref<128xi32, #tpu.memory_space<hbm>>
      tpu.wait_dma2 semaphore(%arg20 : memref<!tpu.dma_semaphore, #tpu.memory_space<semaphore_mem>>) src(%dma_wait3A_133 : memref<128xi32, #tpu.memory_space<hbm>>) dst(%arg14 : memref<128xi32, #tpu.memory_space<vmem>>)
      %dma_wait3A_134 = tpu.memref_slice %arg2[%multiple_of3A] : memref<320000xi32, #tpu.memory_space<hbm>> -> memref<128xi32, #tpu.memory_space<hbm>>
      %dma_wait3A_135 = tpu.memref_slice %arg2[%multiple_of3A] : memref<320000xi32, #tpu.memory_space<hbm>> -> memref<128xi32, #tpu.memory_space<hbm>>
      tpu.wait_dma2 semaphore(%arg20 : memref<!tpu.dma_semaphore, #tpu.memory_space<semaphore_mem>>) src(%dma_wait3A_135 : memref<128xi32, #tpu.memory_space<hbm>>) dst(%arg15 : memref<128xi32, #tpu.memory_space<vmem>>)
      %dma_wait3A_136 = tpu.memref_slice %arg3[%multiple_of3A] : memref<320000xi32, #tpu.memory_space<hbm>> -> memref<128xi32, #tpu.memory_space<hbm>>
      %dma_wait3A_137 = tpu.memref_slice %arg3[%multiple_of3A] : memref<320000xi32, #tpu.memory_space<hbm>> -> memref<128xi32, #tpu.memory_space<hbm>>
      tpu.wait_dma2 semaphore(%arg20 : memref<!tpu.dma_semaphore, #tpu.memory_space<semaphore_mem>>) src(%dma_wait3A_137 : memref<128xi32, #tpu.memory_space<hbm>>) dst(%arg16 : memref<128xi32, #tpu.memory_space<vmem>>)
      %dma_wait3A_138 = tpu.memref_slice %arg6[%multiple_of3A] : memref<320000xi32, #tpu.memory_space<hbm>> -> memref<128xi32, #tpu.memory_space<hbm>>
      %dma_wait3A_139 = tpu.memref_slice %arg6[%multiple_of3A] : memref<320000xi32, #tpu.memory_space<hbm>> -> memref<128xi32, #tpu.memory_space<hbm>>
      tpu.wait_dma2 semaphore(%arg20 : memref<!tpu.dma_semaphore, #tpu.memory_space<semaphore_mem>>) src(%dma_wait3A_139 : memref<128xi32, #tpu.memory_space<hbm>>) dst(%arg17 : memref<128xi32, #tpu.memory_space<vmem>>)
      %dma_wait3A_140 = tpu.memref_slice %arg5[%multiple_of3A] : memref<320000xi32, #tpu.memory_space<hbm>> -> memref<128xi32, #tpu.memory_space<hbm>>
      %dma_wait3A_141 = tpu.memref_slice %arg5[%multiple_of3A] : memref<320000xi32, #tpu.memory_space<hbm>> -> memref<128xi32, #tpu.memory_space<hbm>>
      tpu.wait_dma2 semaphore(%arg20 : memref<!tpu.dma_semaphore, #tpu.memory_space<semaphore_mem>>) src(%dma_wait3A_141 : memref<128xi32, #tpu.memory_space<hbm>>) dst(%arg18 : memref<128xi32, #tpu.memory_space<vmem>>)
      %dma_start3A_142 = arith.constant 0 : i32
      %dma_start3A_143 = tpu.memref_slice %arg11[%dma_start3A_142] : memref<336448xi32, #tpu.memory_space<hbm>> -> memref<336448xi32, #tpu.memory_space<hbm>>
      tpu.enqueue_indirect_dma source(%arg15 : memref<128xi32, #tpu.memory_space<vmem>>) target(%dma_start3A_143 : memref<336448xi32, #tpu.memory_space<hbm>>) offsets(%arg14 : memref<128xi32, #tpu.memory_space<vmem>>) semaphore(%arg21 : memref<!tpu.dma_semaphore, #tpu.memory_space<semaphore_mem>>)
      %dma_start3A_144 = arith.constant 0 : i32
      %dma_start3A_145 = tpu.memref_slice %arg12[%dma_start3A_144] : memref<336448xi32, #tpu.memory_space<hbm>> -> memref<336448xi32, #tpu.memory_space<hbm>>
      tpu.enqueue_indirect_dma source(%arg16 : memref<128xi32, #tpu.memory_space<vmem>>) target(%dma_start3A_145 : memref<336448xi32, #tpu.memory_space<hbm>>) offsets(%arg14 : memref<128xi32, #tpu.memory_space<vmem>>) semaphore(%arg21 : memref<!tpu.dma_semaphore, #tpu.memory_space<semaphore_mem>>)
      %dma_start3A_146 = arith.constant 0 : i32
      %dma_start3A_147 = tpu.memref_slice %arg13[%dma_start3A_146] : memref<336448xi32, #tpu.memory_space<hbm>> -> memref<336448xi32, #tpu.memory_space<hbm>>
      tpu.enqueue_indirect_dma source(%arg18 : memref<128xi32, #tpu.memory_space<vmem>>) target(%dma_start3A_147 : memref<336448xi32, #tpu.memory_space<hbm>>) offsets(%arg17 : memref<128xi32, #tpu.memory_space<vmem>>) semaphore(%arg21 : memref<!tpu.dma_semaphore, #tpu.memory_space<semaphore_mem>>)
      %dma_wait3A_148 = arith.constant 0 : i32
      %dma_wait3A_149 = tpu.memref_slice %arg11[%dma_wait3A_148] : memref<336448xi32, #tpu.memory_space<hbm>> -> memref<336448xi32, #tpu.memory_space<hbm>>
      tpu.wait_indirect_dma semaphore(%arg21 : memref<!tpu.dma_semaphore, #tpu.memory_space<semaphore_mem>>) src(%arg15 : memref<128xi32, #tpu.memory_space<vmem>>) dst(%dma_wait3A_149 : memref<336448xi32, #tpu.memory_space<hbm>>)
      %dma_wait3A_150 = arith.constant 0 : i32
      %dma_wait3A_151 = tpu.memref_slice %arg12[%dma_wait3A_150] : memref<336448xi32, #tpu.memory_space<hbm>> -> memref<336448xi32, #tpu.memory_space<hbm>>
      tpu.wait_indirect_dma semaphore(%arg21 : memref<!tpu.dma_semaphore, #tpu.memory_space<semaphore_mem>>) src(%arg16 : memref<128xi32, #tpu.memory_space<vmem>>) dst(%dma_wait3A_151 : memref<336448xi32, #tpu.memory_space<hbm>>)
      %dma_wait3A_152 = arith.constant 0 : i32
      %dma_wait3A_153 = tpu.memref_slice %arg13[%dma_wait3A_152] : memref<336448xi32, #tpu.memory_space<hbm>> -> memref<336448xi32, #tpu.memory_space<hbm>>
      tpu.wait_indirect_dma semaphore(%arg21 : memref<!tpu.dma_semaphore, #tpu.memory_space<semaphore_mem>>) src(%arg18 : memref<128xi32, #tpu.memory_space<vmem>>) dst(%dma_wait3A_153 : memref<336448xi32, #tpu.memory_space<hbm>>)
    }
    %scan3A_6 = arith.constant 79 : i32
    %mul3A_7 = arith.constant 512 : i32
    %mul3A_8 = arith.muli %add3A, %mul3A_7 : i32
    %add3A_9 = arith.constant 0 : i32
    %add3A_10 = arith.addi %mul3A_8, %add3A_9 : i32
    %dma_start3A = tpu.memref_slice %arg7[%add3A_10] : memref<16384xi32, #tpu.memory_space<hbm>> -> memref<128xi32, #tpu.memory_space<hbm>>
    %dma_start3A_11 = tpu.memref_slice %arg7[%add3A_10] : memref<16384xi32, #tpu.memory_space<hbm>> -> memref<128xi32, #tpu.memory_space<hbm>>
    tpu.enqueue_dma source(%dma_start3A_11 : memref<128xi32, #tpu.memory_space<hbm>>) target(%arg14 : memref<128xi32, #tpu.memory_space<vmem>>) target_semaphore(%arg20 : memref<!tpu.dma_semaphore, #tpu.memory_space<semaphore_mem>>)
    %dma_start3A_12 = tpu.memref_slice %arg8[%add3A_10] : memref<16384xi32, #tpu.memory_space<hbm>> -> memref<128xi32, #tpu.memory_space<hbm>>
    %dma_start3A_13 = tpu.memref_slice %arg8[%add3A_10] : memref<16384xi32, #tpu.memory_space<hbm>> -> memref<128xi32, #tpu.memory_space<hbm>>
    tpu.enqueue_dma source(%dma_start3A_13 : memref<128xi32, #tpu.memory_space<hbm>>) target(%arg15 : memref<128xi32, #tpu.memory_space<vmem>>) target_semaphore(%arg20 : memref<!tpu.dma_semaphore, #tpu.memory_space<semaphore_mem>>)
    %dma_start3A_14 = tpu.memref_slice %arg9[%add3A_10] : memref<16384xi32, #tpu.memory_space<hbm>> -> memref<128xi32, #tpu.memory_space<hbm>>
    %dma_start3A_15 = tpu.memref_slice %arg9[%add3A_10] : memref<16384xi32, #tpu.memory_space<hbm>> -> memref<128xi32, #tpu.memory_space<hbm>>
    tpu.enqueue_dma source(%dma_start3A_15 : memref<128xi32, #tpu.memory_space<hbm>>) target(%arg17 : memref<128xi32, #tpu.memory_space<vmem>>) target_semaphore(%arg20 : memref<!tpu.dma_semaphore, #tpu.memory_space<semaphore_mem>>)
    %dma_wait3A = tpu.memref_slice %arg7[%add3A_10] : memref<16384xi32, #tpu.memory_space<hbm>> -> memref<128xi32, #tpu.memory_space<hbm>>
    %dma_wait3A_16 = tpu.memref_slice %arg7[%add3A_10] : memref<16384xi32, #tpu.memory_space<hbm>> -> memref<128xi32, #tpu.memory_space<hbm>>
    tpu.wait_dma2 semaphore(%arg20 : memref<!tpu.dma_semaphore, #tpu.memory_space<semaphore_mem>>) src(%dma_wait3A_16 : memref<128xi32, #tpu.memory_space<hbm>>) dst(%arg14 : memref<128xi32, #tpu.memory_space<vmem>>)
    %dma_wait3A_17 = tpu.memref_slice %arg8[%add3A_10] : memref<16384xi32, #tpu.memory_space<hbm>> -> memref<128xi32, #tpu.memory_space<hbm>>
    %dma_wait3A_18 = tpu.memref_slice %arg8[%add3A_10] : memref<16384xi32, #tpu.memory_space<hbm>> -> memref<128xi32, #tpu.memory_space<hbm>>
    tpu.wait_dma2 semaphore(%arg20 : memref<!tpu.dma_semaphore, #tpu.memory_space<semaphore_mem>>) src(%dma_wait3A_18 : memref<128xi32, #tpu.memory_space<hbm>>) dst(%arg15 : memref<128xi32, #tpu.memory_space<vmem>>)
    %dma_wait3A_19 = tpu.memref_slice %arg9[%add3A_10] : memref<16384xi32, #tpu.memory_space<hbm>> -> memref<128xi32, #tpu.memory_space<hbm>>
    %dma_wait3A_20 = tpu.memref_slice %arg9[%add3A_10] : memref<16384xi32, #tpu.memory_space<hbm>> -> memref<128xi32, #tpu.memory_space<hbm>>
    tpu.wait_dma2 semaphore(%arg20 : memref<!tpu.dma_semaphore, #tpu.memory_space<semaphore_mem>>) src(%dma_wait3A_20 : memref<128xi32, #tpu.memory_space<hbm>>) dst(%arg17 : memref<128xi32, #tpu.memory_space<vmem>>)
    %dma_start3A_21 = arith.constant 0 : i32
    %dma_start3A_22 = tpu.memref_slice %arg11[%dma_start3A_21] : memref<336448xi32, #tpu.memory_space<hbm>> -> memref<336448xi32, #tpu.memory_space<hbm>>
    tpu.enqueue_indirect_dma source(%arg15 : memref<128xi32, #tpu.memory_space<vmem>>) target(%dma_start3A_22 : memref<336448xi32, #tpu.memory_space<hbm>>) offsets(%arg14 : memref<128xi32, #tpu.memory_space<vmem>>) semaphore(%arg21 : memref<!tpu.dma_semaphore, #tpu.memory_space<semaphore_mem>>)
    %dma_start3A_23 = arith.constant 0 : i32
    %dma_start3A_24 = tpu.memref_slice %arg12[%dma_start3A_23] : memref<336448xi32, #tpu.memory_space<hbm>> -> memref<336448xi32, #tpu.memory_space<hbm>>
    tpu.enqueue_indirect_dma source(%arg19 : memref<128xi32, #tpu.memory_space<vmem>>) target(%dma_start3A_24 : memref<336448xi32, #tpu.memory_space<hbm>>) offsets(%arg14 : memref<128xi32, #tpu.memory_space<vmem>>) semaphore(%arg21 : memref<!tpu.dma_semaphore, #tpu.memory_space<semaphore_mem>>)
    %dma_start3A_25 = arith.constant 0 : i32
    %dma_start3A_26 = tpu.memref_slice %arg13[%dma_start3A_25] : memref<336448xi32, #tpu.memory_space<hbm>> -> memref<336448xi32, #tpu.memory_space<hbm>>
    tpu.enqueue_indirect_dma source(%arg19 : memref<128xi32, #tpu.memory_space<vmem>>) target(%dma_start3A_26 : memref<336448xi32, #tpu.memory_space<hbm>>) offsets(%arg17 : memref<128xi32, #tpu.memory_space<vmem>>) semaphore(%arg21 : memref<!tpu.dma_semaphore, #tpu.memory_space<semaphore_mem>>)
    %dma_wait3A_27 = arith.constant 0 : i32
    %dma_wait3A_28 = tpu.memref_slice %arg11[%dma_wait3A_27] : memref<336448xi32, #tpu.memory_space<hbm>> -> memref<336448xi32, #tpu.memory_space<hbm>>
    tpu.wait_indirect_dma semaphore(%arg21 : memref<!tpu.dma_semaphore, #tpu.memory_space<semaphore_mem>>) src(%arg15 : memref<128xi32, #tpu.memory_space<vmem>>) dst(%dma_wait3A_28 : memref<336448xi32, #tpu.memory_space<hbm>>)
    %dma_wait3A_29 = arith.constant 0 : i32
    %dma_wait3A_30 = tpu.memref_slice %arg12[%dma_wait3A_29] : memref<336448xi32, #tpu.memory_space<hbm>> -> memref<336448xi32, #tpu.memory_space<hbm>>
    tpu.wait_indirect_dma semaphore(%arg21 : memref<!tpu.dma_semaphore, #tpu.memory_space<semaphore_mem>>) src(%arg19 : memref<128xi32, #tpu.memory_space<vmem>>) dst(%dma_wait3A_30 : memref<336448xi32, #tpu.memory_space<hbm>>)
    %dma_wait3A_31 = arith.constant 0 : i32
    %dma_wait3A_32 = tpu.memref_slice %arg13[%dma_wait3A_31] : memref<336448xi32, #tpu.memory_space<hbm>> -> memref<336448xi32, #tpu.memory_space<hbm>>
    tpu.wait_indirect_dma semaphore(%arg21 : memref<!tpu.dma_semaphore, #tpu.memory_space<semaphore_mem>>) src(%arg19 : memref<128xi32, #tpu.memory_space<vmem>>) dst(%dma_wait3A_32 : memref<336448xi32, #tpu.memory_space<hbm>>)
    %add3A_33 = arith.constant 128 : i32
    %add3A_34 = arith.addi %mul3A_8, %add3A_33 : i32
    %dma_start3A_35 = tpu.memref_slice %arg7[%add3A_34] : memref<16384xi32, #tpu.memory_space<hbm>> -> memref<128xi32, #tpu.memory_space<hbm>>
    %dma_start3A_36 = tpu.memref_slice %arg7[%add3A_34] : memref<16384xi32, #tpu.memory_space<hbm>> -> memref<128xi32, #tpu.memory_space<hbm>>
    tpu.enqueue_dma source(%dma_start3A_36 : memref<128xi32, #tpu.memory_space<hbm>>) target(%arg14 : memref<128xi32, #tpu.memory_space<vmem>>) target_semaphore(%arg20 : memref<!tpu.dma_semaphore, #tpu.memory_space<semaphore_mem>>)
    %dma_start3A_37 = tpu.memref_slice %arg8[%add3A_34] : memref<16384xi32, #tpu.memory_space<hbm>> -> memref<128xi32, #tpu.memory_space<hbm>>
    %dma_start3A_38 = tpu.memref_slice %arg8[%add3A_34] : memref<16384xi32, #tpu.memory_space<hbm>> -> memref<128xi32, #tpu.memory_space<hbm>>
    tpu.enqueue_dma source(%dma_start3A_38 : memref<128xi32, #tpu.memory_space<hbm>>) target(%arg15 : memref<128xi32, #tpu.memory_space<vmem>>) target_semaphore(%arg20 : memref<!tpu.dma_semaphore, #tpu.memory_space<semaphore_mem>>)
    %dma_start3A_39 = tpu.memref_slice %arg9[%add3A_34] : memref<16384xi32, #tpu.memory_space<hbm>> -> memref<128xi32, #tpu.memory_space<hbm>>
    %dma_start3A_40 = tpu.memref_slice %arg9[%add3A_34] : memref<16384xi32, #tpu.memory_space<hbm>> -> memref<128xi32, #tpu.memory_space<hbm>>
    tpu.enqueue_dma source(%dma_start3A_40 : memref<128xi32, #tpu.memory_space<hbm>>) target(%arg17 : memref<128xi32, #tpu.memory_space<vmem>>) target_semaphore(%arg20 : memref<!tpu.dma_semaphore, #tpu.memory_space<semaphore_mem>>)
    %dma_wait3A_41 = tpu.memref_slice %arg7[%add3A_34] : memref<16384xi32, #tpu.memory_space<hbm>> -> memref<128xi32, #tpu.memory_space<hbm>>
    %dma_wait3A_42 = tpu.memref_slice %arg7[%add3A_34] : memref<16384xi32, #tpu.memory_space<hbm>> -> memref<128xi32, #tpu.memory_space<hbm>>
    tpu.wait_dma2 semaphore(%arg20 : memref<!tpu.dma_semaphore, #tpu.memory_space<semaphore_mem>>) src(%dma_wait3A_42 : memref<128xi32, #tpu.memory_space<hbm>>) dst(%arg14 : memref<128xi32, #tpu.memory_space<vmem>>)
    %dma_wait3A_43 = tpu.memref_slice %arg8[%add3A_34] : memref<16384xi32, #tpu.memory_space<hbm>> -> memref<128xi32, #tpu.memory_space<hbm>>
    %dma_wait3A_44 = tpu.memref_slice %arg8[%add3A_34] : memref<16384xi32, #tpu.memory_space<hbm>> -> memref<128xi32, #tpu.memory_space<hbm>>
    tpu.wait_dma2 semaphore(%arg20 : memref<!tpu.dma_semaphore, #tpu.memory_space<semaphore_mem>>) src(%dma_wait3A_44 : memref<128xi32, #tpu.memory_space<hbm>>) dst(%arg15 : memref<128xi32, #tpu.memory_space<vmem>>)
    %dma_wait3A_45 = tpu.memref_slice %arg9[%add3A_34] : memref<16384xi32, #tpu.memory_space<hbm>> -> memref<128xi32, #tpu.memory_space<hbm>>
    %dma_wait3A_46 = tpu.memref_slice %arg9[%add3A_34] : memref<16384xi32, #tpu.memory_space<hbm>> -> memref<128xi32, #tpu.memory_space<hbm>>
    tpu.wait_dma2 semaphore(%arg20 : memref<!tpu.dma_semaphore, #tpu.memory_space<semaphore_mem>>) src(%dma_wait3A_46 : memref<128xi32, #tpu.memory_space<hbm>>) dst(%arg17 : memref<128xi32, #tpu.memory_space<vmem>>)
    %dma_start3A_47 = arith.constant 0 : i32
    %dma_start3A_48 = tpu.memref_slice %arg11[%dma_start3A_47] : memref<336448xi32, #tpu.memory_space<hbm>> -> memref<336448xi32, #tpu.memory_space<hbm>>
    tpu.enqueue_indirect_dma source(%arg15 : memref<128xi32, #tpu.memory_space<vmem>>) target(%dma_start3A_48 : memref<336448xi32, #tpu.memory_space<hbm>>) offsets(%arg14 : memref<128xi32, #tpu.memory_space<vmem>>) semaphore(%arg21 : memref<!tpu.dma_semaphore, #tpu.memory_space<semaphore_mem>>)
    %dma_start3A_49 = arith.constant 0 : i32
    %dma_start3A_50 = tpu.memref_slice %arg12[%dma_start3A_49] : memref<336448xi32, #tpu.memory_space<hbm>> -> memref<336448xi32, #tpu.memory_space<hbm>>
    tpu.enqueue_indirect_dma source(%arg19 : memref<128xi32, #tpu.memory_space<vmem>>) target(%dma_start3A_50 : memref<336448xi32, #tpu.memory_space<hbm>>) offsets(%arg14 : memref<128xi32, #tpu.memory_space<vmem>>) semaphore(%arg21 : memref<!tpu.dma_semaphore, #tpu.memory_space<semaphore_mem>>)
    %dma_start3A_51 = arith.constant 0 : i32
    %dma_start3A_52 = tpu.memref_slice %arg13[%dma_start3A_51] : memref<336448xi32, #tpu.memory_space<hbm>> -> memref<336448xi32, #tpu.memory_space<hbm>>
    tpu.enqueue_indirect_dma source(%arg19 : memref<128xi32, #tpu.memory_space<vmem>>) target(%dma_start3A_52 : memref<336448xi32, #tpu.memory_space<hbm>>) offsets(%arg17 : memref<128xi32, #tpu.memory_space<vmem>>) semaphore(%arg21 : memref<!tpu.dma_semaphore, #tpu.memory_space<semaphore_mem>>)
    %dma_wait3A_53 = arith.constant 0 : i32
    %dma_wait3A_54 = tpu.memref_slice %arg11[%dma_wait3A_53] : memref<336448xi32, #tpu.memory_space<hbm>> -> memref<336448xi32, #tpu.memory_space<hbm>>
    tpu.wait_indirect_dma semaphore(%arg21 : memref<!tpu.dma_semaphore, #tpu.memory_space<semaphore_mem>>) src(%arg15 : memref<128xi32, #tpu.memory_space<vmem>>) dst(%dma_wait3A_54 : memref<336448xi32, #tpu.memory_space<hbm>>)
    %dma_wait3A_55 = arith.constant 0 : i32
    %dma_wait3A_56 = tpu.memref_slice %arg12[%dma_wait3A_55] : memref<336448xi32, #tpu.memory_space<hbm>> -> memref<336448xi32, #tpu.memory_space<hbm>>
    tpu.wait_indirect_dma semaphore(%arg21 : memref<!tpu.dma_semaphore, #tpu.memory_space<semaphore_mem>>) src(%arg19 : memref<128xi32, #tpu.memory_space<vmem>>) dst(%dma_wait3A_56 : memref<336448xi32, #tpu.memory_space<hbm>>)
    %dma_wait3A_57 = arith.constant 0 : i32
    %dma_wait3A_58 = tpu.memref_slice %arg13[%dma_wait3A_57] : memref<336448xi32, #tpu.memory_space<hbm>> -> memref<336448xi32, #tpu.memory_space<hbm>>
    tpu.wait_indirect_dma semaphore(%arg21 : memref<!tpu.dma_semaphore, #tpu.memory_space<semaphore_mem>>) src(%arg19 : memref<128xi32, #tpu.memory_space<vmem>>) dst(%dma_wait3A_58 : memref<336448xi32, #tpu.memory_space<hbm>>)
    %add3A_59 = arith.constant 256 : i32
    %add3A_60 = arith.addi %mul3A_8, %add3A_59 : i32
    %dma_start3A_61 = tpu.memref_slice %arg7[%add3A_60] : memref<16384xi32, #tpu.memory_space<hbm>> -> memref<128xi32, #tpu.memory_space<hbm>>
    %dma_start3A_62 = tpu.memref_slice %arg7[%add3A_60] : memref<16384xi32, #tpu.memory_space<hbm>> -> memref<128xi32, #tpu.memory_space<hbm>>
    tpu.enqueue_dma source(%dma_start3A_62 : memref<128xi32, #tpu.memory_space<hbm>>) target(%arg14 : memref<128xi32, #tpu.memory_space<vmem>>) target_semaphore(%arg20 : memref<!tpu.dma_semaphore, #tpu.memory_space<semaphore_mem>>)
    %dma_start3A_63 = tpu.memref_slice %arg8[%add3A_60] : memref<16384xi32, #tpu.memory_space<hbm>> -> memref<128xi32, #tpu.memory_space<hbm>>
    %dma_start3A_64 = tpu.memref_slice %arg8[%add3A_60] : memref<16384xi32, #tpu.memory_space<hbm>> -> memref<128xi32, #tpu.memory_space<hbm>>
    tpu.enqueue_dma source(%dma_start3A_64 : memref<128xi32, #tpu.memory_space<hbm>>) target(%arg15 : memref<128xi32, #tpu.memory_space<vmem>>) target_semaphore(%arg20 : memref<!tpu.dma_semaphore, #tpu.memory_space<semaphore_mem>>)
    %dma_start3A_65 = tpu.memref_slice %arg9[%add3A_60] : memref<16384xi32, #tpu.memory_space<hbm>> -> memref<128xi32, #tpu.memory_space<hbm>>
    %dma_start3A_66 = tpu.memref_slice %arg9[%add3A_60] : memref<16384xi32, #tpu.memory_space<hbm>> -> memref<128xi32, #tpu.memory_space<hbm>>
    tpu.enqueue_dma source(%dma_start3A_66 : memref<128xi32, #tpu.memory_space<hbm>>) target(%arg17 : memref<128xi32, #tpu.memory_space<vmem>>) target_semaphore(%arg20 : memref<!tpu.dma_semaphore, #tpu.memory_space<semaphore_mem>>)
    %dma_wait3A_67 = tpu.memref_slice %arg7[%add3A_60] : memref<16384xi32, #tpu.memory_space<hbm>> -> memref<128xi32, #tpu.memory_space<hbm>>
    %dma_wait3A_68 = tpu.memref_slice %arg7[%add3A_60] : memref<16384xi32, #tpu.memory_space<hbm>> -> memref<128xi32, #tpu.memory_space<hbm>>
    tpu.wait_dma2 semaphore(%arg20 : memref<!tpu.dma_semaphore, #tpu.memory_space<semaphore_mem>>) src(%dma_wait3A_68 : memref<128xi32, #tpu.memory_space<hbm>>) dst(%arg14 : memref<128xi32, #tpu.memory_space<vmem>>)
    %dma_wait3A_69 = tpu.memref_slice %arg8[%add3A_60] : memref<16384xi32, #tpu.memory_space<hbm>> -> memref<128xi32, #tpu.memory_space<hbm>>
    %dma_wait3A_70 = tpu.memref_slice %arg8[%add3A_60] : memref<16384xi32, #tpu.memory_space<hbm>> -> memref<128xi32, #tpu.memory_space<hbm>>
    tpu.wait_dma2 semaphore(%arg20 : memref<!tpu.dma_semaphore, #tpu.memory_space<semaphore_mem>>) src(%dma_wait3A_70 : memref<128xi32, #tpu.memory_space<hbm>>) dst(%arg15 : memref<128xi32, #tpu.memory_space<vmem>>)
    %dma_wait3A_71 = tpu.memref_slice %arg9[%add3A_60] : memref<16384xi32, #tpu.memory_space<hbm>> -> memref<128xi32, #tpu.memory_space<hbm>>
    %dma_wait3A_72 = tpu.memref_slice %arg9[%add3A_60] : memref<16384xi32, #tpu.memory_space<hbm>> -> memref<128xi32, #tpu.memory_space<hbm>>
    tpu.wait_dma2 semaphore(%arg20 : memref<!tpu.dma_semaphore, #tpu.memory_space<semaphore_mem>>) src(%dma_wait3A_72 : memref<128xi32, #tpu.memory_space<hbm>>) dst(%arg17 : memref<128xi32, #tpu.memory_space<vmem>>)
    %dma_start3A_73 = arith.constant 0 : i32
    %dma_start3A_74 = tpu.memref_slice %arg11[%dma_start3A_73] : memref<336448xi32, #tpu.memory_space<hbm>> -> memref<336448xi32, #tpu.memory_space<hbm>>
    tpu.enqueue_indirect_dma source(%arg15 : memref<128xi32, #tpu.memory_space<vmem>>) target(%dma_start3A_74 : memref<336448xi32, #tpu.memory_space<hbm>>) offsets(%arg14 : memref<128xi32, #tpu.memory_space<vmem>>) semaphore(%arg21 : memref<!tpu.dma_semaphore, #tpu.memory_space<semaphore_mem>>)
    %dma_start3A_75 = arith.constant 0 : i32
    %dma_start3A_76 = tpu.memref_slice %arg12[%dma_start3A_75] : memref<336448xi32, #tpu.memory_space<hbm>> -> memref<336448xi32, #tpu.memory_space<hbm>>
    tpu.enqueue_indirect_dma source(%arg19 : memref<128xi32, #tpu.memory_space<vmem>>) target(%dma_start3A_76 : memref<336448xi32, #tpu.memory_space<hbm>>) offsets(%arg14 : memref<128xi32, #tpu.memory_space<vmem>>) semaphore(%arg21 : memref<!tpu.dma_semaphore, #tpu.memory_space<semaphore_mem>>)
    %dma_start3A_77 = arith.constant 0 : i32
    %dma_start3A_78 = tpu.memref_slice %arg13[%dma_start3A_77] : memref<336448xi32, #tpu.memory_space<hbm>> -> memref<336448xi32, #tpu.memory_space<hbm>>
    tpu.enqueue_indirect_dma source(%arg19 : memref<128xi32, #tpu.memory_space<vmem>>) target(%dma_start3A_78 : memref<336448xi32, #tpu.memory_space<hbm>>) offsets(%arg17 : memref<128xi32, #tpu.memory_space<vmem>>) semaphore(%arg21 : memref<!tpu.dma_semaphore, #tpu.memory_space<semaphore_mem>>)
    %dma_wait3A_79 = arith.constant 0 : i32
    %dma_wait3A_80 = tpu.memref_slice %arg11[%dma_wait3A_79] : memref<336448xi32, #tpu.memory_space<hbm>> -> memref<336448xi32, #tpu.memory_space<hbm>>
    tpu.wait_indirect_dma semaphore(%arg21 : memref<!tpu.dma_semaphore, #tpu.memory_space<semaphore_mem>>) src(%arg15 : memref<128xi32, #tpu.memory_space<vmem>>) dst(%dma_wait3A_80 : memref<336448xi32, #tpu.memory_space<hbm>>)
    %dma_wait3A_81 = arith.constant 0 : i32
    %dma_wait3A_82 = tpu.memref_slice %arg12[%dma_wait3A_81] : memref<336448xi32, #tpu.memory_space<hbm>> -> memref<336448xi32, #tpu.memory_space<hbm>>
    tpu.wait_indirect_dma semaphore(%arg21 : memref<!tpu.dma_semaphore, #tpu.memory_space<semaphore_mem>>) src(%arg19 : memref<128xi32, #tpu.memory_space<vmem>>) dst(%dma_wait3A_82 : memref<336448xi32, #tpu.memory_space<hbm>>)
    %dma_wait3A_83 = arith.constant 0 : i32
    %dma_wait3A_84 = tpu.memref_slice %arg13[%dma_wait3A_83] : memref<336448xi32, #tpu.memory_space<hbm>> -> memref<336448xi32, #tpu.memory_space<hbm>>
    tpu.wait_indirect_dma semaphore(%arg21 : memref<!tpu.dma_semaphore, #tpu.memory_space<semaphore_mem>>) src(%arg19 : memref<128xi32, #tpu.memory_space<vmem>>) dst(%dma_wait3A_84 : memref<336448xi32, #tpu.memory_space<hbm>>)
    %add3A_85 = arith.constant 384 : i32
    %add3A_86 = arith.addi %mul3A_8, %add3A_85 : i32
    %dma_start3A_87 = tpu.memref_slice %arg7[%add3A_86] : memref<16384xi32, #tpu.memory_space<hbm>> -> memref<128xi32, #tpu.memory_space<hbm>>
    %dma_start3A_88 = tpu.memref_slice %arg7[%add3A_86] : memref<16384xi32, #tpu.memory_space<hbm>> -> memref<128xi32, #tpu.memory_space<hbm>>
    tpu.enqueue_dma source(%dma_start3A_88 : memref<128xi32, #tpu.memory_space<hbm>>) target(%arg14 : memref<128xi32, #tpu.memory_space<vmem>>) target_semaphore(%arg20 : memref<!tpu.dma_semaphore, #tpu.memory_space<semaphore_mem>>)
    %dma_start3A_89 = tpu.memref_slice %arg8[%add3A_86] : memref<16384xi32, #tpu.memory_space<hbm>> -> memref<128xi32, #tpu.memory_space<hbm>>
    %dma_start3A_90 = tpu.memref_slice %arg8[%add3A_86] : memref<16384xi32, #tpu.memory_space<hbm>> -> memref<128xi32, #tpu.memory_space<hbm>>
    tpu.enqueue_dma source(%dma_start3A_90 : memref<128xi32, #tpu.memory_space<hbm>>) target(%arg15 : memref<128xi32, #tpu.memory_space<vmem>>) target_semaphore(%arg20 : memref<!tpu.dma_semaphore, #tpu.memory_space<semaphore_mem>>)
    %dma_start3A_91 = tpu.memref_slice %arg9[%add3A_86] : memref<16384xi32, #tpu.memory_space<hbm>> -> memref<128xi32, #tpu.memory_space<hbm>>
    %dma_start3A_92 = tpu.memref_slice %arg9[%add3A_86] : memref<16384xi32, #tpu.memory_space<hbm>> -> memref<128xi32, #tpu.memory_space<hbm>>
    tpu.enqueue_dma source(%dma_start3A_92 : memref<128xi32, #tpu.memory_space<hbm>>) target(%arg17 : memref<128xi32, #tpu.memory_space<vmem>>) target_semaphore(%arg20 : memref<!tpu.dma_semaphore, #tpu.memory_space<semaphore_mem>>)
    %dma_wait3A_93 = tpu.memref_slice %arg7[%add3A_86] : memref<16384xi32, #tpu.memory_space<hbm>> -> memref<128xi32, #tpu.memory_space<hbm>>
    %dma_wait3A_94 = tpu.memref_slice %arg7[%add3A_86] : memref<16384xi32, #tpu.memory_space<hbm>> -> memref<128xi32, #tpu.memory_space<hbm>>
    tpu.wait_dma2 semaphore(%arg20 : memref<!tpu.dma_semaphore, #tpu.memory_space<semaphore_mem>>) src(%dma_wait3A_94 : memref<128xi32, #tpu.memory_space<hbm>>) dst(%arg14 : memref<128xi32, #tpu.memory_space<vmem>>)
    %dma_wait3A_95 = tpu.memref_slice %arg8[%add3A_86] : memref<16384xi32, #tpu.memory_space<hbm>> -> memref<128xi32, #tpu.memory_space<hbm>>
    %dma_wait3A_96 = tpu.memref_slice %arg8[%add3A_86] : memref<16384xi32, #tpu.memory_space<hbm>> -> memref<128xi32, #tpu.memory_space<hbm>>
    tpu.wait_dma2 semaphore(%arg20 : memref<!tpu.dma_semaphore, #tpu.memory_space<semaphore_mem>>) src(%dma_wait3A_96 : memref<128xi32, #tpu.memory_space<hbm>>) dst(%arg15 : memref<128xi32, #tpu.memory_space<vmem>>)
    %dma_wait3A_97 = tpu.memref_slice %arg9[%add3A_86] : memref<16384xi32, #tpu.memory_space<hbm>> -> memref<128xi32, #tpu.memory_space<hbm>>
    %dma_wait3A_98 = tpu.memref_slice %arg9[%add3A_86] : memref<16384xi32, #tpu.memory_space<hbm>> -> memref<128xi32, #tpu.memory_space<hbm>>
    tpu.wait_dma2 semaphore(%arg20 : memref<!tpu.dma_semaphore, #tpu.memory_space<semaphore_mem>>) src(%dma_wait3A_98 : memref<128xi32, #tpu.memory_space<hbm>>) dst(%arg17 : memref<128xi32, #tpu.memory_space<vmem>>)
    %dma_start3A_99 = arith.constant 0 : i32
    %dma_start3A_100 = tpu.memref_slice %arg11[%dma_start3A_99] : memref<336448xi32, #tpu.memory_space<hbm>> -> memref<336448xi32, #tpu.memory_space<hbm>>
    tpu.enqueue_indirect_dma source(%arg15 : memref<128xi32, #tpu.memory_space<vmem>>) target(%dma_start3A_100 : memref<336448xi32, #tpu.memory_space<hbm>>) offsets(%arg14 : memref<128xi32, #tpu.memory_space<vmem>>) semaphore(%arg21 : memref<!tpu.dma_semaphore, #tpu.memory_space<semaphore_mem>>)
    %dma_start3A_101 = arith.constant 0 : i32
    %dma_start3A_102 = tpu.memref_slice %arg12[%dma_start3A_101] : memref<336448xi32, #tpu.memory_space<hbm>> -> memref<336448xi32, #tpu.memory_space<hbm>>
    tpu.enqueue_indirect_dma source(%arg19 : memref<128xi32, #tpu.memory_space<vmem>>) target(%dma_start3A_102 : memref<336448xi32, #tpu.memory_space<hbm>>) offsets(%arg14 : memref<128xi32, #tpu.memory_space<vmem>>) semaphore(%arg21 : memref<!tpu.dma_semaphore, #tpu.memory_space<semaphore_mem>>)
    %dma_start3A_103 = arith.constant 0 : i32
    %dma_start3A_104 = tpu.memref_slice %arg13[%dma_start3A_103] : memref<336448xi32, #tpu.memory_space<hbm>> -> memref<336448xi32, #tpu.memory_space<hbm>>
    tpu.enqueue_indirect_dma source(%arg19 : memref<128xi32, #tpu.memory_space<vmem>>) target(%dma_start3A_104 : memref<336448xi32, #tpu.memory_space<hbm>>) offsets(%arg17 : memref<128xi32, #tpu.memory_space<vmem>>) semaphore(%arg21 : memref<!tpu.dma_semaphore, #tpu.memory_space<semaphore_mem>>)
    %dma_wait3A_105 = arith.constant 0 : i32
    %dma_wait3A_106 = tpu.memref_slice %arg11[%dma_wait3A_105] : memref<336448xi32, #tpu.memory_space<hbm>> -> memref<336448xi32, #tpu.memory_space<hbm>>
    tpu.wait_indirect_dma semaphore(%arg21 : memref<!tpu.dma_semaphore, #tpu.memory_space<semaphore_mem>>) src(%arg15 : memref<128xi32, #tpu.memory_space<vmem>>) dst(%dma_wait3A_106 : memref<336448xi32, #tpu.memory_space<hbm>>)
    %dma_wait3A_107 = arith.constant 0 : i32
    %dma_wait3A_108 = tpu.memref_slice %arg12[%dma_wait3A_107] : memref<336448xi32, #tpu.memory_space<hbm>> -> memref<336448xi32, #tpu.memory_space<hbm>>
    tpu.wait_indirect_dma semaphore(%arg21 : memref<!tpu.dma_semaphore, #tpu.memory_space<semaphore_mem>>) src(%arg19 : memref<128xi32, #tpu.memory_space<vmem>>) dst(%dma_wait3A_108 : memref<336448xi32, #tpu.memory_space<hbm>>)
    %dma_wait3A_109 = arith.constant 0 : i32
    %dma_wait3A_110 = tpu.memref_slice %arg13[%dma_wait3A_109] : memref<336448xi32, #tpu.memory_space<hbm>> -> memref<336448xi32, #tpu.memory_space<hbm>>
    tpu.wait_indirect_dma semaphore(%arg21 : memref<!tpu.dma_semaphore, #tpu.memory_space<semaphore_mem>>) src(%arg19 : memref<128xi32, #tpu.memory_space<vmem>>) dst(%dma_wait3A_110 : memref<336448xi32, #tpu.memory_space<hbm>>)
    return
  }
}

#map = affine_map<(d0, d1) -> (0, 0)>
#map1 = affine_map<(d0, d1) -> (0)>
module attributes {stable_mosaic.version = 14 : i64} {
  func.func @body(%arg0: i32, %arg1: i32, %arg2: memref<10000x128xf32, #tpu.memory_space<hbm>>, %arg3: memref<336448xi32, #tpu.memory_space<hbm>>, %arg4: memref<336448xi32, #tpu.memory_space<hbm>>, %arg5: memref<336448xi32, #tpu.memory_space<hbm>>, %arg6: memref<16xi32, #tpu.memory_space<hbm>>, %arg7: memref<328x128xf32, #tpu.memory_space<hbm>>, %arg8: memref<328x16xf32, #tpu.memory_space<hbm>>, %arg9: memref<128x16xf32, #tpu.memory_space<hbm>>, %arg10: memref<128x16xf32, #tpu.memory_space<hbm>>, %arg11: memref<10240x128xf32, #tpu.memory_space<hbm>>, %arg12: memref<10240x16xf32, #tpu.memory_space<hbm>>, %arg13: memref<16xi32, #tpu.memory_space<vmem>>, %arg14: memref<128xi32, #tpu.memory_space<vmem>>, %arg15: memref<128xi32, #tpu.memory_space<vmem>>, %arg16: memref<128x128xf32, #tpu.memory_space<vmem>>, %arg17: memref<5248x128xf32, #tpu.memory_space<vmem_shared>>, %arg18: memref<!tpu.dma_semaphore, #tpu.memory_space<semaphore_mem>>, %arg19: memref<128xi32, #tpu.memory_space<vmem>>, %arg20: memref<128x16xf32, #tpu.memory_space<vmem>>, %arg21: memref<128x16xf32, #tpu.memory_space<vmem>>, %arg22: memref<5248x16xf32, #tpu.memory_space<vmem_shared>>) attributes {dimension_semantics = [#tpu.dimension_semantics<core_parallel>, #tpu.dimension_semantics<subcore_parallel>], iteration_bounds = array<i64: 2, 16>, scalar_prefetch = 0 : i64, scratch_operands = 10 : i64, tpu.core_type = #tpu.core_type<sc_vector_subcore>, window_params = [{transform_indices = #map}, {transform_indices = #map1}, {transform_indices = #map1}, {transform_indices = #map1}, {transform_indices = #map1}, {transform_indices = #map}, {transform_indices = #map}, {transform_indices = #map}, {transform_indices = #map}, {transform_indices = #map}, {transform_indices = #map}]} {
    %mul3A = arith.constant 328 : i32
    %mul3A_0 = arith.muli %arg1, %mul3A : i32
    "tpu.region"() ({
      %run_scoped3A = tpu.sem_alloc : memref<!tpu.dma_semaphore, #tpu.memory_space<semaphore_mem>>
      %dma_start3A = arith.constant 0 : i32
      %dma_start3A_59 = tpu.memref_slice %arg17[%mul3A_0, %dma_start3A] : memref<5248x128xf32, #tpu.memory_space<vmem_shared>> -> memref<328x128xf32, #tpu.memory_space<vmem_shared>>
      tpu.enqueue_dma source(%arg7 : memref<328x128xf32, #tpu.memory_space<hbm>>) target(%dma_start3A_59 : memref<328x128xf32, #tpu.memory_space<vmem_shared>>) target_semaphore(%run_scoped3A : memref<!tpu.dma_semaphore, #tpu.memory_space<semaphore_mem>>)
      %dma_wait3A = arith.constant 0 : i32
      %dma_wait3A_60 = tpu.memref_slice %arg17[%mul3A_0, %dma_wait3A] : memref<5248x128xf32, #tpu.memory_space<vmem_shared>> -> memref<328x128xf32, #tpu.memory_space<vmem_shared>>
      tpu.wait_dma2 semaphore(%run_scoped3A : memref<!tpu.dma_semaphore, #tpu.memory_space<semaphore_mem>>) src(%arg7 : memref<328x128xf32, #tpu.memory_space<hbm>>) dst(%dma_wait3A_60 : memref<328x128xf32, #tpu.memory_space<vmem_shared>>)
      tpu.yield
    }) : () -> ()
    "tpu.region"() ({
      %run_scoped3A = tpu.sem_alloc : memref<!tpu.dma_semaphore, #tpu.memory_space<semaphore_mem>>
      %dma_start3A = arith.constant 0 : i32
      %dma_start3A_59 = tpu.memref_slice %arg22[%mul3A_0, %dma_start3A] : memref<5248x16xf32, #tpu.memory_space<vmem_shared>> -> memref<328x16xf32, #tpu.memory_space<vmem_shared>>
      tpu.enqueue_dma source(%arg8 : memref<328x16xf32, #tpu.memory_space<hbm>>) target(%dma_start3A_59 : memref<328x16xf32, #tpu.memory_space<vmem_shared>>) target_semaphore(%run_scoped3A : memref<!tpu.dma_semaphore, #tpu.memory_space<semaphore_mem>>)
      %dma_wait3A = arith.constant 0 : i32
      %dma_wait3A_60 = tpu.memref_slice %arg22[%mul3A_0, %dma_wait3A] : memref<5248x16xf32, #tpu.memory_space<vmem_shared>> -> memref<328x16xf32, #tpu.memory_space<vmem_shared>>
      tpu.wait_dma2 semaphore(%run_scoped3A : memref<!tpu.dma_semaphore, #tpu.memory_space<semaphore_mem>>) src(%arg8 : memref<328x16xf32, #tpu.memory_space<hbm>>) dst(%dma_wait3A_60 : memref<328x16xf32, #tpu.memory_space<vmem_shared>>)
      tpu.yield
    }) : () -> ()
    "tpu.region"() ({
      %run_scoped3A = tpu.sem_alloc : memref<!tpu.dma_semaphore, #tpu.memory_space<semaphore_mem>>
      tpu.enqueue_dma source(%arg9 : memref<128x16xf32, #tpu.memory_space<hbm>>) target(%arg20 : memref<128x16xf32, #tpu.memory_space<vmem>>) target_semaphore(%run_scoped3A : memref<!tpu.dma_semaphore, #tpu.memory_space<semaphore_mem>>)
      tpu.wait_dma2 semaphore(%run_scoped3A : memref<!tpu.dma_semaphore, #tpu.memory_space<semaphore_mem>>) src(%arg9 : memref<128x16xf32, #tpu.memory_space<hbm>>) dst(%arg20 : memref<128x16xf32, #tpu.memory_space<vmem>>)
      tpu.yield
    }) : () -> ()
    "tpu.region"() ({
      %run_scoped3A = tpu.sem_alloc : memref<!tpu.dma_semaphore, #tpu.memory_space<semaphore_mem>>
      tpu.enqueue_dma source(%arg10 : memref<128x16xf32, #tpu.memory_space<hbm>>) target(%arg21 : memref<128x16xf32, #tpu.memory_space<vmem>>) target_semaphore(%run_scoped3A : memref<!tpu.dma_semaphore, #tpu.memory_space<semaphore_mem>>)
      tpu.wait_dma2 semaphore(%run_scoped3A : memref<!tpu.dma_semaphore, #tpu.memory_space<semaphore_mem>>) src(%arg10 : memref<128x16xf32, #tpu.memory_space<hbm>>) dst(%arg21 : memref<128x16xf32, #tpu.memory_space<vmem>>)
      tpu.yield
    }) : () -> ()
    "tpu.region"() ({
      %run_scoped3A = tpu.sem_alloc : memref<!tpu.dma_semaphore, #tpu.memory_space<semaphore_mem>>
      tpu.enqueue_dma source(%arg6 : memref<16xi32, #tpu.memory_space<hbm>>) target(%arg13 : memref<16xi32, #tpu.memory_space<vmem>>) target_semaphore(%run_scoped3A : memref<!tpu.dma_semaphore, #tpu.memory_space<semaphore_mem>>)
      tpu.wait_dma2 semaphore(%run_scoped3A : memref<!tpu.dma_semaphore, #tpu.memory_space<semaphore_mem>>) src(%arg6 : memref<16xi32, #tpu.memory_space<hbm>>) dst(%arg13 : memref<16xi32, #tpu.memory_space<vmem>>)
      tpu.yield
    }) : () -> ()
    %barrier3A = arith.constant 0 : index
    tpu.barrier barrier_id(%barrier3A)
    %get3A = arith.constant 0 : index
    %get3A_1 = tpu.vector_load %arg13[%get3A] {strides = array<i32>} : memref<16xi32, #tpu.memory_space<vmem>>, vector<16xi32>,
    %get3A_2 = vector.shape_cast %get3A_1 : vector<16xi32> to vector<16xi32>
    %eq3A = arith.constant 0 : i32
    %eq3A_3 = arith.cmpi eq, %arg0, %eq3A : i32
    %slice3A = vector.extract_strided_slice %get3A_2 {offsets = [0], sizes = [1], strides = [1]} : vector<16xi32> to vector<1xi32>
    %squeeze3A = vector.extract %slice3A[0] : i32 from vector<1xi32>
    %slice3A_4 = vector.extract_strided_slice %get3A_2 {offsets = [2], sizes = [1], strides = [1]} : vector<16xi32> to vector<1xi32>
    %squeeze3A_5 = vector.extract %slice3A_4[0] : i32 from vector<1xi32>
    %select_n3A = arith.select %eq3A_3, %squeeze3A, %squeeze3A_5 : i32
    %eq3A_6 = arith.constant 0 : i32
    %eq3A_7 = arith.cmpi eq, %arg0, %eq3A_6 : i32
    %slice3A_8 = vector.extract_strided_slice %get3A_2 {offsets = [1], sizes = [1], strides = [1]} : vector<16xi32> to vector<1xi32>
    %squeeze3A_9 = vector.extract %slice3A_8[0] : i32 from vector<1xi32>
    %slice3A_10 = vector.extract_strided_slice %get3A_2 {offsets = [3], sizes = [1], strides = [1]} : vector<16xi32> to vector<1xi32>
    %squeeze3A_11 = vector.extract %slice3A_10[0] : i32 from vector<1xi32>
    %select_n3A_12 = arith.select %eq3A_7, %squeeze3A_9, %squeeze3A_11 : i32
    %mul3A_13 = arith.muli %arg1, %select_n3A_12 : i32
    %mul3A_14 = arith.constant 128 : i32
    %mul3A_15 = arith.muli %mul3A_13, %mul3A_14 : i32
    %add3A = arith.addi %select_n3A, %mul3A_15 : i32
    %while3A = arith.constant 0 : i32
    %while3A_16 = arith.constant 0 : i32
    %while3A_17 = arith.subi %select_n3A_12, %while3A_16 : i32
    %while3A_18 = arith.addi %while3A_16, %while3A_17 : i32
    %while3A_19 = arith.constant 1 : i32
    %while3A_20 = arith.divsi %while3A_17, %while3A_19 : i32
    %while3A_21 = arith.muli %while3A_20, %while3A_19 : i32
    %while3A_22 = arith.addi %while3A_16, %while3A_21 : i32
    %while3A_23 = arith.constant 1 : i32
    scf.for %while3A_59 = %while3A_16 to %while3A_22 step %while3A_23  : i32 {
      %mul3A_60 = arith.constant 128 : i32
      %mul3A_61 = arith.muli %while3A_59, %mul3A_60 : i32
      %add3A_62 = arith.addi %add3A, %mul3A_61 : i32
      %multiple_of3A = tpu.assume_multiple %add3A_62, 128 : i32
      "tpu.region"() ({
        %run_scoped3A = tpu.sem_alloc : memref<!tpu.dma_semaphore, #tpu.memory_space<semaphore_mem>>
        %dma_start3A_67 = tpu.memref_slice %arg3[%multiple_of3A] : memref<336448xi32, #tpu.memory_space<hbm>> -> memref<128xi32, #tpu.memory_space<hbm>>
        %dma_start3A_68 = tpu.memref_slice %arg3[%multiple_of3A] : memref<336448xi32, #tpu.memory_space<hbm>> -> memref<128xi32, #tpu.memory_space<hbm>>
        tpu.enqueue_dma source(%dma_start3A_68 : memref<128xi32, #tpu.memory_space<hbm>>) target(%arg14 : memref<128xi32, #tpu.memory_space<vmem>>) target_semaphore(%run_scoped3A : memref<!tpu.dma_semaphore, #tpu.memory_space<semaphore_mem>>)
        %dma_wait3A_69 = tpu.memref_slice %arg3[%multiple_of3A] : memref<336448xi32, #tpu.memory_space<hbm>> -> memref<128xi32, #tpu.memory_space<hbm>>
        %dma_wait3A_70 = tpu.memref_slice %arg3[%multiple_of3A] : memref<336448xi32, #tpu.memory_space<hbm>> -> memref<128xi32, #tpu.memory_space<hbm>>
        tpu.wait_dma2 semaphore(%run_scoped3A : memref<!tpu.dma_semaphore, #tpu.memory_space<semaphore_mem>>) src(%dma_wait3A_70 : memref<128xi32, #tpu.memory_space<hbm>>) dst(%arg14 : memref<128xi32, #tpu.memory_space<vmem>>)
        tpu.yield
      }) : () -> ()
      "tpu.region"() ({
        %run_scoped3A = tpu.sem_alloc : memref<!tpu.dma_semaphore, #tpu.memory_space<semaphore_mem>>
        %dma_start3A_67 = tpu.memref_slice %arg4[%multiple_of3A] : memref<336448xi32, #tpu.memory_space<hbm>> -> memref<128xi32, #tpu.memory_space<hbm>>
        %dma_start3A_68 = tpu.memref_slice %arg4[%multiple_of3A] : memref<336448xi32, #tpu.memory_space<hbm>> -> memref<128xi32, #tpu.memory_space<hbm>>
        tpu.enqueue_dma source(%dma_start3A_68 : memref<128xi32, #tpu.memory_space<hbm>>) target(%arg15 : memref<128xi32, #tpu.memory_space<vmem>>) target_semaphore(%run_scoped3A : memref<!tpu.dma_semaphore, #tpu.memory_space<semaphore_mem>>)
        %dma_wait3A_69 = tpu.memref_slice %arg4[%multiple_of3A] : memref<336448xi32, #tpu.memory_space<hbm>> -> memref<128xi32, #tpu.memory_space<hbm>>
        %dma_wait3A_70 = tpu.memref_slice %arg4[%multiple_of3A] : memref<336448xi32, #tpu.memory_space<hbm>> -> memref<128xi32, #tpu.memory_space<hbm>>
        tpu.wait_dma2 semaphore(%run_scoped3A : memref<!tpu.dma_semaphore, #tpu.memory_space<semaphore_mem>>) src(%dma_wait3A_70 : memref<128xi32, #tpu.memory_space<hbm>>) dst(%arg15 : memref<128xi32, #tpu.memory_space<vmem>>)
        tpu.yield
      }) : () -> ()
      %dma_start3A = arith.constant 0 : i32
      %dma_start3A_63 = arith.constant 0 : i32
      %dma_start3A_64 = tpu.memref_slice %arg2[%dma_start3A, %dma_start3A_63] : memref<10000x128xf32, #tpu.memory_space<hbm>> -> memref<10000x128xf32, #tpu.memory_space<hbm>>
      tpu.enqueue_indirect_dma source(%dma_start3A_64 : memref<10000x128xf32, #tpu.memory_space<hbm>>) target(%arg16 : memref<128x128xf32, #tpu.memory_space<vmem>>) offsets(%arg14 : memref<128xi32, #tpu.memory_space<vmem>>) semaphore(%arg18 : memref<!tpu.dma_semaphore, #tpu.memory_space<semaphore_mem>>)
      %dma_wait3A = arith.constant 0 : i32
      %dma_wait3A_65 = arith.constant 0 : i32
      %dma_wait3A_66 = tpu.memref_slice %arg2[%dma_wait3A, %dma_wait3A_65] : memref<10000x128xf32, #tpu.memory_space<hbm>> -> memref<10000x128xf32, #tpu.memory_space<hbm>>
      tpu.wait_indirect_dma semaphore(%arg18 : memref<!tpu.dma_semaphore, #tpu.memory_space<semaphore_mem>>) src(%dma_wait3A_66 : memref<10000x128xf32, #tpu.memory_space<hbm>>) dst(%arg16 : memref<128x128xf32, #tpu.memory_space<vmem>>)
      "tpu.region"() ({
        %run_scoped3A = tpu.sem_alloc : memref<!tpu.dma_semaphore, #tpu.memory_space<semaphore_mem>>
        %dma_start3A_67 = arith.constant 0 : i32
        %dma_start3A_68 = arith.constant 0 : i32
        %dma_start3A_69 = tpu.memref_slice %arg17[%dma_start3A_67, %dma_start3A_68] : memref<5248x128xf32, #tpu.memory_space<vmem_shared>> -> memref<5248x128xf32, #tpu.memory_space<vmem_shared>>
        tpu.enqueue_indirect_dma source(%arg16 : memref<128x128xf32, #tpu.memory_space<vmem>>) target(%dma_start3A_69 : memref<5248x128xf32, #tpu.memory_space<vmem_shared>>) offsets(%arg15 : memref<128xi32, #tpu.memory_space<vmem>>) semaphore(%run_scoped3A : memref<!tpu.dma_semaphore, #tpu.memory_space<semaphore_mem>>) {add = true}
        %dma_wait3A_70 = arith.constant 0 : i32
        %dma_wait3A_71 = arith.constant 0 : i32
        %dma_wait3A_72 = tpu.memref_slice %arg17[%dma_wait3A_70, %dma_wait3A_71] : memref<5248x128xf32, #tpu.memory_space<vmem_shared>> -> memref<5248x128xf32, #tpu.memory_space<vmem_shared>>
        tpu.wait_indirect_dma semaphore(%run_scoped3A : memref<!tpu.dma_semaphore, #tpu.memory_space<semaphore_mem>>) src(%arg16 : memref<128x128xf32, #tpu.memory_space<vmem>>) dst(%dma_wait3A_72 : memref<5248x128xf32, #tpu.memory_space<vmem_shared>>)
        tpu.yield
      }) : () -> ()
      "tpu.region"() ({
        %run_scoped3A = tpu.sem_alloc : memref<!tpu.dma_semaphore, #tpu.memory_space<semaphore_mem>>
        %dma_start3A_67 = arith.constant 0 : i32
        %dma_start3A_68 = arith.constant 0 : i32
        %dma_start3A_69 = tpu.memref_slice %arg22[%dma_start3A_67, %dma_start3A_68] : memref<5248x16xf32, #tpu.memory_space<vmem_shared>> -> memref<5248x16xf32, #tpu.memory_space<vmem_shared>>
        tpu.enqueue_indirect_dma source(%arg20 : memref<128x16xf32, #tpu.memory_space<vmem>>) target(%dma_start3A_69 : memref<5248x16xf32, #tpu.memory_space<vmem_shared>>) offsets(%arg15 : memref<128xi32, #tpu.memory_space<vmem>>) semaphore(%run_scoped3A : memref<!tpu.dma_semaphore, #tpu.memory_space<semaphore_mem>>) {add = true}
        %dma_wait3A_70 = arith.constant 0 : i32
        %dma_wait3A_71 = arith.constant 0 : i32
        %dma_wait3A_72 = tpu.memref_slice %arg22[%dma_wait3A_70, %dma_wait3A_71] : memref<5248x16xf32, #tpu.memory_space<vmem_shared>> -> memref<5248x16xf32, #tpu.memory_space<vmem_shared>>
        tpu.wait_indirect_dma semaphore(%run_scoped3A : memref<!tpu.dma_semaphore, #tpu.memory_space<semaphore_mem>>) src(%arg20 : memref<128x16xf32, #tpu.memory_space<vmem>>) dst(%dma_wait3A_72 : memref<5248x16xf32, #tpu.memory_space<vmem_shared>>)
        tpu.yield
      }) : () -> ()
    }
    %while3A_24 = arith.constant 1 : i32
    scf.for %while3A_59 = %while3A_22 to %while3A_18 step %while3A_24  : i32 {
      %mul3A_60 = arith.constant 128 : i32
      %mul3A_61 = arith.muli %while3A_59, %mul3A_60 : i32
      %add3A_62 = arith.addi %add3A, %mul3A_61 : i32
      %multiple_of3A = tpu.assume_multiple %add3A_62, 128 : i32
      "tpu.region"() ({
        %run_scoped3A = tpu.sem_alloc : memref<!tpu.dma_semaphore, #tpu.memory_space<semaphore_mem>>
        %dma_start3A_67 = tpu.memref_slice %arg3[%multiple_of3A] : memref<336448xi32, #tpu.memory_space<hbm>> -> memref<128xi32, #tpu.memory_space<hbm>>
        %dma_start3A_68 = tpu.memref_slice %arg3[%multiple_of3A] : memref<336448xi32, #tpu.memory_space<hbm>> -> memref<128xi32, #tpu.memory_space<hbm>>
        tpu.enqueue_dma source(%dma_start3A_68 : memref<128xi32, #tpu.memory_space<hbm>>) target(%arg14 : memref<128xi32, #tpu.memory_space<vmem>>) target_semaphore(%run_scoped3A : memref<!tpu.dma_semaphore, #tpu.memory_space<semaphore_mem>>)
        %dma_wait3A_69 = tpu.memref_slice %arg3[%multiple_of3A] : memref<336448xi32, #tpu.memory_space<hbm>> -> memref<128xi32, #tpu.memory_space<hbm>>
        %dma_wait3A_70 = tpu.memref_slice %arg3[%multiple_of3A] : memref<336448xi32, #tpu.memory_space<hbm>> -> memref<128xi32, #tpu.memory_space<hbm>>
        tpu.wait_dma2 semaphore(%run_scoped3A : memref<!tpu.dma_semaphore, #tpu.memory_space<semaphore_mem>>) src(%dma_wait3A_70 : memref<128xi32, #tpu.memory_space<hbm>>) dst(%arg14 : memref<128xi32, #tpu.memory_space<vmem>>)
        tpu.yield
      }) : () -> ()
      "tpu.region"() ({
        %run_scoped3A = tpu.sem_alloc : memref<!tpu.dma_semaphore, #tpu.memory_space<semaphore_mem>>
        %dma_start3A_67 = tpu.memref_slice %arg4[%multiple_of3A] : memref<336448xi32, #tpu.memory_space<hbm>> -> memref<128xi32, #tpu.memory_space<hbm>>
        %dma_start3A_68 = tpu.memref_slice %arg4[%multiple_of3A] : memref<336448xi32, #tpu.memory_space<hbm>> -> memref<128xi32, #tpu.memory_space<hbm>>
        tpu.enqueue_dma source(%dma_start3A_68 : memref<128xi32, #tpu.memory_space<hbm>>) target(%arg15 : memref<128xi32, #tpu.memory_space<vmem>>) target_semaphore(%run_scoped3A : memref<!tpu.dma_semaphore, #tpu.memory_space<semaphore_mem>>)
        %dma_wait3A_69 = tpu.memref_slice %arg4[%multiple_of3A] : memref<336448xi32, #tpu.memory_space<hbm>> -> memref<128xi32, #tpu.memory_space<hbm>>
        %dma_wait3A_70 = tpu.memref_slice %arg4[%multiple_of3A] : memref<336448xi32, #tpu.memory_space<hbm>> -> memref<128xi32, #tpu.memory_space<hbm>>
        tpu.wait_dma2 semaphore(%run_scoped3A : memref<!tpu.dma_semaphore, #tpu.memory_space<semaphore_mem>>) src(%dma_wait3A_70 : memref<128xi32, #tpu.memory_space<hbm>>) dst(%arg15 : memref<128xi32, #tpu.memory_space<vmem>>)
        tpu.yield
      }) : () -> ()
      %dma_start3A = arith.constant 0 : i32
      %dma_start3A_63 = arith.constant 0 : i32
      %dma_start3A_64 = tpu.memref_slice %arg2[%dma_start3A, %dma_start3A_63] : memref<10000x128xf32, #tpu.memory_space<hbm>> -> memref<10000x128xf32, #tpu.memory_space<hbm>>
      tpu.enqueue_indirect_dma source(%dma_start3A_64 : memref<10000x128xf32, #tpu.memory_space<hbm>>) target(%arg16 : memref<128x128xf32, #tpu.memory_space<vmem>>) offsets(%arg14 : memref<128xi32, #tpu.memory_space<vmem>>) semaphore(%arg18 : memref<!tpu.dma_semaphore, #tpu.memory_space<semaphore_mem>>)
      %dma_wait3A = arith.constant 0 : i32
      %dma_wait3A_65 = arith.constant 0 : i32
      %dma_wait3A_66 = tpu.memref_slice %arg2[%dma_wait3A, %dma_wait3A_65] : memref<10000x128xf32, #tpu.memory_space<hbm>> -> memref<10000x128xf32, #tpu.memory_space<hbm>>
      tpu.wait_indirect_dma semaphore(%arg18 : memref<!tpu.dma_semaphore, #tpu.memory_space<semaphore_mem>>) src(%dma_wait3A_66 : memref<10000x128xf32, #tpu.memory_space<hbm>>) dst(%arg16 : memref<128x128xf32, #tpu.memory_space<vmem>>)
      "tpu.region"() ({
        %run_scoped3A = tpu.sem_alloc : memref<!tpu.dma_semaphore, #tpu.memory_space<semaphore_mem>>
        %dma_start3A_67 = arith.constant 0 : i32
        %dma_start3A_68 = arith.constant 0 : i32
        %dma_start3A_69 = tpu.memref_slice %arg17[%dma_start3A_67, %dma_start3A_68] : memref<5248x128xf32, #tpu.memory_space<vmem_shared>> -> memref<5248x128xf32, #tpu.memory_space<vmem_shared>>
        tpu.enqueue_indirect_dma source(%arg16 : memref<128x128xf32, #tpu.memory_space<vmem>>) target(%dma_start3A_69 : memref<5248x128xf32, #tpu.memory_space<vmem_shared>>) offsets(%arg15 : memref<128xi32, #tpu.memory_space<vmem>>) semaphore(%run_scoped3A : memref<!tpu.dma_semaphore, #tpu.memory_space<semaphore_mem>>) {add = true}
        %dma_wait3A_70 = arith.constant 0 : i32
        %dma_wait3A_71 = arith.constant 0 : i32
        %dma_wait3A_72 = tpu.memref_slice %arg17[%dma_wait3A_70, %dma_wait3A_71] : memref<5248x128xf32, #tpu.memory_space<vmem_shared>> -> memref<5248x128xf32, #tpu.memory_space<vmem_shared>>
        tpu.wait_indirect_dma semaphore(%run_scoped3A : memref<!tpu.dma_semaphore, #tpu.memory_space<semaphore_mem>>) src(%arg16 : memref<128x128xf32, #tpu.memory_space<vmem>>) dst(%dma_wait3A_72 : memref<5248x128xf32, #tpu.memory_space<vmem_shared>>)
        tpu.yield
      }) : () -> ()
      "tpu.region"() ({
        %run_scoped3A = tpu.sem_alloc : memref<!tpu.dma_semaphore, #tpu.memory_space<semaphore_mem>>
        %dma_start3A_67 = arith.constant 0 : i32
        %dma_start3A_68 = arith.constant 0 : i32
        %dma_start3A_69 = tpu.memref_slice %arg22[%dma_start3A_67, %dma_start3A_68] : memref<5248x16xf32, #tpu.memory_space<vmem_shared>> -> memref<5248x16xf32, #tpu.memory_space<vmem_shared>>
        tpu.enqueue_indirect_dma source(%arg20 : memref<128x16xf32, #tpu.memory_space<vmem>>) target(%dma_start3A_69 : memref<5248x16xf32, #tpu.memory_space<vmem_shared>>) offsets(%arg15 : memref<128xi32, #tpu.memory_space<vmem>>) semaphore(%run_scoped3A : memref<!tpu.dma_semaphore, #tpu.memory_space<semaphore_mem>>) {add = true}
        %dma_wait3A_70 = arith.constant 0 : i32
        %dma_wait3A_71 = arith.constant 0 : i32
        %dma_wait3A_72 = tpu.memref_slice %arg22[%dma_wait3A_70, %dma_wait3A_71] : memref<5248x16xf32, #tpu.memory_space<vmem_shared>> -> memref<5248x16xf32, #tpu.memory_space<vmem_shared>>
        tpu.wait_indirect_dma semaphore(%run_scoped3A : memref<!tpu.dma_semaphore, #tpu.memory_space<semaphore_mem>>) src(%arg20 : memref<128x16xf32, #tpu.memory_space<vmem>>) dst(%dma_wait3A_72 : memref<5248x16xf32, #tpu.memory_space<vmem_shared>>)
        tpu.yield
      }) : () -> ()
    }
    %eq3A_25 = arith.constant 0 : i32
    %eq3A_26 = arith.cmpi eq, %arg0, %eq3A_25 : i32
    %slice3A_27 = vector.extract_strided_slice %get3A_2 {offsets = [4], sizes = [1], strides = [1]} : vector<16xi32> to vector<1xi32>
    %squeeze3A_28 = vector.extract %slice3A_27[0] : i32 from vector<1xi32>
    %slice3A_29 = vector.extract_strided_slice %get3A_2 {offsets = [6], sizes = [1], strides = [1]} : vector<16xi32> to vector<1xi32>
    %squeeze3A_30 = vector.extract %slice3A_29[0] : i32 from vector<1xi32>
    %select_n3A_31 = arith.select %eq3A_26, %squeeze3A_28, %squeeze3A_30 : i32
    %eq3A_32 = arith.constant 0 : i32
    %eq3A_33 = arith.cmpi eq, %arg0, %eq3A_32 : i32
    %slice3A_34 = vector.extract_strided_slice %get3A_2 {offsets = [5], sizes = [1], strides = [1]} : vector<16xi32> to vector<1xi32>
    %squeeze3A_35 = vector.extract %slice3A_34[0] : i32 from vector<1xi32>
    %slice3A_36 = vector.extract_strided_slice %get3A_2 {offsets = [7], sizes = [1], strides = [1]} : vector<16xi32> to vector<1xi32>
    %squeeze3A_37 = vector.extract %slice3A_36[0] : i32 from vector<1xi32>
    %select_n3A_38 = arith.select %eq3A_33, %squeeze3A_35, %squeeze3A_37 : i32
    %mul3A_39 = arith.muli %arg1, %select_n3A_38 : i32
    %mul3A_40 = arith.constant 128 : i32
    %mul3A_41 = arith.muli %mul3A_39, %mul3A_40 : i32
    %add3A_42 = arith.addi %select_n3A_31, %mul3A_41 : i32
    %while3A_43 = arith.constant 0 : i32
    %while3A_44 = arith.constant 0 : i32
    %while3A_45 = arith.subi %select_n3A_38, %while3A_44 : i32
    %while3A_46 = arith.addi %while3A_44, %while3A_45 : i32
    %while3A_47 = arith.constant 1 : i32
    %while3A_48 = arith.divsi %while3A_45, %while3A_47 : i32
    %while3A_49 = arith.muli %while3A_48, %while3A_47 : i32
    %while3A_50 = arith.addi %while3A_44, %while3A_49 : i32
    %while3A_51 = arith.constant 1 : i32
    scf.for %while3A_59 = %while3A_44 to %while3A_50 step %while3A_51  : i32 {
      %mul3A_60 = arith.constant 128 : i32
      %mul3A_61 = arith.muli %while3A_59, %mul3A_60 : i32
      %add3A_62 = arith.addi %add3A_42, %mul3A_61 : i32
      %multiple_of3A = tpu.assume_multiple %add3A_62, 128 : i32
      "tpu.region"() ({
        %run_scoped3A = tpu.sem_alloc : memref<!tpu.dma_semaphore, #tpu.memory_space<semaphore_mem>>
        %dma_start3A = tpu.memref_slice %arg5[%multiple_of3A] : memref<336448xi32, #tpu.memory_space<hbm>> -> memref<128xi32, #tpu.memory_space<hbm>>
        %dma_start3A_63 = tpu.memref_slice %arg5[%multiple_of3A] : memref<336448xi32, #tpu.memory_space<hbm>> -> memref<128xi32, #tpu.memory_space<hbm>>
        tpu.enqueue_dma source(%dma_start3A_63 : memref<128xi32, #tpu.memory_space<hbm>>) target(%arg19 : memref<128xi32, #tpu.memory_space<vmem>>) target_semaphore(%run_scoped3A : memref<!tpu.dma_semaphore, #tpu.memory_space<semaphore_mem>>)
        %dma_wait3A = tpu.memref_slice %arg5[%multiple_of3A] : memref<336448xi32, #tpu.memory_space<hbm>> -> memref<128xi32, #tpu.memory_space<hbm>>
        %dma_wait3A_64 = tpu.memref_slice %arg5[%multiple_of3A] : memref<336448xi32, #tpu.memory_space<hbm>> -> memref<128xi32, #tpu.memory_space<hbm>>
        tpu.wait_dma2 semaphore(%run_scoped3A : memref<!tpu.dma_semaphore, #tpu.memory_space<semaphore_mem>>) src(%dma_wait3A_64 : memref<128xi32, #tpu.memory_space<hbm>>) dst(%arg19 : memref<128xi32, #tpu.memory_space<vmem>>)
        tpu.yield
      }) : () -> ()
      "tpu.region"() ({
        %run_scoped3A = tpu.sem_alloc : memref<!tpu.dma_semaphore, #tpu.memory_space<semaphore_mem>>
        %dma_start3A = arith.constant 0 : i32
        %dma_start3A_63 = arith.constant 0 : i32
        %dma_start3A_64 = tpu.memref_slice %arg22[%dma_start3A, %dma_start3A_63] : memref<5248x16xf32, #tpu.memory_space<vmem_shared>> -> memref<5248x16xf32, #tpu.memory_space<vmem_shared>>
        tpu.enqueue_indirect_dma source(%arg21 : memref<128x16xf32, #tpu.memory_space<vmem>>) target(%dma_start3A_64 : memref<5248x16xf32, #tpu.memory_space<vmem_shared>>) offsets(%arg19 : memref<128xi32, #tpu.memory_space<vmem>>) semaphore(%run_scoped3A : memref<!tpu.dma_semaphore, #tpu.memory_space<semaphore_mem>>) {add = true}
        %dma_wait3A = arith.constant 0 : i32
        %dma_wait3A_65 = arith.constant 0 : i32
        %dma_wait3A_66 = tpu.memref_slice %arg22[%dma_wait3A, %dma_wait3A_65] : memref<5248x16xf32, #tpu.memory_space<vmem_shared>> -> memref<5248x16xf32, #tpu.memory_space<vmem_shared>>
        tpu.wait_indirect_dma semaphore(%run_scoped3A : memref<!tpu.dma_semaphore, #tpu.memory_space<semaphore_mem>>) src(%arg21 : memref<128x16xf32, #tpu.memory_space<vmem>>) dst(%dma_wait3A_66 : memref<5248x16xf32, #tpu.memory_space<vmem_shared>>)
        tpu.yield
      }) : () -> ()
    }
    %while3A_52 = arith.constant 1 : i32
    scf.for %while3A_59 = %while3A_50 to %while3A_46 step %while3A_52  : i32 {
      %mul3A_60 = arith.constant 128 : i32
      %mul3A_61 = arith.muli %while3A_59, %mul3A_60 : i32
      %add3A_62 = arith.addi %add3A_42, %mul3A_61 : i32
      %multiple_of3A = tpu.assume_multiple %add3A_62, 128 : i32
      "tpu.region"() ({
        %run_scoped3A = tpu.sem_alloc : memref<!tpu.dma_semaphore, #tpu.memory_space<semaphore_mem>>
        %dma_start3A = tpu.memref_slice %arg5[%multiple_of3A] : memref<336448xi32, #tpu.memory_space<hbm>> -> memref<128xi32, #tpu.memory_space<hbm>>
        %dma_start3A_63 = tpu.memref_slice %arg5[%multiple_of3A] : memref<336448xi32, #tpu.memory_space<hbm>> -> memref<128xi32, #tpu.memory_space<hbm>>
        tpu.enqueue_dma source(%dma_start3A_63 : memref<128xi32, #tpu.memory_space<hbm>>) target(%arg19 : memref<128xi32, #tpu.memory_space<vmem>>) target_semaphore(%run_scoped3A : memref<!tpu.dma_semaphore, #tpu.memory_space<semaphore_mem>>)
        %dma_wait3A = tpu.memref_slice %arg5[%multiple_of3A] : memref<336448xi32, #tpu.memory_space<hbm>> -> memref<128xi32, #tpu.memory_space<hbm>>
        %dma_wait3A_64 = tpu.memref_slice %arg5[%multiple_of3A] : memref<336448xi32, #tpu.memory_space<hbm>> -> memref<128xi32, #tpu.memory_space<hbm>>
        tpu.wait_dma2 semaphore(%run_scoped3A : memref<!tpu.dma_semaphore, #tpu.memory_space<semaphore_mem>>) src(%dma_wait3A_64 : memref<128xi32, #tpu.memory_space<hbm>>) dst(%arg19 : memref<128xi32, #tpu.memory_space<vmem>>)
        tpu.yield
      }) : () -> ()
      "tpu.region"() ({
        %run_scoped3A = tpu.sem_alloc : memref<!tpu.dma_semaphore, #tpu.memory_space<semaphore_mem>>
        %dma_start3A = arith.constant 0 : i32
        %dma_start3A_63 = arith.constant 0 : i32
        %dma_start3A_64 = tpu.memref_slice %arg22[%dma_start3A, %dma_start3A_63] : memref<5248x16xf32, #tpu.memory_space<vmem_shared>> -> memref<5248x16xf32, #tpu.memory_space<vmem_shared>>
        tpu.enqueue_indirect_dma source(%arg21 : memref<128x16xf32, #tpu.memory_space<vmem>>) target(%dma_start3A_64 : memref<5248x16xf32, #tpu.memory_space<vmem_shared>>) offsets(%arg19 : memref<128xi32, #tpu.memory_space<vmem>>) semaphore(%run_scoped3A : memref<!tpu.dma_semaphore, #tpu.memory_space<semaphore_mem>>) {add = true}
        %dma_wait3A = arith.constant 0 : i32
        %dma_wait3A_65 = arith.constant 0 : i32
        %dma_wait3A_66 = tpu.memref_slice %arg22[%dma_wait3A, %dma_wait3A_65] : memref<5248x16xf32, #tpu.memory_space<vmem_shared>> -> memref<5248x16xf32, #tpu.memory_space<vmem_shared>>
        tpu.wait_indirect_dma semaphore(%run_scoped3A : memref<!tpu.dma_semaphore, #tpu.memory_space<semaphore_mem>>) src(%arg21 : memref<128x16xf32, #tpu.memory_space<vmem>>) dst(%dma_wait3A_66 : memref<5248x16xf32, #tpu.memory_space<vmem_shared>>)
        tpu.yield
      }) : () -> ()
    }
    %barrier3A_53 = arith.constant 0 : index
    tpu.barrier barrier_id(%barrier3A_53)
    %mul3A_54 = arith.constant 320 : i32
    %mul3A_55 = arith.muli %arg1, %mul3A_54 : i32
    %mul3A_56 = arith.constant 5120 : i32
    %mul3A_57 = arith.muli %arg0, %mul3A_56 : i32
    %add3A_58 = arith.addi %mul3A_57, %mul3A_55 : i32
    "tpu.region"() ({
      %run_scoped3A = tpu.sem_alloc : memref<!tpu.dma_semaphore, #tpu.memory_space<semaphore_mem>>
      %dma_start3A = arith.constant 0 : i32
      %dma_start3A_59 = tpu.memref_slice %arg11[%add3A_58, %dma_start3A] : memref<10240x128xf32, #tpu.memory_space<hbm>> -> memref<320x128xf32, #tpu.memory_space<hbm>>
      %dma_start3A_60 = arith.constant 0 : i32
      %dma_start3A_61 = tpu.memref_slice %arg17[%mul3A_55, %dma_start3A_60] : memref<5248x128xf32, #tpu.memory_space<vmem_shared>> -> memref<320x128xf32, #tpu.memory_space<vmem_shared>>
      tpu.enqueue_dma source(%dma_start3A_61 : memref<320x128xf32, #tpu.memory_space<vmem_shared>>) target(%dma_start3A_59 : memref<320x128xf32, #tpu.memory_space<hbm>>) target_semaphore(%run_scoped3A : memref<!tpu.dma_semaphore, #tpu.memory_space<semaphore_mem>>)
      %dma_wait3A = arith.constant 0 : i32
      %dma_wait3A_62 = tpu.memref_slice %arg11[%add3A_58, %dma_wait3A] : memref<10240x128xf32, #tpu.memory_space<hbm>> -> memref<320x128xf32, #tpu.memory_space<hbm>>
      %dma_wait3A_63 = arith.constant 0 : i32
      %dma_wait3A_64 = tpu.memref_slice %arg17[%mul3A_55, %dma_wait3A_63] : memref<5248x128xf32, #tpu.memory_space<vmem_shared>> -> memref<320x128xf32, #tpu.memory_space<vmem_shared>>
      tpu.wait_dma2 semaphore(%run_scoped3A : memref<!tpu.dma_semaphore, #tpu.memory_space<semaphore_mem>>) src(%dma_wait3A_64 : memref<320x128xf32, #tpu.memory_space<vmem_shared>>) dst(%dma_wait3A_62 : memref<320x128xf32, #tpu.memory_space<hbm>>)
      tpu.yield
    }) : () -> ()
    "tpu.region"() ({
      %run_scoped3A = tpu.sem_alloc : memref<!tpu.dma_semaphore, #tpu.memory_space<semaphore_mem>>
      %dma_start3A = arith.constant 0 : i32
      %dma_start3A_59 = tpu.memref_slice %arg12[%add3A_58, %dma_start3A] : memref<10240x16xf32, #tpu.memory_space<hbm>> -> memref<320x16xf32, #tpu.memory_space<hbm>>
      %dma_start3A_60 = arith.constant 0 : i32
      %dma_start3A_61 = tpu.memref_slice %arg22[%mul3A_55, %dma_start3A_60] : memref<5248x16xf32, #tpu.memory_space<vmem_shared>> -> memref<320x16xf32, #tpu.memory_space<vmem_shared>>
      tpu.enqueue_dma source(%dma_start3A_61 : memref<320x16xf32, #tpu.memory_space<vmem_shared>>) target(%dma_start3A_59 : memref<320x16xf32, #tpu.memory_space<hbm>>) target_semaphore(%run_scoped3A : memref<!tpu.dma_semaphore, #tpu.memory_space<semaphore_mem>>)
      %dma_wait3A = arith.constant 0 : i32
      %dma_wait3A_62 = tpu.memref_slice %arg12[%add3A_58, %dma_wait3A] : memref<10240x16xf32, #tpu.memory_space<hbm>> -> memref<320x16xf32, #tpu.memory_space<hbm>>
      %dma_wait3A_63 = arith.constant 0 : i32
      %dma_wait3A_64 = tpu.memref_slice %arg22[%mul3A_55, %dma_wait3A_63] : memref<5248x16xf32, #tpu.memory_space<vmem_shared>> -> memref<320x16xf32, #tpu.memory_space<vmem_shared>>
      tpu.wait_dma2 semaphore(%run_scoped3A : memref<!tpu.dma_semaphore, #tpu.memory_space<semaphore_mem>>) src(%dma_wait3A_64 : memref<320x16xf32, #tpu.memory_space<vmem_shared>>) dst(%dma_wait3A_62 : memref<320x16xf32, #tpu.memory_space<hbm>>)
      tpu.yield
    }) : () -> ()
    return
  }
}

#map = affine_map<(d0, d1) -> (0, 0)>
#map1 = affine_map<(d0, d1) -> (0)>
module attributes {stable_mosaic.version = 14 : i64} {
  func.func @body(%arg0: i32, %arg1: i32, %arg2: memref<10000x128xf32, #tpu.memory_space<hbm>>, %arg3: memref<336448xi32, #tpu.memory_space<hbm>>, %arg4: memref<336448xi32, #tpu.memory_space<hbm>>, %arg5: memref<336448xi32, #tpu.memory_space<hbm>>, %arg6: memref<16xi32, #tpu.memory_space<hbm>>, %arg7: memref<328x128xf32, #tpu.memory_space<hbm>>, %arg8: memref<328x16xf32, #tpu.memory_space<hbm>>, %arg9: memref<128x16xf32, #tpu.memory_space<hbm>>, %arg10: memref<128x16xf32, #tpu.memory_space<hbm>>, %arg11: memref<10240x128xf32, #tpu.memory_space<hbm>>, %arg12: memref<10240x16xf32, #tpu.memory_space<hbm>>, %arg13: memref<16xi32, #tpu.memory_space<vmem>>, %arg14: memref<128xi32, #tpu.memory_space<vmem>>, %arg15: memref<128xi32, #tpu.memory_space<vmem>>, %arg16: memref<128x128xf32, #tpu.memory_space<vmem>>, %arg17: memref<5248x128xf32, #tpu.memory_space<vmem_shared>>, %arg18: memref<!tpu.dma_semaphore, #tpu.memory_space<semaphore_mem>>, %arg19: memref<128xi32, #tpu.memory_space<vmem>>, %arg20: memref<128x16xf32, #tpu.memory_space<vmem>>, %arg21: memref<128x16xf32, #tpu.memory_space<vmem>>, %arg22: memref<5248x16xf32, #tpu.memory_space<vmem_shared>>) attributes {dimension_semantics = [#tpu.dimension_semantics<core_parallel>, #tpu.dimension_semantics<subcore_parallel>], iteration_bounds = array<i64: 2, 16>, scalar_prefetch = 0 : i64, scratch_operands = 10 : i64, tpu.core_type = #tpu.core_type<sc_vector_subcore>, window_params = [{transform_indices = #map}, {transform_indices = #map1}, {transform_indices = #map1}, {transform_indices = #map1}, {transform_indices = #map1}, {transform_indices = #map}, {transform_indices = #map}, {transform_indices = #map}, {transform_indices = #map}, {transform_indices = #map}, {transform_indices = #map}]} {
    %mul3A = arith.constant 328 : i32
    %mul3A_0 = arith.muli %arg1, %mul3A : i32
    "tpu.region"() ({
      %run_scoped3A = tpu.sem_alloc : memref<!tpu.dma_semaphore, #tpu.memory_space<semaphore_mem>>
      %dma_start3A = arith.constant 0 : i32
      %dma_start3A_59 = tpu.memref_slice %arg17[%mul3A_0, %dma_start3A] : memref<5248x128xf32, #tpu.memory_space<vmem_shared>> -> memref<328x128xf32, #tpu.memory_space<vmem_shared>>
      tpu.enqueue_dma source(%arg7 : memref<328x128xf32, #tpu.memory_space<hbm>>) target(%dma_start3A_59 : memref<328x128xf32, #tpu.memory_space<vmem_shared>>) target_semaphore(%run_scoped3A : memref<!tpu.dma_semaphore, #tpu.memory_space<semaphore_mem>>)
      %dma_wait3A = arith.constant 0 : i32
      %dma_wait3A_60 = tpu.memref_slice %arg17[%mul3A_0, %dma_wait3A] : memref<5248x128xf32, #tpu.memory_space<vmem_shared>> -> memref<328x128xf32, #tpu.memory_space<vmem_shared>>
      tpu.wait_dma2 semaphore(%run_scoped3A : memref<!tpu.dma_semaphore, #tpu.memory_space<semaphore_mem>>) src(%arg7 : memref<328x128xf32, #tpu.memory_space<hbm>>) dst(%dma_wait3A_60 : memref<328x128xf32, #tpu.memory_space<vmem_shared>>)
      tpu.yield
    }) : () -> ()
    "tpu.region"() ({
      %run_scoped3A = tpu.sem_alloc : memref<!tpu.dma_semaphore, #tpu.memory_space<semaphore_mem>>
      %dma_start3A = arith.constant 0 : i32
      %dma_start3A_59 = tpu.memref_slice %arg22[%mul3A_0, %dma_start3A] : memref<5248x16xf32, #tpu.memory_space<vmem_shared>> -> memref<328x16xf32, #tpu.memory_space<vmem_shared>>
      tpu.enqueue_dma source(%arg8 : memref<328x16xf32, #tpu.memory_space<hbm>>) target(%dma_start3A_59 : memref<328x16xf32, #tpu.memory_space<vmem_shared>>) target_semaphore(%run_scoped3A : memref<!tpu.dma_semaphore, #tpu.memory_space<semaphore_mem>>)
      %dma_wait3A = arith.constant 0 : i32
      %dma_wait3A_60 = tpu.memref_slice %arg22[%mul3A_0, %dma_wait3A] : memref<5248x16xf32, #tpu.memory_space<vmem_shared>> -> memref<328x16xf32, #tpu.memory_space<vmem_shared>>
      tpu.wait_dma2 semaphore(%run_scoped3A : memref<!tpu.dma_semaphore, #tpu.memory_space<semaphore_mem>>) src(%arg8 : memref<328x16xf32, #tpu.memory_space<hbm>>) dst(%dma_wait3A_60 : memref<328x16xf32, #tpu.memory_space<vmem_shared>>)
      tpu.yield
    }) : () -> ()
    "tpu.region"() ({
      %run_scoped3A = tpu.sem_alloc : memref<!tpu.dma_semaphore, #tpu.memory_space<semaphore_mem>>
      tpu.enqueue_dma source(%arg9 : memref<128x16xf32, #tpu.memory_space<hbm>>) target(%arg20 : memref<128x16xf32, #tpu.memory_space<vmem>>) target_semaphore(%run_scoped3A : memref<!tpu.dma_semaphore, #tpu.memory_space<semaphore_mem>>)
      tpu.wait_dma2 semaphore(%run_scoped3A : memref<!tpu.dma_semaphore, #tpu.memory_space<semaphore_mem>>) src(%arg9 : memref<128x16xf32, #tpu.memory_space<hbm>>) dst(%arg20 : memref<128x16xf32, #tpu.memory_space<vmem>>)
      tpu.yield
    }) : () -> ()
    "tpu.region"() ({
      %run_scoped3A = tpu.sem_alloc : memref<!tpu.dma_semaphore, #tpu.memory_space<semaphore_mem>>
      tpu.enqueue_dma source(%arg10 : memref<128x16xf32, #tpu.memory_space<hbm>>) target(%arg21 : memref<128x16xf32, #tpu.memory_space<vmem>>) target_semaphore(%run_scoped3A : memref<!tpu.dma_semaphore, #tpu.memory_space<semaphore_mem>>)
      tpu.wait_dma2 semaphore(%run_scoped3A : memref<!tpu.dma_semaphore, #tpu.memory_space<semaphore_mem>>) src(%arg10 : memref<128x16xf32, #tpu.memory_space<hbm>>) dst(%arg21 : memref<128x16xf32, #tpu.memory_space<vmem>>)
      tpu.yield
    }) : () -> ()
    "tpu.region"() ({
      %run_scoped3A = tpu.sem_alloc : memref<!tpu.dma_semaphore, #tpu.memory_space<semaphore_mem>>
      tpu.enqueue_dma source(%arg6 : memref<16xi32, #tpu.memory_space<hbm>>) target(%arg13 : memref<16xi32, #tpu.memory_space<vmem>>) target_semaphore(%run_scoped3A : memref<!tpu.dma_semaphore, #tpu.memory_space<semaphore_mem>>)
      tpu.wait_dma2 semaphore(%run_scoped3A : memref<!tpu.dma_semaphore, #tpu.memory_space<semaphore_mem>>) src(%arg6 : memref<16xi32, #tpu.memory_space<hbm>>) dst(%arg13 : memref<16xi32, #tpu.memory_space<vmem>>)
      tpu.yield
    }) : () -> ()
    %barrier3A = arith.constant 0 : index
    tpu.barrier barrier_id(%barrier3A)
    %get3A = arith.constant 0 : index
    %get3A_1 = tpu.vector_load %arg13[%get3A] {strides = array<i32>} : memref<16xi32, #tpu.memory_space<vmem>>, vector<16xi32>,
    %get3A_2 = vector.shape_cast %get3A_1 : vector<16xi32> to vector<16xi32>
    %eq3A = arith.constant 0 : i32
    %eq3A_3 = arith.cmpi eq, %arg0, %eq3A : i32
    %slice3A = vector.extract_strided_slice %get3A_2 {offsets = [0], sizes = [1], strides = [1]} : vector<16xi32> to vector<1xi32>
    %squeeze3A = vector.extract %slice3A[0] : i32 from vector<1xi32>
    %slice3A_4 = vector.extract_strided_slice %get3A_2 {offsets = [2], sizes = [1], strides = [1]} : vector<16xi32> to vector<1xi32>
    %squeeze3A_5 = vector.extract %slice3A_4[0] : i32 from vector<1xi32>
    %select_n3A = arith.select %eq3A_3, %squeeze3A, %squeeze3A_5 : i32
    %eq3A_6 = arith.constant 0 : i32
    %eq3A_7 = arith.cmpi eq, %arg0, %eq3A_6 : i32
    %slice3A_8 = vector.extract_strided_slice %get3A_2 {offsets = [1], sizes = [1], strides = [1]} : vector<16xi32> to vector<1xi32>
    %squeeze3A_9 = vector.extract %slice3A_8[0] : i32 from vector<1xi32>
    %slice3A_10 = vector.extract_strided_slice %get3A_2 {offsets = [3], sizes = [1], strides = [1]} : vector<16xi32> to vector<1xi32>
    %squeeze3A_11 = vector.extract %slice3A_10[0] : i32 from vector<1xi32>
    %select_n3A_12 = arith.select %eq3A_7, %squeeze3A_9, %squeeze3A_11 : i32
    %mul3A_13 = arith.muli %arg1, %select_n3A_12 : i32
    %mul3A_14 = arith.constant 128 : i32
    %mul3A_15 = arith.muli %mul3A_13, %mul3A_14 : i32
    %add3A = arith.addi %select_n3A, %mul3A_15 : i32
    %while3A = arith.constant 0 : i32
    %while3A_16 = arith.constant 0 : i32
    %while3A_17 = arith.subi %select_n3A_12, %while3A_16 : i32
    %while3A_18 = arith.addi %while3A_16, %while3A_17 : i32
    %while3A_19 = arith.constant 1 : i32
    %while3A_20 = arith.divsi %while3A_17, %while3A_19 : i32
    %while3A_21 = arith.muli %while3A_20, %while3A_19 : i32
    %while3A_22 = arith.addi %while3A_16, %while3A_21 : i32
    %while3A_23 = arith.constant 1 : i32
    scf.for %while3A_59 = %while3A_16 to %while3A_22 step %while3A_23  : i32 {
      %mul3A_60 = arith.constant 128 : i32
      %mul3A_61 = arith.muli %while3A_59, %mul3A_60 : i32
      %add3A_62 = arith.addi %add3A, %mul3A_61 : i32
      %multiple_of3A = tpu.assume_multiple %add3A_62, 128 : i32
      "tpu.region"() ({
        %run_scoped3A = tpu.sem_alloc : memref<!tpu.dma_semaphore, #tpu.memory_space<semaphore_mem>>
        %dma_start3A_67 = tpu.memref_slice %arg3[%multiple_of3A] : memref<336448xi32, #tpu.memory_space<hbm>> -> memref<128xi32, #tpu.memory_space<hbm>>
        %dma_start3A_68 = tpu.memref_slice %arg3[%multiple_of3A] : memref<336448xi32, #tpu.memory_space<hbm>> -> memref<128xi32, #tpu.memory_space<hbm>>
        tpu.enqueue_dma source(%dma_start3A_68 : memref<128xi32, #tpu.memory_space<hbm>>) target(%arg14 : memref<128xi32, #tpu.memory_space<vmem>>) target_semaphore(%run_scoped3A : memref<!tpu.dma_semaphore, #tpu.memory_space<semaphore_mem>>)
        %dma_wait3A_69 = tpu.memref_slice %arg3[%multiple_of3A] : memref<336448xi32, #tpu.memory_space<hbm>> -> memref<128xi32, #tpu.memory_space<hbm>>
        %dma_wait3A_70 = tpu.memref_slice %arg3[%multiple_of3A] : memref<336448xi32, #tpu.memory_space<hbm>> -> memref<128xi32, #tpu.memory_space<hbm>>
        tpu.wait_dma2 semaphore(%run_scoped3A : memref<!tpu.dma_semaphore, #tpu.memory_space<semaphore_mem>>) src(%dma_wait3A_70 : memref<128xi32, #tpu.memory_space<hbm>>) dst(%arg14 : memref<128xi32, #tpu.memory_space<vmem>>)
        tpu.yield
      }) : () -> ()
      "tpu.region"() ({
        %run_scoped3A = tpu.sem_alloc : memref<!tpu.dma_semaphore, #tpu.memory_space<semaphore_mem>>
        %dma_start3A_67 = tpu.memref_slice %arg4[%multiple_of3A] : memref<336448xi32, #tpu.memory_space<hbm>> -> memref<128xi32, #tpu.memory_space<hbm>>
        %dma_start3A_68 = tpu.memref_slice %arg4[%multiple_of3A] : memref<336448xi32, #tpu.memory_space<hbm>> -> memref<128xi32, #tpu.memory_space<hbm>>
        tpu.enqueue_dma source(%dma_start3A_68 : memref<128xi32, #tpu.memory_space<hbm>>) target(%arg15 : memref<128xi32, #tpu.memory_space<vmem>>) target_semaphore(%run_scoped3A : memref<!tpu.dma_semaphore, #tpu.memory_space<semaphore_mem>>)
        %dma_wait3A_69 = tpu.memref_slice %arg4[%multiple_of3A] : memref<336448xi32, #tpu.memory_space<hbm>> -> memref<128xi32, #tpu.memory_space<hbm>>
        %dma_wait3A_70 = tpu.memref_slice %arg4[%multiple_of3A] : memref<336448xi32, #tpu.memory_space<hbm>> -> memref<128xi32, #tpu.memory_space<hbm>>
        tpu.wait_dma2 semaphore(%run_scoped3A : memref<!tpu.dma_semaphore, #tpu.memory_space<semaphore_mem>>) src(%dma_wait3A_70 : memref<128xi32, #tpu.memory_space<hbm>>) dst(%arg15 : memref<128xi32, #tpu.memory_space<vmem>>)
        tpu.yield
      }) : () -> ()
      %dma_start3A = arith.constant 0 : i32
      %dma_start3A_63 = arith.constant 0 : i32
      %dma_start3A_64 = tpu.memref_slice %arg2[%dma_start3A, %dma_start3A_63] : memref<10000x128xf32, #tpu.memory_space<hbm>> -> memref<10000x128xf32, #tpu.memory_space<hbm>>
      tpu.enqueue_indirect_dma source(%dma_start3A_64 : memref<10000x128xf32, #tpu.memory_space<hbm>>) target(%arg16 : memref<128x128xf32, #tpu.memory_space<vmem>>) offsets(%arg14 : memref<128xi32, #tpu.memory_space<vmem>>) semaphore(%arg18 : memref<!tpu.dma_semaphore, #tpu.memory_space<semaphore_mem>>)
      %dma_wait3A = arith.constant 0 : i32
      %dma_wait3A_65 = arith.constant 0 : i32
      %dma_wait3A_66 = tpu.memref_slice %arg2[%dma_wait3A, %dma_wait3A_65] : memref<10000x128xf32, #tpu.memory_space<hbm>> -> memref<10000x128xf32, #tpu.memory_space<hbm>>
      tpu.wait_indirect_dma semaphore(%arg18 : memref<!tpu.dma_semaphore, #tpu.memory_space<semaphore_mem>>) src(%dma_wait3A_66 : memref<10000x128xf32, #tpu.memory_space<hbm>>) dst(%arg16 : memref<128x128xf32, #tpu.memory_space<vmem>>)
      "tpu.region"() ({
        %run_scoped3A = tpu.sem_alloc : memref<!tpu.dma_semaphore, #tpu.memory_space<semaphore_mem>>
        %dma_start3A_67 = arith.constant 0 : i32
        %dma_start3A_68 = arith.constant 0 : i32
        %dma_start3A_69 = tpu.memref_slice %arg17[%dma_start3A_67, %dma_start3A_68] : memref<5248x128xf32, #tpu.memory_space<vmem_shared>> -> memref<5248x128xf32, #tpu.memory_space<vmem_shared>>
        tpu.enqueue_indirect_dma source(%arg16 : memref<128x128xf32, #tpu.memory_space<vmem>>) target(%dma_start3A_69 : memref<5248x128xf32, #tpu.memory_space<vmem_shared>>) offsets(%arg15 : memref<128xi32, #tpu.memory_space<vmem>>) semaphore(%run_scoped3A : memref<!tpu.dma_semaphore, #tpu.memory_space<semaphore_mem>>) {add = true}
        %dma_wait3A_70 = arith.constant 0 : i32
        %dma_wait3A_71 = arith.constant 0 : i32
        %dma_wait3A_72 = tpu.memref_slice %arg17[%dma_wait3A_70, %dma_wait3A_71] : memref<5248x128xf32, #tpu.memory_space<vmem_shared>> -> memref<5248x128xf32, #tpu.memory_space<vmem_shared>>
        tpu.wait_indirect_dma semaphore(%run_scoped3A : memref<!tpu.dma_semaphore, #tpu.memory_space<semaphore_mem>>) src(%arg16 : memref<128x128xf32, #tpu.memory_space<vmem>>) dst(%dma_wait3A_72 : memref<5248x128xf32, #tpu.memory_space<vmem_shared>>)
        tpu.yield
      }) : () -> ()
      "tpu.region"() ({
        %run_scoped3A = tpu.sem_alloc : memref<!tpu.dma_semaphore, #tpu.memory_space<semaphore_mem>>
        %dma_start3A_67 = arith.constant 0 : i32
        %dma_start3A_68 = arith.constant 0 : i32
        %dma_start3A_69 = tpu.memref_slice %arg22[%dma_start3A_67, %dma_start3A_68] : memref<5248x16xf32, #tpu.memory_space<vmem_shared>> -> memref<5248x16xf32, #tpu.memory_space<vmem_shared>>
        tpu.enqueue_indirect_dma source(%arg20 : memref<128x16xf32, #tpu.memory_space<vmem>>) target(%dma_start3A_69 : memref<5248x16xf32, #tpu.memory_space<vmem_shared>>) offsets(%arg15 : memref<128xi32, #tpu.memory_space<vmem>>) semaphore(%run_scoped3A : memref<!tpu.dma_semaphore, #tpu.memory_space<semaphore_mem>>) {add = true}
        %dma_wait3A_70 = arith.constant 0 : i32
        %dma_wait3A_71 = arith.constant 0 : i32
        %dma_wait3A_72 = tpu.memref_slice %arg22[%dma_wait3A_70, %dma_wait3A_71] : memref<5248x16xf32, #tpu.memory_space<vmem_shared>> -> memref<5248x16xf32, #tpu.memory_space<vmem_shared>>
        tpu.wait_indirect_dma semaphore(%run_scoped3A : memref<!tpu.dma_semaphore, #tpu.memory_space<semaphore_mem>>) src(%arg20 : memref<128x16xf32, #tpu.memory_space<vmem>>) dst(%dma_wait3A_72 : memref<5248x16xf32, #tpu.memory_space<vmem_shared>>)
        tpu.yield
      }) : () -> ()
    }
    %while3A_24 = arith.constant 1 : i32
    scf.for %while3A_59 = %while3A_22 to %while3A_18 step %while3A_24  : i32 {
      %mul3A_60 = arith.constant 128 : i32
      %mul3A_61 = arith.muli %while3A_59, %mul3A_60 : i32
      %add3A_62 = arith.addi %add3A, %mul3A_61 : i32
      %multiple_of3A = tpu.assume_multiple %add3A_62, 128 : i32
      "tpu.region"() ({
        %run_scoped3A = tpu.sem_alloc : memref<!tpu.dma_semaphore, #tpu.memory_space<semaphore_mem>>
        %dma_start3A_67 = tpu.memref_slice %arg3[%multiple_of3A] : memref<336448xi32, #tpu.memory_space<hbm>> -> memref<128xi32, #tpu.memory_space<hbm>>
        %dma_start3A_68 = tpu.memref_slice %arg3[%multiple_of3A] : memref<336448xi32, #tpu.memory_space<hbm>> -> memref<128xi32, #tpu.memory_space<hbm>>
        tpu.enqueue_dma source(%dma_start3A_68 : memref<128xi32, #tpu.memory_space<hbm>>) target(%arg14 : memref<128xi32, #tpu.memory_space<vmem>>) target_semaphore(%run_scoped3A : memref<!tpu.dma_semaphore, #tpu.memory_space<semaphore_mem>>)
        %dma_wait3A_69 = tpu.memref_slice %arg3[%multiple_of3A] : memref<336448xi32, #tpu.memory_space<hbm>> -> memref<128xi32, #tpu.memory_space<hbm>>
        %dma_wait3A_70 = tpu.memref_slice %arg3[%multiple_of3A] : memref<336448xi32, #tpu.memory_space<hbm>> -> memref<128xi32, #tpu.memory_space<hbm>>
        tpu.wait_dma2 semaphore(%run_scoped3A : memref<!tpu.dma_semaphore, #tpu.memory_space<semaphore_mem>>) src(%dma_wait3A_70 : memref<128xi32, #tpu.memory_space<hbm>>) dst(%arg14 : memref<128xi32, #tpu.memory_space<vmem>>)
        tpu.yield
      }) : () -> ()
      "tpu.region"() ({
        %run_scoped3A = tpu.sem_alloc : memref<!tpu.dma_semaphore, #tpu.memory_space<semaphore_mem>>
        %dma_start3A_67 = tpu.memref_slice %arg4[%multiple_of3A] : memref<336448xi32, #tpu.memory_space<hbm>> -> memref<128xi32, #tpu.memory_space<hbm>>
        %dma_start3A_68 = tpu.memref_slice %arg4[%multiple_of3A] : memref<336448xi32, #tpu.memory_space<hbm>> -> memref<128xi32, #tpu.memory_space<hbm>>
        tpu.enqueue_dma source(%dma_start3A_68 : memref<128xi32, #tpu.memory_space<hbm>>) target(%arg15 : memref<128xi32, #tpu.memory_space<vmem>>) target_semaphore(%run_scoped3A : memref<!tpu.dma_semaphore, #tpu.memory_space<semaphore_mem>>)
        %dma_wait3A_69 = tpu.memref_slice %arg4[%multiple_of3A] : memref<336448xi32, #tpu.memory_space<hbm>> -> memref<128xi32, #tpu.memory_space<hbm>>
        %dma_wait3A_70 = tpu.memref_slice %arg4[%multiple_of3A] : memref<336448xi32, #tpu.memory_space<hbm>> -> memref<128xi32, #tpu.memory_space<hbm>>
        tpu.wait_dma2 semaphore(%run_scoped3A : memref<!tpu.dma_semaphore, #tpu.memory_space<semaphore_mem>>) src(%dma_wait3A_70 : memref<128xi32, #tpu.memory_space<hbm>>) dst(%arg15 : memref<128xi32, #tpu.memory_space<vmem>>)
        tpu.yield
      }) : () -> ()
      %dma_start3A = arith.constant 0 : i32
      %dma_start3A_63 = arith.constant 0 : i32
      %dma_start3A_64 = tpu.memref_slice %arg2[%dma_start3A, %dma_start3A_63] : memref<10000x128xf32, #tpu.memory_space<hbm>> -> memref<10000x128xf32, #tpu.memory_space<hbm>>
      tpu.enqueue_indirect_dma source(%dma_start3A_64 : memref<10000x128xf32, #tpu.memory_space<hbm>>) target(%arg16 : memref<128x128xf32, #tpu.memory_space<vmem>>) offsets(%arg14 : memref<128xi32, #tpu.memory_space<vmem>>) semaphore(%arg18 : memref<!tpu.dma_semaphore, #tpu.memory_space<semaphore_mem>>)
      %dma_wait3A = arith.constant 0 : i32
      %dma_wait3A_65 = arith.constant 0 : i32
      %dma_wait3A_66 = tpu.memref_slice %arg2[%dma_wait3A, %dma_wait3A_65] : memref<10000x128xf32, #tpu.memory_space<hbm>> -> memref<10000x128xf32, #tpu.memory_space<hbm>>
      tpu.wait_indirect_dma semaphore(%arg18 : memref<!tpu.dma_semaphore, #tpu.memory_space<semaphore_mem>>) src(%dma_wait3A_66 : memref<10000x128xf32, #tpu.memory_space<hbm>>) dst(%arg16 : memref<128x128xf32, #tpu.memory_space<vmem>>)
      "tpu.region"() ({
        %run_scoped3A = tpu.sem_alloc : memref<!tpu.dma_semaphore, #tpu.memory_space<semaphore_mem>>
        %dma_start3A_67 = arith.constant 0 : i32
        %dma_start3A_68 = arith.constant 0 : i32
        %dma_start3A_69 = tpu.memref_slice %arg17[%dma_start3A_67, %dma_start3A_68] : memref<5248x128xf32, #tpu.memory_space<vmem_shared>> -> memref<5248x128xf32, #tpu.memory_space<vmem_shared>>
        tpu.enqueue_indirect_dma source(%arg16 : memref<128x128xf32, #tpu.memory_space<vmem>>) target(%dma_start3A_69 : memref<5248x128xf32, #tpu.memory_space<vmem_shared>>) offsets(%arg15 : memref<128xi32, #tpu.memory_space<vmem>>) semaphore(%run_scoped3A : memref<!tpu.dma_semaphore, #tpu.memory_space<semaphore_mem>>) {add = true}
        %dma_wait3A_70 = arith.constant 0 : i32
        %dma_wait3A_71 = arith.constant 0 : i32
        %dma_wait3A_72 = tpu.memref_slice %arg17[%dma_wait3A_70, %dma_wait3A_71] : memref<5248x128xf32, #tpu.memory_space<vmem_shared>> -> memref<5248x128xf32, #tpu.memory_space<vmem_shared>>
        tpu.wait_indirect_dma semaphore(%run_scoped3A : memref<!tpu.dma_semaphore, #tpu.memory_space<semaphore_mem>>) src(%arg16 : memref<128x128xf32, #tpu.memory_space<vmem>>) dst(%dma_wait3A_72 : memref<5248x128xf32, #tpu.memory_space<vmem_shared>>)
        tpu.yield
      }) : () -> ()
      "tpu.region"() ({
        %run_scoped3A = tpu.sem_alloc : memref<!tpu.dma_semaphore, #tpu.memory_space<semaphore_mem>>
        %dma_start3A_67 = arith.constant 0 : i32
        %dma_start3A_68 = arith.constant 0 : i32
        %dma_start3A_69 = tpu.memref_slice %arg22[%dma_start3A_67, %dma_start3A_68] : memref<5248x16xf32, #tpu.memory_space<vmem_shared>> -> memref<5248x16xf32, #tpu.memory_space<vmem_shared>>
        tpu.enqueue_indirect_dma source(%arg20 : memref<128x16xf32, #tpu.memory_space<vmem>>) target(%dma_start3A_69 : memref<5248x16xf32, #tpu.memory_space<vmem_shared>>) offsets(%arg15 : memref<128xi32, #tpu.memory_space<vmem>>) semaphore(%run_scoped3A : memref<!tpu.dma_semaphore, #tpu.memory_space<semaphore_mem>>) {add = true}
        %dma_wait3A_70 = arith.constant 0 : i32
        %dma_wait3A_71 = arith.constant 0 : i32
        %dma_wait3A_72 = tpu.memref_slice %arg22[%dma_wait3A_70, %dma_wait3A_71] : memref<5248x16xf32, #tpu.memory_space<vmem_shared>> -> memref<5248x16xf32, #tpu.memory_space<vmem_shared>>
        tpu.wait_indirect_dma semaphore(%run_scoped3A : memref<!tpu.dma_semaphore, #tpu.memory_space<semaphore_mem>>) src(%arg20 : memref<128x16xf32, #tpu.memory_space<vmem>>) dst(%dma_wait3A_72 : memref<5248x16xf32, #tpu.memory_space<vmem_shared>>)
        tpu.yield
      }) : () -> ()
    }
    %eq3A_25 = arith.constant 0 : i32
    %eq3A_26 = arith.cmpi eq, %arg0, %eq3A_25 : i32
    %slice3A_27 = vector.extract_strided_slice %get3A_2 {offsets = [4], sizes = [1], strides = [1]} : vector<16xi32> to vector<1xi32>
    %squeeze3A_28 = vector.extract %slice3A_27[0] : i32 from vector<1xi32>
    %slice3A_29 = vector.extract_strided_slice %get3A_2 {offsets = [6], sizes = [1], strides = [1]} : vector<16xi32> to vector<1xi32>
    %squeeze3A_30 = vector.extract %slice3A_29[0] : i32 from vector<1xi32>
    %select_n3A_31 = arith.select %eq3A_26, %squeeze3A_28, %squeeze3A_30 : i32
    %eq3A_32 = arith.constant 0 : i32
    %eq3A_33 = arith.cmpi eq, %arg0, %eq3A_32 : i32
    %slice3A_34 = vector.extract_strided_slice %get3A_2 {offsets = [5], sizes = [1], strides = [1]} : vector<16xi32> to vector<1xi32>
    %squeeze3A_35 = vector.extract %slice3A_34[0] : i32 from vector<1xi32>
    %slice3A_36 = vector.extract_strided_slice %get3A_2 {offsets = [7], sizes = [1], strides = [1]} : vector<16xi32> to vector<1xi32>
    %squeeze3A_37 = vector.extract %slice3A_36[0] : i32 from vector<1xi32>
    %select_n3A_38 = arith.select %eq3A_33, %squeeze3A_35, %squeeze3A_37 : i32
    %mul3A_39 = arith.muli %arg1, %select_n3A_38 : i32
    %mul3A_40 = arith.constant 128 : i32
    %mul3A_41 = arith.muli %mul3A_39, %mul3A_40 : i32
    %add3A_42 = arith.addi %select_n3A_31, %mul3A_41 : i32
    %while3A_43 = arith.constant 0 : i32
    %while3A_44 = arith.constant 0 : i32
    %while3A_45 = arith.subi %select_n3A_38, %while3A_44 : i32
    %while3A_46 = arith.addi %while3A_44, %while3A_45 : i32
    %while3A_47 = arith.constant 1 : i32
    %while3A_48 = arith.divsi %while3A_45, %while3A_47 : i32
    %while3A_49 = arith.muli %while3A_48, %while3A_47 : i32
    %while3A_50 = arith.addi %while3A_44, %while3A_49 : i32
    %while3A_51 = arith.constant 1 : i32
    scf.for %while3A_59 = %while3A_44 to %while3A_50 step %while3A_51  : i32 {
      %mul3A_60 = arith.constant 128 : i32
      %mul3A_61 = arith.muli %while3A_59, %mul3A_60 : i32
      %add3A_62 = arith.addi %add3A_42, %mul3A_61 : i32
      %multiple_of3A = tpu.assume_multiple %add3A_62, 128 : i32
      "tpu.region"() ({
        %run_scoped3A = tpu.sem_alloc : memref<!tpu.dma_semaphore, #tpu.memory_space<semaphore_mem>>
        %dma_start3A = tpu.memref_slice %arg5[%multiple_of3A] : memref<336448xi32, #tpu.memory_space<hbm>> -> memref<128xi32, #tpu.memory_space<hbm>>
        %dma_start3A_63 = tpu.memref_slice %arg5[%multiple_of3A] : memref<336448xi32, #tpu.memory_space<hbm>> -> memref<128xi32, #tpu.memory_space<hbm>>
        tpu.enqueue_dma source(%dma_start3A_63 : memref<128xi32, #tpu.memory_space<hbm>>) target(%arg19 : memref<128xi32, #tpu.memory_space<vmem>>) target_semaphore(%run_scoped3A : memref<!tpu.dma_semaphore, #tpu.memory_space<semaphore_mem>>)
        %dma_wait3A = tpu.memref_slice %arg5[%multiple_of3A] : memref<336448xi32, #tpu.memory_space<hbm>> -> memref<128xi32, #tpu.memory_space<hbm>>
        %dma_wait3A_64 = tpu.memref_slice %arg5[%multiple_of3A] : memref<336448xi32, #tpu.memory_space<hbm>> -> memref<128xi32, #tpu.memory_space<hbm>>
        tpu.wait_dma2 semaphore(%run_scoped3A : memref<!tpu.dma_semaphore, #tpu.memory_space<semaphore_mem>>) src(%dma_wait3A_64 : memref<128xi32, #tpu.memory_space<hbm>>) dst(%arg19 : memref<128xi32, #tpu.memory_space<vmem>>)
        tpu.yield
      }) : () -> ()
      "tpu.region"() ({
        %run_scoped3A = tpu.sem_alloc : memref<!tpu.dma_semaphore, #tpu.memory_space<semaphore_mem>>
        %dma_start3A = arith.constant 0 : i32
        %dma_start3A_63 = arith.constant 0 : i32
        %dma_start3A_64 = tpu.memref_slice %arg22[%dma_start3A, %dma_start3A_63] : memref<5248x16xf32, #tpu.memory_space<vmem_shared>> -> memref<5248x16xf32, #tpu.memory_space<vmem_shared>>
        tpu.enqueue_indirect_dma source(%arg21 : memref<128x16xf32, #tpu.memory_space<vmem>>) target(%dma_start3A_64 : memref<5248x16xf32, #tpu.memory_space<vmem_shared>>) offsets(%arg19 : memref<128xi32, #tpu.memory_space<vmem>>) semaphore(%run_scoped3A : memref<!tpu.dma_semaphore, #tpu.memory_space<semaphore_mem>>) {add = true}
        %dma_wait3A = arith.constant 0 : i32
        %dma_wait3A_65 = arith.constant 0 : i32
        %dma_wait3A_66 = tpu.memref_slice %arg22[%dma_wait3A, %dma_wait3A_65] : memref<5248x16xf32, #tpu.memory_space<vmem_shared>> -> memref<5248x16xf32, #tpu.memory_space<vmem_shared>>
        tpu.wait_indirect_dma semaphore(%run_scoped3A : memref<!tpu.dma_semaphore, #tpu.memory_space<semaphore_mem>>) src(%arg21 : memref<128x16xf32, #tpu.memory_space<vmem>>) dst(%dma_wait3A_66 : memref<5248x16xf32, #tpu.memory_space<vmem_shared>>)
        tpu.yield
      }) : () -> ()
    }
    %while3A_52 = arith.constant 1 : i32
    scf.for %while3A_59 = %while3A_50 to %while3A_46 step %while3A_52  : i32 {
      %mul3A_60 = arith.constant 128 : i32
      %mul3A_61 = arith.muli %while3A_59, %mul3A_60 : i32
      %add3A_62 = arith.addi %add3A_42, %mul3A_61 : i32
      %multiple_of3A = tpu.assume_multiple %add3A_62, 128 : i32
      "tpu.region"() ({
        %run_scoped3A = tpu.sem_alloc : memref<!tpu.dma_semaphore, #tpu.memory_space<semaphore_mem>>
        %dma_start3A = tpu.memref_slice %arg5[%multiple_of3A] : memref<336448xi32, #tpu.memory_space<hbm>> -> memref<128xi32, #tpu.memory_space<hbm>>
        %dma_start3A_63 = tpu.memref_slice %arg5[%multiple_of3A] : memref<336448xi32, #tpu.memory_space<hbm>> -> memref<128xi32, #tpu.memory_space<hbm>>
        tpu.enqueue_dma source(%dma_start3A_63 : memref<128xi32, #tpu.memory_space<hbm>>) target(%arg19 : memref<128xi32, #tpu.memory_space<vmem>>) target_semaphore(%run_scoped3A : memref<!tpu.dma_semaphore, #tpu.memory_space<semaphore_mem>>)
        %dma_wait3A = tpu.memref_slice %arg5[%multiple_of3A] : memref<336448xi32, #tpu.memory_space<hbm>> -> memref<128xi32, #tpu.memory_space<hbm>>
        %dma_wait3A_64 = tpu.memref_slice %arg5[%multiple_of3A] : memref<336448xi32, #tpu.memory_space<hbm>> -> memref<128xi32, #tpu.memory_space<hbm>>
        tpu.wait_dma2 semaphore(%run_scoped3A : memref<!tpu.dma_semaphore, #tpu.memory_space<semaphore_mem>>) src(%dma_wait3A_64 : memref<128xi32, #tpu.memory_space<hbm>>) dst(%arg19 : memref<128xi32, #tpu.memory_space<vmem>>)
        tpu.yield
      }) : () -> ()
      "tpu.region"() ({
        %run_scoped3A = tpu.sem_alloc : memref<!tpu.dma_semaphore, #tpu.memory_space<semaphore_mem>>
        %dma_start3A = arith.constant 0 : i32
        %dma_start3A_63 = arith.constant 0 : i32
        %dma_start3A_64 = tpu.memref_slice %arg22[%dma_start3A, %dma_start3A_63] : memref<5248x16xf32, #tpu.memory_space<vmem_shared>> -> memref<5248x16xf32, #tpu.memory_space<vmem_shared>>
        tpu.enqueue_indirect_dma source(%arg21 : memref<128x16xf32, #tpu.memory_space<vmem>>) target(%dma_start3A_64 : memref<5248x16xf32, #tpu.memory_space<vmem_shared>>) offsets(%arg19 : memref<128xi32, #tpu.memory_space<vmem>>) semaphore(%run_scoped3A : memref<!tpu.dma_semaphore, #tpu.memory_space<semaphore_mem>>) {add = true}
        %dma_wait3A = arith.constant 0 : i32
        %dma_wait3A_65 = arith.constant 0 : i32
        %dma_wait3A_66 = tpu.memref_slice %arg22[%dma_wait3A, %dma_wait3A_65] : memref<5248x16xf32, #tpu.memory_space<vmem_shared>> -> memref<5248x16xf32, #tpu.memory_space<vmem_shared>>
        tpu.wait_indirect_dma semaphore(%run_scoped3A : memref<!tpu.dma_semaphore, #tpu.memory_space<semaphore_mem>>) src(%arg21 : memref<128x16xf32, #tpu.memory_space<vmem>>) dst(%dma_wait3A_66 : memref<5248x16xf32, #tpu.memory_space<vmem_shared>>)
        tpu.yield
      }) : () -> ()
    }
    %barrier3A_53 = arith.constant 0 : index
    tpu.barrier barrier_id(%barrier3A_53)
    %mul3A_54 = arith.constant 320 : i32
    %mul3A_55 = arith.muli %arg1, %mul3A_54 : i32
    %mul3A_56 = arith.constant 5120 : i32
    %mul3A_57 = arith.muli %arg0, %mul3A_56 : i32
    %add3A_58 = arith.addi %mul3A_57, %mul3A_55 : i32
    "tpu.region"() ({
      %run_scoped3A = tpu.sem_alloc : memref<!tpu.dma_semaphore, #tpu.memory_space<semaphore_mem>>
      %dma_start3A = arith.constant 0 : i32
      %dma_start3A_59 = tpu.memref_slice %arg11[%add3A_58, %dma_start3A] : memref<10240x128xf32, #tpu.memory_space<hbm>> -> memref<320x128xf32, #tpu.memory_space<hbm>>
      %dma_start3A_60 = arith.constant 0 : i32
      %dma_start3A_61 = tpu.memref_slice %arg17[%mul3A_55, %dma_start3A_60] : memref<5248x128xf32, #tpu.memory_space<vmem_shared>> -> memref<320x128xf32, #tpu.memory_space<vmem_shared>>
      tpu.enqueue_dma source(%dma_start3A_61 : memref<320x128xf32, #tpu.memory_space<vmem_shared>>) target(%dma_start3A_59 : memref<320x128xf32, #tpu.memory_space<hbm>>) target_semaphore(%run_scoped3A : memref<!tpu.dma_semaphore, #tpu.memory_space<semaphore_mem>>)
      %dma_wait3A = arith.constant 0 : i32
      %dma_wait3A_62 = tpu.memref_slice %arg11[%add3A_58, %dma_wait3A] : memref<10240x128xf32, #tpu.memory_space<hbm>> -> memref<320x128xf32, #tpu.memory_space<hbm>>
      %dma_wait3A_63 = arith.constant 0 : i32
      %dma_wait3A_64 = tpu.memref_slice %arg17[%mul3A_55, %dma_wait3A_63] : memref<5248x128xf32, #tpu.memory_space<vmem_shared>> -> memref<320x128xf32, #tpu.memory_space<vmem_shared>>
      tpu.wait_dma2 semaphore(%run_scoped3A : memref<!tpu.dma_semaphore, #tpu.memory_space<semaphore_mem>>) src(%dma_wait3A_64 : memref<320x128xf32, #tpu.memory_space<vmem_shared>>) dst(%dma_wait3A_62 : memref<320x128xf32, #tpu.memory_space<hbm>>)
      tpu.yield
    }) : () -> ()
    "tpu.region"() ({
      %run_scoped3A = tpu.sem_alloc : memref<!tpu.dma_semaphore, #tpu.memory_space<semaphore_mem>>
      %dma_start3A = arith.constant 0 : i32
      %dma_start3A_59 = tpu.memref_slice %arg12[%add3A_58, %dma_start3A] : memref<10240x16xf32, #tpu.memory_space<hbm>> -> memref<320x16xf32, #tpu.memory_space<hbm>>
      %dma_start3A_60 = arith.constant 0 : i32
      %dma_start3A_61 = tpu.memref_slice %arg22[%mul3A_55, %dma_start3A_60] : memref<5248x16xf32, #tpu.memory_space<vmem_shared>> -> memref<320x16xf32, #tpu.memory_space<vmem_shared>>
      tpu.enqueue_dma source(%dma_start3A_61 : memref<320x16xf32, #tpu.memory_space<vmem_shared>>) target(%dma_start3A_59 : memref<320x16xf32, #tpu.memory_space<hbm>>) target_semaphore(%run_scoped3A : memref<!tpu.dma_semaphore, #tpu.memory_space<semaphore_mem>>)
      %dma_wait3A = arith.constant 0 : i32
      %dma_wait3A_62 = tpu.memref_slice %arg12[%add3A_58, %dma_wait3A] : memref<10240x16xf32, #tpu.memory_space<hbm>> -> memref<320x16xf32, #tpu.memory_space<hbm>>
      %dma_wait3A_63 = arith.constant 0 : i32
      %dma_wait3A_64 = tpu.memref_slice %arg22[%mul3A_55, %dma_wait3A_63] : memref<5248x16xf32, #tpu.memory_space<vmem_shared>> -> memref<320x16xf32, #tpu.memory_space<vmem_shared>>
      tpu.wait_dma2 semaphore(%run_scoped3A : memref<!tpu.dma_semaphore, #tpu.memory_space<semaphore_mem>>) src(%dma_wait3A_64 : memref<320x16xf32, #tpu.memory_space<vmem_shared>>) dst(%dma_wait3A_62 : memref<320x16xf32, #tpu.memory_space<hbm>>)
      tpu.yield
    }) : () -> ()
    return
  }
}

#map = affine_map<(d0, d1) -> (0, 0)>
#map1 = affine_map<(d0, d1) -> (0)>
module attributes {stable_mosaic.version = 14 : i64} {
  func.func @body(%arg0: i32, %arg1: i32, %arg2: memref<10000x128xf32, #tpu.memory_space<hbm>>, %arg3: memref<336448xi32, #tpu.memory_space<hbm>>, %arg4: memref<336448xi32, #tpu.memory_space<hbm>>, %arg5: memref<16xi32, #tpu.memory_space<hbm>>, %arg6: memref<328x128xf32, #tpu.memory_space<hbm>>, %arg7: memref<10240x128xf32, #tpu.memory_space<hbm>>, %arg8: memref<16xi32, #tpu.memory_space<vmem>>, %arg9: memref<128xi32, #tpu.memory_space<vmem>>, %arg10: memref<128xi32, #tpu.memory_space<vmem>>, %arg11: memref<128x128xf32, #tpu.memory_space<vmem>>, %arg12: memref<5248x128xf32, #tpu.memory_space<vmem_shared>>, %arg13: memref<!tpu.dma_semaphore, #tpu.memory_space<semaphore_mem>>) attributes {dimension_semantics = [#tpu.dimension_semantics<core_parallel>, #tpu.dimension_semantics<subcore_parallel>], iteration_bounds = array<i64: 2, 16>, scalar_prefetch = 0 : i64, scratch_operands = 6 : i64, tpu.core_type = #tpu.core_type<sc_vector_subcore>, window_params = [{transform_indices = #map}, {transform_indices = #map1}, {transform_indices = #map1}, {transform_indices = #map1}, {transform_indices = #map}, {transform_indices = #map}]} {
    %mul3A = arith.constant 328 : i32
    %mul3A_0 = arith.muli %arg1, %mul3A : i32
    "tpu.region"() ({
      %run_scoped3A = tpu.sem_alloc : memref<!tpu.dma_semaphore, #tpu.memory_space<semaphore_mem>>
      %dma_start3A = arith.constant 0 : i32
      %dma_start3A_31 = tpu.memref_slice %arg12[%mul3A_0, %dma_start3A] : memref<5248x128xf32, #tpu.memory_space<vmem_shared>> -> memref<328x128xf32, #tpu.memory_space<vmem_shared>>
      tpu.enqueue_dma source(%arg6 : memref<328x128xf32, #tpu.memory_space<hbm>>) target(%dma_start3A_31 : memref<328x128xf32, #tpu.memory_space<vmem_shared>>) target_semaphore(%run_scoped3A : memref<!tpu.dma_semaphore, #tpu.memory_space<semaphore_mem>>)
      %dma_wait3A = arith.constant 0 : i32
      %dma_wait3A_32 = tpu.memref_slice %arg12[%mul3A_0, %dma_wait3A] : memref<5248x128xf32, #tpu.memory_space<vmem_shared>> -> memref<328x128xf32, #tpu.memory_space<vmem_shared>>
      tpu.wait_dma2 semaphore(%run_scoped3A : memref<!tpu.dma_semaphore, #tpu.memory_space<semaphore_mem>>) src(%arg6 : memref<328x128xf32, #tpu.memory_space<hbm>>) dst(%dma_wait3A_32 : memref<328x128xf32, #tpu.memory_space<vmem_shared>>)
      tpu.yield
    }) : () -> ()
    "tpu.region"() ({
      %run_scoped3A = tpu.sem_alloc : memref<!tpu.dma_semaphore, #tpu.memory_space<semaphore_mem>>
      tpu.enqueue_dma source(%arg5 : memref<16xi32, #tpu.memory_space<hbm>>) target(%arg8 : memref<16xi32, #tpu.memory_space<vmem>>) target_semaphore(%run_scoped3A : memref<!tpu.dma_semaphore, #tpu.memory_space<semaphore_mem>>)
      tpu.wait_dma2 semaphore(%run_scoped3A : memref<!tpu.dma_semaphore, #tpu.memory_space<semaphore_mem>>) src(%arg5 : memref<16xi32, #tpu.memory_space<hbm>>) dst(%arg8 : memref<16xi32, #tpu.memory_space<vmem>>)
      tpu.yield
    }) : () -> ()
    %barrier3A = arith.constant 0 : index
    tpu.barrier barrier_id(%barrier3A)
    %get3A = arith.constant 0 : index
    %get3A_1 = tpu.vector_load %arg8[%get3A] {strides = array<i32>} : memref<16xi32, #tpu.memory_space<vmem>>, vector<16xi32>,
    %get3A_2 = vector.shape_cast %get3A_1 : vector<16xi32> to vector<16xi32>
    %eq3A = arith.constant 0 : i32
    %eq3A_3 = arith.cmpi eq, %arg0, %eq3A : i32
    %slice3A = vector.extract_strided_slice %get3A_2 {offsets = [0], sizes = [1], strides = [1]} : vector<16xi32> to vector<1xi32>
    %squeeze3A = vector.extract %slice3A[0] : i32 from vector<1xi32>
    %slice3A_4 = vector.extract_strided_slice %get3A_2 {offsets = [2], sizes = [1], strides = [1]} : vector<16xi32> to vector<1xi32>
    %squeeze3A_5 = vector.extract %slice3A_4[0] : i32 from vector<1xi32>
    %select_n3A = arith.select %eq3A_3, %squeeze3A, %squeeze3A_5 : i32
    %eq3A_6 = arith.constant 0 : i32
    %eq3A_7 = arith.cmpi eq, %arg0, %eq3A_6 : i32
    %slice3A_8 = vector.extract_strided_slice %get3A_2 {offsets = [1], sizes = [1], strides = [1]} : vector<16xi32> to vector<1xi32>
    %squeeze3A_9 = vector.extract %slice3A_8[0] : i32 from vector<1xi32>
    %slice3A_10 = vector.extract_strided_slice %get3A_2 {offsets = [3], sizes = [1], strides = [1]} : vector<16xi32> to vector<1xi32>
    %squeeze3A_11 = vector.extract %slice3A_10[0] : i32 from vector<1xi32>
    %select_n3A_12 = arith.select %eq3A_7, %squeeze3A_9, %squeeze3A_11 : i32
    %mul3A_13 = arith.muli %arg1, %select_n3A_12 : i32
    %mul3A_14 = arith.constant 128 : i32
    %mul3A_15 = arith.muli %mul3A_13, %mul3A_14 : i32
    %add3A = arith.addi %select_n3A, %mul3A_15 : i32
    %while3A = arith.constant 0 : i32
    %while3A_16 = arith.constant 0 : i32
    %while3A_17 = arith.subi %select_n3A_12, %while3A_16 : i32
    %while3A_18 = arith.addi %while3A_16, %while3A_17 : i32
    %while3A_19 = arith.constant 1 : i32
    %while3A_20 = arith.divsi %while3A_17, %while3A_19 : i32
    %while3A_21 = arith.muli %while3A_20, %while3A_19 : i32
    %while3A_22 = arith.addi %while3A_16, %while3A_21 : i32
    %while3A_23 = arith.constant 1 : i32
    scf.for %while3A_31 = %while3A_16 to %while3A_22 step %while3A_23  : i32 {
      %mul3A_32 = arith.constant 128 : i32
      %mul3A_33 = arith.muli %while3A_31, %mul3A_32 : i32
      %add3A_34 = arith.addi %add3A, %mul3A_33 : i32
      %multiple_of3A = tpu.assume_multiple %add3A_34, 128 : i32
      "tpu.region"() ({
        %run_scoped3A = tpu.sem_alloc : memref<!tpu.dma_semaphore, #tpu.memory_space<semaphore_mem>>
        %dma_start3A_39 = tpu.memref_slice %arg3[%multiple_of3A] : memref<336448xi32, #tpu.memory_space<hbm>> -> memref<128xi32, #tpu.memory_space<hbm>>
        %dma_start3A_40 = tpu.memref_slice %arg3[%multiple_of3A] : memref<336448xi32, #tpu.memory_space<hbm>> -> memref<128xi32, #tpu.memory_space<hbm>>
        tpu.enqueue_dma source(%dma_start3A_40 : memref<128xi32, #tpu.memory_space<hbm>>) target(%arg9 : memref<128xi32, #tpu.memory_space<vmem>>) target_semaphore(%run_scoped3A : memref<!tpu.dma_semaphore, #tpu.memory_space<semaphore_mem>>)
        %dma_wait3A_41 = tpu.memref_slice %arg3[%multiple_of3A] : memref<336448xi32, #tpu.memory_space<hbm>> -> memref<128xi32, #tpu.memory_space<hbm>>
        %dma_wait3A_42 = tpu.memref_slice %arg3[%multiple_of3A] : memref<336448xi32, #tpu.memory_space<hbm>> -> memref<128xi32, #tpu.memory_space<hbm>>
        tpu.wait_dma2 semaphore(%run_scoped3A : memref<!tpu.dma_semaphore, #tpu.memory_space<semaphore_mem>>) src(%dma_wait3A_42 : memref<128xi32, #tpu.memory_space<hbm>>) dst(%arg9 : memref<128xi32, #tpu.memory_space<vmem>>)
        tpu.yield
      }) : () -> ()
      "tpu.region"() ({
        %run_scoped3A = tpu.sem_alloc : memref<!tpu.dma_semaphore, #tpu.memory_space<semaphore_mem>>
        %dma_start3A_39 = tpu.memref_slice %arg4[%multiple_of3A] : memref<336448xi32, #tpu.memory_space<hbm>> -> memref<128xi32, #tpu.memory_space<hbm>>
        %dma_start3A_40 = tpu.memref_slice %arg4[%multiple_of3A] : memref<336448xi32, #tpu.memory_space<hbm>> -> memref<128xi32, #tpu.memory_space<hbm>>
        tpu.enqueue_dma source(%dma_start3A_40 : memref<128xi32, #tpu.memory_space<hbm>>) target(%arg10 : memref<128xi32, #tpu.memory_space<vmem>>) target_semaphore(%run_scoped3A : memref<!tpu.dma_semaphore, #tpu.memory_space<semaphore_mem>>)
        %dma_wait3A_41 = tpu.memref_slice %arg4[%multiple_of3A] : memref<336448xi32, #tpu.memory_space<hbm>> -> memref<128xi32, #tpu.memory_space<hbm>>
        %dma_wait3A_42 = tpu.memref_slice %arg4[%multiple_of3A] : memref<336448xi32, #tpu.memory_space<hbm>> -> memref<128xi32, #tpu.memory_space<hbm>>
        tpu.wait_dma2 semaphore(%run_scoped3A : memref<!tpu.dma_semaphore, #tpu.memory_space<semaphore_mem>>) src(%dma_wait3A_42 : memref<128xi32, #tpu.memory_space<hbm>>) dst(%arg10 : memref<128xi32, #tpu.memory_space<vmem>>)
        tpu.yield
      }) : () -> ()
      %dma_start3A = arith.constant 0 : i32
      %dma_start3A_35 = arith.constant 0 : i32
      %dma_start3A_36 = tpu.memref_slice %arg2[%dma_start3A, %dma_start3A_35] : memref<10000x128xf32, #tpu.memory_space<hbm>> -> memref<10000x128xf32, #tpu.memory_space<hbm>>
      tpu.enqueue_indirect_dma source(%dma_start3A_36 : memref<10000x128xf32, #tpu.memory_space<hbm>>) target(%arg11 : memref<128x128xf32, #tpu.memory_space<vmem>>) offsets(%arg9 : memref<128xi32, #tpu.memory_space<vmem>>) semaphore(%arg13 : memref<!tpu.dma_semaphore, #tpu.memory_space<semaphore_mem>>)
      %dma_wait3A = arith.constant 0 : i32
      %dma_wait3A_37 = arith.constant 0 : i32
      %dma_wait3A_38 = tpu.memref_slice %arg2[%dma_wait3A, %dma_wait3A_37] : memref<10000x128xf32, #tpu.memory_space<hbm>> -> memref<10000x128xf32, #tpu.memory_space<hbm>>
      tpu.wait_indirect_dma semaphore(%arg13 : memref<!tpu.dma_semaphore, #tpu.memory_space<semaphore_mem>>) src(%dma_wait3A_38 : memref<10000x128xf32, #tpu.memory_space<hbm>>) dst(%arg11 : memref<128x128xf32, #tpu.memory_space<vmem>>)
      "tpu.region"() ({
        %run_scoped3A = tpu.sem_alloc : memref<!tpu.dma_semaphore, #tpu.memory_space<semaphore_mem>>
        %dma_start3A_39 = arith.constant 0 : i32
        %dma_start3A_40 = arith.constant 0 : i32
        %dma_start3A_41 = tpu.memref_slice %arg12[%dma_start3A_39, %dma_start3A_40] : memref<5248x128xf32, #tpu.memory_space<vmem_shared>> -> memref<5248x128xf32, #tpu.memory_space<vmem_shared>>
        tpu.enqueue_indirect_dma source(%arg11 : memref<128x128xf32, #tpu.memory_space<vmem>>) target(%dma_start3A_41 : memref<5248x128xf32, #tpu.memory_space<vmem_shared>>) offsets(%arg10 : memref<128xi32, #tpu.memory_space<vmem>>) semaphore(%run_scoped3A : memref<!tpu.dma_semaphore, #tpu.memory_space<semaphore_mem>>) {add = true}
        %dma_wait3A_42 = arith.constant 0 : i32
        %dma_wait3A_43 = arith.constant 0 : i32
        %dma_wait3A_44 = tpu.memref_slice %arg12[%dma_wait3A_42, %dma_wait3A_43] : memref<5248x128xf32, #tpu.memory_space<vmem_shared>> -> memref<5248x128xf32, #tpu.memory_space<vmem_shared>>
        tpu.wait_indirect_dma semaphore(%run_scoped3A : memref<!tpu.dma_semaphore, #tpu.memory_space<semaphore_mem>>) src(%arg11 : memref<128x128xf32, #tpu.memory_space<vmem>>) dst(%dma_wait3A_44 : memref<5248x128xf32, #tpu.memory_space<vmem_shared>>)
        tpu.yield
      }) : () -> ()
    }
    %while3A_24 = arith.constant 1 : i32
    scf.for %while3A_31 = %while3A_22 to %while3A_18 step %while3A_24  : i32 {
      %mul3A_32 = arith.constant 128 : i32
      %mul3A_33 = arith.muli %while3A_31, %mul3A_32 : i32
      %add3A_34 = arith.addi %add3A, %mul3A_33 : i32
      %multiple_of3A = tpu.assume_multiple %add3A_34, 128 : i32
      "tpu.region"() ({
        %run_scoped3A = tpu.sem_alloc : memref<!tpu.dma_semaphore, #tpu.memory_space<semaphore_mem>>
        %dma_start3A_39 = tpu.memref_slice %arg3[%multiple_of3A] : memref<336448xi32, #tpu.memory_space<hbm>> -> memref<128xi32, #tpu.memory_space<hbm>>
        %dma_start3A_40 = tpu.memref_slice %arg3[%multiple_of3A] : memref<336448xi32, #tpu.memory_space<hbm>> -> memref<128xi32, #tpu.memory_space<hbm>>
        tpu.enqueue_dma source(%dma_start3A_40 : memref<128xi32, #tpu.memory_space<hbm>>) target(%arg9 : memref<128xi32, #tpu.memory_space<vmem>>) target_semaphore(%run_scoped3A : memref<!tpu.dma_semaphore, #tpu.memory_space<semaphore_mem>>)
        %dma_wait3A_41 = tpu.memref_slice %arg3[%multiple_of3A] : memref<336448xi32, #tpu.memory_space<hbm>> -> memref<128xi32, #tpu.memory_space<hbm>>
        %dma_wait3A_42 = tpu.memref_slice %arg3[%multiple_of3A] : memref<336448xi32, #tpu.memory_space<hbm>> -> memref<128xi32, #tpu.memory_space<hbm>>
        tpu.wait_dma2 semaphore(%run_scoped3A : memref<!tpu.dma_semaphore, #tpu.memory_space<semaphore_mem>>) src(%dma_wait3A_42 : memref<128xi32, #tpu.memory_space<hbm>>) dst(%arg9 : memref<128xi32, #tpu.memory_space<vmem>>)
        tpu.yield
      }) : () -> ()
      "tpu.region"() ({
        %run_scoped3A = tpu.sem_alloc : memref<!tpu.dma_semaphore, #tpu.memory_space<semaphore_mem>>
        %dma_start3A_39 = tpu.memref_slice %arg4[%multiple_of3A] : memref<336448xi32, #tpu.memory_space<hbm>> -> memref<128xi32, #tpu.memory_space<hbm>>
        %dma_start3A_40 = tpu.memref_slice %arg4[%multiple_of3A] : memref<336448xi32, #tpu.memory_space<hbm>> -> memref<128xi32, #tpu.memory_space<hbm>>
        tpu.enqueue_dma source(%dma_start3A_40 : memref<128xi32, #tpu.memory_space<hbm>>) target(%arg10 : memref<128xi32, #tpu.memory_space<vmem>>) target_semaphore(%run_scoped3A : memref<!tpu.dma_semaphore, #tpu.memory_space<semaphore_mem>>)
        %dma_wait3A_41 = tpu.memref_slice %arg4[%multiple_of3A] : memref<336448xi32, #tpu.memory_space<hbm>> -> memref<128xi32, #tpu.memory_space<hbm>>
        %dma_wait3A_42 = tpu.memref_slice %arg4[%multiple_of3A] : memref<336448xi32, #tpu.memory_space<hbm>> -> memref<128xi32, #tpu.memory_space<hbm>>
        tpu.wait_dma2 semaphore(%run_scoped3A : memref<!tpu.dma_semaphore, #tpu.memory_space<semaphore_mem>>) src(%dma_wait3A_42 : memref<128xi32, #tpu.memory_space<hbm>>) dst(%arg10 : memref<128xi32, #tpu.memory_space<vmem>>)
        tpu.yield
      }) : () -> ()
      %dma_start3A = arith.constant 0 : i32
      %dma_start3A_35 = arith.constant 0 : i32
      %dma_start3A_36 = tpu.memref_slice %arg2[%dma_start3A, %dma_start3A_35] : memref<10000x128xf32, #tpu.memory_space<hbm>> -> memref<10000x128xf32, #tpu.memory_space<hbm>>
      tpu.enqueue_indirect_dma source(%dma_start3A_36 : memref<10000x128xf32, #tpu.memory_space<hbm>>) target(%arg11 : memref<128x128xf32, #tpu.memory_space<vmem>>) offsets(%arg9 : memref<128xi32, #tpu.memory_space<vmem>>) semaphore(%arg13 : memref<!tpu.dma_semaphore, #tpu.memory_space<semaphore_mem>>)
      %dma_wait3A = arith.constant 0 : i32
      %dma_wait3A_37 = arith.constant 0 : i32
      %dma_wait3A_38 = tpu.memref_slice %arg2[%dma_wait3A, %dma_wait3A_37] : memref<10000x128xf32, #tpu.memory_space<hbm>> -> memref<10000x128xf32, #tpu.memory_space<hbm>>
      tpu.wait_indirect_dma semaphore(%arg13 : memref<!tpu.dma_semaphore, #tpu.memory_space<semaphore_mem>>) src(%dma_wait3A_38 : memref<10000x128xf32, #tpu.memory_space<hbm>>) dst(%arg11 : memref<128x128xf32, #tpu.memory_space<vmem>>)
      "tpu.region"() ({
        %run_scoped3A = tpu.sem_alloc : memref<!tpu.dma_semaphore, #tpu.memory_space<semaphore_mem>>
        %dma_start3A_39 = arith.constant 0 : i32
        %dma_start3A_40 = arith.constant 0 : i32
        %dma_start3A_41 = tpu.memref_slice %arg12[%dma_start3A_39, %dma_start3A_40] : memref<5248x128xf32, #tpu.memory_space<vmem_shared>> -> memref<5248x128xf32, #tpu.memory_space<vmem_shared>>
        tpu.enqueue_indirect_dma source(%arg11 : memref<128x128xf32, #tpu.memory_space<vmem>>) target(%dma_start3A_41 : memref<5248x128xf32, #tpu.memory_space<vmem_shared>>) offsets(%arg10 : memref<128xi32, #tpu.memory_space<vmem>>) semaphore(%run_scoped3A : memref<!tpu.dma_semaphore, #tpu.memory_space<semaphore_mem>>) {add = true}
        %dma_wait3A_42 = arith.constant 0 : i32
        %dma_wait3A_43 = arith.constant 0 : i32
        %dma_wait3A_44 = tpu.memref_slice %arg12[%dma_wait3A_42, %dma_wait3A_43] : memref<5248x128xf32, #tpu.memory_space<vmem_shared>> -> memref<5248x128xf32, #tpu.memory_space<vmem_shared>>
        tpu.wait_indirect_dma semaphore(%run_scoped3A : memref<!tpu.dma_semaphore, #tpu.memory_space<semaphore_mem>>) src(%arg11 : memref<128x128xf32, #tpu.memory_space<vmem>>) dst(%dma_wait3A_44 : memref<5248x128xf32, #tpu.memory_space<vmem_shared>>)
        tpu.yield
      }) : () -> ()
    }
    %barrier3A_25 = arith.constant 0 : index
    tpu.barrier barrier_id(%barrier3A_25)
    %mul3A_26 = arith.constant 320 : i32
    %mul3A_27 = arith.muli %arg1, %mul3A_26 : i32
    %mul3A_28 = arith.constant 5120 : i32
    %mul3A_29 = arith.muli %arg0, %mul3A_28 : i32
    %add3A_30 = arith.addi %mul3A_29, %mul3A_27 : i32
    "tpu.region"() ({
      %run_scoped3A = tpu.sem_alloc : memref<!tpu.dma_semaphore, #tpu.memory_space<semaphore_mem>>
      %dma_start3A = arith.constant 0 : i32
      %dma_start3A_31 = tpu.memref_slice %arg7[%add3A_30, %dma_start3A] : memref<10240x128xf32, #tpu.memory_space<hbm>> -> memref<320x128xf32, #tpu.memory_space<hbm>>
      %dma_start3A_32 = arith.constant 0 : i32
      %dma_start3A_33 = tpu.memref_slice %arg12[%mul3A_27, %dma_start3A_32] : memref<5248x128xf32, #tpu.memory_space<vmem_shared>> -> memref<320x128xf32, #tpu.memory_space<vmem_shared>>
      tpu.enqueue_dma source(%dma_start3A_33 : memref<320x128xf32, #tpu.memory_space<vmem_shared>>) target(%dma_start3A_31 : memref<320x128xf32, #tpu.memory_space<hbm>>) target_semaphore(%run_scoped3A : memref<!tpu.dma_semaphore, #tpu.memory_space<semaphore_mem>>)
      %dma_wait3A = arith.constant 0 : i32
      %dma_wait3A_34 = tpu.memref_slice %arg7[%add3A_30, %dma_wait3A] : memref<10240x128xf32, #tpu.memory_space<hbm>> -> memref<320x128xf32, #tpu.memory_space<hbm>>
      %dma_wait3A_35 = arith.constant 0 : i32
      %dma_wait3A_36 = tpu.memref_slice %arg12[%mul3A_27, %dma_wait3A_35] : memref<5248x128xf32, #tpu.memory_space<vmem_shared>> -> memref<320x128xf32, #tpu.memory_space<vmem_shared>>
      tpu.wait_dma2 semaphore(%run_scoped3A : memref<!tpu.dma_semaphore, #tpu.memory_space<semaphore_mem>>) src(%dma_wait3A_36 : memref<320x128xf32, #tpu.memory_space<vmem_shared>>) dst(%dma_wait3A_34 : memref<320x128xf32, #tpu.memory_space<hbm>>)
      tpu.yield
    }) : () -> ()
    return
  }
}

#map = affine_map<(d0, d1) -> (0, 0)>
#map1 = affine_map<(d0, d1) -> (0)>
module attributes {stable_mosaic.version = 14 : i64} {
  func.func @body(%arg0: i32, %arg1: i32, %arg2: memref<10000x128xf32, #tpu.memory_space<hbm>>, %arg3: memref<336448xi32, #tpu.memory_space<hbm>>, %arg4: memref<336448xi32, #tpu.memory_space<hbm>>, %arg5: memref<336448xi32, #tpu.memory_space<hbm>>, %arg6: memref<16xi32, #tpu.memory_space<hbm>>, %arg7: memref<328x128xf32, #tpu.memory_space<hbm>>, %arg8: memref<328x16xf32, #tpu.memory_space<hbm>>, %arg9: memref<128x16xf32, #tpu.memory_space<hbm>>, %arg10: memref<128x16xf32, #tpu.memory_space<hbm>>, %arg11: memref<10240x128xf32, #tpu.memory_space<hbm>>, %arg12: memref<10240x16xf32, #tpu.memory_space<hbm>>, %arg13: memref<16xi32, #tpu.memory_space<vmem>>, %arg14: memref<128xi32, #tpu.memory_space<vmem>>, %arg15: memref<128xi32, #tpu.memory_space<vmem>>, %arg16: memref<128x128xf32, #tpu.memory_space<vmem>>, %arg17: memref<5248x128xf32, #tpu.memory_space<vmem_shared>>, %arg18: memref<!tpu.dma_semaphore, #tpu.memory_space<semaphore_mem>>, %arg19: memref<128xi32, #tpu.memory_space<vmem>>, %arg20: memref<128x16xf32, #tpu.memory_space<vmem>>, %arg21: memref<128x16xf32, #tpu.memory_space<vmem>>, %arg22: memref<5248x16xf32, #tpu.memory_space<vmem_shared>>) attributes {dimension_semantics = [#tpu.dimension_semantics<core_parallel>, #tpu.dimension_semantics<subcore_parallel>], iteration_bounds = array<i64: 2, 16>, scalar_prefetch = 0 : i64, scratch_operands = 10 : i64, tpu.core_type = #tpu.core_type<sc_vector_subcore>, window_params = [{transform_indices = #map}, {transform_indices = #map1}, {transform_indices = #map1}, {transform_indices = #map1}, {transform_indices = #map1}, {transform_indices = #map}, {transform_indices = #map}, {transform_indices = #map}, {transform_indices = #map}, {transform_indices = #map}, {transform_indices = #map}]} {
    %mul3A = arith.constant 328 : i32
    %mul3A_0 = arith.muli %arg1, %mul3A : i32
    "tpu.region"() ({
      %run_scoped3A = tpu.sem_alloc : memref<!tpu.dma_semaphore, #tpu.memory_space<semaphore_mem>>
      %dma_start3A = arith.constant 0 : i32
      %dma_start3A_59 = tpu.memref_slice %arg17[%mul3A_0, %dma_start3A] : memref<5248x128xf32, #tpu.memory_space<vmem_shared>> -> memref<328x128xf32, #tpu.memory_space<vmem_shared>>
      tpu.enqueue_dma source(%arg7 : memref<328x128xf32, #tpu.memory_space<hbm>>) target(%dma_start3A_59 : memref<328x128xf32, #tpu.memory_space<vmem_shared>>) target_semaphore(%run_scoped3A : memref<!tpu.dma_semaphore, #tpu.memory_space<semaphore_mem>>)
      %dma_wait3A = arith.constant 0 : i32
      %dma_wait3A_60 = tpu.memref_slice %arg17[%mul3A_0, %dma_wait3A] : memref<5248x128xf32, #tpu.memory_space<vmem_shared>> -> memref<328x128xf32, #tpu.memory_space<vmem_shared>>
      tpu.wait_dma2 semaphore(%run_scoped3A : memref<!tpu.dma_semaphore, #tpu.memory_space<semaphore_mem>>) src(%arg7 : memref<328x128xf32, #tpu.memory_space<hbm>>) dst(%dma_wait3A_60 : memref<328x128xf32, #tpu.memory_space<vmem_shared>>)
      tpu.yield
    }) : () -> ()
    "tpu.region"() ({
      %run_scoped3A = tpu.sem_alloc : memref<!tpu.dma_semaphore, #tpu.memory_space<semaphore_mem>>
      %dma_start3A = arith.constant 0 : i32
      %dma_start3A_59 = tpu.memref_slice %arg22[%mul3A_0, %dma_start3A] : memref<5248x16xf32, #tpu.memory_space<vmem_shared>> -> memref<328x16xf32, #tpu.memory_space<vmem_shared>>
      tpu.enqueue_dma source(%arg8 : memref<328x16xf32, #tpu.memory_space<hbm>>) target(%dma_start3A_59 : memref<328x16xf32, #tpu.memory_space<vmem_shared>>) target_semaphore(%run_scoped3A : memref<!tpu.dma_semaphore, #tpu.memory_space<semaphore_mem>>)
      %dma_wait3A = arith.constant 0 : i32
      %dma_wait3A_60 = tpu.memref_slice %arg22[%mul3A_0, %dma_wait3A] : memref<5248x16xf32, #tpu.memory_space<vmem_shared>> -> memref<328x16xf32, #tpu.memory_space<vmem_shared>>
      tpu.wait_dma2 semaphore(%run_scoped3A : memref<!tpu.dma_semaphore, #tpu.memory_space<semaphore_mem>>) src(%arg8 : memref<328x16xf32, #tpu.memory_space<hbm>>) dst(%dma_wait3A_60 : memref<328x16xf32, #tpu.memory_space<vmem_shared>>)
      tpu.yield
    }) : () -> ()
    "tpu.region"() ({
      %run_scoped3A = tpu.sem_alloc : memref<!tpu.dma_semaphore, #tpu.memory_space<semaphore_mem>>
      tpu.enqueue_dma source(%arg9 : memref<128x16xf32, #tpu.memory_space<hbm>>) target(%arg20 : memref<128x16xf32, #tpu.memory_space<vmem>>) target_semaphore(%run_scoped3A : memref<!tpu.dma_semaphore, #tpu.memory_space<semaphore_mem>>)
      tpu.wait_dma2 semaphore(%run_scoped3A : memref<!tpu.dma_semaphore, #tpu.memory_space<semaphore_mem>>) src(%arg9 : memref<128x16xf32, #tpu.memory_space<hbm>>) dst(%arg20 : memref<128x16xf32, #tpu.memory_space<vmem>>)
      tpu.yield
    }) : () -> ()
    "tpu.region"() ({
      %run_scoped3A = tpu.sem_alloc : memref<!tpu.dma_semaphore, #tpu.memory_space<semaphore_mem>>
      tpu.enqueue_dma source(%arg10 : memref<128x16xf32, #tpu.memory_space<hbm>>) target(%arg21 : memref<128x16xf32, #tpu.memory_space<vmem>>) target_semaphore(%run_scoped3A : memref<!tpu.dma_semaphore, #tpu.memory_space<semaphore_mem>>)
      tpu.wait_dma2 semaphore(%run_scoped3A : memref<!tpu.dma_semaphore, #tpu.memory_space<semaphore_mem>>) src(%arg10 : memref<128x16xf32, #tpu.memory_space<hbm>>) dst(%arg21 : memref<128x16xf32, #tpu.memory_space<vmem>>)
      tpu.yield
    }) : () -> ()
    "tpu.region"() ({
      %run_scoped3A = tpu.sem_alloc : memref<!tpu.dma_semaphore, #tpu.memory_space<semaphore_mem>>
      tpu.enqueue_dma source(%arg6 : memref<16xi32, #tpu.memory_space<hbm>>) target(%arg13 : memref<16xi32, #tpu.memory_space<vmem>>) target_semaphore(%run_scoped3A : memref<!tpu.dma_semaphore, #tpu.memory_space<semaphore_mem>>)
      tpu.wait_dma2 semaphore(%run_scoped3A : memref<!tpu.dma_semaphore, #tpu.memory_space<semaphore_mem>>) src(%arg6 : memref<16xi32, #tpu.memory_space<hbm>>) dst(%arg13 : memref<16xi32, #tpu.memory_space<vmem>>)
      tpu.yield
    }) : () -> ()
    %barrier3A = arith.constant 0 : index
    tpu.barrier barrier_id(%barrier3A)
    %get3A = arith.constant 0 : index
    %get3A_1 = tpu.vector_load %arg13[%get3A] {strides = array<i32>} : memref<16xi32, #tpu.memory_space<vmem>>, vector<16xi32>,
    %get3A_2 = vector.shape_cast %get3A_1 : vector<16xi32> to vector<16xi32>
    %eq3A = arith.constant 0 : i32
    %eq3A_3 = arith.cmpi eq, %arg0, %eq3A : i32
    %slice3A = vector.extract_strided_slice %get3A_2 {offsets = [0], sizes = [1], strides = [1]} : vector<16xi32> to vector<1xi32>
    %squeeze3A = vector.extract %slice3A[0] : i32 from vector<1xi32>
    %slice3A_4 = vector.extract_strided_slice %get3A_2 {offsets = [2], sizes = [1], strides = [1]} : vector<16xi32> to vector<1xi32>
    %squeeze3A_5 = vector.extract %slice3A_4[0] : i32 from vector<1xi32>
    %select_n3A = arith.select %eq3A_3, %squeeze3A, %squeeze3A_5 : i32
    %eq3A_6 = arith.constant 0 : i32
    %eq3A_7 = arith.cmpi eq, %arg0, %eq3A_6 : i32
    %slice3A_8 = vector.extract_strided_slice %get3A_2 {offsets = [1], sizes = [1], strides = [1]} : vector<16xi32> to vector<1xi32>
    %squeeze3A_9 = vector.extract %slice3A_8[0] : i32 from vector<1xi32>
    %slice3A_10 = vector.extract_strided_slice %get3A_2 {offsets = [3], sizes = [1], strides = [1]} : vector<16xi32> to vector<1xi32>
    %squeeze3A_11 = vector.extract %slice3A_10[0] : i32 from vector<1xi32>
    %select_n3A_12 = arith.select %eq3A_7, %squeeze3A_9, %squeeze3A_11 : i32
    %mul3A_13 = arith.muli %arg1, %select_n3A_12 : i32
    %mul3A_14 = arith.constant 128 : i32
    %mul3A_15 = arith.muli %mul3A_13, %mul3A_14 : i32
    %add3A = arith.addi %select_n3A, %mul3A_15 : i32
    %while3A = arith.constant 0 : i32
    %while3A_16 = arith.constant 0 : i32
    %while3A_17 = arith.subi %select_n3A_12, %while3A_16 : i32
    %while3A_18 = arith.addi %while3A_16, %while3A_17 : i32
    %while3A_19 = arith.constant 1 : i32
    %while3A_20 = arith.divsi %while3A_17, %while3A_19 : i32
    %while3A_21 = arith.muli %while3A_20, %while3A_19 : i32
    %while3A_22 = arith.addi %while3A_16, %while3A_21 : i32
    %while3A_23 = arith.constant 1 : i32
    scf.for %while3A_59 = %while3A_16 to %while3A_22 step %while3A_23  : i32 {
      %mul3A_60 = arith.constant 128 : i32
      %mul3A_61 = arith.muli %while3A_59, %mul3A_60 : i32
      %add3A_62 = arith.addi %add3A, %mul3A_61 : i32
      %multiple_of3A = tpu.assume_multiple %add3A_62, 128 : i32
      "tpu.region"() ({
        %run_scoped3A = tpu.sem_alloc : memref<!tpu.dma_semaphore, #tpu.memory_space<semaphore_mem>>
        %dma_start3A_67 = tpu.memref_slice %arg3[%multiple_of3A] : memref<336448xi32, #tpu.memory_space<hbm>> -> memref<128xi32, #tpu.memory_space<hbm>>
        %dma_start3A_68 = tpu.memref_slice %arg3[%multiple_of3A] : memref<336448xi32, #tpu.memory_space<hbm>> -> memref<128xi32, #tpu.memory_space<hbm>>
        tpu.enqueue_dma source(%dma_start3A_68 : memref<128xi32, #tpu.memory_space<hbm>>) target(%arg14 : memref<128xi32, #tpu.memory_space<vmem>>) target_semaphore(%run_scoped3A : memref<!tpu.dma_semaphore, #tpu.memory_space<semaphore_mem>>)
        %dma_wait3A_69 = tpu.memref_slice %arg3[%multiple_of3A] : memref<336448xi32, #tpu.memory_space<hbm>> -> memref<128xi32, #tpu.memory_space<hbm>>
        %dma_wait3A_70 = tpu.memref_slice %arg3[%multiple_of3A] : memref<336448xi32, #tpu.memory_space<hbm>> -> memref<128xi32, #tpu.memory_space<hbm>>
        tpu.wait_dma2 semaphore(%run_scoped3A : memref<!tpu.dma_semaphore, #tpu.memory_space<semaphore_mem>>) src(%dma_wait3A_70 : memref<128xi32, #tpu.memory_space<hbm>>) dst(%arg14 : memref<128xi32, #tpu.memory_space<vmem>>)
        tpu.yield
      }) : () -> ()
      "tpu.region"() ({
        %run_scoped3A = tpu.sem_alloc : memref<!tpu.dma_semaphore, #tpu.memory_space<semaphore_mem>>
        %dma_start3A_67 = tpu.memref_slice %arg4[%multiple_of3A] : memref<336448xi32, #tpu.memory_space<hbm>> -> memref<128xi32, #tpu.memory_space<hbm>>
        %dma_start3A_68 = tpu.memref_slice %arg4[%multiple_of3A] : memref<336448xi32, #tpu.memory_space<hbm>> -> memref<128xi32, #tpu.memory_space<hbm>>
        tpu.enqueue_dma source(%dma_start3A_68 : memref<128xi32, #tpu.memory_space<hbm>>) target(%arg15 : memref<128xi32, #tpu.memory_space<vmem>>) target_semaphore(%run_scoped3A : memref<!tpu.dma_semaphore, #tpu.memory_space<semaphore_mem>>)
        %dma_wait3A_69 = tpu.memref_slice %arg4[%multiple_of3A] : memref<336448xi32, #tpu.memory_space<hbm>> -> memref<128xi32, #tpu.memory_space<hbm>>
        %dma_wait3A_70 = tpu.memref_slice %arg4[%multiple_of3A] : memref<336448xi32, #tpu.memory_space<hbm>> -> memref<128xi32, #tpu.memory_space<hbm>>
        tpu.wait_dma2 semaphore(%run_scoped3A : memref<!tpu.dma_semaphore, #tpu.memory_space<semaphore_mem>>) src(%dma_wait3A_70 : memref<128xi32, #tpu.memory_space<hbm>>) dst(%arg15 : memref<128xi32, #tpu.memory_space<vmem>>)
        tpu.yield
      }) : () -> ()
      %dma_start3A = arith.constant 0 : i32
      %dma_start3A_63 = arith.constant 0 : i32
      %dma_start3A_64 = tpu.memref_slice %arg2[%dma_start3A, %dma_start3A_63] : memref<10000x128xf32, #tpu.memory_space<hbm>> -> memref<10000x128xf32, #tpu.memory_space<hbm>>
      tpu.enqueue_indirect_dma source(%dma_start3A_64 : memref<10000x128xf32, #tpu.memory_space<hbm>>) target(%arg16 : memref<128x128xf32, #tpu.memory_space<vmem>>) offsets(%arg14 : memref<128xi32, #tpu.memory_space<vmem>>) semaphore(%arg18 : memref<!tpu.dma_semaphore, #tpu.memory_space<semaphore_mem>>)
      %dma_wait3A = arith.constant 0 : i32
      %dma_wait3A_65 = arith.constant 0 : i32
      %dma_wait3A_66 = tpu.memref_slice %arg2[%dma_wait3A, %dma_wait3A_65] : memref<10000x128xf32, #tpu.memory_space<hbm>> -> memref<10000x128xf32, #tpu.memory_space<hbm>>
      tpu.wait_indirect_dma semaphore(%arg18 : memref<!tpu.dma_semaphore, #tpu.memory_space<semaphore_mem>>) src(%dma_wait3A_66 : memref<10000x128xf32, #tpu.memory_space<hbm>>) dst(%arg16 : memref<128x128xf32, #tpu.memory_space<vmem>>)
      "tpu.region"() ({
        %run_scoped3A = tpu.sem_alloc : memref<!tpu.dma_semaphore, #tpu.memory_space<semaphore_mem>>
        %dma_start3A_67 = arith.constant 0 : i32
        %dma_start3A_68 = arith.constant 0 : i32
        %dma_start3A_69 = tpu.memref_slice %arg17[%dma_start3A_67, %dma_start3A_68] : memref<5248x128xf32, #tpu.memory_space<vmem_shared>> -> memref<5248x128xf32, #tpu.memory_space<vmem_shared>>
        tpu.enqueue_indirect_dma source(%arg16 : memref<128x128xf32, #tpu.memory_space<vmem>>) target(%dma_start3A_69 : memref<5248x128xf32, #tpu.memory_space<vmem_shared>>) offsets(%arg15 : memref<128xi32, #tpu.memory_space<vmem>>) semaphore(%run_scoped3A : memref<!tpu.dma_semaphore, #tpu.memory_space<semaphore_mem>>) {add = true}
        %dma_wait3A_70 = arith.constant 0 : i32
        %dma_wait3A_71 = arith.constant 0 : i32
        %dma_wait3A_72 = tpu.memref_slice %arg17[%dma_wait3A_70, %dma_wait3A_71] : memref<5248x128xf32, #tpu.memory_space<vmem_shared>> -> memref<5248x128xf32, #tpu.memory_space<vmem_shared>>
        tpu.wait_indirect_dma semaphore(%run_scoped3A : memref<!tpu.dma_semaphore, #tpu.memory_space<semaphore_mem>>) src(%arg16 : memref<128x128xf32, #tpu.memory_space<vmem>>) dst(%dma_wait3A_72 : memref<5248x128xf32, #tpu.memory_space<vmem_shared>>)
        tpu.yield
      }) : () -> ()
      "tpu.region"() ({
        %run_scoped3A = tpu.sem_alloc : memref<!tpu.dma_semaphore, #tpu.memory_space<semaphore_mem>>
        %dma_start3A_67 = arith.constant 0 : i32
        %dma_start3A_68 = arith.constant 0 : i32
        %dma_start3A_69 = tpu.memref_slice %arg22[%dma_start3A_67, %dma_start3A_68] : memref<5248x16xf32, #tpu.memory_space<vmem_shared>> -> memref<5248x16xf32, #tpu.memory_space<vmem_shared>>
        tpu.enqueue_indirect_dma source(%arg20 : memref<128x16xf32, #tpu.memory_space<vmem>>) target(%dma_start3A_69 : memref<5248x16xf32, #tpu.memory_space<vmem_shared>>) offsets(%arg15 : memref<128xi32, #tpu.memory_space<vmem>>) semaphore(%run_scoped3A : memref<!tpu.dma_semaphore, #tpu.memory_space<semaphore_mem>>) {add = true}
        %dma_wait3A_70 = arith.constant 0 : i32
        %dma_wait3A_71 = arith.constant 0 : i32
        %dma_wait3A_72 = tpu.memref_slice %arg22[%dma_wait3A_70, %dma_wait3A_71] : memref<5248x16xf32, #tpu.memory_space<vmem_shared>> -> memref<5248x16xf32, #tpu.memory_space<vmem_shared>>
        tpu.wait_indirect_dma semaphore(%run_scoped3A : memref<!tpu.dma_semaphore, #tpu.memory_space<semaphore_mem>>) src(%arg20 : memref<128x16xf32, #tpu.memory_space<vmem>>) dst(%dma_wait3A_72 : memref<5248x16xf32, #tpu.memory_space<vmem_shared>>)
        tpu.yield
      }) : () -> ()
    }
    %while3A_24 = arith.constant 1 : i32
    scf.for %while3A_59 = %while3A_22 to %while3A_18 step %while3A_24  : i32 {
      %mul3A_60 = arith.constant 128 : i32
      %mul3A_61 = arith.muli %while3A_59, %mul3A_60 : i32
      %add3A_62 = arith.addi %add3A, %mul3A_61 : i32
      %multiple_of3A = tpu.assume_multiple %add3A_62, 128 : i32
      "tpu.region"() ({
        %run_scoped3A = tpu.sem_alloc : memref<!tpu.dma_semaphore, #tpu.memory_space<semaphore_mem>>
        %dma_start3A_67 = tpu.memref_slice %arg3[%multiple_of3A] : memref<336448xi32, #tpu.memory_space<hbm>> -> memref<128xi32, #tpu.memory_space<hbm>>
        %dma_start3A_68 = tpu.memref_slice %arg3[%multiple_of3A] : memref<336448xi32, #tpu.memory_space<hbm>> -> memref<128xi32, #tpu.memory_space<hbm>>
        tpu.enqueue_dma source(%dma_start3A_68 : memref<128xi32, #tpu.memory_space<hbm>>) target(%arg14 : memref<128xi32, #tpu.memory_space<vmem>>) target_semaphore(%run_scoped3A : memref<!tpu.dma_semaphore, #tpu.memory_space<semaphore_mem>>)
        %dma_wait3A_69 = tpu.memref_slice %arg3[%multiple_of3A] : memref<336448xi32, #tpu.memory_space<hbm>> -> memref<128xi32, #tpu.memory_space<hbm>>
        %dma_wait3A_70 = tpu.memref_slice %arg3[%multiple_of3A] : memref<336448xi32, #tpu.memory_space<hbm>> -> memref<128xi32, #tpu.memory_space<hbm>>
        tpu.wait_dma2 semaphore(%run_scoped3A : memref<!tpu.dma_semaphore, #tpu.memory_space<semaphore_mem>>) src(%dma_wait3A_70 : memref<128xi32, #tpu.memory_space<hbm>>) dst(%arg14 : memref<128xi32, #tpu.memory_space<vmem>>)
        tpu.yield
      }) : () -> ()
      "tpu.region"() ({
        %run_scoped3A = tpu.sem_alloc : memref<!tpu.dma_semaphore, #tpu.memory_space<semaphore_mem>>
        %dma_start3A_67 = tpu.memref_slice %arg4[%multiple_of3A] : memref<336448xi32, #tpu.memory_space<hbm>> -> memref<128xi32, #tpu.memory_space<hbm>>
        %dma_start3A_68 = tpu.memref_slice %arg4[%multiple_of3A] : memref<336448xi32, #tpu.memory_space<hbm>> -> memref<128xi32, #tpu.memory_space<hbm>>
        tpu.enqueue_dma source(%dma_start3A_68 : memref<128xi32, #tpu.memory_space<hbm>>) target(%arg15 : memref<128xi32, #tpu.memory_space<vmem>>) target_semaphore(%run_scoped3A : memref<!tpu.dma_semaphore, #tpu.memory_space<semaphore_mem>>)
        %dma_wait3A_69 = tpu.memref_slice %arg4[%multiple_of3A] : memref<336448xi32, #tpu.memory_space<hbm>> -> memref<128xi32, #tpu.memory_space<hbm>>
        %dma_wait3A_70 = tpu.memref_slice %arg4[%multiple_of3A] : memref<336448xi32, #tpu.memory_space<hbm>> -> memref<128xi32, #tpu.memory_space<hbm>>
        tpu.wait_dma2 semaphore(%run_scoped3A : memref<!tpu.dma_semaphore, #tpu.memory_space<semaphore_mem>>) src(%dma_wait3A_70 : memref<128xi32, #tpu.memory_space<hbm>>) dst(%arg15 : memref<128xi32, #tpu.memory_space<vmem>>)
        tpu.yield
      }) : () -> ()
      %dma_start3A = arith.constant 0 : i32
      %dma_start3A_63 = arith.constant 0 : i32
      %dma_start3A_64 = tpu.memref_slice %arg2[%dma_start3A, %dma_start3A_63] : memref<10000x128xf32, #tpu.memory_space<hbm>> -> memref<10000x128xf32, #tpu.memory_space<hbm>>
      tpu.enqueue_indirect_dma source(%dma_start3A_64 : memref<10000x128xf32, #tpu.memory_space<hbm>>) target(%arg16 : memref<128x128xf32, #tpu.memory_space<vmem>>) offsets(%arg14 : memref<128xi32, #tpu.memory_space<vmem>>) semaphore(%arg18 : memref<!tpu.dma_semaphore, #tpu.memory_space<semaphore_mem>>)
      %dma_wait3A = arith.constant 0 : i32
      %dma_wait3A_65 = arith.constant 0 : i32
      %dma_wait3A_66 = tpu.memref_slice %arg2[%dma_wait3A, %dma_wait3A_65] : memref<10000x128xf32, #tpu.memory_space<hbm>> -> memref<10000x128xf32, #tpu.memory_space<hbm>>
      tpu.wait_indirect_dma semaphore(%arg18 : memref<!tpu.dma_semaphore, #tpu.memory_space<semaphore_mem>>) src(%dma_wait3A_66 : memref<10000x128xf32, #tpu.memory_space<hbm>>) dst(%arg16 : memref<128x128xf32, #tpu.memory_space<vmem>>)
      "tpu.region"() ({
        %run_scoped3A = tpu.sem_alloc : memref<!tpu.dma_semaphore, #tpu.memory_space<semaphore_mem>>
        %dma_start3A_67 = arith.constant 0 : i32
        %dma_start3A_68 = arith.constant 0 : i32
        %dma_start3A_69 = tpu.memref_slice %arg17[%dma_start3A_67, %dma_start3A_68] : memref<5248x128xf32, #tpu.memory_space<vmem_shared>> -> memref<5248x128xf32, #tpu.memory_space<vmem_shared>>
        tpu.enqueue_indirect_dma source(%arg16 : memref<128x128xf32, #tpu.memory_space<vmem>>) target(%dma_start3A_69 : memref<5248x128xf32, #tpu.memory_space<vmem_shared>>) offsets(%arg15 : memref<128xi32, #tpu.memory_space<vmem>>) semaphore(%run_scoped3A : memref<!tpu.dma_semaphore, #tpu.memory_space<semaphore_mem>>) {add = true}
        %dma_wait3A_70 = arith.constant 0 : i32
        %dma_wait3A_71 = arith.constant 0 : i32
        %dma_wait3A_72 = tpu.memref_slice %arg17[%dma_wait3A_70, %dma_wait3A_71] : memref<5248x128xf32, #tpu.memory_space<vmem_shared>> -> memref<5248x128xf32, #tpu.memory_space<vmem_shared>>
        tpu.wait_indirect_dma semaphore(%run_scoped3A : memref<!tpu.dma_semaphore, #tpu.memory_space<semaphore_mem>>) src(%arg16 : memref<128x128xf32, #tpu.memory_space<vmem>>) dst(%dma_wait3A_72 : memref<5248x128xf32, #tpu.memory_space<vmem_shared>>)
        tpu.yield
      }) : () -> ()
      "tpu.region"() ({
        %run_scoped3A = tpu.sem_alloc : memref<!tpu.dma_semaphore, #tpu.memory_space<semaphore_mem>>
        %dma_start3A_67 = arith.constant 0 : i32
        %dma_start3A_68 = arith.constant 0 : i32
        %dma_start3A_69 = tpu.memref_slice %arg22[%dma_start3A_67, %dma_start3A_68] : memref<5248x16xf32, #tpu.memory_space<vmem_shared>> -> memref<5248x16xf32, #tpu.memory_space<vmem_shared>>
        tpu.enqueue_indirect_dma source(%arg20 : memref<128x16xf32, #tpu.memory_space<vmem>>) target(%dma_start3A_69 : memref<5248x16xf32, #tpu.memory_space<vmem_shared>>) offsets(%arg15 : memref<128xi32, #tpu.memory_space<vmem>>) semaphore(%run_scoped3A : memref<!tpu.dma_semaphore, #tpu.memory_space<semaphore_mem>>) {add = true}
        %dma_wait3A_70 = arith.constant 0 : i32
        %dma_wait3A_71 = arith.constant 0 : i32
        %dma_wait3A_72 = tpu.memref_slice %arg22[%dma_wait3A_70, %dma_wait3A_71] : memref<5248x16xf32, #tpu.memory_space<vmem_shared>> -> memref<5248x16xf32, #tpu.memory_space<vmem_shared>>
        tpu.wait_indirect_dma semaphore(%run_scoped3A : memref<!tpu.dma_semaphore, #tpu.memory_space<semaphore_mem>>) src(%arg20 : memref<128x16xf32, #tpu.memory_space<vmem>>) dst(%dma_wait3A_72 : memref<5248x16xf32, #tpu.memory_space<vmem_shared>>)
        tpu.yield
      }) : () -> ()
    }
    %eq3A_25 = arith.constant 0 : i32
    %eq3A_26 = arith.cmpi eq, %arg0, %eq3A_25 : i32
    %slice3A_27 = vector.extract_strided_slice %get3A_2 {offsets = [4], sizes = [1], strides = [1]} : vector<16xi32> to vector<1xi32>
    %squeeze3A_28 = vector.extract %slice3A_27[0] : i32 from vector<1xi32>
    %slice3A_29 = vector.extract_strided_slice %get3A_2 {offsets = [6], sizes = [1], strides = [1]} : vector<16xi32> to vector<1xi32>
    %squeeze3A_30 = vector.extract %slice3A_29[0] : i32 from vector<1xi32>
    %select_n3A_31 = arith.select %eq3A_26, %squeeze3A_28, %squeeze3A_30 : i32
    %eq3A_32 = arith.constant 0 : i32
    %eq3A_33 = arith.cmpi eq, %arg0, %eq3A_32 : i32
    %slice3A_34 = vector.extract_strided_slice %get3A_2 {offsets = [5], sizes = [1], strides = [1]} : vector<16xi32> to vector<1xi32>
    %squeeze3A_35 = vector.extract %slice3A_34[0] : i32 from vector<1xi32>
    %slice3A_36 = vector.extract_strided_slice %get3A_2 {offsets = [7], sizes = [1], strides = [1]} : vector<16xi32> to vector<1xi32>
    %squeeze3A_37 = vector.extract %slice3A_36[0] : i32 from vector<1xi32>
    %select_n3A_38 = arith.select %eq3A_33, %squeeze3A_35, %squeeze3A_37 : i32
    %mul3A_39 = arith.muli %arg1, %select_n3A_38 : i32
    %mul3A_40 = arith.constant 128 : i32
    %mul3A_41 = arith.muli %mul3A_39, %mul3A_40 : i32
    %add3A_42 = arith.addi %select_n3A_31, %mul3A_41 : i32
    %while3A_43 = arith.constant 0 : i32
    %while3A_44 = arith.constant 0 : i32
    %while3A_45 = arith.subi %select_n3A_38, %while3A_44 : i32
    %while3A_46 = arith.addi %while3A_44, %while3A_45 : i32
    %while3A_47 = arith.constant 1 : i32
    %while3A_48 = arith.divsi %while3A_45, %while3A_47 : i32
    %while3A_49 = arith.muli %while3A_48, %while3A_47 : i32
    %while3A_50 = arith.addi %while3A_44, %while3A_49 : i32
    %while3A_51 = arith.constant 1 : i32
    scf.for %while3A_59 = %while3A_44 to %while3A_50 step %while3A_51  : i32 {
      %mul3A_60 = arith.constant 128 : i32
      %mul3A_61 = arith.muli %while3A_59, %mul3A_60 : i32
      %add3A_62 = arith.addi %add3A_42, %mul3A_61 : i32
      %multiple_of3A = tpu.assume_multiple %add3A_62, 128 : i32
      "tpu.region"() ({
        %run_scoped3A = tpu.sem_alloc : memref<!tpu.dma_semaphore, #tpu.memory_space<semaphore_mem>>
        %dma_start3A = tpu.memref_slice %arg5[%multiple_of3A] : memref<336448xi32, #tpu.memory_space<hbm>> -> memref<128xi32, #tpu.memory_space<hbm>>
        %dma_start3A_63 = tpu.memref_slice %arg5[%multiple_of3A] : memref<336448xi32, #tpu.memory_space<hbm>> -> memref<128xi32, #tpu.memory_space<hbm>>
        tpu.enqueue_dma source(%dma_start3A_63 : memref<128xi32, #tpu.memory_space<hbm>>) target(%arg19 : memref<128xi32, #tpu.memory_space<vmem>>) target_semaphore(%run_scoped3A : memref<!tpu.dma_semaphore, #tpu.memory_space<semaphore_mem>>)
        %dma_wait3A = tpu.memref_slice %arg5[%multiple_of3A] : memref<336448xi32, #tpu.memory_space<hbm>> -> memref<128xi32, #tpu.memory_space<hbm>>
        %dma_wait3A_64 = tpu.memref_slice %arg5[%multiple_of3A] : memref<336448xi32, #tpu.memory_space<hbm>> -> memref<128xi32, #tpu.memory_space<hbm>>
        tpu.wait_dma2 semaphore(%run_scoped3A : memref<!tpu.dma_semaphore, #tpu.memory_space<semaphore_mem>>) src(%dma_wait3A_64 : memref<128xi32, #tpu.memory_space<hbm>>) dst(%arg19 : memref<128xi32, #tpu.memory_space<vmem>>)
        tpu.yield
      }) : () -> ()
      "tpu.region"() ({
        %run_scoped3A = tpu.sem_alloc : memref<!tpu.dma_semaphore, #tpu.memory_space<semaphore_mem>>
        %dma_start3A = arith.constant 0 : i32
        %dma_start3A_63 = arith.constant 0 : i32
        %dma_start3A_64 = tpu.memref_slice %arg22[%dma_start3A, %dma_start3A_63] : memref<5248x16xf32, #tpu.memory_space<vmem_shared>> -> memref<5248x16xf32, #tpu.memory_space<vmem_shared>>
        tpu.enqueue_indirect_dma source(%arg21 : memref<128x16xf32, #tpu.memory_space<vmem>>) target(%dma_start3A_64 : memref<5248x16xf32, #tpu.memory_space<vmem_shared>>) offsets(%arg19 : memref<128xi32, #tpu.memory_space<vmem>>) semaphore(%run_scoped3A : memref<!tpu.dma_semaphore, #tpu.memory_space<semaphore_mem>>) {add = true}
        %dma_wait3A = arith.constant 0 : i32
        %dma_wait3A_65 = arith.constant 0 : i32
        %dma_wait3A_66 = tpu.memref_slice %arg22[%dma_wait3A, %dma_wait3A_65] : memref<5248x16xf32, #tpu.memory_space<vmem_shared>> -> memref<5248x16xf32, #tpu.memory_space<vmem_shared>>
        tpu.wait_indirect_dma semaphore(%run_scoped3A : memref<!tpu.dma_semaphore, #tpu.memory_space<semaphore_mem>>) src(%arg21 : memref<128x16xf32, #tpu.memory_space<vmem>>) dst(%dma_wait3A_66 : memref<5248x16xf32, #tpu.memory_space<vmem_shared>>)
        tpu.yield
      }) : () -> ()
    }
    %while3A_52 = arith.constant 1 : i32
    scf.for %while3A_59 = %while3A_50 to %while3A_46 step %while3A_52  : i32 {
      %mul3A_60 = arith.constant 128 : i32
      %mul3A_61 = arith.muli %while3A_59, %mul3A_60 : i32
      %add3A_62 = arith.addi %add3A_42, %mul3A_61 : i32
      %multiple_of3A = tpu.assume_multiple %add3A_62, 128 : i32
      "tpu.region"() ({
        %run_scoped3A = tpu.sem_alloc : memref<!tpu.dma_semaphore, #tpu.memory_space<semaphore_mem>>
        %dma_start3A = tpu.memref_slice %arg5[%multiple_of3A] : memref<336448xi32, #tpu.memory_space<hbm>> -> memref<128xi32, #tpu.memory_space<hbm>>
        %dma_start3A_63 = tpu.memref_slice %arg5[%multiple_of3A] : memref<336448xi32, #tpu.memory_space<hbm>> -> memref<128xi32, #tpu.memory_space<hbm>>
        tpu.enqueue_dma source(%dma_start3A_63 : memref<128xi32, #tpu.memory_space<hbm>>) target(%arg19 : memref<128xi32, #tpu.memory_space<vmem>>) target_semaphore(%run_scoped3A : memref<!tpu.dma_semaphore, #tpu.memory_space<semaphore_mem>>)
        %dma_wait3A = tpu.memref_slice %arg5[%multiple_of3A] : memref<336448xi32, #tpu.memory_space<hbm>> -> memref<128xi32, #tpu.memory_space<hbm>>
        %dma_wait3A_64 = tpu.memref_slice %arg5[%multiple_of3A] : memref<336448xi32, #tpu.memory_space<hbm>> -> memref<128xi32, #tpu.memory_space<hbm>>
        tpu.wait_dma2 semaphore(%run_scoped3A : memref<!tpu.dma_semaphore, #tpu.memory_space<semaphore_mem>>) src(%dma_wait3A_64 : memref<128xi32, #tpu.memory_space<hbm>>) dst(%arg19 : memref<128xi32, #tpu.memory_space<vmem>>)
        tpu.yield
      }) : () -> ()
      "tpu.region"() ({
        %run_scoped3A = tpu.sem_alloc : memref<!tpu.dma_semaphore, #tpu.memory_space<semaphore_mem>>
        %dma_start3A = arith.constant 0 : i32
        %dma_start3A_63 = arith.constant 0 : i32
        %dma_start3A_64 = tpu.memref_slice %arg22[%dma_start3A, %dma_start3A_63] : memref<5248x16xf32, #tpu.memory_space<vmem_shared>> -> memref<5248x16xf32, #tpu.memory_space<vmem_shared>>
        tpu.enqueue_indirect_dma source(%arg21 : memref<128x16xf32, #tpu.memory_space<vmem>>) target(%dma_start3A_64 : memref<5248x16xf32, #tpu.memory_space<vmem_shared>>) offsets(%arg19 : memref<128xi32, #tpu.memory_space<vmem>>) semaphore(%run_scoped3A : memref<!tpu.dma_semaphore, #tpu.memory_space<semaphore_mem>>) {add = true}
        %dma_wait3A = arith.constant 0 : i32
        %dma_wait3A_65 = arith.constant 0 : i32
        %dma_wait3A_66 = tpu.memref_slice %arg22[%dma_wait3A, %dma_wait3A_65] : memref<5248x16xf32, #tpu.memory_space<vmem_shared>> -> memref<5248x16xf32, #tpu.memory_space<vmem_shared>>
        tpu.wait_indirect_dma semaphore(%run_scoped3A : memref<!tpu.dma_semaphore, #tpu.memory_space<semaphore_mem>>) src(%arg21 : memref<128x16xf32, #tpu.memory_space<vmem>>) dst(%dma_wait3A_66 : memref<5248x16xf32, #tpu.memory_space<vmem_shared>>)
        tpu.yield
      }) : () -> ()
    }
    %barrier3A_53 = arith.constant 0 : index
    tpu.barrier barrier_id(%barrier3A_53)
    %mul3A_54 = arith.constant 320 : i32
    %mul3A_55 = arith.muli %arg1, %mul3A_54 : i32
    %mul3A_56 = arith.constant 5120 : i32
    %mul3A_57 = arith.muli %arg0, %mul3A_56 : i32
    %add3A_58 = arith.addi %mul3A_57, %mul3A_55 : i32
    "tpu.region"() ({
      %run_scoped3A = tpu.sem_alloc : memref<!tpu.dma_semaphore, #tpu.memory_space<semaphore_mem>>
      %dma_start3A = arith.constant 0 : i32
      %dma_start3A_59 = tpu.memref_slice %arg11[%add3A_58, %dma_start3A] : memref<10240x128xf32, #tpu.memory_space<hbm>> -> memref<320x128xf32, #tpu.memory_space<hbm>>
      %dma_start3A_60 = arith.constant 0 : i32
      %dma_start3A_61 = tpu.memref_slice %arg17[%mul3A_55, %dma_start3A_60] : memref<5248x128xf32, #tpu.memory_space<vmem_shared>> -> memref<320x128xf32, #tpu.memory_space<vmem_shared>>
      tpu.enqueue_dma source(%dma_start3A_61 : memref<320x128xf32, #tpu.memory_space<vmem_shared>>) target(%dma_start3A_59 : memref<320x128xf32, #tpu.memory_space<hbm>>) target_semaphore(%run_scoped3A : memref<!tpu.dma_semaphore, #tpu.memory_space<semaphore_mem>>)
      %dma_wait3A = arith.constant 0 : i32
      %dma_wait3A_62 = tpu.memref_slice %arg11[%add3A_58, %dma_wait3A] : memref<10240x128xf32, #tpu.memory_space<hbm>> -> memref<320x128xf32, #tpu.memory_space<hbm>>
      %dma_wait3A_63 = arith.constant 0 : i32
      %dma_wait3A_64 = tpu.memref_slice %arg17[%mul3A_55, %dma_wait3A_63] : memref<5248x128xf32, #tpu.memory_space<vmem_shared>> -> memref<320x128xf32, #tpu.memory_space<vmem_shared>>
      tpu.wait_dma2 semaphore(%run_scoped3A : memref<!tpu.dma_semaphore, #tpu.memory_space<semaphore_mem>>) src(%dma_wait3A_64 : memref<320x128xf32, #tpu.memory_space<vmem_shared>>) dst(%dma_wait3A_62 : memref<320x128xf32, #tpu.memory_space<hbm>>)
      tpu.yield
    }) : () -> ()
    "tpu.region"() ({
      %run_scoped3A = tpu.sem_alloc : memref<!tpu.dma_semaphore, #tpu.memory_space<semaphore_mem>>
      %dma_start3A = arith.constant 0 : i32
      %dma_start3A_59 = tpu.memref_slice %arg12[%add3A_58, %dma_start3A] : memref<10240x16xf32, #tpu.memory_space<hbm>> -> memref<320x16xf32, #tpu.memory_space<hbm>>
      %dma_start3A_60 = arith.constant 0 : i32
      %dma_start3A_61 = tpu.memref_slice %arg22[%mul3A_55, %dma_start3A_60] : memref<5248x16xf32, #tpu.memory_space<vmem_shared>> -> memref<320x16xf32, #tpu.memory_space<vmem_shared>>
      tpu.enqueue_dma source(%dma_start3A_61 : memref<320x16xf32, #tpu.memory_space<vmem_shared>>) target(%dma_start3A_59 : memref<320x16xf32, #tpu.memory_space<hbm>>) target_semaphore(%run_scoped3A : memref<!tpu.dma_semaphore, #tpu.memory_space<semaphore_mem>>)
      %dma_wait3A = arith.constant 0 : i32
      %dma_wait3A_62 = tpu.memref_slice %arg12[%add3A_58, %dma_wait3A] : memref<10240x16xf32, #tpu.memory_space<hbm>> -> memref<320x16xf32, #tpu.memory_space<hbm>>
      %dma_wait3A_63 = arith.constant 0 : i32
      %dma_wait3A_64 = tpu.memref_slice %arg22[%mul3A_55, %dma_wait3A_63] : memref<5248x16xf32, #tpu.memory_space<vmem_shared>> -> memref<320x16xf32, #tpu.memory_space<vmem_shared>>
      tpu.wait_dma2 semaphore(%run_scoped3A : memref<!tpu.dma_semaphore, #tpu.memory_space<semaphore_mem>>) src(%dma_wait3A_64 : memref<320x16xf32, #tpu.memory_space<vmem_shared>>) dst(%dma_wait3A_62 : memref<320x16xf32, #tpu.memory_space<hbm>>)
      tpu.yield
    }) : () -> ()
    return
  }
}

#map = affine_map<(d0, d1) -> (0, 0)>
#map1 = affine_map<(d0, d1) -> (0)>
module attributes {stable_mosaic.version = 14 : i64} {
  func.func @body(%arg0: i32, %arg1: i32, %arg2: memref<10000x128xf32, #tpu.memory_space<hbm>>, %arg3: memref<336448xi32, #tpu.memory_space<hbm>>, %arg4: memref<336448xi32, #tpu.memory_space<hbm>>, %arg5: memref<16xi32, #tpu.memory_space<hbm>>, %arg6: memref<328x128xf32, #tpu.memory_space<hbm>>, %arg7: memref<10240x128xf32, #tpu.memory_space<hbm>>, %arg8: memref<16xi32, #tpu.memory_space<vmem>>, %arg9: memref<128xi32, #tpu.memory_space<vmem>>, %arg10: memref<128xi32, #tpu.memory_space<vmem>>, %arg11: memref<128x128xf32, #tpu.memory_space<vmem>>, %arg12: memref<5248x128xf32, #tpu.memory_space<vmem_shared>>, %arg13: memref<!tpu.dma_semaphore, #tpu.memory_space<semaphore_mem>>) attributes {dimension_semantics = [#tpu.dimension_semantics<core_parallel>, #tpu.dimension_semantics<subcore_parallel>], iteration_bounds = array<i64: 2, 16>, scalar_prefetch = 0 : i64, scratch_operands = 6 : i64, tpu.core_type = #tpu.core_type<sc_vector_subcore>, window_params = [{transform_indices = #map}, {transform_indices = #map1}, {transform_indices = #map1}, {transform_indices = #map1}, {transform_indices = #map}, {transform_indices = #map}]} {
    %mul3A = arith.constant 328 : i32
    %mul3A_0 = arith.muli %arg1, %mul3A : i32
    "tpu.region"() ({
      %run_scoped3A = tpu.sem_alloc : memref<!tpu.dma_semaphore, #tpu.memory_space<semaphore_mem>>
      %dma_start3A = arith.constant 0 : i32
      %dma_start3A_31 = tpu.memref_slice %arg12[%mul3A_0, %dma_start3A] : memref<5248x128xf32, #tpu.memory_space<vmem_shared>> -> memref<328x128xf32, #tpu.memory_space<vmem_shared>>
      tpu.enqueue_dma source(%arg6 : memref<328x128xf32, #tpu.memory_space<hbm>>) target(%dma_start3A_31 : memref<328x128xf32, #tpu.memory_space<vmem_shared>>) target_semaphore(%run_scoped3A : memref<!tpu.dma_semaphore, #tpu.memory_space<semaphore_mem>>)
      %dma_wait3A = arith.constant 0 : i32
      %dma_wait3A_32 = tpu.memref_slice %arg12[%mul3A_0, %dma_wait3A] : memref<5248x128xf32, #tpu.memory_space<vmem_shared>> -> memref<328x128xf32, #tpu.memory_space<vmem_shared>>
      tpu.wait_dma2 semaphore(%run_scoped3A : memref<!tpu.dma_semaphore, #tpu.memory_space<semaphore_mem>>) src(%arg6 : memref<328x128xf32, #tpu.memory_space<hbm>>) dst(%dma_wait3A_32 : memref<328x128xf32, #tpu.memory_space<vmem_shared>>)
      tpu.yield
    }) : () -> ()
    "tpu.region"() ({
      %run_scoped3A = tpu.sem_alloc : memref<!tpu.dma_semaphore, #tpu.memory_space<semaphore_mem>>
      tpu.enqueue_dma source(%arg5 : memref<16xi32, #tpu.memory_space<hbm>>) target(%arg8 : memref<16xi32, #tpu.memory_space<vmem>>) target_semaphore(%run_scoped3A : memref<!tpu.dma_semaphore, #tpu.memory_space<semaphore_mem>>)
      tpu.wait_dma2 semaphore(%run_scoped3A : memref<!tpu.dma_semaphore, #tpu.memory_space<semaphore_mem>>) src(%arg5 : memref<16xi32, #tpu.memory_space<hbm>>) dst(%arg8 : memref<16xi32, #tpu.memory_space<vmem>>)
      tpu.yield
    }) : () -> ()
    %barrier3A = arith.constant 0 : index
    tpu.barrier barrier_id(%barrier3A)
    %get3A = arith.constant 0 : index
    %get3A_1 = tpu.vector_load %arg8[%get3A] {strides = array<i32>} : memref<16xi32, #tpu.memory_space<vmem>>, vector<16xi32>,
    %get3A_2 = vector.shape_cast %get3A_1 : vector<16xi32> to vector<16xi32>
    %eq3A = arith.constant 0 : i32
    %eq3A_3 = arith.cmpi eq, %arg0, %eq3A : i32
    %slice3A = vector.extract_strided_slice %get3A_2 {offsets = [0], sizes = [1], strides = [1]} : vector<16xi32> to vector<1xi32>
    %squeeze3A = vector.extract %slice3A[0] : i32 from vector<1xi32>
    %slice3A_4 = vector.extract_strided_slice %get3A_2 {offsets = [2], sizes = [1], strides = [1]} : vector<16xi32> to vector<1xi32>
    %squeeze3A_5 = vector.extract %slice3A_4[0] : i32 from vector<1xi32>
    %select_n3A = arith.select %eq3A_3, %squeeze3A, %squeeze3A_5 : i32
    %eq3A_6 = arith.constant 0 : i32
    %eq3A_7 = arith.cmpi eq, %arg0, %eq3A_6 : i32
    %slice3A_8 = vector.extract_strided_slice %get3A_2 {offsets = [1], sizes = [1], strides = [1]} : vector<16xi32> to vector<1xi32>
    %squeeze3A_9 = vector.extract %slice3A_8[0] : i32 from vector<1xi32>
    %slice3A_10 = vector.extract_strided_slice %get3A_2 {offsets = [3], sizes = [1], strides = [1]} : vector<16xi32> to vector<1xi32>
    %squeeze3A_11 = vector.extract %slice3A_10[0] : i32 from vector<1xi32>
    %select_n3A_12 = arith.select %eq3A_7, %squeeze3A_9, %squeeze3A_11 : i32
    %mul3A_13 = arith.muli %arg1, %select_n3A_12 : i32
    %mul3A_14 = arith.constant 128 : i32
    %mul3A_15 = arith.muli %mul3A_13, %mul3A_14 : i32
    %add3A = arith.addi %select_n3A, %mul3A_15 : i32
    %while3A = arith.constant 0 : i32
    %while3A_16 = arith.constant 0 : i32
    %while3A_17 = arith.subi %select_n3A_12, %while3A_16 : i32
    %while3A_18 = arith.addi %while3A_16, %while3A_17 : i32
    %while3A_19 = arith.constant 1 : i32
    %while3A_20 = arith.divsi %while3A_17, %while3A_19 : i32
    %while3A_21 = arith.muli %while3A_20, %while3A_19 : i32
    %while3A_22 = arith.addi %while3A_16, %while3A_21 : i32
    %while3A_23 = arith.constant 1 : i32
    scf.for %while3A_31 = %while3A_16 to %while3A_22 step %while3A_23  : i32 {
      %mul3A_32 = arith.constant 128 : i32
      %mul3A_33 = arith.muli %while3A_31, %mul3A_32 : i32
      %add3A_34 = arith.addi %add3A, %mul3A_33 : i32
      %multiple_of3A = tpu.assume_multiple %add3A_34, 128 : i32
      "tpu.region"() ({
        %run_scoped3A = tpu.sem_alloc : memref<!tpu.dma_semaphore, #tpu.memory_space<semaphore_mem>>
        %dma_start3A_39 = tpu.memref_slice %arg3[%multiple_of3A] : memref<336448xi32, #tpu.memory_space<hbm>> -> memref<128xi32, #tpu.memory_space<hbm>>
        %dma_start3A_40 = tpu.memref_slice %arg3[%multiple_of3A] : memref<336448xi32, #tpu.memory_space<hbm>> -> memref<128xi32, #tpu.memory_space<hbm>>
        tpu.enqueue_dma source(%dma_start3A_40 : memref<128xi32, #tpu.memory_space<hbm>>) target(%arg9 : memref<128xi32, #tpu.memory_space<vmem>>) target_semaphore(%run_scoped3A : memref<!tpu.dma_semaphore, #tpu.memory_space<semaphore_mem>>)
        %dma_wait3A_41 = tpu.memref_slice %arg3[%multiple_of3A] : memref<336448xi32, #tpu.memory_space<hbm>> -> memref<128xi32, #tpu.memory_space<hbm>>
        %dma_wait3A_42 = tpu.memref_slice %arg3[%multiple_of3A] : memref<336448xi32, #tpu.memory_space<hbm>> -> memref<128xi32, #tpu.memory_space<hbm>>
        tpu.wait_dma2 semaphore(%run_scoped3A : memref<!tpu.dma_semaphore, #tpu.memory_space<semaphore_mem>>) src(%dma_wait3A_42 : memref<128xi32, #tpu.memory_space<hbm>>) dst(%arg9 : memref<128xi32, #tpu.memory_space<vmem>>)
        tpu.yield
      }) : () -> ()
      "tpu.region"() ({
        %run_scoped3A = tpu.sem_alloc : memref<!tpu.dma_semaphore, #tpu.memory_space<semaphore_mem>>
        %dma_start3A_39 = tpu.memref_slice %arg4[%multiple_of3A] : memref<336448xi32, #tpu.memory_space<hbm>> -> memref<128xi32, #tpu.memory_space<hbm>>
        %dma_start3A_40 = tpu.memref_slice %arg4[%multiple_of3A] : memref<336448xi32, #tpu.memory_space<hbm>> -> memref<128xi32, #tpu.memory_space<hbm>>
        tpu.enqueue_dma source(%dma_start3A_40 : memref<128xi32, #tpu.memory_space<hbm>>) target(%arg10 : memref<128xi32, #tpu.memory_space<vmem>>) target_semaphore(%run_scoped3A : memref<!tpu.dma_semaphore, #tpu.memory_space<semaphore_mem>>)
        %dma_wait3A_41 = tpu.memref_slice %arg4[%multiple_of3A] : memref<336448xi32, #tpu.memory_space<hbm>> -> memref<128xi32, #tpu.memory_space<hbm>>
        %dma_wait3A_42 = tpu.memref_slice %arg4[%multiple_of3A] : memref<336448xi32, #tpu.memory_space<hbm>> -> memref<128xi32, #tpu.memory_space<hbm>>
        tpu.wait_dma2 semaphore(%run_scoped3A : memref<!tpu.dma_semaphore, #tpu.memory_space<semaphore_mem>>) src(%dma_wait3A_42 : memref<128xi32, #tpu.memory_space<hbm>>) dst(%arg10 : memref<128xi32, #tpu.memory_space<vmem>>)
        tpu.yield
      }) : () -> ()
      %dma_start3A = arith.constant 0 : i32
      %dma_start3A_35 = arith.constant 0 : i32
      %dma_start3A_36 = tpu.memref_slice %arg2[%dma_start3A, %dma_start3A_35] : memref<10000x128xf32, #tpu.memory_space<hbm>> -> memref<10000x128xf32, #tpu.memory_space<hbm>>
      tpu.enqueue_indirect_dma source(%dma_start3A_36 : memref<10000x128xf32, #tpu.memory_space<hbm>>) target(%arg11 : memref<128x128xf32, #tpu.memory_space<vmem>>) offsets(%arg9 : memref<128xi32, #tpu.memory_space<vmem>>) semaphore(%arg13 : memref<!tpu.dma_semaphore, #tpu.memory_space<semaphore_mem>>)
      %dma_wait3A = arith.constant 0 : i32
      %dma_wait3A_37 = arith.constant 0 : i32
      %dma_wait3A_38 = tpu.memref_slice %arg2[%dma_wait3A, %dma_wait3A_37] : memref<10000x128xf32, #tpu.memory_space<hbm>> -> memref<10000x128xf32, #tpu.memory_space<hbm>>
      tpu.wait_indirect_dma semaphore(%arg13 : memref<!tpu.dma_semaphore, #tpu.memory_space<semaphore_mem>>) src(%dma_wait3A_38 : memref<10000x128xf32, #tpu.memory_space<hbm>>) dst(%arg11 : memref<128x128xf32, #tpu.memory_space<vmem>>)
      "tpu.region"() ({
        %run_scoped3A = tpu.sem_alloc : memref<!tpu.dma_semaphore, #tpu.memory_space<semaphore_mem>>
        %dma_start3A_39 = arith.constant 0 : i32
        %dma_start3A_40 = arith.constant 0 : i32
        %dma_start3A_41 = tpu.memref_slice %arg12[%dma_start3A_39, %dma_start3A_40] : memref<5248x128xf32, #tpu.memory_space<vmem_shared>> -> memref<5248x128xf32, #tpu.memory_space<vmem_shared>>
        tpu.enqueue_indirect_dma source(%arg11 : memref<128x128xf32, #tpu.memory_space<vmem>>) target(%dma_start3A_41 : memref<5248x128xf32, #tpu.memory_space<vmem_shared>>) offsets(%arg10 : memref<128xi32, #tpu.memory_space<vmem>>) semaphore(%run_scoped3A : memref<!tpu.dma_semaphore, #tpu.memory_space<semaphore_mem>>) {add = true}
        %dma_wait3A_42 = arith.constant 0 : i32
        %dma_wait3A_43 = arith.constant 0 : i32
        %dma_wait3A_44 = tpu.memref_slice %arg12[%dma_wait3A_42, %dma_wait3A_43] : memref<5248x128xf32, #tpu.memory_space<vmem_shared>> -> memref<5248x128xf32, #tpu.memory_space<vmem_shared>>
        tpu.wait_indirect_dma semaphore(%run_scoped3A : memref<!tpu.dma_semaphore, #tpu.memory_space<semaphore_mem>>) src(%arg11 : memref<128x128xf32, #tpu.memory_space<vmem>>) dst(%dma_wait3A_44 : memref<5248x128xf32, #tpu.memory_space<vmem_shared>>)
        tpu.yield
      }) : () -> ()
    }
    %while3A_24 = arith.constant 1 : i32
    scf.for %while3A_31 = %while3A_22 to %while3A_18 step %while3A_24  : i32 {
      %mul3A_32 = arith.constant 128 : i32
      %mul3A_33 = arith.muli %while3A_31, %mul3A_32 : i32
      %add3A_34 = arith.addi %add3A, %mul3A_33 : i32
      %multiple_of3A = tpu.assume_multiple %add3A_34, 128 : i32
      "tpu.region"() ({
        %run_scoped3A = tpu.sem_alloc : memref<!tpu.dma_semaphore, #tpu.memory_space<semaphore_mem>>
        %dma_start3A_39 = tpu.memref_slice %arg3[%multiple_of3A] : memref<336448xi32, #tpu.memory_space<hbm>> -> memref<128xi32, #tpu.memory_space<hbm>>
        %dma_start3A_40 = tpu.memref_slice %arg3[%multiple_of3A] : memref<336448xi32, #tpu.memory_space<hbm>> -> memref<128xi32, #tpu.memory_space<hbm>>
        tpu.enqueue_dma source(%dma_start3A_40 : memref<128xi32, #tpu.memory_space<hbm>>) target(%arg9 : memref<128xi32, #tpu.memory_space<vmem>>) target_semaphore(%run_scoped3A : memref<!tpu.dma_semaphore, #tpu.memory_space<semaphore_mem>>)
        %dma_wait3A_41 = tpu.memref_slice %arg3[%multiple_of3A] : memref<336448xi32, #tpu.memory_space<hbm>> -> memref<128xi32, #tpu.memory_space<hbm>>
        %dma_wait3A_42 = tpu.memref_slice %arg3[%multiple_of3A] : memref<336448xi32, #tpu.memory_space<hbm>> -> memref<128xi32, #tpu.memory_space<hbm>>
        tpu.wait_dma2 semaphore(%run_scoped3A : memref<!tpu.dma_semaphore, #tpu.memory_space<semaphore_mem>>) src(%dma_wait3A_42 : memref<128xi32, #tpu.memory_space<hbm>>) dst(%arg9 : memref<128xi32, #tpu.memory_space<vmem>>)
        tpu.yield
      }) : () -> ()
      "tpu.region"() ({
        %run_scoped3A = tpu.sem_alloc : memref<!tpu.dma_semaphore, #tpu.memory_space<semaphore_mem>>
        %dma_start3A_39 = tpu.memref_slice %arg4[%multiple_of3A] : memref<336448xi32, #tpu.memory_space<hbm>> -> memref<128xi32, #tpu.memory_space<hbm>>
        %dma_start3A_40 = tpu.memref_slice %arg4[%multiple_of3A] : memref<336448xi32, #tpu.memory_space<hbm>> -> memref<128xi32, #tpu.memory_space<hbm>>
        tpu.enqueue_dma source(%dma_start3A_40 : memref<128xi32, #tpu.memory_space<hbm>>) target(%arg10 : memref<128xi32, #tpu.memory_space<vmem>>) target_semaphore(%run_scoped3A : memref<!tpu.dma_semaphore, #tpu.memory_space<semaphore_mem>>)
        %dma_wait3A_41 = tpu.memref_slice %arg4[%multiple_of3A] : memref<336448xi32, #tpu.memory_space<hbm>> -> memref<128xi32, #tpu.memory_space<hbm>>
        %dma_wait3A_42 = tpu.memref_slice %arg4[%multiple_of3A] : memref<336448xi32, #tpu.memory_space<hbm>> -> memref<128xi32, #tpu.memory_space<hbm>>
        tpu.wait_dma2 semaphore(%run_scoped3A : memref<!tpu.dma_semaphore, #tpu.memory_space<semaphore_mem>>) src(%dma_wait3A_42 : memref<128xi32, #tpu.memory_space<hbm>>) dst(%arg10 : memref<128xi32, #tpu.memory_space<vmem>>)
        tpu.yield
      }) : () -> ()
      %dma_start3A = arith.constant 0 : i32
      %dma_start3A_35 = arith.constant 0 : i32
      %dma_start3A_36 = tpu.memref_slice %arg2[%dma_start3A, %dma_start3A_35] : memref<10000x128xf32, #tpu.memory_space<hbm>> -> memref<10000x128xf32, #tpu.memory_space<hbm>>
      tpu.enqueue_indirect_dma source(%dma_start3A_36 : memref<10000x128xf32, #tpu.memory_space<hbm>>) target(%arg11 : memref<128x128xf32, #tpu.memory_space<vmem>>) offsets(%arg9 : memref<128xi32, #tpu.memory_space<vmem>>) semaphore(%arg13 : memref<!tpu.dma_semaphore, #tpu.memory_space<semaphore_mem>>)
      %dma_wait3A = arith.constant 0 : i32
      %dma_wait3A_37 = arith.constant 0 : i32
      %dma_wait3A_38 = tpu.memref_slice %arg2[%dma_wait3A, %dma_wait3A_37] : memref<10000x128xf32, #tpu.memory_space<hbm>> -> memref<10000x128xf32, #tpu.memory_space<hbm>>
      tpu.wait_indirect_dma semaphore(%arg13 : memref<!tpu.dma_semaphore, #tpu.memory_space<semaphore_mem>>) src(%dma_wait3A_38 : memref<10000x128xf32, #tpu.memory_space<hbm>>) dst(%arg11 : memref<128x128xf32, #tpu.memory_space<vmem>>)
      "tpu.region"() ({
        %run_scoped3A = tpu.sem_alloc : memref<!tpu.dma_semaphore, #tpu.memory_space<semaphore_mem>>
        %dma_start3A_39 = arith.constant 0 : i32
        %dma_start3A_40 = arith.constant 0 : i32
        %dma_start3A_41 = tpu.memref_slice %arg12[%dma_start3A_39, %dma_start3A_40] : memref<5248x128xf32, #tpu.memory_space<vmem_shared>> -> memref<5248x128xf32, #tpu.memory_space<vmem_shared>>
        tpu.enqueue_indirect_dma source(%arg11 : memref<128x128xf32, #tpu.memory_space<vmem>>) target(%dma_start3A_41 : memref<5248x128xf32, #tpu.memory_space<vmem_shared>>) offsets(%arg10 : memref<128xi32, #tpu.memory_space<vmem>>) semaphore(%run_scoped3A : memref<!tpu.dma_semaphore, #tpu.memory_space<semaphore_mem>>) {add = true}
        %dma_wait3A_42 = arith.constant 0 : i32
        %dma_wait3A_43 = arith.constant 0 : i32
        %dma_wait3A_44 = tpu.memref_slice %arg12[%dma_wait3A_42, %dma_wait3A_43] : memref<5248x128xf32, #tpu.memory_space<vmem_shared>> -> memref<5248x128xf32, #tpu.memory_space<vmem_shared>>
        tpu.wait_indirect_dma semaphore(%run_scoped3A : memref<!tpu.dma_semaphore, #tpu.memory_space<semaphore_mem>>) src(%arg11 : memref<128x128xf32, #tpu.memory_space<vmem>>) dst(%dma_wait3A_44 : memref<5248x128xf32, #tpu.memory_space<vmem_shared>>)
        tpu.yield
      }) : () -> ()
    }
    %barrier3A_25 = arith.constant 0 : index
    tpu.barrier barrier_id(%barrier3A_25)
    %mul3A_26 = arith.constant 320 : i32
    %mul3A_27 = arith.muli %arg1, %mul3A_26 : i32
    %mul3A_28 = arith.constant 5120 : i32
    %mul3A_29 = arith.muli %arg0, %mul3A_28 : i32
    %add3A_30 = arith.addi %mul3A_29, %mul3A_27 : i32
    "tpu.region"() ({
      %run_scoped3A = tpu.sem_alloc : memref<!tpu.dma_semaphore, #tpu.memory_space<semaphore_mem>>
      %dma_start3A = arith.constant 0 : i32
      %dma_start3A_31 = tpu.memref_slice %arg7[%add3A_30, %dma_start3A] : memref<10240x128xf32, #tpu.memory_space<hbm>> -> memref<320x128xf32, #tpu.memory_space<hbm>>
      %dma_start3A_32 = arith.constant 0 : i32
      %dma_start3A_33 = tpu.memref_slice %arg12[%mul3A_27, %dma_start3A_32] : memref<5248x128xf32, #tpu.memory_space<vmem_shared>> -> memref<320x128xf32, #tpu.memory_space<vmem_shared>>
      tpu.enqueue_dma source(%dma_start3A_33 : memref<320x128xf32, #tpu.memory_space<vmem_shared>>) target(%dma_start3A_31 : memref<320x128xf32, #tpu.memory_space<hbm>>) target_semaphore(%run_scoped3A : memref<!tpu.dma_semaphore, #tpu.memory_space<semaphore_mem>>)
      %dma_wait3A = arith.constant 0 : i32
      %dma_wait3A_34 = tpu.memref_slice %arg7[%add3A_30, %dma_wait3A] : memref<10240x128xf32, #tpu.memory_space<hbm>> -> memref<320x128xf32, #tpu.memory_space<hbm>>
      %dma_wait3A_35 = arith.constant 0 : i32
      %dma_wait3A_36 = tpu.memref_slice %arg12[%mul3A_27, %dma_wait3A_35] : memref<5248x128xf32, #tpu.memory_space<vmem_shared>> -> memref<320x128xf32, #tpu.memory_space<vmem_shared>>
      tpu.wait_dma2 semaphore(%run_scoped3A : memref<!tpu.dma_semaphore, #tpu.memory_space<semaphore_mem>>) src(%dma_wait3A_36 : memref<320x128xf32, #tpu.memory_space<vmem_shared>>) dst(%dma_wait3A_34 : memref<320x128xf32, #tpu.memory_space<hbm>>)
      tpu.yield
    }) : () -> ()
    return
  }
}

#map = affine_map<(d0, d1) -> (0, 0)>
#map1 = affine_map<(d0, d1) -> (0)>
module attributes {stable_mosaic.version = 14 : i64} {
  func.func @body(%arg0: i32, %arg1: i32, %arg2: memref<10000x128xf32, #tpu.memory_space<hbm>>, %arg3: memref<336448xi32, #tpu.memory_space<hbm>>, %arg4: memref<336448xi32, #tpu.memory_space<hbm>>, %arg5: memref<336448xi32, #tpu.memory_space<hbm>>, %arg6: memref<16xi32, #tpu.memory_space<hbm>>, %arg7: memref<328x128xf32, #tpu.memory_space<hbm>>, %arg8: memref<328x16xf32, #tpu.memory_space<hbm>>, %arg9: memref<128x16xf32, #tpu.memory_space<hbm>>, %arg10: memref<128x16xf32, #tpu.memory_space<hbm>>, %arg11: memref<10240x128xf32, #tpu.memory_space<hbm>>, %arg12: memref<10240x16xf32, #tpu.memory_space<hbm>>, %arg13: memref<16xi32, #tpu.memory_space<vmem>>, %arg14: memref<128xi32, #tpu.memory_space<vmem>>, %arg15: memref<128xi32, #tpu.memory_space<vmem>>, %arg16: memref<128x128xf32, #tpu.memory_space<vmem>>, %arg17: memref<5248x128xf32, #tpu.memory_space<vmem_shared>>, %arg18: memref<!tpu.dma_semaphore, #tpu.memory_space<semaphore_mem>>, %arg19: memref<128xi32, #tpu.memory_space<vmem>>, %arg20: memref<128x16xf32, #tpu.memory_space<vmem>>, %arg21: memref<128x16xf32, #tpu.memory_space<vmem>>, %arg22: memref<5248x16xf32, #tpu.memory_space<vmem_shared>>) attributes {dimension_semantics = [#tpu.dimension_semantics<core_parallel>, #tpu.dimension_semantics<subcore_parallel>], iteration_bounds = array<i64: 2, 16>, scalar_prefetch = 0 : i64, scratch_operands = 10 : i64, tpu.core_type = #tpu.core_type<sc_vector_subcore>, window_params = [{transform_indices = #map}, {transform_indices = #map1}, {transform_indices = #map1}, {transform_indices = #map1}, {transform_indices = #map1}, {transform_indices = #map}, {transform_indices = #map}, {transform_indices = #map}, {transform_indices = #map}, {transform_indices = #map}, {transform_indices = #map}]} {
    %mul3A = arith.constant 328 : i32
    %mul3A_0 = arith.muli %arg1, %mul3A : i32
    "tpu.region"() ({
      %run_scoped3A = tpu.sem_alloc : memref<!tpu.dma_semaphore, #tpu.memory_space<semaphore_mem>>
      %dma_start3A = arith.constant 0 : i32
      %dma_start3A_59 = tpu.memref_slice %arg17[%mul3A_0, %dma_start3A] : memref<5248x128xf32, #tpu.memory_space<vmem_shared>> -> memref<328x128xf32, #tpu.memory_space<vmem_shared>>
      tpu.enqueue_dma source(%arg7 : memref<328x128xf32, #tpu.memory_space<hbm>>) target(%dma_start3A_59 : memref<328x128xf32, #tpu.memory_space<vmem_shared>>) target_semaphore(%run_scoped3A : memref<!tpu.dma_semaphore, #tpu.memory_space<semaphore_mem>>)
      %dma_wait3A = arith.constant 0 : i32
      %dma_wait3A_60 = tpu.memref_slice %arg17[%mul3A_0, %dma_wait3A] : memref<5248x128xf32, #tpu.memory_space<vmem_shared>> -> memref<328x128xf32, #tpu.memory_space<vmem_shared>>
      tpu.wait_dma2 semaphore(%run_scoped3A : memref<!tpu.dma_semaphore, #tpu.memory_space<semaphore_mem>>) src(%arg7 : memref<328x128xf32, #tpu.memory_space<hbm>>) dst(%dma_wait3A_60 : memref<328x128xf32, #tpu.memory_space<vmem_shared>>)
      tpu.yield
    }) : () -> ()
    "tpu.region"() ({
      %run_scoped3A = tpu.sem_alloc : memref<!tpu.dma_semaphore, #tpu.memory_space<semaphore_mem>>
      %dma_start3A = arith.constant 0 : i32
      %dma_start3A_59 = tpu.memref_slice %arg22[%mul3A_0, %dma_start3A] : memref<5248x16xf32, #tpu.memory_space<vmem_shared>> -> memref<328x16xf32, #tpu.memory_space<vmem_shared>>
      tpu.enqueue_dma source(%arg8 : memref<328x16xf32, #tpu.memory_space<hbm>>) target(%dma_start3A_59 : memref<328x16xf32, #tpu.memory_space<vmem_shared>>) target_semaphore(%run_scoped3A : memref<!tpu.dma_semaphore, #tpu.memory_space<semaphore_mem>>)
      %dma_wait3A = arith.constant 0 : i32
      %dma_wait3A_60 = tpu.memref_slice %arg22[%mul3A_0, %dma_wait3A] : memref<5248x16xf32, #tpu.memory_space<vmem_shared>> -> memref<328x16xf32, #tpu.memory_space<vmem_shared>>
      tpu.wait_dma2 semaphore(%run_scoped3A : memref<!tpu.dma_semaphore, #tpu.memory_space<semaphore_mem>>) src(%arg8 : memref<328x16xf32, #tpu.memory_space<hbm>>) dst(%dma_wait3A_60 : memref<328x16xf32, #tpu.memory_space<vmem_shared>>)
      tpu.yield
    }) : () -> ()
    "tpu.region"() ({
      %run_scoped3A = tpu.sem_alloc : memref<!tpu.dma_semaphore, #tpu.memory_space<semaphore_mem>>
      tpu.enqueue_dma source(%arg9 : memref<128x16xf32, #tpu.memory_space<hbm>>) target(%arg20 : memref<128x16xf32, #tpu.memory_space<vmem>>) target_semaphore(%run_scoped3A : memref<!tpu.dma_semaphore, #tpu.memory_space<semaphore_mem>>)
      tpu.wait_dma2 semaphore(%run_scoped3A : memref<!tpu.dma_semaphore, #tpu.memory_space<semaphore_mem>>) src(%arg9 : memref<128x16xf32, #tpu.memory_space<hbm>>) dst(%arg20 : memref<128x16xf32, #tpu.memory_space<vmem>>)
      tpu.yield
    }) : () -> ()
    "tpu.region"() ({
      %run_scoped3A = tpu.sem_alloc : memref<!tpu.dma_semaphore, #tpu.memory_space<semaphore_mem>>
      tpu.enqueue_dma source(%arg10 : memref<128x16xf32, #tpu.memory_space<hbm>>) target(%arg21 : memref<128x16xf32, #tpu.memory_space<vmem>>) target_semaphore(%run_scoped3A : memref<!tpu.dma_semaphore, #tpu.memory_space<semaphore_mem>>)
      tpu.wait_dma2 semaphore(%run_scoped3A : memref<!tpu.dma_semaphore, #tpu.memory_space<semaphore_mem>>) src(%arg10 : memref<128x16xf32, #tpu.memory_space<hbm>>) dst(%arg21 : memref<128x16xf32, #tpu.memory_space<vmem>>)
      tpu.yield
    }) : () -> ()
    "tpu.region"() ({
      %run_scoped3A = tpu.sem_alloc : memref<!tpu.dma_semaphore, #tpu.memory_space<semaphore_mem>>
      tpu.enqueue_dma source(%arg6 : memref<16xi32, #tpu.memory_space<hbm>>) target(%arg13 : memref<16xi32, #tpu.memory_space<vmem>>) target_semaphore(%run_scoped3A : memref<!tpu.dma_semaphore, #tpu.memory_space<semaphore_mem>>)
      tpu.wait_dma2 semaphore(%run_scoped3A : memref<!tpu.dma_semaphore, #tpu.memory_space<semaphore_mem>>) src(%arg6 : memref<16xi32, #tpu.memory_space<hbm>>) dst(%arg13 : memref<16xi32, #tpu.memory_space<vmem>>)
      tpu.yield
    }) : () -> ()
    %barrier3A = arith.constant 0 : index
    tpu.barrier barrier_id(%barrier3A)
    %get3A = arith.constant 0 : index
    %get3A_1 = tpu.vector_load %arg13[%get3A] {strides = array<i32>} : memref<16xi32, #tpu.memory_space<vmem>>, vector<16xi32>,
    %get3A_2 = vector.shape_cast %get3A_1 : vector<16xi32> to vector<16xi32>
    %eq3A = arith.constant 0 : i32
    %eq3A_3 = arith.cmpi eq, %arg0, %eq3A : i32
    %slice3A = vector.extract_strided_slice %get3A_2 {offsets = [0], sizes = [1], strides = [1]} : vector<16xi32> to vector<1xi32>
    %squeeze3A = vector.extract %slice3A[0] : i32 from vector<1xi32>
    %slice3A_4 = vector.extract_strided_slice %get3A_2 {offsets = [2], sizes = [1], strides = [1]} : vector<16xi32> to vector<1xi32>
    %squeeze3A_5 = vector.extract %slice3A_4[0] : i32 from vector<1xi32>
    %select_n3A = arith.select %eq3A_3, %squeeze3A, %squeeze3A_5 : i32
    %eq3A_6 = arith.constant 0 : i32
    %eq3A_7 = arith.cmpi eq, %arg0, %eq3A_6 : i32
    %slice3A_8 = vector.extract_strided_slice %get3A_2 {offsets = [1], sizes = [1], strides = [1]} : vector<16xi32> to vector<1xi32>
    %squeeze3A_9 = vector.extract %slice3A_8[0] : i32 from vector<1xi32>
    %slice3A_10 = vector.extract_strided_slice %get3A_2 {offsets = [3], sizes = [1], strides = [1]} : vector<16xi32> to vector<1xi32>
    %squeeze3A_11 = vector.extract %slice3A_10[0] : i32 from vector<1xi32>
    %select_n3A_12 = arith.select %eq3A_7, %squeeze3A_9, %squeeze3A_11 : i32
    %mul3A_13 = arith.muli %arg1, %select_n3A_12 : i32
    %mul3A_14 = arith.constant 128 : i32
    %mul3A_15 = arith.muli %mul3A_13, %mul3A_14 : i32
    %add3A = arith.addi %select_n3A, %mul3A_15 : i32
    %while3A = arith.constant 0 : i32
    %while3A_16 = arith.constant 0 : i32
    %while3A_17 = arith.subi %select_n3A_12, %while3A_16 : i32
    %while3A_18 = arith.addi %while3A_16, %while3A_17 : i32
    %while3A_19 = arith.constant 1 : i32
    %while3A_20 = arith.divsi %while3A_17, %while3A_19 : i32
    %while3A_21 = arith.muli %while3A_20, %while3A_19 : i32
    %while3A_22 = arith.addi %while3A_16, %while3A_21 : i32
    %while3A_23 = arith.constant 1 : i32
    scf.for %while3A_59 = %while3A_16 to %while3A_22 step %while3A_23  : i32 {
      %mul3A_60 = arith.constant 128 : i32
      %mul3A_61 = arith.muli %while3A_59, %mul3A_60 : i32
      %add3A_62 = arith.addi %add3A, %mul3A_61 : i32
      %multiple_of3A = tpu.assume_multiple %add3A_62, 128 : i32
      "tpu.region"() ({
        %run_scoped3A = tpu.sem_alloc : memref<!tpu.dma_semaphore, #tpu.memory_space<semaphore_mem>>
        %dma_start3A_67 = tpu.memref_slice %arg3[%multiple_of3A] : memref<336448xi32, #tpu.memory_space<hbm>> -> memref<128xi32, #tpu.memory_space<hbm>>
        %dma_start3A_68 = tpu.memref_slice %arg3[%multiple_of3A] : memref<336448xi32, #tpu.memory_space<hbm>> -> memref<128xi32, #tpu.memory_space<hbm>>
        tpu.enqueue_dma source(%dma_start3A_68 : memref<128xi32, #tpu.memory_space<hbm>>) target(%arg14 : memref<128xi32, #tpu.memory_space<vmem>>) target_semaphore(%run_scoped3A : memref<!tpu.dma_semaphore, #tpu.memory_space<semaphore_mem>>)
        %dma_wait3A_69 = tpu.memref_slice %arg3[%multiple_of3A] : memref<336448xi32, #tpu.memory_space<hbm>> -> memref<128xi32, #tpu.memory_space<hbm>>
        %dma_wait3A_70 = tpu.memref_slice %arg3[%multiple_of3A] : memref<336448xi32, #tpu.memory_space<hbm>> -> memref<128xi32, #tpu.memory_space<hbm>>
        tpu.wait_dma2 semaphore(%run_scoped3A : memref<!tpu.dma_semaphore, #tpu.memory_space<semaphore_mem>>) src(%dma_wait3A_70 : memref<128xi32, #tpu.memory_space<hbm>>) dst(%arg14 : memref<128xi32, #tpu.memory_space<vmem>>)
        tpu.yield
      }) : () -> ()
      "tpu.region"() ({
        %run_scoped3A = tpu.sem_alloc : memref<!tpu.dma_semaphore, #tpu.memory_space<semaphore_mem>>
        %dma_start3A_67 = tpu.memref_slice %arg4[%multiple_of3A] : memref<336448xi32, #tpu.memory_space<hbm>> -> memref<128xi32, #tpu.memory_space<hbm>>
        %dma_start3A_68 = tpu.memref_slice %arg4[%multiple_of3A] : memref<336448xi32, #tpu.memory_space<hbm>> -> memref<128xi32, #tpu.memory_space<hbm>>
        tpu.enqueue_dma source(%dma_start3A_68 : memref<128xi32, #tpu.memory_space<hbm>>) target(%arg15 : memref<128xi32, #tpu.memory_space<vmem>>) target_semaphore(%run_scoped3A : memref<!tpu.dma_semaphore, #tpu.memory_space<semaphore_mem>>)
        %dma_wait3A_69 = tpu.memref_slice %arg4[%multiple_of3A] : memref<336448xi32, #tpu.memory_space<hbm>> -> memref<128xi32, #tpu.memory_space<hbm>>
        %dma_wait3A_70 = tpu.memref_slice %arg4[%multiple_of3A] : memref<336448xi32, #tpu.memory_space<hbm>> -> memref<128xi32, #tpu.memory_space<hbm>>
        tpu.wait_dma2 semaphore(%run_scoped3A : memref<!tpu.dma_semaphore, #tpu.memory_space<semaphore_mem>>) src(%dma_wait3A_70 : memref<128xi32, #tpu.memory_space<hbm>>) dst(%arg15 : memref<128xi32, #tpu.memory_space<vmem>>)
        tpu.yield
      }) : () -> ()
      %dma_start3A = arith.constant 0 : i32
      %dma_start3A_63 = arith.constant 0 : i32
      %dma_start3A_64 = tpu.memref_slice %arg2[%dma_start3A, %dma_start3A_63] : memref<10000x128xf32, #tpu.memory_space<hbm>> -> memref<10000x128xf32, #tpu.memory_space<hbm>>
      tpu.enqueue_indirect_dma source(%dma_start3A_64 : memref<10000x128xf32, #tpu.memory_space<hbm>>) target(%arg16 : memref<128x128xf32, #tpu.memory_space<vmem>>) offsets(%arg14 : memref<128xi32, #tpu.memory_space<vmem>>) semaphore(%arg18 : memref<!tpu.dma_semaphore, #tpu.memory_space<semaphore_mem>>)
      %dma_wait3A = arith.constant 0 : i32
      %dma_wait3A_65 = arith.constant 0 : i32
      %dma_wait3A_66 = tpu.memref_slice %arg2[%dma_wait3A, %dma_wait3A_65] : memref<10000x128xf32, #tpu.memory_space<hbm>> -> memref<10000x128xf32, #tpu.memory_space<hbm>>
      tpu.wait_indirect_dma semaphore(%arg18 : memref<!tpu.dma_semaphore, #tpu.memory_space<semaphore_mem>>) src(%dma_wait3A_66 : memref<10000x128xf32, #tpu.memory_space<hbm>>) dst(%arg16 : memref<128x128xf32, #tpu.memory_space<vmem>>)
      "tpu.region"() ({
        %run_scoped3A = tpu.sem_alloc : memref<!tpu.dma_semaphore, #tpu.memory_space<semaphore_mem>>
        %dma_start3A_67 = arith.constant 0 : i32
        %dma_start3A_68 = arith.constant 0 : i32
        %dma_start3A_69 = tpu.memref_slice %arg17[%dma_start3A_67, %dma_start3A_68] : memref<5248x128xf32, #tpu.memory_space<vmem_shared>> -> memref<5248x128xf32, #tpu.memory_space<vmem_shared>>
        tpu.enqueue_indirect_dma source(%arg16 : memref<128x128xf32, #tpu.memory_space<vmem>>) target(%dma_start3A_69 : memref<5248x128xf32, #tpu.memory_space<vmem_shared>>) offsets(%arg15 : memref<128xi32, #tpu.memory_space<vmem>>) semaphore(%run_scoped3A : memref<!tpu.dma_semaphore, #tpu.memory_space<semaphore_mem>>) {add = true}
        %dma_wait3A_70 = arith.constant 0 : i32
        %dma_wait3A_71 = arith.constant 0 : i32
        %dma_wait3A_72 = tpu.memref_slice %arg17[%dma_wait3A_70, %dma_wait3A_71] : memref<5248x128xf32, #tpu.memory_space<vmem_shared>> -> memref<5248x128xf32, #tpu.memory_space<vmem_shared>>
        tpu.wait_indirect_dma semaphore(%run_scoped3A : memref<!tpu.dma_semaphore, #tpu.memory_space<semaphore_mem>>) src(%arg16 : memref<128x128xf32, #tpu.memory_space<vmem>>) dst(%dma_wait3A_72 : memref<5248x128xf32, #tpu.memory_space<vmem_shared>>)
        tpu.yield
      }) : () -> ()
      "tpu.region"() ({
        %run_scoped3A = tpu.sem_alloc : memref<!tpu.dma_semaphore, #tpu.memory_space<semaphore_mem>>
        %dma_start3A_67 = arith.constant 0 : i32
        %dma_start3A_68 = arith.constant 0 : i32
        %dma_start3A_69 = tpu.memref_slice %arg22[%dma_start3A_67, %dma_start3A_68] : memref<5248x16xf32, #tpu.memory_space<vmem_shared>> -> memref<5248x16xf32, #tpu.memory_space<vmem_shared>>
        tpu.enqueue_indirect_dma source(%arg20 : memref<128x16xf32, #tpu.memory_space<vmem>>) target(%dma_start3A_69 : memref<5248x16xf32, #tpu.memory_space<vmem_shared>>) offsets(%arg15 : memref<128xi32, #tpu.memory_space<vmem>>) semaphore(%run_scoped3A : memref<!tpu.dma_semaphore, #tpu.memory_space<semaphore_mem>>) {add = true}
        %dma_wait3A_70 = arith.constant 0 : i32
        %dma_wait3A_71 = arith.constant 0 : i32
        %dma_wait3A_72 = tpu.memref_slice %arg22[%dma_wait3A_70, %dma_wait3A_71] : memref<5248x16xf32, #tpu.memory_space<vmem_shared>> -> memref<5248x16xf32, #tpu.memory_space<vmem_shared>>
        tpu.wait_indirect_dma semaphore(%run_scoped3A : memref<!tpu.dma_semaphore, #tpu.memory_space<semaphore_mem>>) src(%arg20 : memref<128x16xf32, #tpu.memory_space<vmem>>) dst(%dma_wait3A_72 : memref<5248x16xf32, #tpu.memory_space<vmem_shared>>)
        tpu.yield
      }) : () -> ()
    }
    %while3A_24 = arith.constant 1 : i32
    scf.for %while3A_59 = %while3A_22 to %while3A_18 step %while3A_24  : i32 {
      %mul3A_60 = arith.constant 128 : i32
      %mul3A_61 = arith.muli %while3A_59, %mul3A_60 : i32
      %add3A_62 = arith.addi %add3A, %mul3A_61 : i32
      %multiple_of3A = tpu.assume_multiple %add3A_62, 128 : i32
      "tpu.region"() ({
        %run_scoped3A = tpu.sem_alloc : memref<!tpu.dma_semaphore, #tpu.memory_space<semaphore_mem>>
        %dma_start3A_67 = tpu.memref_slice %arg3[%multiple_of3A] : memref<336448xi32, #tpu.memory_space<hbm>> -> memref<128xi32, #tpu.memory_space<hbm>>
        %dma_start3A_68 = tpu.memref_slice %arg3[%multiple_of3A] : memref<336448xi32, #tpu.memory_space<hbm>> -> memref<128xi32, #tpu.memory_space<hbm>>
        tpu.enqueue_dma source(%dma_start3A_68 : memref<128xi32, #tpu.memory_space<hbm>>) target(%arg14 : memref<128xi32, #tpu.memory_space<vmem>>) target_semaphore(%run_scoped3A : memref<!tpu.dma_semaphore, #tpu.memory_space<semaphore_mem>>)
        %dma_wait3A_69 = tpu.memref_slice %arg3[%multiple_of3A] : memref<336448xi32, #tpu.memory_space<hbm>> -> memref<128xi32, #tpu.memory_space<hbm>>
        %dma_wait3A_70 = tpu.memref_slice %arg3[%multiple_of3A] : memref<336448xi32, #tpu.memory_space<hbm>> -> memref<128xi32, #tpu.memory_space<hbm>>
        tpu.wait_dma2 semaphore(%run_scoped3A : memref<!tpu.dma_semaphore, #tpu.memory_space<semaphore_mem>>) src(%dma_wait3A_70 : memref<128xi32, #tpu.memory_space<hbm>>) dst(%arg14 : memref<128xi32, #tpu.memory_space<vmem>>)
        tpu.yield
      }) : () -> ()
      "tpu.region"() ({
        %run_scoped3A = tpu.sem_alloc : memref<!tpu.dma_semaphore, #tpu.memory_space<semaphore_mem>>
        %dma_start3A_67 = tpu.memref_slice %arg4[%multiple_of3A] : memref<336448xi32, #tpu.memory_space<hbm>> -> memref<128xi32, #tpu.memory_space<hbm>>
        %dma_start3A_68 = tpu.memref_slice %arg4[%multiple_of3A] : memref<336448xi32, #tpu.memory_space<hbm>> -> memref<128xi32, #tpu.memory_space<hbm>>
        tpu.enqueue_dma source(%dma_start3A_68 : memref<128xi32, #tpu.memory_space<hbm>>) target(%arg15 : memref<128xi32, #tpu.memory_space<vmem>>) target_semaphore(%run_scoped3A : memref<!tpu.dma_semaphore, #tpu.memory_space<semaphore_mem>>)
        %dma_wait3A_69 = tpu.memref_slice %arg4[%multiple_of3A] : memref<336448xi32, #tpu.memory_space<hbm>> -> memref<128xi32, #tpu.memory_space<hbm>>
        %dma_wait3A_70 = tpu.memref_slice %arg4[%multiple_of3A] : memref<336448xi32, #tpu.memory_space<hbm>> -> memref<128xi32, #tpu.memory_space<hbm>>
        tpu.wait_dma2 semaphore(%run_scoped3A : memref<!tpu.dma_semaphore, #tpu.memory_space<semaphore_mem>>) src(%dma_wait3A_70 : memref<128xi32, #tpu.memory_space<hbm>>) dst(%arg15 : memref<128xi32, #tpu.memory_space<vmem>>)
        tpu.yield
      }) : () -> ()
      %dma_start3A = arith.constant 0 : i32
      %dma_start3A_63 = arith.constant 0 : i32
      %dma_start3A_64 = tpu.memref_slice %arg2[%dma_start3A, %dma_start3A_63] : memref<10000x128xf32, #tpu.memory_space<hbm>> -> memref<10000x128xf32, #tpu.memory_space<hbm>>
      tpu.enqueue_indirect_dma source(%dma_start3A_64 : memref<10000x128xf32, #tpu.memory_space<hbm>>) target(%arg16 : memref<128x128xf32, #tpu.memory_space<vmem>>) offsets(%arg14 : memref<128xi32, #tpu.memory_space<vmem>>) semaphore(%arg18 : memref<!tpu.dma_semaphore, #tpu.memory_space<semaphore_mem>>)
      %dma_wait3A = arith.constant 0 : i32
      %dma_wait3A_65 = arith.constant 0 : i32
      %dma_wait3A_66 = tpu.memref_slice %arg2[%dma_wait3A, %dma_wait3A_65] : memref<10000x128xf32, #tpu.memory_space<hbm>> -> memref<10000x128xf32, #tpu.memory_space<hbm>>
      tpu.wait_indirect_dma semaphore(%arg18 : memref<!tpu.dma_semaphore, #tpu.memory_space<semaphore_mem>>) src(%dma_wait3A_66 : memref<10000x128xf32, #tpu.memory_space<hbm>>) dst(%arg16 : memref<128x128xf32, #tpu.memory_space<vmem>>)
      "tpu.region"() ({
        %run_scoped3A = tpu.sem_alloc : memref<!tpu.dma_semaphore, #tpu.memory_space<semaphore_mem>>
        %dma_start3A_67 = arith.constant 0 : i32
        %dma_start3A_68 = arith.constant 0 : i32
        %dma_start3A_69 = tpu.memref_slice %arg17[%dma_start3A_67, %dma_start3A_68] : memref<5248x128xf32, #tpu.memory_space<vmem_shared>> -> memref<5248x128xf32, #tpu.memory_space<vmem_shared>>
        tpu.enqueue_indirect_dma source(%arg16 : memref<128x128xf32, #tpu.memory_space<vmem>>) target(%dma_start3A_69 : memref<5248x128xf32, #tpu.memory_space<vmem_shared>>) offsets(%arg15 : memref<128xi32, #tpu.memory_space<vmem>>) semaphore(%run_scoped3A : memref<!tpu.dma_semaphore, #tpu.memory_space<semaphore_mem>>) {add = true}
        %dma_wait3A_70 = arith.constant 0 : i32
        %dma_wait3A_71 = arith.constant 0 : i32
        %dma_wait3A_72 = tpu.memref_slice %arg17[%dma_wait3A_70, %dma_wait3A_71] : memref<5248x128xf32, #tpu.memory_space<vmem_shared>> -> memref<5248x128xf32, #tpu.memory_space<vmem_shared>>
        tpu.wait_indirect_dma semaphore(%run_scoped3A : memref<!tpu.dma_semaphore, #tpu.memory_space<semaphore_mem>>) src(%arg16 : memref<128x128xf32, #tpu.memory_space<vmem>>) dst(%dma_wait3A_72 : memref<5248x128xf32, #tpu.memory_space<vmem_shared>>)
        tpu.yield
      }) : () -> ()
      "tpu.region"() ({
        %run_scoped3A = tpu.sem_alloc : memref<!tpu.dma_semaphore, #tpu.memory_space<semaphore_mem>>
        %dma_start3A_67 = arith.constant 0 : i32
        %dma_start3A_68 = arith.constant 0 : i32
        %dma_start3A_69 = tpu.memref_slice %arg22[%dma_start3A_67, %dma_start3A_68] : memref<5248x16xf32, #tpu.memory_space<vmem_shared>> -> memref<5248x16xf32, #tpu.memory_space<vmem_shared>>
        tpu.enqueue_indirect_dma source(%arg20 : memref<128x16xf32, #tpu.memory_space<vmem>>) target(%dma_start3A_69 : memref<5248x16xf32, #tpu.memory_space<vmem_shared>>) offsets(%arg15 : memref<128xi32, #tpu.memory_space<vmem>>) semaphore(%run_scoped3A : memref<!tpu.dma_semaphore, #tpu.memory_space<semaphore_mem>>) {add = true}
        %dma_wait3A_70 = arith.constant 0 : i32
        %dma_wait3A_71 = arith.constant 0 : i32
        %dma_wait3A_72 = tpu.memref_slice %arg22[%dma_wait3A_70, %dma_wait3A_71] : memref<5248x16xf32, #tpu.memory_space<vmem_shared>> -> memref<5248x16xf32, #tpu.memory_space<vmem_shared>>
        tpu.wait_indirect_dma semaphore(%run_scoped3A : memref<!tpu.dma_semaphore, #tpu.memory_space<semaphore_mem>>) src(%arg20 : memref<128x16xf32, #tpu.memory_space<vmem>>) dst(%dma_wait3A_72 : memref<5248x16xf32, #tpu.memory_space<vmem_shared>>)
        tpu.yield
      }) : () -> ()
    }
    %eq3A_25 = arith.constant 0 : i32
    %eq3A_26 = arith.cmpi eq, %arg0, %eq3A_25 : i32
    %slice3A_27 = vector.extract_strided_slice %get3A_2 {offsets = [4], sizes = [1], strides = [1]} : vector<16xi32> to vector<1xi32>
    %squeeze3A_28 = vector.extract %slice3A_27[0] : i32 from vector<1xi32>
    %slice3A_29 = vector.extract_strided_slice %get3A_2 {offsets = [6], sizes = [1], strides = [1]} : vector<16xi32> to vector<1xi32>
    %squeeze3A_30 = vector.extract %slice3A_29[0] : i32 from vector<1xi32>
    %select_n3A_31 = arith.select %eq3A_26, %squeeze3A_28, %squeeze3A_30 : i32
    %eq3A_32 = arith.constant 0 : i32
    %eq3A_33 = arith.cmpi eq, %arg0, %eq3A_32 : i32
    %slice3A_34 = vector.extract_strided_slice %get3A_2 {offsets = [5], sizes = [1], strides = [1]} : vector<16xi32> to vector<1xi32>
    %squeeze3A_35 = vector.extract %slice3A_34[0] : i32 from vector<1xi32>
    %slice3A_36 = vector.extract_strided_slice %get3A_2 {offsets = [7], sizes = [1], strides = [1]} : vector<16xi32> to vector<1xi32>
    %squeeze3A_37 = vector.extract %slice3A_36[0] : i32 from vector<1xi32>
    %select_n3A_38 = arith.select %eq3A_33, %squeeze3A_35, %squeeze3A_37 : i32
    %mul3A_39 = arith.muli %arg1, %select_n3A_38 : i32
    %mul3A_40 = arith.constant 128 : i32
    %mul3A_41 = arith.muli %mul3A_39, %mul3A_40 : i32
    %add3A_42 = arith.addi %select_n3A_31, %mul3A_41 : i32
    %while3A_43 = arith.constant 0 : i32
    %while3A_44 = arith.constant 0 : i32
    %while3A_45 = arith.subi %select_n3A_38, %while3A_44 : i32
    %while3A_46 = arith.addi %while3A_44, %while3A_45 : i32
    %while3A_47 = arith.constant 1 : i32
    %while3A_48 = arith.divsi %while3A_45, %while3A_47 : i32
    %while3A_49 = arith.muli %while3A_48, %while3A_47 : i32
    %while3A_50 = arith.addi %while3A_44, %while3A_49 : i32
    %while3A_51 = arith.constant 1 : i32
    scf.for %while3A_59 = %while3A_44 to %while3A_50 step %while3A_51  : i32 {
      %mul3A_60 = arith.constant 128 : i32
      %mul3A_61 = arith.muli %while3A_59, %mul3A_60 : i32
      %add3A_62 = arith.addi %add3A_42, %mul3A_61 : i32
      %multiple_of3A = tpu.assume_multiple %add3A_62, 128 : i32
      "tpu.region"() ({
        %run_scoped3A = tpu.sem_alloc : memref<!tpu.dma_semaphore, #tpu.memory_space<semaphore_mem>>
        %dma_start3A = tpu.memref_slice %arg5[%multiple_of3A] : memref<336448xi32, #tpu.memory_space<hbm>> -> memref<128xi32, #tpu.memory_space<hbm>>
        %dma_start3A_63 = tpu.memref_slice %arg5[%multiple_of3A] : memref<336448xi32, #tpu.memory_space<hbm>> -> memref<128xi32, #tpu.memory_space<hbm>>
        tpu.enqueue_dma source(%dma_start3A_63 : memref<128xi32, #tpu.memory_space<hbm>>) target(%arg19 : memref<128xi32, #tpu.memory_space<vmem>>) target_semaphore(%run_scoped3A : memref<!tpu.dma_semaphore, #tpu.memory_space<semaphore_mem>>)
        %dma_wait3A = tpu.memref_slice %arg5[%multiple_of3A] : memref<336448xi32, #tpu.memory_space<hbm>> -> memref<128xi32, #tpu.memory_space<hbm>>
        %dma_wait3A_64 = tpu.memref_slice %arg5[%multiple_of3A] : memref<336448xi32, #tpu.memory_space<hbm>> -> memref<128xi32, #tpu.memory_space<hbm>>
        tpu.wait_dma2 semaphore(%run_scoped3A : memref<!tpu.dma_semaphore, #tpu.memory_space<semaphore_mem>>) src(%dma_wait3A_64 : memref<128xi32, #tpu.memory_space<hbm>>) dst(%arg19 : memref<128xi32, #tpu.memory_space<vmem>>)
        tpu.yield
      }) : () -> ()
      "tpu.region"() ({
        %run_scoped3A = tpu.sem_alloc : memref<!tpu.dma_semaphore, #tpu.memory_space<semaphore_mem>>
        %dma_start3A = arith.constant 0 : i32
        %dma_start3A_63 = arith.constant 0 : i32
        %dma_start3A_64 = tpu.memref_slice %arg22[%dma_start3A, %dma_start3A_63] : memref<5248x16xf32, #tpu.memory_space<vmem_shared>> -> memref<5248x16xf32, #tpu.memory_space<vmem_shared>>
        tpu.enqueue_indirect_dma source(%arg21 : memref<128x16xf32, #tpu.memory_space<vmem>>) target(%dma_start3A_64 : memref<5248x16xf32, #tpu.memory_space<vmem_shared>>) offsets(%arg19 : memref<128xi32, #tpu.memory_space<vmem>>) semaphore(%run_scoped3A : memref<!tpu.dma_semaphore, #tpu.memory_space<semaphore_mem>>) {add = true}
        %dma_wait3A = arith.constant 0 : i32
        %dma_wait3A_65 = arith.constant 0 : i32
        %dma_wait3A_66 = tpu.memref_slice %arg22[%dma_wait3A, %dma_wait3A_65] : memref<5248x16xf32, #tpu.memory_space<vmem_shared>> -> memref<5248x16xf32, #tpu.memory_space<vmem_shared>>
        tpu.wait_indirect_dma semaphore(%run_scoped3A : memref<!tpu.dma_semaphore, #tpu.memory_space<semaphore_mem>>) src(%arg21 : memref<128x16xf32, #tpu.memory_space<vmem>>) dst(%dma_wait3A_66 : memref<5248x16xf32, #tpu.memory_space<vmem_shared>>)
        tpu.yield
      }) : () -> ()
    }
    %while3A_52 = arith.constant 1 : i32
    scf.for %while3A_59 = %while3A_50 to %while3A_46 step %while3A_52  : i32 {
      %mul3A_60 = arith.constant 128 : i32
      %mul3A_61 = arith.muli %while3A_59, %mul3A_60 : i32
      %add3A_62 = arith.addi %add3A_42, %mul3A_61 : i32
      %multiple_of3A = tpu.assume_multiple %add3A_62, 128 : i32
      "tpu.region"() ({
        %run_scoped3A = tpu.sem_alloc : memref<!tpu.dma_semaphore, #tpu.memory_space<semaphore_mem>>
        %dma_start3A = tpu.memref_slice %arg5[%multiple_of3A] : memref<336448xi32, #tpu.memory_space<hbm>> -> memref<128xi32, #tpu.memory_space<hbm>>
        %dma_start3A_63 = tpu.memref_slice %arg5[%multiple_of3A] : memref<336448xi32, #tpu.memory_space<hbm>> -> memref<128xi32, #tpu.memory_space<hbm>>
        tpu.enqueue_dma source(%dma_start3A_63 : memref<128xi32, #tpu.memory_space<hbm>>) target(%arg19 : memref<128xi32, #tpu.memory_space<vmem>>) target_semaphore(%run_scoped3A : memref<!tpu.dma_semaphore, #tpu.memory_space<semaphore_mem>>)
        %dma_wait3A = tpu.memref_slice %arg5[%multiple_of3A] : memref<336448xi32, #tpu.memory_space<hbm>> -> memref<128xi32, #tpu.memory_space<hbm>>
        %dma_wait3A_64 = tpu.memref_slice %arg5[%multiple_of3A] : memref<336448xi32, #tpu.memory_space<hbm>> -> memref<128xi32, #tpu.memory_space<hbm>>
        tpu.wait_dma2 semaphore(%run_scoped3A : memref<!tpu.dma_semaphore, #tpu.memory_space<semaphore_mem>>) src(%dma_wait3A_64 : memref<128xi32, #tpu.memory_space<hbm>>) dst(%arg19 : memref<128xi32, #tpu.memory_space<vmem>>)
        tpu.yield
      }) : () -> ()
      "tpu.region"() ({
        %run_scoped3A = tpu.sem_alloc : memref<!tpu.dma_semaphore, #tpu.memory_space<semaphore_mem>>
        %dma_start3A = arith.constant 0 : i32
        %dma_start3A_63 = arith.constant 0 : i32
        %dma_start3A_64 = tpu.memref_slice %arg22[%dma_start3A, %dma_start3A_63] : memref<5248x16xf32, #tpu.memory_space<vmem_shared>> -> memref<5248x16xf32, #tpu.memory_space<vmem_shared>>
        tpu.enqueue_indirect_dma source(%arg21 : memref<128x16xf32, #tpu.memory_space<vmem>>) target(%dma_start3A_64 : memref<5248x16xf32, #tpu.memory_space<vmem_shared>>) offsets(%arg19 : memref<128xi32, #tpu.memory_space<vmem>>) semaphore(%run_scoped3A : memref<!tpu.dma_semaphore, #tpu.memory_space<semaphore_mem>>) {add = true}
        %dma_wait3A = arith.constant 0 : i32
        %dma_wait3A_65 = arith.constant 0 : i32
        %dma_wait3A_66 = tpu.memref_slice %arg22[%dma_wait3A, %dma_wait3A_65] : memref<5248x16xf32, #tpu.memory_space<vmem_shared>> -> memref<5248x16xf32, #tpu.memory_space<vmem_shared>>
        tpu.wait_indirect_dma semaphore(%run_scoped3A : memref<!tpu.dma_semaphore, #tpu.memory_space<semaphore_mem>>) src(%arg21 : memref<128x16xf32, #tpu.memory_space<vmem>>) dst(%dma_wait3A_66 : memref<5248x16xf32, #tpu.memory_space<vmem_shared>>)
        tpu.yield
      }) : () -> ()
    }
    %barrier3A_53 = arith.constant 0 : index
    tpu.barrier barrier_id(%barrier3A_53)
    %mul3A_54 = arith.constant 320 : i32
    %mul3A_55 = arith.muli %arg1, %mul3A_54 : i32
    %mul3A_56 = arith.constant 5120 : i32
    %mul3A_57 = arith.muli %arg0, %mul3A_56 : i32
    %add3A_58 = arith.addi %mul3A_57, %mul3A_55 : i32
    "tpu.region"() ({
      %run_scoped3A = tpu.sem_alloc : memref<!tpu.dma_semaphore, #tpu.memory_space<semaphore_mem>>
      %dma_start3A = arith.constant 0 : i32
      %dma_start3A_59 = tpu.memref_slice %arg11[%add3A_58, %dma_start3A] : memref<10240x128xf32, #tpu.memory_space<hbm>> -> memref<320x128xf32, #tpu.memory_space<hbm>>
      %dma_start3A_60 = arith.constant 0 : i32
      %dma_start3A_61 = tpu.memref_slice %arg17[%mul3A_55, %dma_start3A_60] : memref<5248x128xf32, #tpu.memory_space<vmem_shared>> -> memref<320x128xf32, #tpu.memory_space<vmem_shared>>
      tpu.enqueue_dma source(%dma_start3A_61 : memref<320x128xf32, #tpu.memory_space<vmem_shared>>) target(%dma_start3A_59 : memref<320x128xf32, #tpu.memory_space<hbm>>) target_semaphore(%run_scoped3A : memref<!tpu.dma_semaphore, #tpu.memory_space<semaphore_mem>>)
      %dma_wait3A = arith.constant 0 : i32
      %dma_wait3A_62 = tpu.memref_slice %arg11[%add3A_58, %dma_wait3A] : memref<10240x128xf32, #tpu.memory_space<hbm>> -> memref<320x128xf32, #tpu.memory_space<hbm>>
      %dma_wait3A_63 = arith.constant 0 : i32
      %dma_wait3A_64 = tpu.memref_slice %arg17[%mul3A_55, %dma_wait3A_63] : memref<5248x128xf32, #tpu.memory_space<vmem_shared>> -> memref<320x128xf32, #tpu.memory_space<vmem_shared>>
      tpu.wait_dma2 semaphore(%run_scoped3A : memref<!tpu.dma_semaphore, #tpu.memory_space<semaphore_mem>>) src(%dma_wait3A_64 : memref<320x128xf32, #tpu.memory_space<vmem_shared>>) dst(%dma_wait3A_62 : memref<320x128xf32, #tpu.memory_space<hbm>>)
      tpu.yield
    }) : () -> ()
    "tpu.region"() ({
      %run_scoped3A = tpu.sem_alloc : memref<!tpu.dma_semaphore, #tpu.memory_space<semaphore_mem>>
      %dma_start3A = arith.constant 0 : i32
      %dma_start3A_59 = tpu.memref_slice %arg12[%add3A_58, %dma_start3A] : memref<10240x16xf32, #tpu.memory_space<hbm>> -> memref<320x16xf32, #tpu.memory_space<hbm>>
      %dma_start3A_60 = arith.constant 0 : i32
      %dma_start3A_61 = tpu.memref_slice %arg22[%mul3A_55, %dma_start3A_60] : memref<5248x16xf32, #tpu.memory_space<vmem_shared>> -> memref<320x16xf32, #tpu.memory_space<vmem_shared>>
      tpu.enqueue_dma source(%dma_start3A_61 : memref<320x16xf32, #tpu.memory_space<vmem_shared>>) target(%dma_start3A_59 : memref<320x16xf32, #tpu.memory_space<hbm>>) target_semaphore(%run_scoped3A : memref<!tpu.dma_semaphore, #tpu.memory_space<semaphore_mem>>)
      %dma_wait3A = arith.constant 0 : i32
      %dma_wait3A_62 = tpu.memref_slice %arg12[%add3A_58, %dma_wait3A] : memref<10240x16xf32, #tpu.memory_space<hbm>> -> memref<320x16xf32, #tpu.memory_space<hbm>>
      %dma_wait3A_63 = arith.constant 0 : i32
      %dma_wait3A_64 = tpu.memref_slice %arg22[%mul3A_55, %dma_wait3A_63] : memref<5248x16xf32, #tpu.memory_space<vmem_shared>> -> memref<320x16xf32, #tpu.memory_space<vmem_shared>>
      tpu.wait_dma2 semaphore(%run_scoped3A : memref<!tpu.dma_semaphore, #tpu.memory_space<semaphore_mem>>) src(%dma_wait3A_64 : memref<320x16xf32, #tpu.memory_space<vmem_shared>>) dst(%dma_wait3A_62 : memref<320x16xf32, #tpu.memory_space<hbm>>)
      tpu.yield
    }) : () -> ()
    return
  }
}

#map = affine_map<(d0, d1) -> (0, 0)>
#map1 = affine_map<(d0, d1) -> (0)>
module attributes {stable_mosaic.version = 14 : i64} {
  func.func @body(%arg0: i32, %arg1: i32, %arg2: memref<10000x128xf32, #tpu.memory_space<hbm>>, %arg3: memref<336448xi32, #tpu.memory_space<hbm>>, %arg4: memref<336448xi32, #tpu.memory_space<hbm>>, %arg5: memref<16xi32, #tpu.memory_space<hbm>>, %arg6: memref<328x128xf32, #tpu.memory_space<hbm>>, %arg7: memref<10240x128xf32, #tpu.memory_space<hbm>>, %arg8: memref<16xi32, #tpu.memory_space<vmem>>, %arg9: memref<128xi32, #tpu.memory_space<vmem>>, %arg10: memref<128xi32, #tpu.memory_space<vmem>>, %arg11: memref<128x128xf32, #tpu.memory_space<vmem>>, %arg12: memref<5248x128xf32, #tpu.memory_space<vmem_shared>>, %arg13: memref<!tpu.dma_semaphore, #tpu.memory_space<semaphore_mem>>) attributes {dimension_semantics = [#tpu.dimension_semantics<core_parallel>, #tpu.dimension_semantics<subcore_parallel>], iteration_bounds = array<i64: 2, 16>, scalar_prefetch = 0 : i64, scratch_operands = 6 : i64, tpu.core_type = #tpu.core_type<sc_vector_subcore>, window_params = [{transform_indices = #map}, {transform_indices = #map1}, {transform_indices = #map1}, {transform_indices = #map1}, {transform_indices = #map}, {transform_indices = #map}]} {
    %mul3A = arith.constant 328 : i32
    %mul3A_0 = arith.muli %arg1, %mul3A : i32
    "tpu.region"() ({
      %run_scoped3A = tpu.sem_alloc : memref<!tpu.dma_semaphore, #tpu.memory_space<semaphore_mem>>
      %dma_start3A = arith.constant 0 : i32
      %dma_start3A_31 = tpu.memref_slice %arg12[%mul3A_0, %dma_start3A] : memref<5248x128xf32, #tpu.memory_space<vmem_shared>> -> memref<328x128xf32, #tpu.memory_space<vmem_shared>>
      tpu.enqueue_dma source(%arg6 : memref<328x128xf32, #tpu.memory_space<hbm>>) target(%dma_start3A_31 : memref<328x128xf32, #tpu.memory_space<vmem_shared>>) target_semaphore(%run_scoped3A : memref<!tpu.dma_semaphore, #tpu.memory_space<semaphore_mem>>)
      %dma_wait3A = arith.constant 0 : i32
      %dma_wait3A_32 = tpu.memref_slice %arg12[%mul3A_0, %dma_wait3A] : memref<5248x128xf32, #tpu.memory_space<vmem_shared>> -> memref<328x128xf32, #tpu.memory_space<vmem_shared>>
      tpu.wait_dma2 semaphore(%run_scoped3A : memref<!tpu.dma_semaphore, #tpu.memory_space<semaphore_mem>>) src(%arg6 : memref<328x128xf32, #tpu.memory_space<hbm>>) dst(%dma_wait3A_32 : memref<328x128xf32, #tpu.memory_space<vmem_shared>>)
      tpu.yield
    }) : () -> ()
    "tpu.region"() ({
      %run_scoped3A = tpu.sem_alloc : memref<!tpu.dma_semaphore, #tpu.memory_space<semaphore_mem>>
      tpu.enqueue_dma source(%arg5 : memref<16xi32, #tpu.memory_space<hbm>>) target(%arg8 : memref<16xi32, #tpu.memory_space<vmem>>) target_semaphore(%run_scoped3A : memref<!tpu.dma_semaphore, #tpu.memory_space<semaphore_mem>>)
      tpu.wait_dma2 semaphore(%run_scoped3A : memref<!tpu.dma_semaphore, #tpu.memory_space<semaphore_mem>>) src(%arg5 : memref<16xi32, #tpu.memory_space<hbm>>) dst(%arg8 : memref<16xi32, #tpu.memory_space<vmem>>)
      tpu.yield
    }) : () -> ()
    %barrier3A = arith.constant 0 : index
    tpu.barrier barrier_id(%barrier3A)
    %get3A = arith.constant 0 : index
    %get3A_1 = tpu.vector_load %arg8[%get3A] {strides = array<i32>} : memref<16xi32, #tpu.memory_space<vmem>>, vector<16xi32>,
    %get3A_2 = vector.shape_cast %get3A_1 : vector<16xi32> to vector<16xi32>
    %eq3A = arith.constant 0 : i32
    %eq3A_3 = arith.cmpi eq, %arg0, %eq3A : i32
    %slice3A = vector.extract_strided_slice %get3A_2 {offsets = [0], sizes = [1], strides = [1]} : vector<16xi32> to vector<1xi32>
    %squeeze3A = vector.extract %slice3A[0] : i32 from vector<1xi32>
    %slice3A_4 = vector.extract_strided_slice %get3A_2 {offsets = [2], sizes = [1], strides = [1]} : vector<16xi32> to vector<1xi32>
    %squeeze3A_5 = vector.extract %slice3A_4[0] : i32 from vector<1xi32>
    %select_n3A = arith.select %eq3A_3, %squeeze3A, %squeeze3A_5 : i32
    %eq3A_6 = arith.constant 0 : i32
    %eq3A_7 = arith.cmpi eq, %arg0, %eq3A_6 : i32
    %slice3A_8 = vector.extract_strided_slice %get3A_2 {offsets = [1], sizes = [1], strides = [1]} : vector<16xi32> to vector<1xi32>
    %squeeze3A_9 = vector.extract %slice3A_8[0] : i32 from vector<1xi32>
    %slice3A_10 = vector.extract_strided_slice %get3A_2 {offsets = [3], sizes = [1], strides = [1]} : vector<16xi32> to vector<1xi32>
    %squeeze3A_11 = vector.extract %slice3A_10[0] : i32 from vector<1xi32>
    %select_n3A_12 = arith.select %eq3A_7, %squeeze3A_9, %squeeze3A_11 : i32
    %mul3A_13 = arith.muli %arg1, %select_n3A_12 : i32
    %mul3A_14 = arith.constant 128 : i32
    %mul3A_15 = arith.muli %mul3A_13, %mul3A_14 : i32
    %add3A = arith.addi %select_n3A, %mul3A_15 : i32
    %while3A = arith.constant 0 : i32
    %while3A_16 = arith.constant 0 : i32
    %while3A_17 = arith.subi %select_n3A_12, %while3A_16 : i32
    %while3A_18 = arith.addi %while3A_16, %while3A_17 : i32
    %while3A_19 = arith.constant 1 : i32
    %while3A_20 = arith.divsi %while3A_17, %while3A_19 : i32
    %while3A_21 = arith.muli %while3A_20, %while3A_19 : i32
    %while3A_22 = arith.addi %while3A_16, %while3A_21 : i32
    %while3A_23 = arith.constant 1 : i32
    scf.for %while3A_31 = %while3A_16 to %while3A_22 step %while3A_23  : i32 {
      %mul3A_32 = arith.constant 128 : i32
      %mul3A_33 = arith.muli %while3A_31, %mul3A_32 : i32
      %add3A_34 = arith.addi %add3A, %mul3A_33 : i32
      %multiple_of3A = tpu.assume_multiple %add3A_34, 128 : i32
      "tpu.region"() ({
        %run_scoped3A = tpu.sem_alloc : memref<!tpu.dma_semaphore, #tpu.memory_space<semaphore_mem>>
        %dma_start3A_39 = tpu.memref_slice %arg3[%multiple_of3A] : memref<336448xi32, #tpu.memory_space<hbm>> -> memref<128xi32, #tpu.memory_space<hbm>>
        %dma_start3A_40 = tpu.memref_slice %arg3[%multiple_of3A] : memref<336448xi32, #tpu.memory_space<hbm>> -> memref<128xi32, #tpu.memory_space<hbm>>
        tpu.enqueue_dma source(%dma_start3A_40 : memref<128xi32, #tpu.memory_space<hbm>>) target(%arg9 : memref<128xi32, #tpu.memory_space<vmem>>) target_semaphore(%run_scoped3A : memref<!tpu.dma_semaphore, #tpu.memory_space<semaphore_mem>>)
        %dma_wait3A_41 = tpu.memref_slice %arg3[%multiple_of3A] : memref<336448xi32, #tpu.memory_space<hbm>> -> memref<128xi32, #tpu.memory_space<hbm>>
        %dma_wait3A_42 = tpu.memref_slice %arg3[%multiple_of3A] : memref<336448xi32, #tpu.memory_space<hbm>> -> memref<128xi32, #tpu.memory_space<hbm>>
        tpu.wait_dma2 semaphore(%run_scoped3A : memref<!tpu.dma_semaphore, #tpu.memory_space<semaphore_mem>>) src(%dma_wait3A_42 : memref<128xi32, #tpu.memory_space<hbm>>) dst(%arg9 : memref<128xi32, #tpu.memory_space<vmem>>)
        tpu.yield
      }) : () -> ()
      "tpu.region"() ({
        %run_scoped3A = tpu.sem_alloc : memref<!tpu.dma_semaphore, #tpu.memory_space<semaphore_mem>>
        %dma_start3A_39 = tpu.memref_slice %arg4[%multiple_of3A] : memref<336448xi32, #tpu.memory_space<hbm>> -> memref<128xi32, #tpu.memory_space<hbm>>
        %dma_start3A_40 = tpu.memref_slice %arg4[%multiple_of3A] : memref<336448xi32, #tpu.memory_space<hbm>> -> memref<128xi32, #tpu.memory_space<hbm>>
        tpu.enqueue_dma source(%dma_start3A_40 : memref<128xi32, #tpu.memory_space<hbm>>) target(%arg10 : memref<128xi32, #tpu.memory_space<vmem>>) target_semaphore(%run_scoped3A : memref<!tpu.dma_semaphore, #tpu.memory_space<semaphore_mem>>)
        %dma_wait3A_41 = tpu.memref_slice %arg4[%multiple_of3A] : memref<336448xi32, #tpu.memory_space<hbm>> -> memref<128xi32, #tpu.memory_space<hbm>>
        %dma_wait3A_42 = tpu.memref_slice %arg4[%multiple_of3A] : memref<336448xi32, #tpu.memory_space<hbm>> -> memref<128xi32, #tpu.memory_space<hbm>>
        tpu.wait_dma2 semaphore(%run_scoped3A : memref<!tpu.dma_semaphore, #tpu.memory_space<semaphore_mem>>) src(%dma_wait3A_42 : memref<128xi32, #tpu.memory_space<hbm>>) dst(%arg10 : memref<128xi32, #tpu.memory_space<vmem>>)
        tpu.yield
      }) : () -> ()
      %dma_start3A = arith.constant 0 : i32
      %dma_start3A_35 = arith.constant 0 : i32
      %dma_start3A_36 = tpu.memref_slice %arg2[%dma_start3A, %dma_start3A_35] : memref<10000x128xf32, #tpu.memory_space<hbm>> -> memref<10000x128xf32, #tpu.memory_space<hbm>>
      tpu.enqueue_indirect_dma source(%dma_start3A_36 : memref<10000x128xf32, #tpu.memory_space<hbm>>) target(%arg11 : memref<128x128xf32, #tpu.memory_space<vmem>>) offsets(%arg9 : memref<128xi32, #tpu.memory_space<vmem>>) semaphore(%arg13 : memref<!tpu.dma_semaphore, #tpu.memory_space<semaphore_mem>>)
      %dma_wait3A = arith.constant 0 : i32
      %dma_wait3A_37 = arith.constant 0 : i32
      %dma_wait3A_38 = tpu.memref_slice %arg2[%dma_wait3A, %dma_wait3A_37] : memref<10000x128xf32, #tpu.memory_space<hbm>> -> memref<10000x128xf32, #tpu.memory_space<hbm>>
      tpu.wait_indirect_dma semaphore(%arg13 : memref<!tpu.dma_semaphore, #tpu.memory_space<semaphore_mem>>) src(%dma_wait3A_38 : memref<10000x128xf32, #tpu.memory_space<hbm>>) dst(%arg11 : memref<128x128xf32, #tpu.memory_space<vmem>>)
      "tpu.region"() ({
        %run_scoped3A = tpu.sem_alloc : memref<!tpu.dma_semaphore, #tpu.memory_space<semaphore_mem>>
        %dma_start3A_39 = arith.constant 0 : i32
        %dma_start3A_40 = arith.constant 0 : i32
        %dma_start3A_41 = tpu.memref_slice %arg12[%dma_start3A_39, %dma_start3A_40] : memref<5248x128xf32, #tpu.memory_space<vmem_shared>> -> memref<5248x128xf32, #tpu.memory_space<vmem_shared>>
        tpu.enqueue_indirect_dma source(%arg11 : memref<128x128xf32, #tpu.memory_space<vmem>>) target(%dma_start3A_41 : memref<5248x128xf32, #tpu.memory_space<vmem_shared>>) offsets(%arg10 : memref<128xi32, #tpu.memory_space<vmem>>) semaphore(%run_scoped3A : memref<!tpu.dma_semaphore, #tpu.memory_space<semaphore_mem>>) {add = true}
        %dma_wait3A_42 = arith.constant 0 : i32
        %dma_wait3A_43 = arith.constant 0 : i32
        %dma_wait3A_44 = tpu.memref_slice %arg12[%dma_wait3A_42, %dma_wait3A_43] : memref<5248x128xf32, #tpu.memory_space<vmem_shared>> -> memref<5248x128xf32, #tpu.memory_space<vmem_shared>>
        tpu.wait_indirect_dma semaphore(%run_scoped3A : memref<!tpu.dma_semaphore, #tpu.memory_space<semaphore_mem>>) src(%arg11 : memref<128x128xf32, #tpu.memory_space<vmem>>) dst(%dma_wait3A_44 : memref<5248x128xf32, #tpu.memory_space<vmem_shared>>)
        tpu.yield
      }) : () -> ()
    }
    %while3A_24 = arith.constant 1 : i32
    scf.for %while3A_31 = %while3A_22 to %while3A_18 step %while3A_24  : i32 {
      %mul3A_32 = arith.constant 128 : i32
      %mul3A_33 = arith.muli %while3A_31, %mul3A_32 : i32
      %add3A_34 = arith.addi %add3A, %mul3A_33 : i32
      %multiple_of3A = tpu.assume_multiple %add3A_34, 128 : i32
      "tpu.region"() ({
        %run_scoped3A = tpu.sem_alloc : memref<!tpu.dma_semaphore, #tpu.memory_space<semaphore_mem>>
        %dma_start3A_39 = tpu.memref_slice %arg3[%multiple_of3A] : memref<336448xi32, #tpu.memory_space<hbm>> -> memref<128xi32, #tpu.memory_space<hbm>>
        %dma_start3A_40 = tpu.memref_slice %arg3[%multiple_of3A] : memref<336448xi32, #tpu.memory_space<hbm>> -> memref<128xi32, #tpu.memory_space<hbm>>
        tpu.enqueue_dma source(%dma_start3A_40 : memref<128xi32, #tpu.memory_space<hbm>>) target(%arg9 : memref<128xi32, #tpu.memory_space<vmem>>) target_semaphore(%run_scoped3A : memref<!tpu.dma_semaphore, #tpu.memory_space<semaphore_mem>>)
        %dma_wait3A_41 = tpu.memref_slice %arg3[%multiple_of3A] : memref<336448xi32, #tpu.memory_space<hbm>> -> memref<128xi32, #tpu.memory_space<hbm>>
        %dma_wait3A_42 = tpu.memref_slice %arg3[%multiple_of3A] : memref<336448xi32, #tpu.memory_space<hbm>> -> memref<128xi32, #tpu.memory_space<hbm>>
        tpu.wait_dma2 semaphore(%run_scoped3A : memref<!tpu.dma_semaphore, #tpu.memory_space<semaphore_mem>>) src(%dma_wait3A_42 : memref<128xi32, #tpu.memory_space<hbm>>) dst(%arg9 : memref<128xi32, #tpu.memory_space<vmem>>)
        tpu.yield
      }) : () -> ()
      "tpu.region"() ({
        %run_scoped3A = tpu.sem_alloc : memref<!tpu.dma_semaphore, #tpu.memory_space<semaphore_mem>>
        %dma_start3A_39 = tpu.memref_slice %arg4[%multiple_of3A] : memref<336448xi32, #tpu.memory_space<hbm>> -> memref<128xi32, #tpu.memory_space<hbm>>
        %dma_start3A_40 = tpu.memref_slice %arg4[%multiple_of3A] : memref<336448xi32, #tpu.memory_space<hbm>> -> memref<128xi32, #tpu.memory_space<hbm>>
        tpu.enqueue_dma source(%dma_start3A_40 : memref<128xi32, #tpu.memory_space<hbm>>) target(%arg10 : memref<128xi32, #tpu.memory_space<vmem>>) target_semaphore(%run_scoped3A : memref<!tpu.dma_semaphore, #tpu.memory_space<semaphore_mem>>)
        %dma_wait3A_41 = tpu.memref_slice %arg4[%multiple_of3A] : memref<336448xi32, #tpu.memory_space<hbm>> -> memref<128xi32, #tpu.memory_space<hbm>>
        %dma_wait3A_42 = tpu.memref_slice %arg4[%multiple_of3A] : memref<336448xi32, #tpu.memory_space<hbm>> -> memref<128xi32, #tpu.memory_space<hbm>>
        tpu.wait_dma2 semaphore(%run_scoped3A : memref<!tpu.dma_semaphore, #tpu.memory_space<semaphore_mem>>) src(%dma_wait3A_42 : memref<128xi32, #tpu.memory_space<hbm>>) dst(%arg10 : memref<128xi32, #tpu.memory_space<vmem>>)
        tpu.yield
      }) : () -> ()
      %dma_start3A = arith.constant 0 : i32
      %dma_start3A_35 = arith.constant 0 : i32
      %dma_start3A_36 = tpu.memref_slice %arg2[%dma_start3A, %dma_start3A_35] : memref<10000x128xf32, #tpu.memory_space<hbm>> -> memref<10000x128xf32, #tpu.memory_space<hbm>>
      tpu.enqueue_indirect_dma source(%dma_start3A_36 : memref<10000x128xf32, #tpu.memory_space<hbm>>) target(%arg11 : memref<128x128xf32, #tpu.memory_space<vmem>>) offsets(%arg9 : memref<128xi32, #tpu.memory_space<vmem>>) semaphore(%arg13 : memref<!tpu.dma_semaphore, #tpu.memory_space<semaphore_mem>>)
      %dma_wait3A = arith.constant 0 : i32
      %dma_wait3A_37 = arith.constant 0 : i32
      %dma_wait3A_38 = tpu.memref_slice %arg2[%dma_wait3A, %dma_wait3A_37] : memref<10000x128xf32, #tpu.memory_space<hbm>> -> memref<10000x128xf32, #tpu.memory_space<hbm>>
      tpu.wait_indirect_dma semaphore(%arg13 : memref<!tpu.dma_semaphore, #tpu.memory_space<semaphore_mem>>) src(%dma_wait3A_38 : memref<10000x128xf32, #tpu.memory_space<hbm>>) dst(%arg11 : memref<128x128xf32, #tpu.memory_space<vmem>>)
      "tpu.region"() ({
        %run_scoped3A = tpu.sem_alloc : memref<!tpu.dma_semaphore, #tpu.memory_space<semaphore_mem>>
        %dma_start3A_39 = arith.constant 0 : i32
        %dma_start3A_40 = arith.constant 0 : i32
        %dma_start3A_41 = tpu.memref_slice %arg12[%dma_start3A_39, %dma_start3A_40] : memref<5248x128xf32, #tpu.memory_space<vmem_shared>> -> memref<5248x128xf32, #tpu.memory_space<vmem_shared>>
        tpu.enqueue_indirect_dma source(%arg11 : memref<128x128xf32, #tpu.memory_space<vmem>>) target(%dma_start3A_41 : memref<5248x128xf32, #tpu.memory_space<vmem_shared>>) offsets(%arg10 : memref<128xi32, #tpu.memory_space<vmem>>) semaphore(%run_scoped3A : memref<!tpu.dma_semaphore, #tpu.memory_space<semaphore_mem>>) {add = true}
        %dma_wait3A_42 = arith.constant 0 : i32
        %dma_wait3A_43 = arith.constant 0 : i32
        %dma_wait3A_44 = tpu.memref_slice %arg12[%dma_wait3A_42, %dma_wait3A_43] : memref<5248x128xf32, #tpu.memory_space<vmem_shared>> -> memref<5248x128xf32, #tpu.memory_space<vmem_shared>>
        tpu.wait_indirect_dma semaphore(%run_scoped3A : memref<!tpu.dma_semaphore, #tpu.memory_space<semaphore_mem>>) src(%arg11 : memref<128x128xf32, #tpu.memory_space<vmem>>) dst(%dma_wait3A_44 : memref<5248x128xf32, #tpu.memory_space<vmem_shared>>)
        tpu.yield
      }) : () -> ()
    }
    %barrier3A_25 = arith.constant 0 : index
    tpu.barrier barrier_id(%barrier3A_25)
    %mul3A_26 = arith.constant 320 : i32
    %mul3A_27 = arith.muli %arg1, %mul3A_26 : i32
    %mul3A_28 = arith.constant 5120 : i32
    %mul3A_29 = arith.muli %arg0, %mul3A_28 : i32
    %add3A_30 = arith.addi %mul3A_29, %mul3A_27 : i32
    "tpu.region"() ({
      %run_scoped3A = tpu.sem_alloc : memref<!tpu.dma_semaphore, #tpu.memory_space<semaphore_mem>>
      %dma_start3A = arith.constant 0 : i32
      %dma_start3A_31 = tpu.memref_slice %arg7[%add3A_30, %dma_start3A] : memref<10240x128xf32, #tpu.memory_space<hbm>> -> memref<320x128xf32, #tpu.memory_space<hbm>>
      %dma_start3A_32 = arith.constant 0 : i32
      %dma_start3A_33 = tpu.memref_slice %arg12[%mul3A_27, %dma_start3A_32] : memref<5248x128xf32, #tpu.memory_space<vmem_shared>> -> memref<320x128xf32, #tpu.memory_space<vmem_shared>>
      tpu.enqueue_dma source(%dma_start3A_33 : memref<320x128xf32, #tpu.memory_space<vmem_shared>>) target(%dma_start3A_31 : memref<320x128xf32, #tpu.memory_space<hbm>>) target_semaphore(%run_scoped3A : memref<!tpu.dma_semaphore, #tpu.memory_space<semaphore_mem>>)
      %dma_wait3A = arith.constant 0 : i32
      %dma_wait3A_34 = tpu.memref_slice %arg7[%add3A_30, %dma_wait3A] : memref<10240x128xf32, #tpu.memory_space<hbm>> -> memref<320x128xf32, #tpu.memory_space<hbm>>
      %dma_wait3A_35 = arith.constant 0 : i32
      %dma_wait3A_36 = tpu.memref_slice %arg12[%mul3A_27, %dma_wait3A_35] : memref<5248x128xf32, #tpu.memory_space<vmem_shared>> -> memref<320x128xf32, #tpu.memory_space<vmem_shared>>
      tpu.wait_dma2 semaphore(%run_scoped3A : memref<!tpu.dma_semaphore, #tpu.memory_space<semaphore_mem>>) src(%dma_wait3A_36 : memref<320x128xf32, #tpu.memory_space<vmem_shared>>) dst(%dma_wait3A_34 : memref<320x128xf32, #tpu.memory_space<hbm>>)
      tpu.yield
    }) : () -> ()
    return
  }
}

module attributes {stable_mosaic.version = 14 : i64} {
  func.func @body(%arg0: i32, %arg1: memref<1000x128xf32, #tpu.memory_space<vmem>>, %arg2: memref<1000x128xf32, #tpu.memory_space<vmem>>, %arg3: memref<1000x16xf32, #tpu.memory_space<vmem>>, %arg4: memref<128x128xf32, #tpu.memory_space<vmem>>, %arg5: memref<128x128xf32, #tpu.memory_space<vmem>>, %arg6: memref<1x128xf32, #tpu.memory_space<vmem>>, %arg7: memref<1000x128xf32, #tpu.memory_space<vmem>>) attributes {dimension_semantics = [#tpu.dimension_semantics<arbitrary>], iteration_bounds = array<i64: 10>, scalar_prefetch = 0 : i64, scratch_operands = 0 : i64, tpu.core_type = #tpu.core_type<tc>, window_params = [{transform_indices = @transform_0, window_bounds = array<i64: 1000, 128>}, {transform_indices = @transform_1, window_bounds = array<i64: 1000, 128>}, {transform_indices = @transform_2, window_bounds = array<i64: 1000, 16>}, {pipeline_mode = #tpu.pipeline_mode<synchronous>, transform_indices = @transform_3, window_bounds = array<i64: 128, 128>}, {pipeline_mode = #tpu.pipeline_mode<synchronous>, transform_indices = @transform_4, window_bounds = array<i64: 128, 128>}, {pipeline_mode = #tpu.pipeline_mode<synchronous>, transform_indices = @transform_5, window_bounds = array<i64: 1, 128>}, {transform_indices = @transform_6, window_bounds = array<i64: 1000, 128>}]} {
    %get3A = arith.constant 0 : index
    %get3A_0 = arith.constant 0 : index
    %get3A_1 = vector.load %arg3[%get3A, %get3A_0] : memref<1000x16xf32, #tpu.memory_space<vmem>>, vector<1000x16xf32>
    %slice3A = vector.extract_strided_slice %get3A_1 {offsets = [0, 0], sizes = [1000, 1], strides = [1, 1]} : vector<1000x16xf32> to vector<1000x1xf32>
    %squeeze3A = vector.shape_cast %slice3A : vector<1000x1xf32> to vector<1000xf32>
    %max3A = arith.constant 1.000000e+00 : f32
    %max3A_2 = vector.broadcast %max3A : f32 to vector<1000xf32>
    %max3A_3 = arith.maximumf %squeeze3A, %max3A_2 : vector<1000xf32>
    %div3A = arith.constant 1.000000e+00 : f32
    %div3A_4 = vector.broadcast %div3A : f32 to vector<1000xf32>
    %div3A_5 = arith.divf %div3A_4, %max3A_3 : vector<1000xf32>
    %get3A_6 = arith.constant 0 : index
    %get3A_7 = arith.constant 0 : index
    %get3A_8 = vector.load %arg2[%get3A_6, %get3A_7] : memref<1000x128xf32, #tpu.memory_space<vmem>>, vector<1000x128xf32>
    %broadcast_in_dim3A = vector.shape_cast %div3A_5 : vector<1000xf32> to vector<1000x1xf32>
    %mul3A = vector.broadcast %broadcast_in_dim3A : vector<1000x1xf32> to vector<1000x128xf32>
    %mul3A_9 = arith.mulf %get3A_8, %mul3A : vector<1000x128xf32>
    %get3A_10 = arith.constant 0 : index
    %get3A_11 = arith.constant 0 : index
    %get3A_12 = vector.load %arg1[%get3A_10, %get3A_11] : memref<1000x128xf32, #tpu.memory_space<vmem>>, vector<1000x128xf32>
    %get3A_13 = arith.constant 0 : index
    %get3A_14 = arith.constant 0 : index
    %get3A_15 = vector.load %arg4[%get3A_13, %get3A_14] : memref<128x128xf32, #tpu.memory_space<vmem>>, vector<128x128xf32>
    %dot_general3A = arith.constant dense<0.000000e+00> : vector<1000x128xf32>
    %dot_general3A_16 = tpu.matmul %get3A_12, %get3A_15, %dot_general3A {dimension_numbers = #tpu.dot_dimension_numbers<[1], [0], [0], [1], [0, 0, 1, 1], [], []>, transpose_lhs_hint = false} : vector<1000x128xf32>, vector<128x128xf32>, vector<1000x128xf32> -> vector<1000x128xf32>
    %get3A_17 = arith.constant 0 : index
    %get3A_18 = arith.constant 0 : index
    %get3A_19 = vector.load %arg5[%get3A_17, %get3A_18] : memref<128x128xf32, #tpu.memory_space<vmem>>, vector<128x128xf32>
    %dot_general3A_20 = arith.constant dense<0.000000e+00> : vector<1000x128xf32>
    %dot_general3A_21 = tpu.matmul %mul3A_9, %get3A_19, %dot_general3A_20 {dimension_numbers = #tpu.dot_dimension_numbers<[1], [0], [0], [1], [0, 0, 1, 1], [], []>, transpose_lhs_hint = false} : vector<1000x128xf32>, vector<128x128xf32>, vector<1000x128xf32> -> vector<1000x128xf32>
    %add3A = arith.addf %dot_general3A_16, %dot_general3A_21 : vector<1000x128xf32>
    %get3A_22 = arith.constant 0 : index
    %get3A_23 = arith.constant 0 : index
    %get3A_24 = vector.load %arg6[%get3A_22, %get3A_23] : memref<1x128xf32, #tpu.memory_space<vmem>>, vector<1x128xf32>
    %add3A_25 = vector.broadcast %get3A_24 : vector<1x128xf32> to vector<1000x128xf32>
    %add3A_26 = arith.addf %add3A, %add3A_25 : vector<1000x128xf32>
    %max3A_27 = arith.constant 0.000000e+00 : f32
    %max3A_28 = vector.broadcast %max3A_27 : f32 to vector<1000x128xf32>
    %max3A_29 = arith.maximumf %add3A_26, %max3A_28 : vector<1000x128xf32>
    %swap3A = arith.constant 0 : index
    %swap3A_30 = arith.constant 0 : index
    %swap3A_31 = vector.load %arg7[%swap3A, %swap3A_30] : memref<1000x128xf32, #tpu.memory_space<vmem>>, vector<1000x128xf32>
    tpu.vector_store %arg7[%swap3A, %swap3A_30], %max3A_29 {strides = array<i32>} : memref<1000x128xf32, #tpu.memory_space<vmem>>, vector<1000x128xf32>,
    return
  }
  func.func @transform_0(%arg0: i32) -> (i32, i32) {
    %c0_i32 = arith.constant 0 : i32
    %c0_i32_0 = arith.constant 0 : i32
    return %arg0, %c0_i32 : i32, i32
  }
  func.func @transform_1(%arg0: i32) -> (i32, i32) {
    %c0_i32 = arith.constant 0 : i32
    %c0_i32_0 = arith.constant 0 : i32
    return %arg0, %c0_i32 : i32, i32
  }
  func.func @transform_2(%arg0: i32) -> (i32, i32) {
    %c0_i32 = arith.constant 0 : i32
    %c0_i32_0 = arith.constant 0 : i32
    return %arg0, %c0_i32 : i32, i32
  }
  func.func @transform_3(%arg0: i32) -> (i32, i32) {
    %c0_i32 = arith.constant 0 : i32
    %c0_i32_0 = arith.constant 0 : i32
    %c0_i32_1 = arith.constant 0 : i32
    return %c0_i32, %c0_i32_0 : i32, i32
  }
  func.func @transform_4(%arg0: i32) -> (i32, i32) {
    %c0_i32 = arith.constant 0 : i32
    %c0_i32_0 = arith.constant 0 : i32
    %c0_i32_1 = arith.constant 0 : i32
    return %c0_i32, %c0_i32_0 : i32, i32
  }
  func.func @transform_5(%arg0: i32) -> (i32, i32) {
    %c0_i32 = arith.constant 0 : i32
    %c0_i32_0 = arith.constant 0 : i32
    %c0_i32_1 = arith.constant 0 : i32
    return %c0_i32, %c0_i32_0 : i32, i32
  }
  func.func @transform_6(%arg0: i32) -> (i32, i32) {
    %c0_i32 = arith.constant 0 : i32
    %c0_i32_0 = arith.constant 0 : i32
    return %arg0, %c0_i32 : i32, i32
  }
}

module attributes {stable_mosaic.version = 14 : i64} {
  func.func @body(%arg0: i32, %arg1: memref<1000x128xf32, #tpu.memory_space<vmem>>, %arg2: memref<1000x128xf32, #tpu.memory_space<vmem>>, %arg3: memref<1000x128xf32, #tpu.memory_space<vmem>>, %arg4: memref<1000x16xf32, #tpu.memory_space<vmem>>, %arg5: memref<128x128xf32, #tpu.memory_space<vmem>>, %arg6: memref<128x128xf32, #tpu.memory_space<vmem>>, %arg7: memref<1x128xf32, #tpu.memory_space<vmem>>, %arg8: memref<1000x128xf32, #tpu.memory_space<vmem>>) attributes {dimension_semantics = [#tpu.dimension_semantics<arbitrary>], iteration_bounds = array<i64: 10>, scalar_prefetch = 0 : i64, scratch_operands = 0 : i64, tpu.core_type = #tpu.core_type<tc>, window_params = [{transform_indices = @transform_0, window_bounds = array<i64: 1000, 128>}, {transform_indices = @transform_1, window_bounds = array<i64: 1000, 128>}, {transform_indices = @transform_2, window_bounds = array<i64: 1000, 128>}, {transform_indices = @transform_3, window_bounds = array<i64: 1000, 16>}, {pipeline_mode = #tpu.pipeline_mode<synchronous>, transform_indices = @transform_4, window_bounds = array<i64: 128, 128>}, {pipeline_mode = #tpu.pipeline_mode<synchronous>, transform_indices = @transform_5, window_bounds = array<i64: 128, 128>}, {pipeline_mode = #tpu.pipeline_mode<synchronous>, transform_indices = @transform_6, window_bounds = array<i64: 1, 128>}, {transform_indices = @transform_7, window_bounds = array<i64: 1000, 128>}]} {
    %get3A = arith.constant 0 : index
    %get3A_0 = arith.constant 0 : index
    %get3A_1 = vector.load %arg4[%get3A, %get3A_0] : memref<1000x16xf32, #tpu.memory_space<vmem>>, vector<1000x16xf32>
    %slice3A = vector.extract_strided_slice %get3A_1 {offsets = [0, 0], sizes = [1000, 1], strides = [1, 1]} : vector<1000x16xf32> to vector<1000x1xf32>
    %squeeze3A = vector.shape_cast %slice3A : vector<1000x1xf32> to vector<1000xf32>
    %max3A = arith.constant 1.000000e+00 : f32
    %max3A_2 = vector.broadcast %max3A : f32 to vector<1000xf32>
    %max3A_3 = arith.maximumf %squeeze3A, %max3A_2 : vector<1000xf32>
    %div3A = arith.constant 1.000000e+00 : f32
    %div3A_4 = vector.broadcast %div3A : f32 to vector<1000xf32>
    %div3A_5 = arith.divf %div3A_4, %max3A_3 : vector<1000xf32>
    %slice3A_6 = vector.extract_strided_slice %get3A_1 {offsets = [0, 1], sizes = [1000, 1], strides = [1, 1]} : vector<1000x16xf32> to vector<1000x1xf32>
    %squeeze3A_7 = vector.shape_cast %slice3A_6 : vector<1000x1xf32> to vector<1000xf32>
    %add3A = arith.addf %squeeze3A, %squeeze3A_7 : vector<1000xf32>
    %gt3A = arith.constant 0.000000e+00 : f32
    %gt3A_8 = vector.broadcast %gt3A : f32 to vector<1000xf32>
    %gt3A_9 = arith.cmpf ogt, %add3A, %gt3A_8 : vector<1000xf32>
    %get3A_10 = arith.constant 0 : index
    %get3A_11 = arith.constant 0 : index
    %get3A_12 = vector.load %arg3[%get3A_10, %get3A_11] : memref<1000x128xf32, #tpu.memory_space<vmem>>, vector<1000x128xf32>
    %broadcast_in_dim3A = vector.shape_cast %div3A_5 : vector<1000xf32> to vector<1000x1xf32>
    %mul3A = vector.broadcast %broadcast_in_dim3A : vector<1000x1xf32> to vector<1000x128xf32>
    %mul3A_13 = arith.mulf %get3A_12, %mul3A : vector<1000x128xf32>
    %get3A_14 = arith.constant 0 : index
    %get3A_15 = arith.constant 0 : index
    %get3A_16 = vector.load %arg2[%get3A_14, %get3A_15] : memref<1000x128xf32, #tpu.memory_space<vmem>>, vector<1000x128xf32>
    %get3A_17 = arith.constant 0 : index
    %get3A_18 = arith.constant 0 : index
    %get3A_19 = vector.load %arg5[%get3A_17, %get3A_18] : memref<128x128xf32, #tpu.memory_space<vmem>>, vector<128x128xf32>
    %dot_general3A = arith.constant dense<0.000000e+00> : vector<1000x128xf32>
    %dot_general3A_20 = tpu.matmul %get3A_16, %get3A_19, %dot_general3A {dimension_numbers = #tpu.dot_dimension_numbers<[1], [0], [0], [1], [0, 0, 1, 1], [], []>, transpose_lhs_hint = false} : vector<1000x128xf32>, vector<128x128xf32>, vector<1000x128xf32> -> vector<1000x128xf32>
    %get3A_21 = arith.constant 0 : index
    %get3A_22 = arith.constant 0 : index
    %get3A_23 = vector.load %arg6[%get3A_21, %get3A_22] : memref<128x128xf32, #tpu.memory_space<vmem>>, vector<128x128xf32>
    %dot_general3A_24 = arith.constant dense<0.000000e+00> : vector<1000x128xf32>
    %dot_general3A_25 = tpu.matmul %mul3A_13, %get3A_23, %dot_general3A_24 {dimension_numbers = #tpu.dot_dimension_numbers<[1], [0], [0], [1], [0, 0, 1, 1], [], []>, transpose_lhs_hint = false} : vector<1000x128xf32>, vector<128x128xf32>, vector<1000x128xf32> -> vector<1000x128xf32>
    %add3A_26 = arith.addf %dot_general3A_20, %dot_general3A_25 : vector<1000x128xf32>
    %get3A_27 = arith.constant 0 : index
    %get3A_28 = arith.constant 0 : index
    %get3A_29 = vector.load %arg7[%get3A_27, %get3A_28] : memref<1x128xf32, #tpu.memory_space<vmem>>, vector<1x128xf32>
    %add3A_30 = vector.broadcast %get3A_29 : vector<1x128xf32> to vector<1000x128xf32>
    %add3A_31 = arith.addf %add3A_26, %add3A_30 : vector<1000x128xf32>
    %get3A_32 = arith.constant 0 : index
    %get3A_33 = arith.constant 0 : index
    %get3A_34 = vector.load %arg1[%get3A_32, %get3A_33] : memref<1000x128xf32, #tpu.memory_space<vmem>>, vector<1000x128xf32>
    %broadcast_in_dim3A_35 = vector.shape_cast %gt3A_9 : vector<1000xi1> to vector<1000x1xi1>
    %jit3A = arith.constant 0.000000e+00 : f32
    %broadcast_in_dim3A_36 = vector.shape_cast %broadcast_in_dim3A_35 : vector<1000x1xi1> to vector<1000x1xi1>
    %broadcast_in_dim3A_37 = vector.broadcast %broadcast_in_dim3A_36 : vector<1000x1xi1> to vector<1000x128xi1>
    %broadcast_in_dim3A_38 = vector.broadcast %jit3A : f32 to vector<1000x128xf32>
    %select_n3A = arith.select %broadcast_in_dim3A_37, %add3A_31, %broadcast_in_dim3A_38 : vector<1000x128xi1>, vector<1000x128xf32>
    %add3A_39 = arith.addf %get3A_34, %select_n3A : vector<1000x128xf32>
    %swap3A = arith.constant 0 : index
    %swap3A_40 = arith.constant 0 : index
    %swap3A_41 = vector.load %arg8[%swap3A, %swap3A_40] : memref<1000x128xf32, #tpu.memory_space<vmem>>, vector<1000x128xf32>
    tpu.vector_store %arg8[%swap3A, %swap3A_40], %add3A_39 {strides = array<i32>} : memref<1000x128xf32, #tpu.memory_space<vmem>>, vector<1000x128xf32>,
    return
  }
  func.func @transform_0(%arg0: i32) -> (i32, i32) {
    %c0_i32 = arith.constant 0 : i32
    %c0_i32_0 = arith.constant 0 : i32
    return %arg0, %c0_i32 : i32, i32
  }
  func.func @transform_1(%arg0: i32) -> (i32, i32) {
    %c0_i32 = arith.constant 0 : i32
    %c0_i32_0 = arith.constant 0 : i32
    return %arg0, %c0_i32 : i32, i32
  }
  func.func @transform_2(%arg0: i32) -> (i32, i32) {
    %c0_i32 = arith.constant 0 : i32
    %c0_i32_0 = arith.constant 0 : i32
    return %arg0, %c0_i32 : i32, i32
  }
  func.func @transform_3(%arg0: i32) -> (i32, i32) {
    %c0_i32 = arith.constant 0 : i32
    %c0_i32_0 = arith.constant 0 : i32
    return %arg0, %c0_i32 : i32, i32
  }
  func.func @transform_4(%arg0: i32) -> (i32, i32) {
    %c0_i32 = arith.constant 0 : i32
    %c0_i32_0 = arith.constant 0 : i32
    %c0_i32_1 = arith.constant 0 : i32
    return %c0_i32, %c0_i32_0 : i32, i32
  }
  func.func @transform_5(%arg0: i32) -> (i32, i32) {
    %c0_i32 = arith.constant 0 : i32
    %c0_i32_0 = arith.constant 0 : i32
    %c0_i32_1 = arith.constant 0 : i32
    return %c0_i32, %c0_i32_0 : i32, i32
  }
  func.func @transform_6(%arg0: i32) -> (i32, i32) {
    %c0_i32 = arith.constant 0 : i32
    %c0_i32_0 = arith.constant 0 : i32
    %c0_i32_1 = arith.constant 0 : i32
    return %c0_i32, %c0_i32_0 : i32, i32
  }
  func.func @transform_7(%arg0: i32) -> (i32, i32) {
    %c0_i32 = arith.constant 0 : i32
    %c0_i32_0 = arith.constant 0 : i32
    return %arg0, %c0_i32 : i32, i32
  }
}

module attributes {stable_mosaic.version = 14 : i64} {
  func.func @body(%arg0: i32, %arg1: memref<512x128xf32, #tpu.memory_space<vmem>>, %arg2: memref<1x128xf32, #tpu.memory_space<vmem>>, %arg3: memref<512x1xf32, #tpu.memory_space<vmem>>) attributes {dimension_semantics = [#tpu.dimension_semantics<arbitrary>], iteration_bounds = array<i64: 1>, scalar_prefetch = 0 : i64, scratch_operands = 0 : i64, tpu.core_type = #tpu.core_type<tc>, window_params = [{transform_indices = @transform_0, window_bounds = array<i64: 512, 128>}, {pipeline_mode = #tpu.pipeline_mode<synchronous>, transform_indices = @transform_1, window_bounds = array<i64: 1, 128>}, {pipeline_mode = #tpu.pipeline_mode<synchronous>, transform_indices = @transform_2, window_bounds = array<i64: 512, 1>}]} {
    %get3A = arith.constant 0 : index
    %get3A_0 = arith.constant 0 : index
    %get3A_1 = vector.load %arg1[%get3A, %get3A_0] : memref<512x128xf32, #tpu.memory_space<vmem>>, vector<512x128xf32>
    %get3A_2 = arith.constant 0 : index
    %get3A_3 = arith.constant 0 : index
    %get3A_4 = vector.load %arg2[%get3A_2, %get3A_3] : memref<1x128xf32, #tpu.memory_space<vmem>>, vector<1x128xf32>
    %mul3A = vector.broadcast %get3A_4 : vector<1x128xf32> to vector<512x128xf32>
    %mul3A_5 = arith.mulf %get3A_1, %mul3A : vector<512x128xf32>
    %reduce_sum3A = arith.constant dense<0.000000e+00> : vector<512xf32>
    %reduce_sum3A_6 = vector.multi_reduction <add>, %mul3A_5, %reduce_sum3A [1] : vector<512x128xf32> to vector<512xf32>
    %broadcast_in_dim3A = vector.shape_cast %reduce_sum3A_6 : vector<512xf32> to vector<512x1xf32>
    %swap3A = arith.constant 0 : index
    %swap3A_7 = arith.constant 0 : index
    %swap3A_8 = vector.load %arg3[%swap3A, %swap3A_7] : memref<512x1xf32, #tpu.memory_space<vmem>>, vector<512x1xf32>
    tpu.vector_store %arg3[%swap3A, %swap3A_7], %broadcast_in_dim3A {strides = array<i32>} : memref<512x1xf32, #tpu.memory_space<vmem>>, vector<512x1xf32>,
    return
  }
  func.func @transform_0(%arg0: i32) -> (i32, i32) {
    %c0_i32 = arith.constant 0 : i32
    %c0_i32_0 = arith.constant 0 : i32
    %c0_i32_1 = arith.constant 0 : i32
    return %c0_i32, %c0_i32_0 : i32, i32
  }
  func.func @transform_1(%arg0: i32) -> (i32, i32) {
    %c0_i32 = arith.constant 0 : i32
    %c0_i32_0 = arith.constant 0 : i32
    %c0_i32_1 = arith.constant 0 : i32
    return %c0_i32, %c0_i32_0 : i32, i32
  }
  func.func @transform_2(%arg0: i32) -> (i32, i32) {
    %c0_i32 = arith.constant 0 : i32
    %c0_i32_0 = arith.constant 0 : i32
    %c0_i32_1 = arith.constant 0 : i32
    return %c0_i32, %c0_i32_0 : i32, i32
  }
}

</mosaic_0001>

<sc_bundles>
// kernel: kernel.20.cloned.1.call-start
scs
__scs_entry_jumppad:
0x0: {  	(pc) =	sbr.rel $0x88, $3  }
0x1: {  	(tag) =	ssettag $0x0;
	lr =	simm.s32 $0x1  }
0x2: {  	[smem:$0x3F94] =	sst lr;
	_ =	strace $0xD0000000  }
0x3: {  	_ = 	snop  }
0x4: {  	_ = 	snop  }
0x5: {  	_ = 	snop  }
0x6: {  	_ = 	snop  }
0x7: {  	_ = 	snop  }
__scs_overlays_trampoline_lowered:
0x8: {  	[smem:$0x3FA3] =	sst s0  }
0x9: {  	[smem:$0x3FA4] =	sst s1  }
0xa: {  	[smem:$0x3FA5] =	sst s2  }
0xb: {  	[smem:$0x3FA6] =	sst s3  }
0xc: {  	[smem:$0x3FA7] =	sst s4  }
0xd: {  	[smem:$0x3FA8] =	sst s5  }
0xe: {  	[smem:$0x3FA9] =	sst s6  }
0xf: {  	[smem:$0x3FAA] =	sst s7  }
0x10: {  	[smem:$0x3FAB] =	sst s8  }
0x11: {  	[smem:$0x3FAC] =	sst s9;
	s0 =	simm.s32 @!p0 $0x0  }
0x12: {  	s1 =	sld [smem:$0x3F92];
	s0 =	simm.s32 @p0 $0x1  }
0x13: {  	[smem:$0x3FAD] =	sst s0;
	s0 =	simm.s32 @!p1 $0x0  }
0x14: {  	s2 =	sld [smem:$0x3F91];
	s0 =	simm.s32 @p1 $0x1  }
0x15: {  	[smem:$0x3FAE] =	sst s0;
	s0 =	simm.s32 @!p2 $0x0  }
0x16: {  	s3 =	sld [smem:$0x3FDB];
	s0 =	simm.s32 @p2 $0x1  }
0x17: {  	s4 =	simm.s32 $0x1BF5;
	[smem:$0x3FB0] =	sst s0  }
0x18: {  	s0 =	sld [smem:$0x3F93];
	_ =	swait.ge [sflag:s4], $0x0  }
0x19: {  	s7 =	sld [smem:$0x3F94]  }
0x1a: {  	s8 =	sadd.s32 $0xFFFFE003, lr  }
0x1b: {  	s9 =	sadd.s32 $0xFFFFFEF7, lr;
	s5 =	simm.s32 $0xFFFFFFFF;
	p2 =	slt.u32 s8, $0xFFFFF086  }
0x1c: {  	p1 =	slt.u32 s9, $0xF7A;
	s5 =	simm.s32 @!p2 $0x0  }
0x1d: {  	s5 =	simm.s32 @p1 $0x1;
	p0 =	seq.s32 s7, s2  }
0x1e: {  	s7 =	smul.u32 @!p0 $0xF7A, s2;
	p2 =	seq.s32 @!p0 s5, $0x0  }
0x1f: {  	s9 =	smul.u32 $0xF7A, s1;
	s8 =	simm.s32 @!p0 $0x1BF5;
	p2 =	por !p2, p0  }
0x20: {  	[sflag:s8] =	ssyncset.s32 @!p0 $0xFFFFF086;
	s6 =	sadd.s32 @!p0 s3, s7;
	s7 =	simm.s32 @!p0 $0x108  }
0x21: {  	s3 =	sadd.s32 s3, s9;
	s6 =	sadd.s32 @!p0 $0x88, s6;
	s7 =	simm.s32 @p2 $0x1082  }
0x22: {  	[simem:s7], [sflag:s8] =	dma.local @!p0 [hbm:s6], $0xF7A  }
0x23: {  	s9 =	sor.u32 $0xD0000000, s2;
	s6 =	simm.s32 $0x108;
	_ =	swait.ge @!p0 [sflag:s8], $0x0  }
0x24: {  	s3 =	sadd.s32 $0x88, s3;
	s6 =	simm.s32 @!p1 $0x1082;
	[sflag:s4] =	ssyncset.s32 $0xFFFFF086  }
0x25: {  	[simem:s6], [sflag:s4] =	dma.local [hbm:s3], $0xF7A  }
0x26: {  	[smem:$0x3F94] =	sst s1;
	(tag) =	ssettag s2;
	_ =	strace s9  }
0x27: {  	s1 =	sld [smem:$0x3FA4]  }
0x28: {  	s2 =	sld [smem:$0x3FA5]  }
0x29: {  	s4 =	sld [smem:$0x3FA7]  }
0x2a: {  	p0 =	seq.s32 s5, $0x0;
	s5 =	sld [smem:$0x3FA8]  }
0x2b: {  	s6 =	sld [smem:$0x3FA9]  }
0x2c: {  	s7 =	sld [smem:$0x3FAA]  }
0x2d: {  	s3 =	simm.s32 $0x108;
	s8 =	sld [smem:$0x3FAB]  }
0x2e: {  	s3 =	simm.s32 @!p0 $0x1082;
	s9 =	sld [smem:$0x3FAC]  }
0x2f: {  	lr =	sadd.s32 s0, s3;
	s0 =	sld [smem:$0x3FA3]  }
0x30: {  	s3 =	sld [smem:$0x3FA6]  }
0x31: {  	[smem:$0x3FAF] =	sst s10  }
0x32: {  	s10 =	sld [smem:$0x3FAD];
	_ =	sdelay $0x3  }
0x33: {  	p0 =	seq.s32 s10, $0x1;
	s10 =	sld [smem:$0x3FAF];
	_ =	sdelay $0x3  }
0x34: {  	[smem:$0x3FAF] =	sst s10  }
0x35: {  	s10 =	sld [smem:$0x3FAE];
	_ =	sdelay $0x3  }
0x36: {  	p1 =	seq.s32 s10, $0x1;
	s10 =	sld [smem:$0x3FAF];
	_ =	sdelay $0x3  }
0x37: {  	[smem:$0x3FAF] =	sst s10  }
0x38: {  	s10 =	sld [smem:$0x3FB0]  }
0x39: {  	_ = 	snop;
	(pc) =	sbr.ind lr, $3  }
0x3a: {  	_ = 	snop  }
0x3b: {  	_ = 	snop  }
0x3c: {  	p2 =	seq.s32 s10, $0x1;
	s10 =	sld [smem:$0x3FAF]  }
0x3d: {  	_ =	shalt  }
0x3e: {  	_ =	shalt  }
0x3f: {  	_ =	shalt  }
0x40: {  	_ =	shalt  }
0x41: {  	_ =	shalt  }
0x42: {  	_ =	shalt  }
0x43: {  	_ =	shalt  }
0x44: {  	_ =	shalt  }
0x45: {  	_ =	shalt  }
0x46: {  	_ =	shalt  }
0x47: {  	_ =	shalt  }
0x48: {  	_ =	shalt  }
0x49: {  	_ =	shalt  }
0x4a: {  	_ =	shalt  }
0x4b: {  	_ =	shalt  }
0x4c: {  	_ =	shalt  }
0x4d: {  	_ =	shalt  }
0x4e: {  	_ =	shalt  }
0x4f: {  	_ =	shalt  }
0x50: {  	_ =	shalt  }
0x51: {  	_ =	shalt  }
0x52: {  	_ =	shalt  }
0x53: {  	_ =	shalt  }
0x54: {  	_ =	shalt  }
0x55: {  	_ =	shalt  }
0x56: {  	_ =	shalt  }
0x57: {  	_ =	shalt  }
0x58: {  	_ =	shalt  }
0x59: {  	_ =	shalt  }
0x5a: {  	_ =	shalt  }
0x5b: {  	_ =	shalt  }
0x5c: {  	_ =	shalt  }
0x5d: {  	_ =	shalt  }
0x5e: {  	_ =	shalt  }
0x5f: {  	_ =	shalt  }
0x60: {  	_ =	shalt  }
0x61: {  	_ =	shalt  }
0x62: {  	_ =	shalt  }
0x63: {  	_ =	shalt  }
0x64: {  	_ =	shalt  }
0x65: {  	_ =	shalt  }
0x66: {  	_ =	shalt  }
0x67: {  	_ =	shalt  }
0x68: {  	_ =	shalt  }
0x69: {  	_ =	shalt  }
0x6a: {  	_ =	shalt  }
0x6b: {  	_ =	shalt  }
0x6c: {  	_ =	shalt  }
0x6d: {  	_ =	shalt  }
0x6e: {  	_ =	shalt  }
0x6f: {  	_ =	shalt  }
0x70: {  	_ =	shalt  }
0x71: {  	_ =	shalt  }
0x72: {  	_ =	shalt  }
0x73: {  	_ =	shalt  }
0x74: {  	_ =	shalt  }
0x75: {  	_ =	shalt  }
0x76: {  	_ =	shalt  }
0x77: {  	_ =	shalt  }
0x78: {  	_ =	shalt  }
0x79: {  	_ =	shalt  }
0x7a: {  	_ =	shalt  }
0x7b: {  	_ =	shalt  }
0x7c: {  	_ =	shalt  }
0x7d: {  	_ =	shalt  }
0x7e: {  	_ =	shalt  }
0x7f: {  	_ =	shalt  }
0x80: {  	_ =	shalt  }
0x81: {  	_ =	shalt  }
0x82: {  	_ =	shalt  }
0x83: {  	_ =	shalt  }
0x84: {  	_ =	shalt  }
0x85: {  	_ =	shalt  }
0x86: {  	_ =	shalt  }
0x87: {  	_ =	shalt  }
.Lfunc_end0:
.L_simem_size_0:
called_computation_lowered:
.L_overlay_start_0:
0x88: {  	s2 =	sld [smem:$0x3FD9]  }
0x89: {  	s3 =	sld [smem:$0x3FFE];
	_ =	sdelay $0x1  }
0x8a: {  	s1 =	srdreg.scid  }
0x8b: {  	s0 =	sand.u32 $0x1, s1  }
0x8c: {  	s17 =	sshll.u32 s0, $0xA;
	s2 =	sadd.s32 s3, s2  }
0x8d: {  	s2 =	sadd.s32 s2, s17  }
0x8e: {  	[smem:$0x3FBB] =	sst s2  }
0x8f: {  	_ = 	snop  }
0x90: {  	s2 =	sld [smem:$0x3FD0];
	(tm) =	ssettm $0x1  }
0x91: {  	s18 =	sld [smem:$0x3FFB];
	_ =	sdelay $0x3  }
0x92: {  	_ =	strace s18  }
0x93: {  	s3 =	sld [smem:$0x3FFC];
	_ =	sdelay $0x3  }
0x94: {  	_ =	strace s3  }
0x95: {  	s3 =	sld [smem:$0x3FFD];
	_ =	sdelay $0x3  }
0x96: {  	_ =	strace s3  }
0x97: {  	_ =	strace $0x8FFFFFFF  }
0x98: {  	s19 =	sld [smem:$0x3FDB];
	_ =	sdelay $0x1  }
0x99: {  	s4 =	simm.s32 $_scs_section_size  }
0x9a: {  	s5 =	simm.s32 $_size__tile_overlayer_lowered;
	s6 =	simm.s32 $_tile_overlayer_lowered  }
0x9b: {  	s22 =	simm.s32 $0x1BFF;
	s21 =	sshll.u32 s6, $0x1;
	s3 =	sadd.s32 s4, s19  }
0x9c: {  	s7 =	simm.s32 $0x0;
	s20 =	sshll.u32 s5, $0x1;
	s5 =	sadd.s32 s21, s3  }
0x9d: {  	[timem:s7], [sflag:s22] =	dma.local [hbm:s5], s20  }
0x9e: {  	_ =	swait.ge [sflag:s22], s20  }
0x9f: {  	s4 =	ssub.s32 $0x0, s20;
	[sflag:s22] =	ssyncset.done $0x0  }
0xa0: {  	[sflag:s22] =	ssyncadd.s32 s4;
	_ =	sdelay $0x1  }
0xa1: {  	s23 =	simm.s32 $0x1B8B  }
0xa2: {  	_ =	swait.ge [sflag:s23], $0x1  }
0xa3: {  	[sflag:s23] =	ssyncset.done $0x0  }
0xa4: {  	s25 =	simm.s32 $0x1B8E;
	s24 =	sld [smem:$0x3FFE];
	[sflag:s23] =	ssyncadd.s32 $0xFFFFFFFF  }
0xa5: {  	s26 =	simm.s32 $execute0_lowered;
	[smem:$0x3FD2] =	sst s25  }
0xa6: {  	s5 =	sshll.u32 s26, $0x1;
	_ =	strace $0x80000046;
	[dreg:$0x1] =	wrdreg $0xFFFFFFFF  }
0xa7: {  	s28 =	simm.s32 $_size_execute0_lowered;
	s3 =	sadd.s32 s3, s5;
	[dreg:$0x0] =	wrdreg $0x0  }
0xa8: {  	s5 =	sshll.u32 s28, $0x1;
	[dreg:$0x2] =	wrdreg s3  }
0xa9: {  	[dreg:$0x3] =	wrdreg s5  }
0xaa: {  	[dreg:$0x4] =	wrdreg $0xC0  }
0xab: {  	_ =	task [dreg:s7], $0x5FFFF  }
0xac: {  	[dreg:$0x1] =	wrdreg $0xFFFFFFFF  }
0xad: {  	[dreg:$0x0] =	wrdreg $0x60  }
0xae: {  	[dreg:$0x2] =	wrdreg s24  }
0xaf: {  	[dreg:$0x3] =	wrdreg s2  }
0xb0: {  	[dreg:$0x4] =	wrdreg $0x9  }
0xb1: {  	_ =	task.clear_ibuf [dreg:s7], $0x5FFFF;
	_ =	strace $0x90000046  }
0xb2: {  	s29 =	simm.s32 $0x9;
	_ =	strace $0x80000048  }
0xb3: {  	_ =	swait.ge [sflag:s29], $0x1  }
0xb4: {  	[sflag:s29] =	ssyncadd.s32 $0xFFFFFFFF  }
0xb5: {  	_ =	strace $0x90000048  }
0xb6: {  	_ =	sfence  }
0xb7: {  	s30 =	sld [smem:$0x0];
	_ =	sdelay $0x2  }
0xb8: {  	s31 =	sshll.u32 s1, $0xD;
	s1 =	sshrl.u32 s1, $0x2  }
0xb9: {  	s3 =	sand.u32 $0x4000, s31;
	s1 =	sadd.s32 s1, s30  }
0xba: {  	s0 =	sor.u32 s3, s0;
	s1 =	sshll.u32 s1, $0x11  }
0xbb: {  	s0 =	sor.u32 s1, s0  }
0xbc: {  	s0 =	sadd.s32 $0x8F2B, s0  }
0xbd: {  	[sflag:s0] =	ssyncadd.remote.s32 $0x1  }
0xbe: {  	_ =	sfence.sel $0xFFFF  }
0xbf: {  	[dreg:$0x0] =	wrdreg $0xFFFFFFFF;
	(pc) =	sbr.abs _section_cstart, $3  }
0xc0: {  	[dreg:$0x1] =	wrdreg $0xFFFFFFFF  }
0xc1: {  	_ =	task.clear_ibuf [dreg:s7], $0x2FFFF;
	_ =	strace $0x9FFFFFFF  }
0xc2: {  	(tm) =	ssettm $0x7FFFFFFF  }
0xc3: {  	_ =	shalt  }
tec
execute0_lowered:
.L_overlay_start_1:
0x0: {  	(tag) =	ssettag $0x1  }
0x1: {  	s0 =	rddreg [dreg:$0x0];
	s2 =	simm.s32 $0x0;
	s5 =	srdreg.scid  }
0x2: {  	s13 =	stileid.u32;
	s31 =	simm.s32 $0x280;
	[smem:$0x7FF] =	sst s2  }
0x3: {  	s1 =	sadd.s32 $0x15400, s0;
	s3 =	sadd.s32 $0x29000, s0;
	s4 =	sadd.s32 $0xB600, s0  }
0x4: {  	s6 =	sadd.s32 $0x1F200, s0;
	s7 =	sadd.s32 $0xA600, s0;
	s5 =	sand.u32 $0x1, s5  }
0x5: {  	s10 =	sadd.s32 $0xAE00, s0;
	s15 =	sadd.s32 $0x9E00, s0;
	s26 =	smul.u32 $0x2710, s13  }
0x6: {  	s28 =	sadd.s32 $0x47A00, s0;
	s29 =	sadd.s32 $0x32E00, s0;
	s8 =	ssub.s32 $0x2, s5  }
0x7: {  	s9 =	sshll.u32 s5, $0x4;
	s5 =	smul.u32 $0x27100, s5;
	s11 =	sshrl.u32 s8, $0x1  }
0x8: {  	_ =	strace $0x80000047;
	s9 =	sor.u32 s13, s9;
	s8 =	ssub.s32 s8, s11  }
0x9: {  	s17 =	sshll.u32 s9, $0x6;
	s9 =	smul.u32 $0x2710, s9;
	s5 =	sadd.s32 s26, s5  }
0xa: {  	s26 =	sadd.s32 $0x3D400, s0;
	s12 =	sadd.s32 s7, s17;
	s18 =	sor.u32 $0x10, s17  }
0xb: {  	s14 =	sadd.s32 s10, s17;
	s19 =	sadd.s32 s15, s17;
	[dreg:$0x3] =	wrdreg s12  }
0xc: {  	s22 =	sor.u32 $0x20, s17;
	s11 =	sor.u32 $0x30, s17;
	[dreg:$0x4] =	wrdreg s14  }
0xd: {  	s5 =	sshrl.u32 s5, $0x3;
	[dreg:$0x5] =	wrdreg s19;
	s20 =	sadd.s32 s7, s18  }
0xe: {  	s30 =	smax.u32 s8, $0x1;
	s21 =	sadd.s32 s10, s18;
	[dreg:$0x6] =	wrdreg s20  }
0xf: {  	s8 =	simm.s32 $0x0;
	s12 =	sadd.s32 s15, s18;
	[dreg:$0x7] =	wrdreg s21  }
0x10: {  	s23 =	sadd.s32 s7, s22;
	s24 =	sadd.s32 s10, s22;
	[dreg:$0x8] =	wrdreg s12  }
0x11: {  	s9 =	sshrl.u32 s9, $0x3;
	s7 =	sadd.s32 s7, s11;
	[dreg:$0x9] =	wrdreg s23  }
0x12: {  	s14 =	sadd.s32 s10, s11;
	[dreg:$0xa] =	wrdreg s24;
	s12 =	sadd.s32 s15, s22  }
0x13: {  	[dreg:$0xc] =	wrdreg s7;
	s25 =	sadd.s32 $0x4D2, s9;
	s15 =	sadd.s32 s15, s11  }
0x14: {  	s21 =	sadd.s32 s5, s4;
	s22 =	sadd.s32 s5, s6;
	s23 =	sadd.s32 s5, s1  }
0x15: {  	s24 =	sadd.s32 s5, s3;
	s7 =	simm.s32 $0x2;
	[dreg:$0xb] =	wrdreg s12  }
0x16: {  	s16 =	sadd.s32 s3, s25;
	s17 =	sadd.s32 s0, s25;
	s18 =	sadd.s32 s1, s25  }
0x17: {  	s19 =	sadd.s32 s6, s25;
	s20 =	sadd.s32 s4, s25;
	s25 =	sadd.s32 s5, s0  }
0x18: {  	s0 =	simm.s32 $0x3;
	s3 =	simm.s32 $0x80;
	s1 =	simm.s32 $0x100  }
0x19: {  	s4 =	simm.s32 $0x180;
	s5 =	simm.s32 $0x200;
	s6 =	simm.s32 $0x1  }
.LBB2_1:
0x1a: {  	s9 =	rddreg [dreg:$0x1]  }
0x1b: {  	[tilespmem:s31], [sflag:$0x3] =	stream.linear.gather [hbm4b:s9+s2], $0x80, $0x38;
	[tilespmem:$0x300] =	vst v63  }
0x1c: {  	_ =	swait.ge [sflag:s0], $0x80  }
0x1d: {  	[sflag:s0] =	ssyncset.done $0x0  }
0x1e: {  	s13 =	sadd.s32 $0x0, s24;
	[sflag:s0] =	ssyncadd.s32 $0xFFFFFF80  }
0x1f: {  	[tilespmem:s2], [sflag:$0x1] =	stream.linear.gather [hbm4b:s13+s2], $0x80, $0x38;
	[tilespmem:$0x300] =	vst v63  }
0x20: {  	s10 =	sadd.s32 $0x0, s25  }
0x21: {  	[tilespmem:s3], [sflag:$0x1] =	stream.linear.gather [hbm4b:s10+s2], $0x80, $0x38;
	[tilespmem:$0x300] =	vst v63  }
0x22: {  	s11 =	sadd.s32 $0x0, s23  }
0x23: {  	[tilespmem:s1], [sflag:$0x1] =	stream.linear.gather [hbm4b:s11+s2], $0x80, $0x38;
	[tilespmem:$0x300] =	vst v63  }
0x24: {  	s12 =	sadd.s32 $0x0, s22  }
0x25: {  	[tilespmem:s4], [sflag:$0x1] =	stream.linear.gather [hbm4b:s12+s2], $0x80, $0x38;
	[tilespmem:$0x300] =	vst v63  }
0x26: {  	s13 =	sadd.s32 $0x0, s21  }
0x27: {  	[tilespmem:s5], [sflag:$0x1] =	stream.linear.gather [hbm4b:s13+s2], $0x80, $0x38;
	[tilespmem:$0x300] =	vst v63  }
0x28: {  	_ =	swait.ge [sflag:s6], $0x80  }
0x29: {  	[sflag:s6] =	ssyncset.done $0x0  }
0x2a: {  	[sflag:s6] =	ssyncadd.s32 $0xFFFFFF80  }
0x2b: {  	_ =	swait.ge [sflag:s6], $0x80  }
0x2c: {  	[sflag:s6] =	ssyncset.done $0x0  }
0x2d: {  	[sflag:s6] =	ssyncadd.s32 $0xFFFFFF80  }
0x2e: {  	_ =	swait.ge [sflag:s6], $0x80  }
0x2f: {  	[sflag:s6] =	ssyncset.done $0x0  }
0x30: {  	[sflag:s6] =	ssyncadd.s32 $0xFFFFFF80  }
0x31: {  	_ =	swait.ge [sflag:s6], $0x80  }
0x32: {  	[sflag:s6] =	ssyncset.done $0x0  }
0x33: {  	[sflag:s6] =	ssyncadd.s32 $0xFFFFFF80  }
0x34: {  	_ =	swait.ge [sflag:s6], $0x80  }
0x35: {  	[sflag:s6] =	ssyncset.done $0x0  }
0x36: {  	[sflag:s6] =	ssyncadd.s32 $0xFFFFFF80  }
0x37: {  	[hbm4b:s26+s3] =	stream.indirect.scatter [tilespmem:s3], [sflag:$0x2], $0x1, s2, s3, $0xb8;
	[tilespmem:$0x300] =	vst v63  }
0x38: {  	_ = 	snop  }
0x39: {  	[hbm4b:s28+s3] =	stream.indirect.scatter [tilespmem:s1], [sflag:$0x2], $0x1, s2, s3, $0xb8;
	[tilespmem:$0x300] =	vst v63  }
0x3a: {  	_ = 	snop  }
0x3b: {  	[hbm4b:s29+s3] =	stream.indirect.scatter [tilespmem:s5], [sflag:$0x2], $0x1, s4, s3, $0xb8;
	[tilespmem:$0x300] =	vst v63  }
0x3c: {  	_ =	swait.ge [sflag:s7], $0x80  }
0x3d: {  	[sflag:s7] =	ssyncset.done $0x0  }
0x3e: {  	[sflag:s7] =	ssyncadd.s32 $0xFFFFFF80  }
0x3f: {  	_ =	swait.ge [sflag:s7], $0x80  }
0x40: {  	[sflag:s7] =	ssyncset.done $0x0  }
0x41: {  	[sflag:s7] =	ssyncadd.s32 $0xFFFFFF80  }
0x42: {  	_ =	swait.ge [sflag:s7], $0x80  }
0x43: {  	s9 =	simm.s32 $0x10;
	s10 =	simm.s32 $0x20;
	[sflag:s7] =	ssyncset.done $0x0  }
.LBB2_2:
0x44: {  	s12 =	sadd.s32 s9, s24  }
0x45: {  	[sflag:s7] =	ssyncadd.s32 $0xFFFFFF80;
	s13 =	smov.u32 s10;
	s11 =	sadd.s32 $0x10, s10  }
0x46: {  	[tilespmem:s2], [sflag:$0x1] =	stream.linear.gather [hbm4b:s12+s2], $0x80, $0x38;
	[tilespmem:$0x300] =	vst v63  }
0x47: {  	p0 =	sne.s32 s10, $0x4D0;
	s10 =	sadd.s32 s9, s25  }
0x48: {  	[tilespmem:s3], [sflag:$0x1] =	stream.linear.gather [hbm4b:s10+s2], $0x80, $0x38;
	[tilespmem:$0x300] =	vst v63  }
0x49: {  	s10 =	sadd.s32 s9, s23  }
0x4a: {  	[tilespmem:s1], [sflag:$0x1] =	stream.linear.gather [hbm4b:s10+s2], $0x80, $0x38;
	[tilespmem:$0x300] =	vst v63  }
0x4b: {  	s10 =	sadd.s32 s9, s22  }
0x4c: {  	[tilespmem:s4], [sflag:$0x1] =	stream.linear.gather [hbm4b:s10+s2], $0x80, $0x38;
	[tilespmem:$0x300] =	vst v63  }
0x4d: {  	s10 =	sadd.s32 s9, s21;
	s9 =	smov.u32 s13  }
0x4e: {  	[tilespmem:s5], [sflag:$0x1] =	stream.linear.gather [hbm4b:s10+s2], $0x80, $0x38;
	[tilespmem:$0x300] =	vst v63  }
0x4f: {  	_ =	swait.ge [sflag:s6], $0x80  }
0x50: {  	[sflag:s6] =	ssyncset.done $0x0  }
0x51: {  	[sflag:s6] =	ssyncadd.s32 $0xFFFFFF80  }
0x52: {  	_ =	swait.ge [sflag:s6], $0x80  }
0x53: {  	[sflag:s6] =	ssyncset.done $0x0  }
0x54: {  	[sflag:s6] =	ssyncadd.s32 $0xFFFFFF80  }
0x55: {  	_ =	swait.ge [sflag:s6], $0x80  }
0x56: {  	[sflag:s6] =	ssyncset.done $0x0  }
0x57: {  	[sflag:s6] =	ssyncadd.s32 $0xFFFFFF80  }
0x58: {  	_ =	swait.ge [sflag:s6], $0x80  }
0x59: {  	[sflag:s6] =	ssyncset.done $0x0  }
0x5a: {  	[sflag:s6] =	ssyncadd.s32 $0xFFFFFF80  }
0x5b: {  	_ =	swait.ge [sflag:s6], $0x80  }
0x5c: {  	[sflag:s6] =	ssyncset.done $0x0  }
0x5d: {  	[sflag:s6] =	ssyncadd.s32 $0xFFFFFF80  }
0x5e: {  	[hbm4b:s26+s3] =	stream.indirect.scatter [tilespmem:s3], [sflag:$0x2], $0x1, s2, s3, $0xb8;
	[tilespmem:$0x300] =	vst v63  }
0x5f: {  	_ = 	snop  }
0x60: {  	[hbm4b:s28+s3] =	stream.indirect.scatter [tilespmem:s1], [sflag:$0x2], $0x1, s2, s3, $0xb8;
	[tilespmem:$0x300] =	vst v63  }
0x61: {  	_ = 	snop  }
0x62: {  	[hbm4b:s29+s3] =	stream.indirect.scatter [tilespmem:s5], [sflag:$0x2], $0x1, s4, s3, $0xb8;
	[tilespmem:$0x300] =	vst v63  }
0x63: {  	_ =	swait.ge [sflag:s7], $0x80  }
0x64: {  	[sflag:s7] =	ssyncset.done $0x0  }
0x65: {  	[sflag:s7] =	ssyncadd.s32 $0xFFFFFF80  }
.Ltmp0:
0x66: {  	_ =	swait.ge [sflag:s7], $0x80;
	(pc) =	sbr.rel @p0 .LBB2_2-.Ltmp0, $4  }
0x67: {  	[sflag:s7] =	ssyncset.done $0x0  }
0x68: {  	[sflag:s7] =	ssyncadd.s32 $0xFFFFFF80  }
0x69: {  	_ =	swait.ge [sflag:s7], $0x80  }
0x6a: {  	s10 =	smov.u32 s11;
	[sflag:s7] =	ssyncset.done $0x0  }
0x6b: {  	s10 =	sadd.s32 s9, s24;
	[sflag:s7] =	ssyncadd.s32 $0xFFFFFF80  }
0x6c: {  	[tilespmem:s2], [sflag:$0x1] =	stream.linear.gather [hbm4b:s10+s2], $0x80, $0x38;
	[tilespmem:$0x300] =	vst v63  }
0x6d: {  	s11 =	sadd.s32 s9, s25  }
0x6e: {  	[tilespmem:s3], [sflag:$0x1] =	stream.linear.gather [hbm4b:s11+s2], $0x80, $0x38;
	[tilespmem:$0x300] =	vst v63  }
0x6f: {  	s12 =	sadd.s32 s9, s23  }
0x70: {  	[tilespmem:s1], [sflag:$0x1] =	stream.linear.gather [hbm4b:s12+s2], $0x80, $0x38;
	[tilespmem:$0x300] =	vst v63  }
0x71: {  	s13 =	sadd.s32 s9, s22  }
0x72: {  	[tilespmem:s4], [sflag:$0x1] =	stream.linear.gather [hbm4b:s13+s2], $0x80, $0x38;
	[tilespmem:$0x300] =	vst v63  }
0x73: {  	s11 =	sadd.s32 s9, s21  }
0x74: {  	[tilespmem:s5], [sflag:$0x1] =	stream.linear.gather [hbm4b:s11+s2], $0x80, $0x38;
	[tilespmem:$0x300] =	vst v63  }
0x75: {  	_ =	swait.ge [sflag:s6], $0x80  }
0x76: {  	[sflag:s6] =	ssyncset.done $0x0  }
0x77: {  	[sflag:s6] =	ssyncadd.s32 $0xFFFFFF80  }
0x78: {  	_ =	swait.ge [sflag:s6], $0x80  }
0x79: {  	[sflag:s6] =	ssyncset.done $0x0  }
0x7a: {  	[sflag:s6] =	ssyncadd.s32 $0xFFFFFF80  }
0x7b: {  	_ =	swait.ge [sflag:s6], $0x80  }
0x7c: {  	[sflag:s6] =	ssyncset.done $0x0  }
0x7d: {  	[sflag:s6] =	ssyncadd.s32 $0xFFFFFF80  }
0x7e: {  	_ =	swait.ge [sflag:s6], $0x80  }
0x7f: {  	[sflag:s6] =	ssyncset.done $0x0  }
0x80: {  	[sflag:s6] =	ssyncadd.s32 $0xFFFFFF80  }
0x81: {  	_ =	swait.ge [sflag:s6], $0x80  }
0x82: {  	[sflag:s6] =	ssyncset.done $0x0  }
0x83: {  	[sflag:s6] =	ssyncadd.s32 $0xFFFFFF80  }
0x84: {  	[hbm4b:s26+s3] =	stream.indirect.scatter [tilespmem:s3], [sflag:$0x2], $0x1, s2, s3, $0xb8;
	[tilespmem:$0x300] =	vst v63  }
0x85: {  	_ = 	snop  }
0x86: {  	[hbm4b:s28+s3] =	stream.indirect.scatter [tilespmem:s1], [sflag:$0x2], $0x1, s2, s3, $0xb8;
	[tilespmem:$0x300] =	vst v63  }
0x87: {  	_ = 	snop  }
0x88: {  	[hbm4b:s29+s3] =	stream.indirect.scatter [tilespmem:s5], [sflag:$0x2], $0x1, s4, s3, $0xb8;
	[tilespmem:$0x300] =	vst v63  }
0x89: {  	_ =	swait.ge [sflag:s7], $0x80  }
0x8a: {  	[sflag:s7] =	ssyncset.done $0x0  }
0x8b: {  	[sflag:s7] =	ssyncadd.s32 $0xFFFFFF80  }
0x8c: {  	_ =	swait.ge [sflag:s7], $0x80  }
0x8d: {  	[sflag:s7] =	ssyncset.done $0x0  }
0x8e: {  	[sflag:s7] =	ssyncadd.s32 $0xFFFFFF80  }
0x8f: {  	_ =	swait.ge [sflag:s7], $0x80  }
0x90: {  	[sflag:s7] =	ssyncset.done $0x0  }
0x91: {  	[sflag:s7] =	ssyncadd.s32 $0xFFFFFF80  }
0x92: {  	[tilespmem:s2], [sflag:$0x1] =	stream.linear.gather [hbm4b:s16+s2], $0x80, $0x38;
	[tilespmem:$0x300] =	vst v63  }
0x93: {  	_ = 	snop  }
0x94: {  	[tilespmem:s3], [sflag:$0x1] =	stream.linear.gather [hbm4b:s17+s2], $0x80, $0x38;
	[tilespmem:$0x300] =	vst v63  }
0x95: {  	_ = 	snop  }
0x96: {  	[tilespmem:s1], [sflag:$0x1] =	stream.linear.gather [hbm4b:s18+s2], $0x80, $0x38;
	[tilespmem:$0x300] =	vst v63  }
0x97: {  	_ = 	snop  }
0x98: {  	[tilespmem:s4], [sflag:$0x1] =	stream.linear.gather [hbm4b:s19+s2], $0x80, $0x38;
	[tilespmem:$0x300] =	vst v63  }
0x99: {  	_ = 	snop  }
0x9a: {  	[tilespmem:s5], [sflag:$0x1] =	stream.linear.gather [hbm4b:s20+s2], $0x80, $0x38;
	[tilespmem:$0x300] =	vst v63  }
0x9b: {  	_ =	swait.ge [sflag:s6], $0x80  }
0x9c: {  	[sflag:s6] =	ssyncset.done $0x0  }
0x9d: {  	[sflag:s6] =	ssyncadd.s32 $0xFFFFFF80  }
0x9e: {  	_ =	swait.ge [sflag:s6], $0x80  }
0x9f: {  	[sflag:s6] =	ssyncset.done $0x0  }
0xa0: {  	[sflag:s6] =	ssyncadd.s32 $0xFFFFFF80  }
0xa1: {  	_ =	swait.ge [sflag:s6], $0x80  }
0xa2: {  	[sflag:s6] =	ssyncset.done $0x0  }
0xa3: {  	[sflag:s6] =	ssyncadd.s32 $0xFFFFFF80  }
0xa4: {  	_ =	swait.ge [sflag:s6], $0x80  }
0xa5: {  	[sflag:s6] =	ssyncset.done $0x0  }
0xa6: {  	[sflag:s6] =	ssyncadd.s32 $0xFFFFFF80  }
0xa7: {  	_ =	swait.ge [sflag:s6], $0x80  }
0xa8: {  	[sflag:s6] =	ssyncset.done $0x0  }
0xa9: {  	[sflag:s6] =	ssyncadd.s32 $0xFFFFFF80  }
0xaa: {  	[hbm4b:s26+s3] =	stream.indirect.scatter [tilespmem:s3], [sflag:$0x2], $0x1, s2, s3, $0xb8;
	[tilespmem:$0x300] =	vst v63  }
0xab: {  	_ = 	snop  }
0xac: {  	[hbm4b:s28+s3] =	stream.indirect.scatter [tilespmem:s1], [sflag:$0x2], $0x1, s2, s3, $0xb8;
	[tilespmem:$0x300] =	vst v63  }
0xad: {  	_ = 	snop  }
0xae: {  	[hbm4b:s29+s3] =	stream.indirect.scatter [tilespmem:s5], [sflag:$0x2], $0x1, s4, s3, $0xb8;
	[tilespmem:$0x300] =	vst v63  }
0xaf: {  	_ =	swait.ge [sflag:s7], $0x80  }
0xb0: {  	[sflag:s7] =	ssyncset.done $0x0  }
0xb1: {  	[sflag:s7] =	ssyncadd.s32 $0xFFFFFF80  }
0xb2: {  	_ =	swait.ge [sflag:s7], $0x80  }
0xb3: {  	[sflag:s7] =	ssyncset.done $0x0  }
0xb4: {  	[sflag:s7] =	ssyncadd.s32 $0xFFFFFF80  }
0xb5: {  	_ =	swait.ge [sflag:s7], $0x80  }
0xb6: {  	[sflag:s7] =	ssyncset.done $0x0  }
0xb7: {  	s12 =	rddreg [dreg:$0x3];
	[sflag:s7] =	ssyncadd.s32 $0xFFFFFF80  }
0xb8: {  	[tilespmem:s2], [sflag:$0x1] =	stream.linear.gather [hbm4b:s12+s2], $0x80, $0x38;
	[tilespmem:$0x300] =	vst v63  }
0xb9: {  	s13 =	rddreg [dreg:$0x4]  }
0xba: {  	[tilespmem:s3], [sflag:$0x1] =	stream.linear.gather [hbm4b:s13+s2], $0x80, $0x38;
	[tilespmem:$0x300] =	vst v63  }
0xbb: {  	s10 =	rddreg [dreg:$0x5]  }
0xbc: {  	[tilespmem:s4], [sflag:$0x1] =	stream.linear.gather [hbm4b:s10+s2], $0x80, $0x38;
	[tilespmem:$0x300] =	vst v63  }
0xbd: {  	_ =	swait.ge [sflag:s6], $0x80  }
0xbe: {  	[sflag:s6] =	ssyncset.done $0x0  }
0xbf: {  	[sflag:s6] =	ssyncadd.s32 $0xFFFFFF80  }
0xc0: {  	_ =	swait.ge [sflag:s6], $0x80  }
0xc1: {  	[sflag:s6] =	ssyncset.done $0x0  }
0xc2: {  	[sflag:s6] =	ssyncadd.s32 $0xFFFFFF80  }
0xc3: {  	_ =	swait.ge [sflag:s6], $0x80  }
0xc4: {  	[sflag:s6] =	ssyncset.done $0x0  }
0xc5: {  	[sflag:s6] =	ssyncadd.s32 $0xFFFFFF80  }
0xc6: {  	[hbm4b:s26+s3] =	stream.indirect.scatter [tilespmem:s3], [sflag:$0x2], $0x1, s2, s3, $0xb8;
	[tilespmem:$0x300] =	vst v63  }
0xc7: {  	_ = 	snop  }
0xc8: {  	[hbm4b:s28+s3] =	stream.indirect.scatter [tilespmem:s31], [sflag:$0x2], $0x1, s2, s3, $0xb8;
	[tilespmem:$0x300] =	vst v63  }
0xc9: {  	_ = 	snop  }
0xca: {  	[hbm4b:s29+s3] =	stream.indirect.scatter [tilespmem:s31], [sflag:$0x2], $0x1, s4, s3, $0xb8;
	[tilespmem:$0x300] =	vst v63  }
0xcb: {  	_ =	swait.ge [sflag:s7], $0x80  }
0xcc: {  	[sflag:s7] =	ssyncset.done $0x0  }
0xcd: {  	[sflag:s7] =	ssyncadd.s32 $0xFFFFFF80  }
0xce: {  	_ =	swait.ge [sflag:s7], $0x80  }
0xcf: {  	[sflag:s7] =	ssyncset.done $0x0  }
0xd0: {  	[sflag:s7] =	ssyncadd.s32 $0xFFFFFF80  }
0xd1: {  	_ =	swait.ge [sflag:s7], $0x80  }
0xd2: {  	[sflag:s7] =	ssyncset.done $0x0  }
0xd3: {  	s11 =	rddreg [dreg:$0x6];
	[sflag:s7] =	ssyncadd.s32 $0xFFFFFF80  }
0xd4: {  	[tilespmem:s2], [sflag:$0x1] =	stream.linear.gather [hbm4b:s11+s2], $0x80, $0x38;
	[tilespmem:$0x300] =	vst v63  }
0xd5: {  	s12 =	rddreg [dreg:$0x7]  }
0xd6: {  	[tilespmem:s3], [sflag:$0x1] =	stream.linear.gather [hbm4b:s12+s2], $0x80, $0x38;
	[tilespmem:$0x300] =	vst v63  }
0xd7: {  	s13 =	rddreg [dreg:$0x8]  }
0xd8: {  	[tilespmem:s4], [sflag:$0x1] =	stream.linear.gather [hbm4b:s13+s2], $0x80, $0x38;
	[tilespmem:$0x300] =	vst v63  }
0xd9: {  	_ =	swait.ge [sflag:s6], $0x80  }
0xda: {  	[sflag:s6] =	ssyncset.done $0x0  }
0xdb: {  	[sflag:s6] =	ssyncadd.s32 $0xFFFFFF80  }
0xdc: {  	_ =	swait.ge [sflag:s6], $0x80  }
0xdd: {  	[sflag:s6] =	ssyncset.done $0x0  }
0xde: {  	[sflag:s6] =	ssyncadd.s32 $0xFFFFFF80  }
0xdf: {  	_ =	swait.ge [sflag:s6], $0x80  }
0xe0: {  	[sflag:s6] =	ssyncset.done $0x0  }
0xe1: {  	[sflag:s6] =	ssyncadd.s32 $0xFFFFFF80  }
0xe2: {  	[hbm4b:s26+s3] =	stream.indirect.scatter [tilespmem:s3], [sflag:$0x2], $0x1, s2, s3, $0xb8;
	[tilespmem:$0x300] =	vst v63  }
0xe3: {  	_ = 	snop  }
0xe4: {  	[hbm4b:s28+s3] =	stream.indirect.scatter [tilespmem:s31], [sflag:$0x2], $0x1, s2, s3, $0xb8;
	[tilespmem:$0x300] =	vst v63  }
0xe5: {  	_ = 	snop  }
0xe6: {  	[hbm4b:s29+s3] =	stream.indirect.scatter [tilespmem:s31], [sflag:$0x2], $0x1, s4, s3, $0xb8;
	[tilespmem:$0x300] =	vst v63  }
0xe7: {  	_ =	swait.ge [sflag:s7], $0x80  }
0xe8: {  	[sflag:s7] =	ssyncset.done $0x0  }
0xe9: {  	[sflag:s7] =	ssyncadd.s32 $0xFFFFFF80  }
0xea: {  	_ =	swait.ge [sflag:s7], $0x80  }
0xeb: {  	[sflag:s7] =	ssyncset.done $0x0  }
0xec: {  	[sflag:s7] =	ssyncadd.s32 $0xFFFFFF80  }
0xed: {  	_ =	swait.ge [sflag:s7], $0x80  }
0xee: {  	[sflag:s7] =	ssyncset.done $0x0  }
0xef: {  	s10 =	rddreg [dreg:$0x9];
	[sflag:s7] =	ssyncadd.s32 $0xFFFFFF80  }
0xf0: {  	[tilespmem:s2], [sflag:$0x1] =	stream.linear.gather [hbm4b:s10+s2], $0x80, $0x38;
	[tilespmem:$0x300] =	vst v63  }
0xf1: {  	s11 =	rddreg [dreg:$0xa]  }
0xf2: {  	[tilespmem:s3], [sflag:$0x1] =	stream.linear.gather [hbm4b:s11+s2], $0x80, $0x38;
	[tilespmem:$0x300] =	vst v63  }
0xf3: {  	s12 =	rddreg [dreg:$0xb]  }
0xf4: {  	[tilespmem:s4], [sflag:$0x1] =	stream.linear.gather [hbm4b:s12+s2], $0x80, $0x38;
	[tilespmem:$0x300] =	vst v63  }
0xf5: {  	_ =	swait.ge [sflag:s6], $0x80  }
0xf6: {  	[sflag:s6] =	ssyncset.done $0x0  }
0xf7: {  	[sflag:s6] =	ssyncadd.s32 $0xFFFFFF80  }
0xf8: {  	_ =	swait.ge [sflag:s6], $0x80  }
0xf9: {  	[sflag:s6] =	ssyncset.done $0x0  }
0xfa: {  	[sflag:s6] =	ssyncadd.s32 $0xFFFFFF80  }
0xfb: {  	_ =	swait.ge [sflag:s6], $0x80  }
0xfc: {  	[sflag:s6] =	ssyncset.done $0x0  }
0xfd: {  	[sflag:s6] =	ssyncadd.s32 $0xFFFFFF80  }
0xfe: {  	[hbm4b:s26+s3] =	stream.indirect.scatter [tilespmem:s3], [sflag:$0x2], $0x1, s2, s3, $0xb8;
	[tilespmem:$0x300] =	vst v63  }
0xff: {  	_ = 	snop  }
0x100: {  	[hbm4b:s28+s3] =	stream.indirect.scatter [tilespmem:s31], [sflag:$0x2], $0x1, s2, s3, $0xb8;
	[tilespmem:$0x300] =	vst v63  }
0x101: {  	_ = 	snop  }
0x102: {  	[hbm4b:s29+s3] =	stream.indirect.scatter [tilespmem:s31], [sflag:$0x2], $0x1, s4, s3, $0xb8;
	[tilespmem:$0x300] =	vst v63  }
0x103: {  	_ =	swait.ge [sflag:s7], $0x80  }
0x104: {  	[sflag:s7] =	ssyncset.done $0x0  }
0x105: {  	[sflag:s7] =	ssyncadd.s32 $0xFFFFFF80  }
0x106: {  	_ =	swait.ge [sflag:s7], $0x80  }
0x107: {  	[sflag:s7] =	ssyncset.done $0x0  }
0x108: {  	[sflag:s7] =	ssyncadd.s32 $0xFFFFFF80  }
0x109: {  	_ =	swait.ge [sflag:s7], $0x80  }
0x10a: {  	[sflag:s7] =	ssyncset.done $0x0  }
0x10b: {  	s13 =	rddreg [dreg:$0xc];
	[sflag:s7] =	ssyncadd.s32 $0xFFFFFF80  }
0x10c: {  	[tilespmem:s2], [sflag:$0x1] =	stream.linear.gather [hbm4b:s13+s2], $0x80, $0x38;
	[tilespmem:$0x300] =	vst v63  }
0x10d: {  	_ = 	snop  }
0x10e: {  	[tilespmem:s3], [sflag:$0x1] =	stream.linear.gather [hbm4b:s14+s2], $0x80, $0x38;
	[tilespmem:$0x300] =	vst v63  }
0x10f: {  	_ = 	snop  }
0x110: {  	[tilespmem:s4], [sflag:$0x1] =	stream.linear.gather [hbm4b:s15+s2], $0x80, $0x38;
	[tilespmem:$0x300] =	vst v63  }
0x111: {  	_ =	swait.ge [sflag:s6], $0x80  }
0x112: {  	[sflag:s6] =	ssyncset.done $0x0  }
0x113: {  	[sflag:s6] =	ssyncadd.s32 $0xFFFFFF80  }
0x114: {  	_ =	swait.ge [sflag:s6], $0x80  }
0x115: {  	[sflag:s6] =	ssyncset.done $0x0  }
0x116: {  	[sflag:s6] =	ssyncadd.s32 $0xFFFFFF80  }
0x117: {  	_ =	swait.ge [sflag:s6], $0x80  }
0x118: {  	[sflag:s6] =	ssyncset.done $0x0  }
0x119: {  	[sflag:s6] =	ssyncadd.s32 $0xFFFFFF80  }
0x11a: {  	[hbm4b:s26+s3] =	stream.indirect.scatter [tilespmem:s3], [sflag:$0x2], $0x1, s2, s3, $0xb8;
	[tilespmem:$0x300] =	vst v63  }
0x11b: {  	_ = 	snop  }
0x11c: {  	[hbm4b:s28+s3] =	stream.indirect.scatter [tilespmem:s31], [sflag:$0x2], $0x1, s2, s3, $0xb8;
	[tilespmem:$0x300] =	vst v63  }
0x11d: {  	_ = 	snop  }
0x11e: {  	[hbm4b:s29+s3] =	stream.indirect.scatter [tilespmem:s31], [sflag:$0x2], $0x1, s4, s3, $0xb8;
	[tilespmem:$0x300] =	vst v63  }
0x11f: {  	_ =	swait.ge [sflag:s7], $0x80  }
0x120: {  	[sflag:s7] =	ssyncset.done $0x0  }
0x121: {  	s8 =	sadd.s32 $0x1, s8;
	[sflag:s7] =	ssyncadd.s32 $0xFFFFFF80  }
0x122: {  	p0 =	sne.s32 s8, s30;
	_ =	swait.ge [sflag:s7], $0x80  }
.Ltmp1:
0x123: {  	[sflag:s7] =	ssyncset.done $0x0;
	(pc) =	sbr.rel @p0 .LBB2_1-.Ltmp1, $4  }
0x124: {  	[sflag:s7] =	ssyncadd.s32 $0xFFFFFF80  }
0x125: {  	_ =	swait.ge [sflag:s7], $0x80  }
0x126: {  	[sflag:s7] =	ssyncset.done $0x0  }
0x127: {  	[sflag:s7] =	ssyncadd.s32 $0xFFFFFF80  }
0x128: {  	_ =	sfence.sel $0x180000  }
0x129: {  	[bflag:$0x0] =	sbarrier.arrive $0xFFFF  }
0x12a: {  	_ =	strace $0x90000047  }
0x12b: {  	s0 =	stileid.u32;
	[bflag:$0x2] =	sbarrier.arrive $0xFFFF  }
0x12c: {  	p0 =	sne.s32 s0, $0x0;
	s0 =	rddreg [dreg:$0x2]  }
0x12d: {  	s0 =	sadd.s32 @!p0 $0x100000, s0  }
0x12e: {  	[sflag:s0] =	ssyncadd.tile.s32 @!p0 $0x1;
	_ =	shalt  }
.Lfunc_end2:
_tile_overlayer_lowered:
.L_overlay_start_2:
0x12f: {  	(tag) =	ssettag $0x2  }
0x130: {  	s0 =	rddreg [dreg:$0x0];
	s2 =	stileid.u32  }
0x131: {  	s1 =	rddreg [dreg:$0x1];
	p0 =	sne.s32 s2, $0x0  }
0x132: {  	s3 =	rddreg [dreg:$0x2];
	[bflag:$0x3] =	sbarrier.arrive $0xFFFF;
	s2 =	simm.s32 @!p0 $0x1C03  }
0x133: {  	[timem:s3], [sflag:s2] =	dma.local @!p0 [hbm:s0], s1  }
0x134: {  	s0 =	simm.s32 @!p0 $0x3  }
0x135: {  	_ =	swait.ge @!p0 [sflag:s0], s1  }
0x136: {  	s1 =	ssub.s32 @!p0 $0x0, s1;
	[sflag:s0] =	ssyncset.done @!p0 $0x0  }
0x137: {  	[sflag:s0] =	ssyncadd.s32 @!p0 s1  }
0x138: {  	[bflag:$0x3] =	sbarrier.arrive $0xFFFF  }
0x139: {  	_ =	shalt  }

// kernel: kernel.23.cloned.1.call-start
scs
__scs_entry_jumppad:
0x0: {  	(pc) =	sbr.rel $0x88, $3  }
0x1: {  	(tag) =	ssettag $0x0;
	lr =	simm.s32 $0x1  }
0x2: {  	[smem:$0x3F94] =	sst lr;
	_ =	strace $0xD0000000  }
0x3: {  	_ = 	snop  }
0x4: {  	_ = 	snop  }
0x5: {  	_ = 	snop  }
0x6: {  	_ = 	snop  }
0x7: {  	_ = 	snop  }
__scs_overlays_trampoline_lowered:
0x8: {  	[smem:$0x3FA3] =	sst s0  }
0x9: {  	[smem:$0x3FA4] =	sst s1  }
0xa: {  	[smem:$0x3FA5] =	sst s2  }
0xb: {  	[smem:$0x3FA6] =	sst s3  }
0xc: {  	[smem:$0x3FA7] =	sst s4  }
0xd: {  	[smem:$0x3FA8] =	sst s5  }
0xe: {  	[smem:$0x3FA9] =	sst s6  }
0xf: {  	[smem:$0x3FAA] =	sst s7  }
0x10: {  	[smem:$0x3FAB] =	sst s8  }
0x11: {  	[smem:$0x3FAC] =	sst s9;
	s0 =	simm.s32 @!p0 $0x0  }
0x12: {  	s1 =	sld [smem:$0x3F92];
	s0 =	simm.s32 @p0 $0x1  }
0x13: {  	[smem:$0x3FAD] =	sst s0;
	s0 =	simm.s32 @!p1 $0x0  }
0x14: {  	s2 =	sld [smem:$0x3F91];
	s0 =	simm.s32 @p1 $0x1  }
0x15: {  	[smem:$0x3FAE] =	sst s0;
	s0 =	simm.s32 @!p2 $0x0  }
0x16: {  	s3 =	sld [smem:$0x3FDB];
	s0 =	simm.s32 @p2 $0x1  }
0x17: {  	s4 =	simm.s32 $0x1BF5;
	[smem:$0x3FB0] =	sst s0  }
0x18: {  	s0 =	sld [smem:$0x3F93];
	_ =	swait.ge [sflag:s4], $0x0  }
0x19: {  	s7 =	sld [smem:$0x3F94]  }
0x1a: {  	s8 =	sadd.s32 $0xFFFFE003, lr  }
0x1b: {  	s9 =	sadd.s32 $0xFFFFFEF7, lr;
	s5 =	simm.s32 $0xFFFFFFFF;
	p2 =	slt.u32 s8, $0xFFFFF086  }
0x1c: {  	p1 =	slt.u32 s9, $0xF7A;
	s5 =	simm.s32 @!p2 $0x0  }
0x1d: {  	s5 =	simm.s32 @p1 $0x1;
	p0 =	seq.s32 s7, s2  }
0x1e: {  	s7 =	smul.u32 @!p0 $0xF7A, s2;
	p2 =	seq.s32 @!p0 s5, $0x0  }
0x1f: {  	s9 =	smul.u32 $0xF7A, s1;
	s8 =	simm.s32 @!p0 $0x1BF5;
	p2 =	por !p2, p0  }
0x20: {  	[sflag:s8] =	ssyncset.s32 @!p0 $0xFFFFF086;
	s6 =	sadd.s32 @!p0 s3, s7;
	s7 =	simm.s32 @!p0 $0x108  }
0x21: {  	s3 =	sadd.s32 s3, s9;
	s6 =	sadd.s32 @!p0 $0x88, s6;
	s7 =	simm.s32 @p2 $0x1082  }
0x22: {  	[simem:s7], [sflag:s8] =	dma.local @!p0 [hbm:s6], $0xF7A  }
0x23: {  	s9 =	sor.u32 $0xD0000000, s2;
	s6 =	simm.s32 $0x108;
	_ =	swait.ge @!p0 [sflag:s8], $0x0  }
0x24: {  	s3 =	sadd.s32 $0x88, s3;
	s6 =	simm.s32 @!p1 $0x1082;
	[sflag:s4] =	ssyncset.s32 $0xFFFFF086  }
0x25: {  	[simem:s6], [sflag:s4] =	dma.local [hbm:s3], $0xF7A  }
0x26: {  	[smem:$0x3F94] =	sst s1;
	(tag) =	ssettag s2;
	_ =	strace s9  }
0x27: {  	s1 =	sld [smem:$0x3FA4]  }
0x28: {  	s2 =	sld [smem:$0x3FA5]  }
0x29: {  	s4 =	sld [smem:$0x3FA7]  }
0x2a: {  	p0 =	seq.s32 s5, $0x0;
	s5 =	sld [smem:$0x3FA8]  }
0x2b: {  	s6 =	sld [smem:$0x3FA9]  }
0x2c: {  	s7 =	sld [smem:$0x3FAA]  }
0x2d: {  	s3 =	simm.s32 $0x108;
	s8 =	sld [smem:$0x3FAB]  }
0x2e: {  	s3 =	simm.s32 @!p0 $0x1082;
	s9 =	sld [smem:$0x3FAC]  }
0x2f: {  	lr =	sadd.s32 s0, s3;
	s0 =	sld [smem:$0x3FA3]  }
0x30: {  	s3 =	sld [smem:$0x3FA6]  }
0x31: {  	[smem:$0x3FAF] =	sst s10  }
0x32: {  	s10 =	sld [smem:$0x3FAD];
	_ =	sdelay $0x3  }
0x33: {  	p0 =	seq.s32 s10, $0x1;
	s10 =	sld [smem:$0x3FAF];
	_ =	sdelay $0x3  }
0x34: {  	[smem:$0x3FAF] =	sst s10  }
0x35: {  	s10 =	sld [smem:$0x3FAE];
	_ =	sdelay $0x3  }
0x36: {  	p1 =	seq.s32 s10, $0x1;
	s10 =	sld [smem:$0x3FAF];
	_ =	sdelay $0x3  }
0x37: {  	[smem:$0x3FAF] =	sst s10  }
0x38: {  	s10 =	sld [smem:$0x3FB0]  }
0x39: {  	_ = 	snop;
	(pc) =	sbr.ind lr, $3  }
0x3a: {  	_ = 	snop  }
0x3b: {  	_ = 	snop  }
0x3c: {  	p2 =	seq.s32 s10, $0x1;
	s10 =	sld [smem:$0x3FAF]  }
0x3d: {  	_ =	shalt  }
0x3e: {  	_ =	shalt  }
0x3f: {  	_ =	shalt  }
0x40: {  	_ =	shalt  }
0x41: {  	_ =	shalt  }
0x42: {  	_ =	shalt  }
0x43: {  	_ =	shalt  }
0x44: {  	_ =	shalt  }
0x45: {  	_ =	shalt  }
0x46: {  	_ =	shalt  }
0x47: {  	_ =	shalt  }
0x48: {  	_ =	shalt  }
0x49: {  	_ =	shalt  }
0x4a: {  	_ =	shalt  }
0x4b: {  	_ =	shalt  }
0x4c: {  	_ =	shalt  }
0x4d: {  	_ =	shalt  }
0x4e: {  	_ =	shalt  }
0x4f: {  	_ =	shalt  }
0x50: {  	_ =	shalt  }
0x51: {  	_ =	shalt  }
0x52: {  	_ =	shalt  }
0x53: {  	_ =	shalt  }
0x54: {  	_ =	shalt  }
0x55: {  	_ =	shalt  }
0x56: {  	_ =	shalt  }
0x57: {  	_ =	shalt  }
0x58: {  	_ =	shalt  }
0x59: {  	_ =	shalt  }
0x5a: {  	_ =	shalt  }
0x5b: {  	_ =	shalt  }
0x5c: {  	_ =	shalt  }
0x5d: {  	_ =	shalt  }
0x5e: {  	_ =	shalt  }
0x5f: {  	_ =	shalt  }
0x60: {  	_ =	shalt  }
0x61: {  	_ =	shalt  }
0x62: {  	_ =	shalt  }
0x63: {  	_ =	shalt  }
0x64: {  	_ =	shalt  }
0x65: {  	_ =	shalt  }
0x66: {  	_ =	shalt  }
0x67: {  	_ =	shalt  }
0x68: {  	_ =	shalt  }
0x69: {  	_ =	shalt  }
0x6a: {  	_ =	shalt  }
0x6b: {  	_ =	shalt  }
0x6c: {  	_ =	shalt  }
0x6d: {  	_ =	shalt  }
0x6e: {  	_ =	shalt  }
0x6f: {  	_ =	shalt  }
0x70: {  	_ =	shalt  }
0x71: {  	_ =	shalt  }
0x72: {  	_ =	shalt  }
0x73: {  	_ =	shalt  }
0x74: {  	_ =	shalt  }
0x75: {  	_ =	shalt  }
0x76: {  	_ =	shalt  }
0x77: {  	_ =	shalt  }
0x78: {  	_ =	shalt  }
0x79: {  	_ =	shalt  }
0x7a: {  	_ =	shalt  }
0x7b: {  	_ =	shalt  }
0x7c: {  	_ =	shalt  }
0x7d: {  	_ =	shalt  }
0x7e: {  	_ =	shalt  }
0x7f: {  	_ =	shalt  }
0x80: {  	_ =	shalt  }
0x81: {  	_ =	shalt  }
0x82: {  	_ =	shalt  }
0x83: {  	_ =	shalt  }
0x84: {  	_ =	shalt  }
0x85: {  	_ =	shalt  }
0x86: {  	_ =	shalt  }
0x87: {  	_ =	shalt  }
.Lfunc_end0:
.L_simem_size_0:
called_computation.1_lowered:
.L_overlay_start_0:
0x88: {  	s2 =	sld [smem:$0x3FD9]  }
0x89: {  	s3 =	sld [smem:$0x3FFE];
	_ =	sdelay $0x1  }
0x8a: {  	s1 =	srdreg.scid  }
0x8b: {  	s0 =	sand.u32 $0x1, s1  }
0x8c: {  	s17 =	sshll.u32 s0, $0xA;
	s2 =	sadd.s32 s3, s2  }
0x8d: {  	s2 =	sadd.s32 s2, s17  }
0x8e: {  	[smem:$0x3FBB] =	sst s2  }
0x8f: {  	_ = 	snop  }
0x90: {  	s2 =	sld [smem:$0x3FC9];
	(tm) =	ssettm $0x1  }
0x91: {  	s18 =	sld [smem:$0x3FFB];
	_ =	sdelay $0x3  }
0x92: {  	_ =	strace s18  }
0x93: {  	s3 =	sld [smem:$0x3FFC];
	_ =	sdelay $0x3  }
0x94: {  	_ =	strace s3  }
0x95: {  	s3 =	sld [smem:$0x3FFD];
	_ =	sdelay $0x3  }
0x96: {  	_ =	strace s3  }
0x97: {  	_ =	strace $0x8FFFFFFF  }
0x98: {  	s19 =	sld [smem:$0x3FDB];
	_ =	sdelay $0x1  }
0x99: {  	s4 =	simm.s32 $_scs_section_size  }
0x9a: {  	s5 =	simm.s32 $_size__tile_overlayer_lowered;
	s6 =	simm.s32 $_tile_overlayer_lowered  }
0x9b: {  	s22 =	simm.s32 $0x1BFF;
	s21 =	sshll.u32 s6, $0x1;
	s3 =	sadd.s32 s4, s19  }
0x9c: {  	s7 =	simm.s32 $0x0;
	s20 =	sshll.u32 s5, $0x1;
	s5 =	sadd.s32 s21, s3  }
0x9d: {  	[timem:s7], [sflag:s22] =	dma.local [hbm:s5], s20  }
0x9e: {  	_ =	swait.ge [sflag:s22], s20  }
0x9f: {  	s4 =	ssub.s32 $0x0, s20;
	[sflag:s22] =	ssyncset.done $0x0  }
0xa0: {  	[sflag:s22] =	ssyncadd.s32 s4;
	_ =	sdelay $0x1  }
0xa1: {  	s23 =	simm.s32 $0x1B8B  }
0xa2: {  	_ =	swait.ge [sflag:s23], $0x1  }
0xa3: {  	[sflag:s23] =	ssyncset.done $0x0  }
0xa4: {  	s25 =	simm.s32 $0x1B8E;
	s24 =	sld [smem:$0x3FFE];
	[sflag:s23] =	ssyncadd.s32 $0xFFFFFFFF  }
0xa5: {  	s26 =	simm.s32 $execute0_lowered;
	[smem:$0x3FD2] =	sst s25  }
0xa6: {  	s5 =	sshll.u32 s26, $0x1;
	_ =	strace $0x80000049;
	[dreg:$0x1] =	wrdreg $0xFFFFFFFF  }
0xa7: {  	s28 =	simm.s32 $_size_execute0_lowered;
	s3 =	sadd.s32 s3, s5;
	[dreg:$0x0] =	wrdreg $0x0  }
0xa8: {  	s5 =	sshll.u32 s28, $0x1;
	[dreg:$0x2] =	wrdreg s3  }
0xa9: {  	[dreg:$0x3] =	wrdreg s5  }
0xaa: {  	[dreg:$0x4] =	wrdreg $0xC0  }
0xab: {  	_ =	task [dreg:s7], $0x5FFFF  }
0xac: {  	[dreg:$0x1] =	wrdreg $0xFFFFFFFF  }
0xad: {  	[dreg:$0x0] =	wrdreg $0x60  }
0xae: {  	[dreg:$0x2] =	wrdreg s2  }
0xaf: {  	[dreg:$0x3] =	wrdreg s24  }
0xb0: {  	[dreg:$0x4] =	wrdreg $0x41100  }
0xb1: {  	[dreg:$0x5] =	wrdreg $0xF5900  }
0xb2: {  	[dreg:$0x6] =	wrdreg $0x9  }
0xb3: {  	_ =	task.clear_ibuf [dreg:s7], $0x7FFFF;
	_ =	strace $0x90000049  }
0xb4: {  	s29 =	simm.s32 $0x9;
	_ =	strace $0x8000004B  }
0xb5: {  	_ =	swait.ge [sflag:s29], $0x1  }
0xb6: {  	[sflag:s29] =	ssyncadd.s32 $0xFFFFFFFF  }
0xb7: {  	_ =	strace $0x9000004B  }
0xb8: {  	_ =	sfence  }
0xb9: {  	s30 =	sld [smem:$0x0];
	_ =	sdelay $0x2  }
0xba: {  	s31 =	sshll.u32 s1, $0xD;
	s1 =	sshrl.u32 s1, $0x2  }
0xbb: {  	s3 =	sand.u32 $0x4000, s31;
	s1 =	sadd.s32 s1, s30  }
0xbc: {  	s0 =	sor.u32 s3, s0;
	s1 =	sshll.u32 s1, $0x11  }
0xbd: {  	s0 =	sor.u32 s1, s0  }
0xbe: {  	s0 =	sadd.s32 $0x8F2B, s0  }
0xbf: {  	[sflag:s0] =	ssyncadd.remote.s32 $0x1  }
0xc0: {  	_ =	sfence.sel $0xFFFF  }
0xc1: {  	[dreg:$0x0] =	wrdreg $0xFFFFFFFF;
	(pc) =	sbr.abs _section_cstart, $3  }
0xc2: {  	[dreg:$0x1] =	wrdreg $0xFFFFFFFF  }
0xc3: {  	_ =	task.clear_ibuf [dreg:s7], $0x2FFFF;
	_ =	strace $0x9FFFFFFF  }
0xc4: {  	(tm) =	ssettm $0x7FFFFFFF  }
0xc5: {  	_ =	shalt  }
tec
execute0_lowered:
.L_overlay_start_1:
0x0: {  	(tag) =	ssettag $0x1  }
0x1: {  	s1 =	rddreg [dreg:$0x0]  }
0x2: {  	s12 =	rddreg [dreg:$0x1]  }
0x3: {  	s3 =	rddreg [dreg:$0x2]  }
0x4: {  	s5 =	rddreg [dreg:$0x3]  }
0x5: {  	s6 =	simm.s32 $0x0;
	s0 =	srdreg.scid;
	s18 =	stileid.u32  }
0x6: {  	s28 =	simm.s32 $0x90;
	s29 =	simm.s32 $0x80;
	s30 =	simm.s32 $0x110  }
0x7: {  	s31 =	simm.s32 $0x1;
	[smem:$0x7FF] =	sst s6;
	s0 =	sand.u32 $0x1, s0  }
0x8: {  	s2 =	smul.u32 $0x140, s18;
	s7 =	sadd.s32 $0x3D400, s12;
	s8 =	sadd.s32 $0x47A00, s12  }
0x9: {  	s9 =	sadd.s32 $0x32E00, s12;
	s10 =	sadd.s32 $0x52000, s12;
	s11 =	smul.u32 $0x29000, s18  }
0xa: {  	s20 =	sadd.s32 $0x1600, s12;
	s21 =	sadd.s32 $0x52600, s12;
	s15 =	smul.u32 $0x5200, s18  }
0xb: {  	s13 =	sadd.s32 $0x52400, s12;
	s24 =	sshll.u32 s18, $0x6;
	s16 =	smul.u32 $0x28000, s18  }
0xc: {  	s17 =	smul.u32 $0x5000, s18;
	_ =	strace $0x8000004A;
	[dreg:$0x5] =	wrdreg s10  }
0xd: {  	s18 =	sshll.u32 s18, $0x7;
	s4 =	smul.u32 $0x1400, s0;
	[dreg:$0x6] =	wrdreg s20  }
0xe: {  	[dreg:$0x7] =	wrdreg s21;
	s23 =	ssub.s32 $0x2, s0;
	p0 =	seq.s32 s0, $0x0  }
0xf: {  	s20 =	simm.s32 $0x2;
	s0 =	simm.s32 $0xE510;
	s14 =	sshrl.u32 s23, $0x1  }
0x10: {  	s11 =	sshrl.u32 s11, $0x2;
	s15 =	sshrl.u32 s15, $0x2;
	s25 =	sshrl.u32 s16, $0x2  }
0x11: {  	s26 =	sshrl.u32 s17, $0x2;
	s2 =	sadd.s32 s2, s4;
	s10 =	ssub.s32 s23, s14  }
0x12: {  	s11 =	sadd.s32 s11, s3;
	s14 =	sor.u32 $0x1C02, s24;
	s21 =	sadd.s32 s15, s5  }
0x13: {  	s23 =	simm.s32 $0xED90;
	s22 =	sshll.u32 s2, $0x4;
	s2 =	sshll.u32 s2, $0x1  }
.Ltmp0:
0x14: {  	s17 =	smax.u32 s10, $0x1;
	s19 =	sshrl.u32 s11, $0x3;
	(pc) =	sbr.rel .LBB2_1-.Ltmp0, $4  }
0x15: {  	s21 =	sshrl.u32 s21, $0x3;
	s4 =	sadd.s32 s22, s12;
	s2 =	sadd.s32 s2, s12  }
0x16: {  	s22 =	simm.s32 $0xE590;
	s15 =	sadd.s32 $0x6A00, s4;
	s4 =	sadd.s32 s25, s3  }
0x17: {  	s16 =	sadd.s32 $0x1A00, s2;
	s2 =	sadd.s32 s26, s5;
	s26 =	simm.s32 $0x10  }
0x18: {  	s24 =	sshrl.u32 s4, $0x3;
	s25 =	sshrl.u32 s2, $0x3;
	s4 =	simm.s32 $0x0  }
.LBB2_10:
0x19: {  	s2 =	sadd.s32 s9, s11;
	[sflag:s20] =	ssyncadd.s32 @p1 $0xFFFFF800  }
0x1a: {  	[tilespmem:s0], [sflag:$0x2] =	stream.linear.gather [hbm4b:s2+s6], $0x80, $0x38;
	[tilespmem:$0x10A10] =	vst v63  }
0x1b: {  	_ =	swait.ge [sflag:s20], $0x80  }
0x1c: {  	[sflag:s20] =	ssyncset.done $0x0  }
0x1d: {  	[sflag:s20] =	ssyncadd.s32 $0xFFFFFF80  }
0x1e: {  	[spmem:s5] =	stream.indirect.scatter.add.f32 [tilespmem:s23], [sflag:$0x2], $0x10, s0, s29, $0xb8;
	[tilespmem:$0x10A10] =	vst v63  }
0x1f: {  	_ =	swait.ge [sflag:s20], $0x800  }
0x20: {  	[sflag:s20] =	ssyncset.done $0x0  }
0x21: {  	[sflag:s20] =	ssyncadd.s32 $0xFFFFF800  }
.LBB2_11:
0x22: {  	[bflag:$0x0] =	sbarrier.arrive $0xFFFF  }
0x23: {  	[hbm:s15], [sflag:s14] =	dma.local [spmem:s24], $0x1400  }
0x24: {  	s4 =	sadd.s32 $0x1, s4;
	_ =	swait.ge [sflag:s20], $0x1400  }
0x25: {  	p1 =	sne.s32 s4, s17;
	[sflag:s20] =	ssyncset.done $0x0  }
.Ltmp1:
0x26: {  	[sflag:s20] =	ssyncadd.s32 $0xFFFFEC00;
	(pc) =	sbr.rel @!p1 .LBB2_12-.Ltmp1, $4  }
0x27: {  	[hbm:s16], [sflag:s14] =	dma.local [spmem:s25], $0x280  }
0x28: {  	_ =	swait.ge [sflag:s20], $0x280  }
0x29: {  	[sflag:s20] =	ssyncset.done $0x0  }
0x2a: {  	[sflag:s20] =	ssyncadd.s32 $0xFFFFFD80  }
.LBB2_1:
0x2b: {  	s2 =	rddreg [dreg:$0x1]  }
0x2c: {  	[spmem:s19], [sflag:s14] =	dma.local [hbm:s2], $0x1480  }
0x2d: {  	_ =	swait.ge [sflag:s20], $0x1480  }
0x2e: {  	[sflag:s20] =	ssyncset.done $0x0  }
0x2f: {  	s10 =	rddreg [dreg:$0x6];
	[sflag:s20] =	ssyncadd.s32 $0xFFFFEB80  }
0x30: {  	[spmem:s21], [sflag:s14] =	dma.local [hbm:s10], $0x290  }
0x31: {  	_ =	swait.ge [sflag:s20], $0x290  }
0x32: {  	[sflag:s20] =	ssyncset.done $0x0  }
0x33: {  	s11 =	rddreg [dreg:$0x7];
	[sflag:s20] =	ssyncadd.s32 $0xFFFFFD70  }
0x34: {  	[tilespmem:s22], [sflag:$0x2] =	stream.linear.gather [hbm4b:s11+s6], $0x800, $0x38;
	[tilespmem:$0x10A10] =	vst v63  }
0x35: {  	_ =	swait.ge [sflag:s20], $0x800  }
0x36: {  	[sflag:s20] =	ssyncset.done $0x0  }
0x37: {  	[sflag:s20] =	ssyncadd.s32 $0xFFFFF800  }
0x38: {  	[tilespmem:s23], [sflag:$0x2] =	stream.linear.gather [hbm4b:s13+s6], $0x800, $0x38;
	[tilespmem:$0x10A10] =	vst v63  }
0x39: {  	_ =	swait.ge [sflag:s20], $0x800  }
0x3a: {  	[sflag:s20] =	ssyncset.done $0x0  }
0x3b: {  	s12 =	rddreg [dreg:$0x5];
	[sflag:s20] =	ssyncadd.s32 $0xFFFFF800  }
0x3c: {  	[tilespmem:s6], [sflag:$0x2] =	stream.linear.gather [hbm4b:s12+s6], $0x10, $0x38;
	[tilespmem:$0x10A10] =	vst v63  }
0x3d: {  	_ =	swait.ge [sflag:s20], $0x10  }
0x3e: {  	[sflag:s20] =	ssyncset.done $0x0  }
0x3f: {  	[sflag:s20] =	ssyncadd.s32 $0xFFFFFFF0  }
0x40: {  	[bflag:$0x0] =	sbarrier.arrive $0xFFFF  }
0x41: {  	v0 =	vld [tilespmem:$0x0];
	_ =	sdelay $0x4  }
0x42: {  	(v2sf) =	vpush v0, $0x0  }
0x43: {  	(v2sf) =	vpush v0, $0x2  }
0x44: {  	(v2sf) =	vpush v0, $0x1  }
0x45: {  	(v2sf) =	vpush v0, $0x3;
	_ =	sdelay $0xb  }
0x46: {  	s10 =	spop (v2sf)  }
0x47: {  	s2 =	spop (v2sf)  }
0x48: {  	s12 =	spop (v2sf)  }
0x49: {  	s11 =	spop (v2sf)  }
0x4a: {  	s11 =	smov.u32 @p0 s12  }
0x4b: {  	p1 =	slt.s32 s11, $0x1  }
.Ltmp2:
0x4c: {  	_ = 	snop;
	(pc) =	sbr.rel @p1 .LBB2_6-.Ltmp2, $1  }
0x4d: {  	_ =	sdelay $0x3  }
0x4e: {  	p2 =	sne.s32 s11, $0x1  }
.Ltmp3:
0x4f: {  	_ = 	snop;
	(pc) =	sbr.rel @!p2 .LBB2_5-.Ltmp3, $4  }
0x50: {  	s12 =	smul.u32 s11, s18  }
0x51: {  	s2 =	smov.u32 @p0 s10  }
0x52: {  	s10 =	sadd.s32 s12, s2  }
0x53: {  	p1 =	por $0x0, $0x0;
	s2 =	sadd.s32 $0xFFFFFFFF, s11;
	s11 =	sshrl.u32 s10, $0x3  }
0x54: {  	s12 =	sadd.s32 s7, s11  }
0x55: {  	[tilespmem:s26], [sflag:$0x2] =	stream.linear.gather [hbm4b:s12+s6], $0x80, $0x38;
	[tilespmem:$0x10A10] =	vst v63  }
0x56: {  	_ =	swait.ge [sflag:s20], $0x80  }
0x57: {  	[sflag:s20] =	ssyncset.done $0x0  }
0x58: {  	s12 =	sadd.s32 s8, s11;
	[sflag:s20] =	ssyncadd.s32 $0xFFFFFF80  }
0x59: {  	[tilespmem:s28], [sflag:$0x2] =	stream.linear.gather [hbm4b:s12+s6], $0x80, $0x38;
	[tilespmem:$0x10A10] =	vst v63  }
0x5a: {  	_ =	swait.ge [sflag:s20], $0x80  }
0x5b: {  	[sflag:s20] =	ssyncset.done $0x0  }
0x5c: {  	[sflag:s20] =	ssyncadd.s32 $0xFFFFFF80  }
0x5d: {  	[tilespmem:s30], [sflag:$0x1] =	stream.indirect.gather [hbm4b:s1+s29], $0x80, s26, s29, $0xb8;
	[tilespmem:$0x10A10] =	vst v63  }
0x5e: {  	_ =	swait.ge [sflag:s31], $0x4000  }
0x5f: {  	[sflag:s31] =	ssyncset.done $0x0  }
0x60: {  	[sflag:s31] =	ssyncadd.s32 $0xFFFFC000  }
0x61: {  	[spmem:s3] =	stream.indirect.scatter.add.f32 [tilespmem:s30], [sflag:$0x2], $0x80, s28, s29, $0xb8;
	[tilespmem:$0x10A10] =	vst v63  }
0x62: {  	p2 =	sne.s32 s2, $0x1;
	_ =	swait.ge [sflag:s20], $0x4000  }
.Ltmp4:
0x63: {  	[sflag:s20] =	ssyncset.done $0x0;
	(pc) =	sbr.rel @!p2 .LBB2_5-.Ltmp4, $4  }
0x64: {  	[sflag:s20] =	ssyncadd.s32 $0xFFFFC000  }
0x65: {  	[spmem:s5] =	stream.indirect.scatter.add.f32 [tilespmem:s22], [sflag:$0x2], $0x10, s28, s29, $0xb8;
	[tilespmem:$0x10A10] =	vst v63  }
0x66: {  	s2 =	sadd.s32 $0xFFFFFFFF, s2;
	s10 =	sadd.s32 $0x80, s10;
	_ =	swait.ge [sflag:s20], $0x800  }
0x67: {  	p1 =	por $0x1, $0x1;
	s11 =	sshrl.u32 s10, $0x3;
	[sflag:s20] =	ssyncset.done $0x0  }
.LBB2_4:
0x68: {  	p2 =	sne.s32 s2, $0x1;
	s12 =	sadd.s32 s7, s11;
	[sflag:s20] =	ssyncadd.s32 $0xFFFFF800  }
0x69: {  	[tilespmem:s26], [sflag:$0x2] =	stream.linear.gather [hbm4b:s12+s6], $0x80, $0x38;
	[tilespmem:$0x10A10] =	vst v63  }
0x6a: {  	s2 =	sadd.s32 $0xFFFFFFFF, s2;
	_ =	swait.ge [sflag:s20], $0x80  }
0x6b: {  	[sflag:s20] =	ssyncset.done $0x0  }
0x6c: {  	s11 =	sadd.s32 s8, s11;
	[sflag:s20] =	ssyncadd.s32 $0xFFFFFF80  }
0x6d: {  	[tilespmem:s28], [sflag:$0x2] =	stream.linear.gather [hbm4b:s11+s6], $0x80, $0x38;
	[tilespmem:$0x10A10] =	vst v63  }
0x6e: {  	_ =	swait.ge [sflag:s20], $0x80  }
0x6f: {  	[sflag:s20] =	ssyncset.done $0x0  }
0x70: {  	[sflag:s20] =	ssyncadd.s32 $0xFFFFFF80  }
0x71: {  	[tilespmem:s30], [sflag:$0x1] =	stream.indirect.gather [hbm4b:s1+s29], $0x80, s26, s29, $0xb8;
	[tilespmem:$0x10A10] =	vst v63  }
0x72: {  	_ =	swait.ge [sflag:s31], $0x4000  }
0x73: {  	[sflag:s31] =	ssyncset.done $0x0  }
0x74: {  	[sflag:s31] =	ssyncadd.s32 $0xFFFFC000  }
0x75: {  	[spmem:s3] =	stream.indirect.scatter.add.f32 [tilespmem:s30], [sflag:$0x2], $0x80, s28, s29, $0xb8;
	[tilespmem:$0x10A10] =	vst v63  }
0x76: {  	_ =	swait.ge [sflag:s20], $0x4000  }
.Ltmp5:
0x77: {  	[sflag:s20] =	ssyncset.done $0x0;
	(pc) =	sbr.rel @p2 .LBB2_4-.Ltmp5, $4  }
0x78: {  	[sflag:s20] =	ssyncadd.s32 $0xFFFFC000  }
0x79: {  	[spmem:s5] =	stream.indirect.scatter.add.f32 [tilespmem:s22], [sflag:$0x2], $0x10, s28, s29, $0xb8;
	[tilespmem:$0x10A10] =	vst v63  }
0x7a: {  	s10 =	sadd.s32 $0x80, s10;
	_ =	swait.ge [sflag:s20], $0x800  }
0x7b: {  	s11 =	sshrl.u32 s10, $0x3;
	[sflag:s20] =	ssyncset.done $0x0  }
.LBB2_5:
0x7c: {  	s2 =	sadd.s32 s7, s11;
	[sflag:s20] =	ssyncadd.s32 @p1 $0xFFFFF800  }
0x7d: {  	[tilespmem:s26], [sflag:$0x2] =	stream.linear.gather [hbm4b:s2+s6], $0x80, $0x38;
	[tilespmem:$0x10A10] =	vst v63  }
0x7e: {  	_ =	swait.ge [sflag:s20], $0x80  }
0x7f: {  	[sflag:s20] =	ssyncset.done $0x0  }
0x80: {  	s12 =	sadd.s32 s8, s11;
	[sflag:s20] =	ssyncadd.s32 $0xFFFFFF80  }
0x81: {  	[tilespmem:s28], [sflag:$0x2] =	stream.linear.gather [hbm4b:s12+s6], $0x80, $0x38;
	[tilespmem:$0x10A10] =	vst v63  }
0x82: {  	_ =	swait.ge [sflag:s20], $0x80  }
0x83: {  	[sflag:s20] =	ssyncset.done $0x0  }
0x84: {  	[sflag:s20] =	ssyncadd.s32 $0xFFFFFF80  }
0x85: {  	[tilespmem:s30], [sflag:$0x1] =	stream.indirect.gather [hbm4b:s1+s29], $0x80, s26, s29, $0xb8;
	[tilespmem:$0x10A10] =	vst v63  }
0x86: {  	_ =	swait.ge [sflag:s31], $0x4000  }
0x87: {  	[sflag:s31] =	ssyncset.done $0x0  }
0x88: {  	[sflag:s31] =	ssyncadd.s32 $0xFFFFC000  }
0x89: {  	[spmem:s3] =	stream.indirect.scatter.add.f32 [tilespmem:s30], [sflag:$0x2], $0x80, s28, s29, $0xb8;
	[tilespmem:$0x10A10] =	vst v63  }
0x8a: {  	_ =	swait.ge [sflag:s20], $0x4000  }
0x8b: {  	[sflag:s20] =	ssyncset.done $0x0  }
0x8c: {  	[sflag:s20] =	ssyncadd.s32 $0xFFFFC000  }
0x8d: {  	[spmem:s5] =	stream.indirect.scatter.add.f32 [tilespmem:s22], [sflag:$0x2], $0x10, s28, s29, $0xb8;
	[tilespmem:$0x10A10] =	vst v63  }
0x8e: {  	_ =	swait.ge [sflag:s20], $0x800  }
0x8f: {  	[sflag:s20] =	ssyncset.done $0x0  }
0x90: {  	[sflag:s20] =	ssyncadd.s32 $0xFFFFF800  }
.LBB2_6:
0x91: {  	(v2sf) =	vpush v0, $0x4  }
0x92: {  	(v2sf) =	vpush v0, $0x6  }
0x93: {  	(v2sf) =	vpush v0, $0x5  }
0x94: {  	(v2sf) =	vpush v0, $0x7;
	_ =	sdelay $0xb  }
0x95: {  	s10 =	spop (v2sf)  }
0x96: {  	s2 =	spop (v2sf)  }
0x97: {  	s12 =	spop (v2sf)  }
0x98: {  	s11 =	spop (v2sf)  }
0x99: {  	s11 =	smov.u32 @p0 s12  }
0x9a: {  	p1 =	slt.s32 s11, $0x1  }
.Ltmp6:
0x9b: {  	_ = 	snop;
	(pc) =	sbr.rel @p1 .LBB2_11-.Ltmp6, $1  }
0x9c: {  	_ =	sdelay $0x3  }
0x9d: {  	p2 =	sne.s32 s11, $0x1  }
.Ltmp7:
0x9e: {  	_ = 	snop;
	(pc) =	sbr.rel @!p2 .LBB2_10-.Ltmp7, $4  }
0x9f: {  	s12 =	smul.u32 s11, s18  }
0xa0: {  	s2 =	smov.u32 @p0 s10  }
0xa1: {  	s10 =	sadd.s32 s12, s2  }
0xa2: {  	p1 =	por $0x0, $0x0;
	s2 =	sadd.s32 $0xFFFFFFFF, s11;
	s11 =	sshrl.u32 s10, $0x3  }
0xa3: {  	s11 =	sadd.s32 s9, s11  }
0xa4: {  	[tilespmem:s0], [sflag:$0x2] =	stream.linear.gather [hbm4b:s11+s6], $0x80, $0x38;
	[tilespmem:$0x10A10] =	vst v63  }
0xa5: {  	p2 =	sne.s32 s2, $0x1;
	_ =	swait.ge [sflag:s20], $0x80  }
.Ltmp8:
0xa6: {  	[sflag:s20] =	ssyncset.done $0x0;
	(pc) =	sbr.rel @!p2 .LBB2_10-.Ltmp8, $4  }
0xa7: {  	[sflag:s20] =	ssyncadd.s32 $0xFFFFFF80  }
0xa8: {  	[spmem:s5] =	stream.indirect.scatter.add.f32 [tilespmem:s23], [sflag:$0x2], $0x10, s0, s29, $0xb8;
	[tilespmem:$0x10A10] =	vst v63  }
0xa9: {  	s2 =	sadd.s32 $0xFFFFFFFF, s2;
	s10 =	sadd.s32 $0x80, s10;
	_ =	swait.ge [sflag:s20], $0x800  }
0xaa: {  	p1 =	por $0x1, $0x1;
	s11 =	sshrl.u32 s10, $0x3;
	[sflag:s20] =	ssyncset.done $0x0  }
.LBB2_9:
0xab: {  	p2 =	sne.s32 s2, $0x1;
	s11 =	sadd.s32 s9, s11;
	[sflag:s20] =	ssyncadd.s32 $0xFFFFF800  }
0xac: {  	[tilespmem:s0], [sflag:$0x2] =	stream.linear.gather [hbm4b:s11+s6], $0x80, $0x38;
	[tilespmem:$0x10A10] =	vst v63  }
0xad: {  	s2 =	sadd.s32 $0xFFFFFFFF, s2;
	_ =	swait.ge [sflag:s20], $0x80  }
.Ltmp9:
0xae: {  	[sflag:s20] =	ssyncset.done $0x0;
	(pc) =	sbr.rel @p2 .LBB2_9-.Ltmp9, $4  }
0xaf: {  	[sflag:s20] =	ssyncadd.s32 $0xFFFFFF80  }
0xb0: {  	[spmem:s5] =	stream.indirect.scatter.add.f32 [tilespmem:s23], [sflag:$0x2], $0x10, s0, s29, $0xb8;
	[tilespmem:$0x10A10] =	vst v63  }
0xb1: {  	s10 =	sadd.s32 $0x80, s10;
	_ =	swait.ge [sflag:s20], $0x800  }
0xb2: {  	s11 =	sshrl.u32 s10, $0x3;
	[sflag:s20] =	ssyncset.done $0x0  }
.Ltmp10:
0xb3: {  	_ = 	snop;
	(pc) =	sbr.rel .LBB2_10-.Ltmp10, $1  }
0xb4: {  	_ =	sdelay $0x3  }
.LBB2_12:
0xb5: {  	_ =	sfence.sel $0x180000  }
0xb6: {  	[bflag:$0x0] =	sbarrier.arrive $0xFFFF  }
0xb7: {  	_ =	strace $0x9000004A  }
0xb8: {  	s0 =	stileid.u32;
	[bflag:$0x2] =	sbarrier.arrive $0xFFFF  }
0xb9: {  	p0 =	sne.s32 s0, $0x0;
	s0 =	rddreg [dreg:$0x4]  }
0xba: {  	s0 =	sadd.s32 @!p0 $0x100000, s0  }
0xbb: {  	[sflag:s0] =	ssyncadd.tile.s32 @!p0 $0x1;
	_ =	shalt  }
.Lfunc_end2:
_tile_overlayer_lowered:
.L_overlay_start_2:
0xbc: {  	(tag) =	ssettag $0x2  }
0xbd: {  	s0 =	rddreg [dreg:$0x0];
	s2 =	stileid.u32  }
0xbe: {  	s1 =	rddreg [dreg:$0x1];
	p0 =	sne.s32 s2, $0x0  }
0xbf: {  	s3 =	rddreg [dreg:$0x2];
	[bflag:$0x3] =	sbarrier.arrive $0xFFFF;
	s2 =	simm.s32 @!p0 $0x1C02  }
0xc0: {  	[timem:s3], [sflag:s2] =	dma.local @!p0 [hbm:s0], s1  }
0xc1: {  	s0 =	simm.s32 @!p0 $0x2  }
0xc2: {  	_ =	swait.ge @!p0 [sflag:s0], s1  }
0xc3: {  	s1 =	ssub.s32 @!p0 $0x0, s1;
	[sflag:s0] =	ssyncset.done @!p0 $0x0  }
0xc4: {  	[sflag:s0] =	ssyncadd.s32 @!p0 s1  }
0xc5: {  	[bflag:$0x3] =	sbarrier.arrive $0xFFFF  }
0xc6: {  	_ =	shalt  }

// kernel: kernel.26.cloned.1.call-start
scs
__scs_entry_jumppad:
0x0: {  	(pc) =	sbr.rel $0x88, $3  }
0x1: {  	(tag) =	ssettag $0x0;
	lr =	simm.s32 $0x1  }
0x2: {  	[smem:$0x3F94] =	sst lr;
	_ =	strace $0xD0000000  }
0x3: {  	_ = 	snop  }
0x4: {  	_ = 	snop  }
0x5: {  	_ = 	snop  }
0x6: {  	_ = 	snop  }
0x7: {  	_ = 	snop  }
__scs_overlays_trampoline_lowered:
0x8: {  	[smem:$0x3FA3] =	sst s0  }
0x9: {  	[smem:$0x3FA4] =	sst s1  }
0xa: {  	[smem:$0x3FA5] =	sst s2  }
0xb: {  	[smem:$0x3FA6] =	sst s3  }
0xc: {  	[smem:$0x3FA7] =	sst s4  }
0xd: {  	[smem:$0x3FA8] =	sst s5  }
0xe: {  	[smem:$0x3FA9] =	sst s6  }
0xf: {  	[smem:$0x3FAA] =	sst s7  }
0x10: {  	[smem:$0x3FAB] =	sst s8  }
0x11: {  	[smem:$0x3FAC] =	sst s9;
	s0 =	simm.s32 @!p0 $0x0  }
0x12: {  	s1 =	sld [smem:$0x3F92];
	s0 =	simm.s32 @p0 $0x1  }
0x13: {  	[smem:$0x3FAD] =	sst s0;
	s0 =	simm.s32 @!p1 $0x0  }
0x14: {  	s2 =	sld [smem:$0x3F91];
	s0 =	simm.s32 @p1 $0x1  }
0x15: {  	[smem:$0x3FAE] =	sst s0;
	s0 =	simm.s32 @!p2 $0x0  }
0x16: {  	s3 =	sld [smem:$0x3FDB];
	s0 =	simm.s32 @p2 $0x1  }
0x17: {  	s4 =	simm.s32 $0x1BF5;
	[smem:$0x3FB0] =	sst s0  }
0x18: {  	s0 =	sld [smem:$0x3F93];
	_ =	swait.ge [sflag:s4], $0x0  }
0x19: {  	s7 =	sld [smem:$0x3F94]  }
0x1a: {  	s8 =	sadd.s32 $0xFFFFE003, lr  }
0x1b: {  	s9 =	sadd.s32 $0xFFFFFEF7, lr;
	s5 =	simm.s32 $0xFFFFFFFF;
	p2 =	slt.u32 s8, $0xFFFFF086  }
0x1c: {  	p1 =	slt.u32 s9, $0xF7A;
	s5 =	simm.s32 @!p2 $0x0  }
0x1d: {  	s5 =	simm.s32 @p1 $0x1;
	p0 =	seq.s32 s7, s2  }
0x1e: {  	s7 =	smul.u32 @!p0 $0xF7A, s2;
	p2 =	seq.s32 @!p0 s5, $0x0  }
0x1f: {  	s9 =	smul.u32 $0xF7A, s1;
	s8 =	simm.s32 @!p0 $0x1BF5;
	p2 =	por !p2, p0  }
0x20: {  	[sflag:s8] =	ssyncset.s32 @!p0 $0xFFFFF086;
	s6 =	sadd.s32 @!p0 s3, s7;
	s7 =	simm.s32 @!p0 $0x108  }
0x21: {  	s3 =	sadd.s32 s3, s9;
	s6 =	sadd.s32 @!p0 $0x88, s6;
	s7 =	simm.s32 @p2 $0x1082  }
0x22: {  	[simem:s7], [sflag:s8] =	dma.local @!p0 [hbm:s6], $0xF7A  }
0x23: {  	s9 =	sor.u32 $0xD0000000, s2;
	s6 =	simm.s32 $0x108;
	_ =	swait.ge @!p0 [sflag:s8], $0x0  }
0x24: {  	s3 =	sadd.s32 $0x88, s3;
	s6 =	simm.s32 @!p1 $0x1082;
	[sflag:s4] =	ssyncset.s32 $0xFFFFF086  }
0x25: {  	[simem:s6], [sflag:s4] =	dma.local [hbm:s3], $0xF7A  }
0x26: {  	[smem:$0x3F94] =	sst s1;
	(tag) =	ssettag s2;
	_ =	strace s9  }
0x27: {  	s1 =	sld [smem:$0x3FA4]  }
0x28: {  	s2 =	sld [smem:$0x3FA5]  }
0x29: {  	s4 =	sld [smem:$0x3FA7]  }
0x2a: {  	p0 =	seq.s32 s5, $0x0;
	s5 =	sld [smem:$0x3FA8]  }
0x2b: {  	s6 =	sld [smem:$0x3FA9]  }
0x2c: {  	s7 =	sld [smem:$0x3FAA]  }
0x2d: {  	s3 =	simm.s32 $0x108;
	s8 =	sld [smem:$0x3FAB]  }
0x2e: {  	s3 =	simm.s32 @!p0 $0x1082;
	s9 =	sld [smem:$0x3FAC]  }
0x2f: {  	lr =	sadd.s32 s0, s3;
	s0 =	sld [smem:$0x3FA3]  }
0x30: {  	s3 =	sld [smem:$0x3FA6]  }
0x31: {  	[smem:$0x3FAF] =	sst s10  }
0x32: {  	s10 =	sld [smem:$0x3FAD];
	_ =	sdelay $0x3  }
0x33: {  	p0 =	seq.s32 s10, $0x1;
	s10 =	sld [smem:$0x3FAF];
	_ =	sdelay $0x3  }
0x34: {  	[smem:$0x3FAF] =	sst s10  }
0x35: {  	s10 =	sld [smem:$0x3FAE];
	_ =	sdelay $0x3  }
0x36: {  	p1 =	seq.s32 s10, $0x1;
	s10 =	sld [smem:$0x3FAF];
	_ =	sdelay $0x3  }
0x37: {  	[smem:$0x3FAF] =	sst s10  }
0x38: {  	s10 =	sld [smem:$0x3FB0]  }
0x39: {  	_ = 	snop;
	(pc) =	sbr.ind lr, $3  }
0x3a: {  	_ = 	snop  }
0x3b: {  	_ = 	snop  }
0x3c: {  	p2 =	seq.s32 s10, $0x1;
	s10 =	sld [smem:$0x3FAF]  }
0x3d: {  	_ =	shalt  }
0x3e: {  	_ =	shalt  }
0x3f: {  	_ =	shalt  }
0x40: {  	_ =	shalt  }
0x41: {  	_ =	shalt  }
0x42: {  	_ =	shalt  }
0x43: {  	_ =	shalt  }
0x44: {  	_ =	shalt  }
0x45: {  	_ =	shalt  }
0x46: {  	_ =	shalt  }
0x47: {  	_ =	shalt  }
0x48: {  	_ =	shalt  }
0x49: {  	_ =	shalt  }
0x4a: {  	_ =	shalt  }
0x4b: {  	_ =	shalt  }
0x4c: {  	_ =	shalt  }
0x4d: {  	_ =	shalt  }
0x4e: {  	_ =	shalt  }
0x4f: {  	_ =	shalt  }
0x50: {  	_ =	shalt  }
0x51: {  	_ =	shalt  }
0x52: {  	_ =	shalt  }
0x53: {  	_ =	shalt  }
0x54: {  	_ =	shalt  }
0x55: {  	_ =	shalt  }
0x56: {  	_ =	shalt  }
0x57: {  	_ =	shalt  }
0x58: {  	_ =	shalt  }
0x59: {  	_ =	shalt  }
0x5a: {  	_ =	shalt  }
0x5b: {  	_ =	shalt  }
0x5c: {  	_ =	shalt  }
0x5d: {  	_ =	shalt  }
0x5e: {  	_ =	shalt  }
0x5f: {  	_ =	shalt  }
0x60: {  	_ =	shalt  }
0x61: {  	_ =	shalt  }
0x62: {  	_ =	shalt  }
0x63: {  	_ =	shalt  }
0x64: {  	_ =	shalt  }
0x65: {  	_ =	shalt  }
0x66: {  	_ =	shalt  }
0x67: {  	_ =	shalt  }
0x68: {  	_ =	shalt  }
0x69: {  	_ =	shalt  }
0x6a: {  	_ =	shalt  }
0x6b: {  	_ =	shalt  }
0x6c: {  	_ =	shalt  }
0x6d: {  	_ =	shalt  }
0x6e: {  	_ =	shalt  }
0x6f: {  	_ =	shalt  }
0x70: {  	_ =	shalt  }
0x71: {  	_ =	shalt  }
0x72: {  	_ =	shalt  }
0x73: {  	_ =	shalt  }
0x74: {  	_ =	shalt  }
0x75: {  	_ =	shalt  }
0x76: {  	_ =	shalt  }
0x77: {  	_ =	shalt  }
0x78: {  	_ =	shalt  }
0x79: {  	_ =	shalt  }
0x7a: {  	_ =	shalt  }
0x7b: {  	_ =	shalt  }
0x7c: {  	_ =	shalt  }
0x7d: {  	_ =	shalt  }
0x7e: {  	_ =	shalt  }
0x7f: {  	_ =	shalt  }
0x80: {  	_ =	shalt  }
0x81: {  	_ =	shalt  }
0x82: {  	_ =	shalt  }
0x83: {  	_ =	shalt  }
0x84: {  	_ =	shalt  }
0x85: {  	_ =	shalt  }
0x86: {  	_ =	shalt  }
0x87: {  	_ =	shalt  }
.Lfunc_end0:
.L_simem_size_0:
called_computation.2_lowered:
.L_overlay_start_0:
0x88: {  	s2 =	sld [smem:$0x3FD9]  }
0x89: {  	s3 =	sld [smem:$0x3FFE];
	_ =	sdelay $0x1  }
0x8a: {  	s1 =	srdreg.scid  }
0x8b: {  	s0 =	sand.u32 $0x1, s1  }
0x8c: {  	s16 =	sshll.u32 s0, $0xA;
	s2 =	sadd.s32 s3, s2  }
0x8d: {  	s2 =	sadd.s32 s2, s16  }
0x8e: {  	[smem:$0x3FBB] =	sst s2  }
0x8f: {  	_ = 	snop  }
0x90: {  	(tm) =	ssettm $0x1  }
0x91: {  	s17 =	sld [smem:$0x3FFB];
	_ =	sdelay $0x3  }
0x92: {  	_ =	strace s17  }
0x93: {  	s2 =	sld [smem:$0x3FFC];
	_ =	sdelay $0x3  }
0x94: {  	_ =	strace s2  }
0x95: {  	s2 =	sld [smem:$0x3FFD];
	_ =	sdelay $0x3  }
0x96: {  	_ =	strace s2  }
0x97: {  	_ =	strace $0x8FFFFFFF  }
0x98: {  	s18 =	sld [smem:$0x3FDB];
	_ =	sdelay $0x1  }
0x99: {  	s19 =	simm.s32 $_scs_section_size  }
0x9a: {  	s4 =	simm.s32 $_size__tile_overlayer_lowered;
	s5 =	simm.s32 $_tile_overlayer_lowered  }
0x9b: {  	s22 =	simm.s32 $0x1BFF;
	s21 =	sshll.u32 s5, $0x1;
	s2 =	sadd.s32 s19, s18  }
0x9c: {  	s6 =	simm.s32 $0x0;
	s20 =	sshll.u32 s4, $0x1;
	s4 =	sadd.s32 s21, s2  }
0x9d: {  	[timem:s6], [sflag:s22] =	dma.local [hbm:s4], s20  }
0x9e: {  	_ =	swait.ge [sflag:s22], s20  }
0x9f: {  	s3 =	ssub.s32 $0x0, s20;
	[sflag:s22] =	ssyncset.done $0x0  }
0xa0: {  	[sflag:s22] =	ssyncadd.s32 s3;
	_ =	sdelay $0x1  }
0xa1: {  	s23 =	simm.s32 $0x1B8B  }
0xa2: {  	_ =	swait.ge [sflag:s23], $0x1  }
0xa3: {  	[sflag:s23] =	ssyncset.done $0x0  }
0xa4: {  	s25 =	simm.s32 $0x1B8E;
	s24 =	sld [smem:$0x3FFE];
	[sflag:s23] =	ssyncadd.s32 $0xFFFFFFFF  }
0xa5: {  	s26 =	simm.s32 $execute0_lowered;
	[smem:$0x3FD2] =	sst s25  }
0xa6: {  	s4 =	sshll.u32 s26, $0x1;
	_ =	strace $0x8000004C;
	[dreg:$0x1] =	wrdreg $0xFFFFFFFF  }
0xa7: {  	s28 =	simm.s32 $_size_execute0_lowered;
	s2 =	sadd.s32 s2, s4;
	[dreg:$0x0] =	wrdreg $0x0  }
0xa8: {  	s4 =	sshll.u32 s28, $0x1;
	[dreg:$0x2] =	wrdreg s2  }
0xa9: {  	[dreg:$0x3] =	wrdreg s4  }
0xaa: {  	[dreg:$0x4] =	wrdreg $0xC0  }
0xab: {  	_ =	task [dreg:s6], $0x5FFFF  }
0xac: {  	[dreg:$0x1] =	wrdreg $0xFFFFFFFF  }
0xad: {  	[dreg:$0x0] =	wrdreg $0x60  }
0xae: {  	[dreg:$0x2] =	wrdreg s24  }
0xaf: {  	[dreg:$0x3] =	wrdreg $0x41100  }
0xb0: {  	[dreg:$0x4] =	wrdreg $0x9  }
0xb1: {  	_ =	task.clear_ibuf [dreg:s6], $0x5FFFF;
	_ =	strace $0x9000004C  }
0xb2: {  	s29 =	simm.s32 $0x9;
	_ =	strace $0x8000004E  }
0xb3: {  	_ =	swait.ge [sflag:s29], $0x1  }
0xb4: {  	[sflag:s29] =	ssyncadd.s32 $0xFFFFFFFF  }
0xb5: {  	_ =	strace $0x9000004E  }
0xb6: {  	_ =	sfence  }
0xb7: {  	s30 =	sld [smem:$0x0];
	_ =	sdelay $0x2  }
0xb8: {  	s31 =	sshll.u32 s1, $0xD;
	s1 =	sshrl.u32 s1, $0x2  }
0xb9: {  	s3 =	sand.u32 $0x4000, s31;
	s1 =	sadd.s32 s1, s30  }
0xba: {  	s0 =	sor.u32 s3, s0;
	s1 =	sshll.u32 s1, $0x11  }
0xbb: {  	s0 =	sor.u32 s1, s0  }
0xbc: {  	s0 =	sadd.s32 $0x8F2B, s0  }
0xbd: {  	[sflag:s0] =	ssyncadd.remote.s32 $0x1  }
0xbe: {  	_ =	sfence.sel $0xFFFF  }
0xbf: {  	[dreg:$0x0] =	wrdreg $0xFFFFFFFF;
	(pc) =	sbr.abs _section_cstart, $3  }
0xc0: {  	[dreg:$0x1] =	wrdreg $0xFFFFFFFF  }
0xc1: {  	_ =	task.clear_ibuf [dreg:s6], $0x2FFFF;
	_ =	strace $0x9FFFFFFF  }
0xc2: {  	(tm) =	ssettm $0x7FFFFFFF  }
0xc3: {  	_ =	shalt  }
tec
execute0_lowered:
.L_overlay_start_1:
0x0: {  	(tag) =	ssettag $0x1  }
0x1: {  	s1 =	rddreg [dreg:$0x0]  }
0x2: {  	s2 =	rddreg [dreg:$0x1]  }
0x3: {  	s0 =	rddreg [dreg:$0x2]  }
0x4: {  	s3 =	simm.s32 $0x0;
	s4 =	srdreg.scid;
	s17 =	simm.s32 $0x80  }
0x5: {  	s18 =	simm.s32 $0x110;
	s19 =	simm.s32 $0x1;
	s21 =	simm.s32 $0x0  }
0x6: {  	[smem:$0x7FF] =	sst s3;
	s13 =	sand.u32 $0x1, s4;
	s5 =	sadd.s32 $0x1A00, s1  }
0x7: {  	s4 =	stileid.u32;
	s6 =	sadd.s32 $0x3D400, s1;
	s9 =	smul.u32 $0x14000, s13  }
0x8: {  	s7 =	sadd.s32 $0x47A00, s1;
	s8 =	sadd.s32 $0x52000, s1;
	s10 =	smul.u32 $0x1400, s4  }
0x9: {  	_ =	strace $0x8000004D;
	s11 =	ssub.s32 $0x2, s13;
	s12 =	smul.u32 $0x29000, s4  }
0xa: {  	s14 =	smul.u32 $0x28000, s4;
	s30 =	sshll.u32 s4, $0x6;
	s28 =	sshrl.u32 s11, $0x1  }
0xb: {  	p0 =	seq.s32 s13, $0x0;
	s9 =	sadd.s32 s10, s9;
	s11 =	ssub.s32 s11, s28  }
.Ltmp0:
0xc: {  	s29 =	sshrl.u32 s12, $0x2;
	s31 =	sshrl.u32 s14, $0x2;
	(pc) =	sbr.rel .LBB2_1-.Ltmp0, $4  }
0xd: {  	s12 =	sshll.u32 s4, $0x7;
	s14 =	simm.s32 $0x2;
	s15 =	sadd.s32 s9, s1  }
0xe: {  	s16 =	sadd.s32 s29, s2;
	s9 =	sor.u32 $0x1C02, s30;
	s20 =	sadd.s32 s31, s2  }
0xf: {  	s11 =	smax.u32 s11, $0x1;
	s10 =	sadd.s32 $0x7AC00, s15;
	s13 =	sshrl.u32 s16, $0x3  }
0x10: {  	s15 =	simm.s32 $0x10;
	s16 =	simm.s32 $0x90;
	s20 =	sshrl.u32 s20, $0x3  }
.LBB2_5:
0x11: {  	s22 =	sadd.s32 s6, s24;
	[sflag:s14] =	ssyncadd.s32 @p1 $0xFFFFC000  }
0x12: {  	[tilespmem:s15], [sflag:$0x2] =	stream.linear.gather [hbm4b:s22+s3], $0x80, $0x38;
	[tilespmem:$0xE510] =	vst v63  }
0x13: {  	_ =	swait.ge [sflag:s14], $0x80  }
0x14: {  	[sflag:s14] =	ssyncset.done $0x0  }
0x15: {  	s31 =	sadd.s32 s7, s24;
	[sflag:s14] =	ssyncadd.s32 $0xFFFFFF80  }
0x16: {  	[tilespmem:s16], [sflag:$0x2] =	stream.linear.gather [hbm4b:s31+s3], $0x80, $0x38;
	[tilespmem:$0xE510] =	vst v63  }
0x17: {  	_ =	swait.ge [sflag:s14], $0x80  }
0x18: {  	[sflag:s14] =	ssyncset.done $0x0  }
0x19: {  	[sflag:s14] =	ssyncadd.s32 $0xFFFFFF80  }
0x1a: {  	[tilespmem:s18], [sflag:$0x1] =	stream.indirect.gather [hbm4b:s5+s17], $0x80, s15, s17, $0xb8;
	[tilespmem:$0xE510] =	vst v63  }
0x1b: {  	_ =	swait.ge [sflag:s19], $0x4000  }
0x1c: {  	[sflag:s19] =	ssyncset.done $0x0  }
0x1d: {  	[sflag:s19] =	ssyncadd.s32 $0xFFFFC000  }
0x1e: {  	[spmem:s2] =	stream.indirect.scatter.add.f32 [tilespmem:s18], [sflag:$0x2], $0x80, s16, s17, $0xb8;
	[tilespmem:$0xE510] =	vst v63  }
0x1f: {  	_ =	swait.ge [sflag:s14], $0x4000  }
0x20: {  	[sflag:s14] =	ssyncset.done $0x0  }
0x21: {  	[sflag:s14] =	ssyncadd.s32 $0xFFFFC000  }
.LBB2_6:
0x22: {  	s21 =	sadd.s32 $0x1, s21  }
0x23: {  	p1 =	sne.s32 s21, s11  }
.Ltmp1:
0x24: {  	[bflag:$0x0] =	sbarrier.arrive $0xFFFF;
	(pc) =	sbr.rel @!p1 .LBB2_7-.Ltmp1, $4  }
0x25: {  	[hbm:s10], [sflag:s9] =	dma.local [spmem:s20], $0x1400  }
0x26: {  	_ =	swait.ge [sflag:s14], $0x1400  }
0x27: {  	[sflag:s14] =	ssyncset.done $0x0  }
0x28: {  	[sflag:s14] =	ssyncadd.s32 $0xFFFFEC00  }
.LBB2_1:
0x29: {  	[spmem:s13], [sflag:s9] =	dma.local [hbm:s1], $0x1480  }
0x2a: {  	_ =	swait.ge [sflag:s14], $0x1480  }
0x2b: {  	[sflag:s14] =	ssyncset.done $0x0  }
0x2c: {  	[sflag:s14] =	ssyncadd.s32 $0xFFFFEB80  }
0x2d: {  	[tilespmem:s3], [sflag:$0x2] =	stream.linear.gather [hbm4b:s8+s3], $0x10, $0x38;
	[tilespmem:$0xE510] =	vst v63  }
0x2e: {  	_ =	swait.ge [sflag:s14], $0x10  }
0x2f: {  	[sflag:s14] =	ssyncset.done $0x0  }
0x30: {  	[sflag:s14] =	ssyncadd.s32 $0xFFFFFFF0  }
0x31: {  	[bflag:$0x0] =	sbarrier.arrive $0xFFFF  }
0x32: {  	v0 =	vld [tilespmem:$0x0];
	_ =	sdelay $0x4  }
0x33: {  	(v2sf) =	vpush v0, $0x0  }
0x34: {  	(v2sf) =	vpush v0, $0x2  }
0x35: {  	(v2sf) =	vpush v0, $0x1  }
0x36: {  	(v2sf) =	vpush v0, $0x3;
	_ =	sdelay $0xb  }
0x37: {  	s23 =	spop (v2sf)  }
0x38: {  	s22 =	spop (v2sf)  }
0x39: {  	s25 =	spop (v2sf)  }
0x3a: {  	s24 =	spop (v2sf)  }
0x3b: {  	s24 =	smov.u32 @p0 s25  }
0x3c: {  	p1 =	slt.s32 s24, $0x1  }
.Ltmp2:
0x3d: {  	_ = 	snop;
	(pc) =	sbr.rel @p1 .LBB2_6-.Ltmp2, $1  }
0x3e: {  	_ =	sdelay $0x3  }
0x3f: {  	p2 =	sne.s32 s24, $0x1  }
.Ltmp3:
0x40: {  	_ = 	snop;
	(pc) =	sbr.rel @!p2 .LBB2_5-.Ltmp3, $4  }
0x41: {  	s25 =	smul.u32 s24, s12  }
0x42: {  	s22 =	smov.u32 @p0 s23  }
0x43: {  	s23 =	sadd.s32 s25, s22  }
0x44: {  	p1 =	por $0x0, $0x0;
	s22 =	sadd.s32 $0xFFFFFFFF, s24;
	s24 =	sshrl.u32 s23, $0x3  }
0x45: {  	s25 =	sadd.s32 s6, s24  }
0x46: {  	[tilespmem:s15], [sflag:$0x2] =	stream.linear.gather [hbm4b:s25+s3], $0x80, $0x38;
	[tilespmem:$0xE510] =	vst v63  }
0x47: {  	_ =	swait.ge [sflag:s14], $0x80  }
0x48: {  	[sflag:s14] =	ssyncset.done $0x0  }
0x49: {  	s31 =	sadd.s32 s7, s24;
	[sflag:s14] =	ssyncadd.s32 $0xFFFFFF80  }
0x4a: {  	[tilespmem:s16], [sflag:$0x2] =	stream.linear.gather [hbm4b:s31+s3], $0x80, $0x38;
	[tilespmem:$0xE510] =	vst v63  }
0x4b: {  	_ =	swait.ge [sflag:s14], $0x80  }
0x4c: {  	[sflag:s14] =	ssyncset.done $0x0  }
0x4d: {  	[sflag:s14] =	ssyncadd.s32 $0xFFFFFF80  }
0x4e: {  	[tilespmem:s18], [sflag:$0x1] =	stream.indirect.gather [hbm4b:s5+s17], $0x80, s15, s17, $0xb8;
	[tilespmem:$0xE510] =	vst v63  }
0x4f: {  	p2 =	sne.s32 s22, $0x1;
	_ =	swait.ge [sflag:s19], $0x4000  }
.Ltmp4:
0x50: {  	[sflag:s19] =	ssyncset.done $0x0;
	(pc) =	sbr.rel @!p2 .LBB2_5-.Ltmp4, $4  }
0x51: {  	[sflag:s19] =	ssyncadd.s32 $0xFFFFC000  }
0x52: {  	[spmem:s2] =	stream.indirect.scatter.add.f32 [tilespmem:s18], [sflag:$0x2], $0x80, s16, s17, $0xb8;
	[tilespmem:$0xE510] =	vst v63  }
0x53: {  	s22 =	sadd.s32 $0xFFFFFFFF, s22;
	s23 =	sadd.s32 $0x80, s23;
	_ =	swait.ge [sflag:s14], $0x4000  }
0x54: {  	p1 =	por $0x1, $0x1;
	s24 =	sshrl.u32 s23, $0x3;
	[sflag:s14] =	ssyncset.done $0x0  }
.LBB2_4:
0x55: {  	p2 =	sne.s32 s22, $0x1;
	s25 =	sadd.s32 s6, s24;
	[sflag:s14] =	ssyncadd.s32 $0xFFFFC000  }
0x56: {  	[tilespmem:s15], [sflag:$0x2] =	stream.linear.gather [hbm4b:s25+s3], $0x80, $0x38;
	[tilespmem:$0xE510] =	vst v63  }
0x57: {  	s22 =	sadd.s32 $0xFFFFFFFF, s22;
	_ =	swait.ge [sflag:s14], $0x80  }
0x58: {  	[sflag:s14] =	ssyncset.done $0x0  }
0x59: {  	s24 =	sadd.s32 s7, s24;
	[sflag:s14] =	ssyncadd.s32 $0xFFFFFF80  }
0x5a: {  	[tilespmem:s16], [sflag:$0x2] =	stream.linear.gather [hbm4b:s24+s3], $0x80, $0x38;
	[tilespmem:$0xE510] =	vst v63  }
0x5b: {  	_ =	swait.ge [sflag:s14], $0x80  }
0x5c: {  	[sflag:s14] =	ssyncset.done $0x0  }
0x5d: {  	[sflag:s14] =	ssyncadd.s32 $0xFFFFFF80  }
0x5e: {  	[tilespmem:s18], [sflag:$0x1] =	stream.indirect.gather [hbm4b:s5+s17], $0x80, s15, s17, $0xb8;
	[tilespmem:$0xE510] =	vst v63  }
0x5f: {  	_ =	swait.ge [sflag:s19], $0x4000  }
.Ltmp5:
0x60: {  	[sflag:s19] =	ssyncset.done $0x0;
	(pc) =	sbr.rel @p2 .LBB2_4-.Ltmp5, $4  }
0x61: {  	[sflag:s19] =	ssyncadd.s32 $0xFFFFC000  }
0x62: {  	[spmem:s2] =	stream.indirect.scatter.add.f32 [tilespmem:s18], [sflag:$0x2], $0x80, s16, s17, $0xb8;
	[tilespmem:$0xE510] =	vst v63  }
0x63: {  	s23 =	sadd.s32 $0x80, s23;
	_ =	swait.ge [sflag:s14], $0x4000  }
0x64: {  	s24 =	sshrl.u32 s23, $0x3;
	[sflag:s14] =	ssyncset.done $0x0  }
.Ltmp6:
0x65: {  	_ = 	snop;
	(pc) =	sbr.rel .LBB2_5-.Ltmp6, $1  }
0x66: {  	_ =	sdelay $0x3  }
.LBB2_7:
0x67: {  	_ =	sfence.sel $0x180000  }
0x68: {  	[bflag:$0x0] =	sbarrier.arrive $0xFFFF  }
0x69: {  	p0 =	sne.s32 s4, $0x0;
	_ =	strace $0x9000004D  }
0x6a: {  	s0 =	sadd.s32 @!p0 $0x100000, s0;
	[bflag:$0x2] =	sbarrier.arrive $0xFFFF  }
0x6b: {  	[sflag:s0] =	ssyncadd.tile.s32 @!p0 $0x1;
	_ =	shalt  }
.Lfunc_end2:
_tile_overlayer_lowered:
.L_overlay_start_2:
0x6c: {  	(tag) =	ssettag $0x2  }
0x6d: {  	s0 =	rddreg [dreg:$0x0];
	s2 =	stileid.u32  }
0x6e: {  	s1 =	rddreg [dreg:$0x1];
	p0 =	sne.s32 s2, $0x0  }
0x6f: {  	s3 =	rddreg [dreg:$0x2];
	[bflag:$0x3] =	sbarrier.arrive $0xFFFF;
	s2 =	simm.s32 @!p0 $0x1C02  }
0x70: {  	[timem:s3], [sflag:s2] =	dma.local @!p0 [hbm:s0], s1  }
0x71: {  	s0 =	simm.s32 @!p0 $0x2  }
0x72: {  	_ =	swait.ge @!p0 [sflag:s0], s1  }
0x73: {  	s1 =	ssub.s32 @!p0 $0x0, s1;
	[sflag:s0] =	ssyncset.done @!p0 $0x0  }
0x74: {  	[sflag:s0] =	ssyncadd.s32 @!p0 s1  }
0x75: {  	[bflag:$0x3] =	sbarrier.arrive $0xFFFF  }
0x76: {  	_ =	shalt  }

// kernel: kernel.29.cloned.1.call-start
scs
__scs_entry_jumppad:
0x0: {  	(pc) =	sbr.rel $0x88, $3  }
0x1: {  	(tag) =	ssettag $0x0;
	lr =	simm.s32 $0x1  }
0x2: {  	[smem:$0x3F94] =	sst lr;
	_ =	strace $0xD0000000  }
0x3: {  	_ = 	snop  }
0x4: {  	_ = 	snop  }
0x5: {  	_ = 	snop  }
0x6: {  	_ = 	snop  }
0x7: {  	_ = 	snop  }
__scs_overlays_trampoline_lowered:
0x8: {  	[smem:$0x3FA3] =	sst s0  }
0x9: {  	[smem:$0x3FA4] =	sst s1  }
0xa: {  	[smem:$0x3FA5] =	sst s2  }
0xb: {  	[smem:$0x3FA6] =	sst s3  }
0xc: {  	[smem:$0x3FA7] =	sst s4  }
0xd: {  	[smem:$0x3FA8] =	sst s5  }
0xe: {  	[smem:$0x3FA9] =	sst s6  }
0xf: {  	[smem:$0x3FAA] =	sst s7  }
0x10: {  	[smem:$0x3FAB] =	sst s8  }
0x11: {  	[smem:$0x3FAC] =	sst s9;
	s0 =	simm.s32 @!p0 $0x0  }
0x12: {  	s1 =	sld [smem:$0x3F92];
	s0 =	simm.s32 @p0 $0x1  }
0x13: {  	[smem:$0x3FAD] =	sst s0;
	s0 =	simm.s32 @!p1 $0x0  }
0x14: {  	s2 =	sld [smem:$0x3F91];
	s0 =	simm.s32 @p1 $0x1  }
0x15: {  	[smem:$0x3FAE] =	sst s0;
	s0 =	simm.s32 @!p2 $0x0  }
0x16: {  	s3 =	sld [smem:$0x3FDB];
	s0 =	simm.s32 @p2 $0x1  }
0x17: {  	s4 =	simm.s32 $0x1BF5;
	[smem:$0x3FB0] =	sst s0  }
0x18: {  	s0 =	sld [smem:$0x3F93];
	_ =	swait.ge [sflag:s4], $0x0  }
0x19: {  	s7 =	sld [smem:$0x3F94]  }
0x1a: {  	s8 =	sadd.s32 $0xFFFFE003, lr  }
0x1b: {  	s9 =	sadd.s32 $0xFFFFFEF7, lr;
	s5 =	simm.s32 $0xFFFFFFFF;
	p2 =	slt.u32 s8, $0xFFFFF086  }
0x1c: {  	p1 =	slt.u32 s9, $0xF7A;
	s5 =	simm.s32 @!p2 $0x0  }
0x1d: {  	s5 =	simm.s32 @p1 $0x1;
	p0 =	seq.s32 s7, s2  }
0x1e: {  	s7 =	smul.u32 @!p0 $0xF7A, s2;
	p2 =	seq.s32 @!p0 s5, $0x0  }
0x1f: {  	s9 =	smul.u32 $0xF7A, s1;
	s8 =	simm.s32 @!p0 $0x1BF5;
	p2 =	por !p2, p0  }
0x20: {  	[sflag:s8] =	ssyncset.s32 @!p0 $0xFFFFF086;
	s6 =	sadd.s32 @!p0 s3, s7;
	s7 =	simm.s32 @!p0 $0x108  }
0x21: {  	s3 =	sadd.s32 s3, s9;
	s6 =	sadd.s32 @!p0 $0x88, s6;
	s7 =	simm.s32 @p2 $0x1082  }
0x22: {  	[simem:s7], [sflag:s8] =	dma.local @!p0 [hbm:s6], $0xF7A  }
0x23: {  	s9 =	sor.u32 $0xD0000000, s2;
	s6 =	simm.s32 $0x108;
	_ =	swait.ge @!p0 [sflag:s8], $0x0  }
0x24: {  	s3 =	sadd.s32 $0x88, s3;
	s6 =	simm.s32 @!p1 $0x1082;
	[sflag:s4] =	ssyncset.s32 $0xFFFFF086  }
0x25: {  	[simem:s6], [sflag:s4] =	dma.local [hbm:s3], $0xF7A  }
0x26: {  	[smem:$0x3F94] =	sst s1;
	(tag) =	ssettag s2;
	_ =	strace s9  }
0x27: {  	s1 =	sld [smem:$0x3FA4]  }
0x28: {  	s2 =	sld [smem:$0x3FA5]  }
0x29: {  	s4 =	sld [smem:$0x3FA7]  }
0x2a: {  	p0 =	seq.s32 s5, $0x0;
	s5 =	sld [smem:$0x3FA8]  }
0x2b: {  	s6 =	sld [smem:$0x3FA9]  }
0x2c: {  	s7 =	sld [smem:$0x3FAA]  }
0x2d: {  	s3 =	simm.s32 $0x108;
	s8 =	sld [smem:$0x3FAB]  }
0x2e: {  	s3 =	simm.s32 @!p0 $0x1082;
	s9 =	sld [smem:$0x3FAC]  }
0x2f: {  	lr =	sadd.s32 s0, s3;
	s0 =	sld [smem:$0x3FA3]  }
0x30: {  	s3 =	sld [smem:$0x3FA6]  }
0x31: {  	[smem:$0x3FAF] =	sst s10  }
0x32: {  	s10 =	sld [smem:$0x3FAD];
	_ =	sdelay $0x3  }
0x33: {  	p0 =	seq.s32 s10, $0x1;
	s10 =	sld [smem:$0x3FAF];
	_ =	sdelay $0x3  }
0x34: {  	[smem:$0x3FAF] =	sst s10  }
0x35: {  	s10 =	sld [smem:$0x3FAE];
	_ =	sdelay $0x3  }
0x36: {  	p1 =	seq.s32 s10, $0x1;
	s10 =	sld [smem:$0x3FAF];
	_ =	sdelay $0x3  }
0x37: {  	[smem:$0x3FAF] =	sst s10  }
0x38: {  	s10 =	sld [smem:$0x3FB0]  }
0x39: {  	_ = 	snop;
	(pc) =	sbr.ind lr, $3  }
0x3a: {  	_ = 	snop  }
0x3b: {  	_ = 	snop  }
0x3c: {  	p2 =	seq.s32 s10, $0x1;
	s10 =	sld [smem:$0x3FAF]  }
0x3d: {  	_ =	shalt  }
0x3e: {  	_ =	shalt  }
0x3f: {  	_ =	shalt  }
0x40: {  	_ =	shalt  }
0x41: {  	_ =	shalt  }
0x42: {  	_ =	shalt  }
0x43: {  	_ =	shalt  }
0x44: {  	_ =	shalt  }
0x45: {  	_ =	shalt  }
0x46: {  	_ =	shalt  }
0x47: {  	_ =	shalt  }
0x48: {  	_ =	shalt  }
0x49: {  	_ =	shalt  }
0x4a: {  	_ =	shalt  }
0x4b: {  	_ =	shalt  }
0x4c: {  	_ =	shalt  }
0x4d: {  	_ =	shalt  }
0x4e: {  	_ =	shalt  }
0x4f: {  	_ =	shalt  }
0x50: {  	_ =	shalt  }
0x51: {  	_ =	shalt  }
0x52: {  	_ =	shalt  }
0x53: {  	_ =	shalt  }
0x54: {  	_ =	shalt  }
0x55: {  	_ =	shalt  }
0x56: {  	_ =	shalt  }
0x57: {  	_ =	shalt  }
0x58: {  	_ =	shalt  }
0x59: {  	_ =	shalt  }
0x5a: {  	_ =	shalt  }
0x5b: {  	_ =	shalt  }
0x5c: {  	_ =	shalt  }
0x5d: {  	_ =	shalt  }
0x5e: {  	_ =	shalt  }
0x5f: {  	_ =	shalt  }
0x60: {  	_ =	shalt  }
0x61: {  	_ =	shalt  }
0x62: {  	_ =	shalt  }
0x63: {  	_ =	shalt  }
0x64: {  	_ =	shalt  }
0x65: {  	_ =	shalt  }
0x66: {  	_ =	shalt  }
0x67: {  	_ =	shalt  }
0x68: {  	_ =	shalt  }
0x69: {  	_ =	shalt  }
0x6a: {  	_ =	shalt  }
0x6b: {  	_ =	shalt  }
0x6c: {  	_ =	shalt  }
0x6d: {  	_ =	shalt  }
0x6e: {  	_ =	shalt  }
0x6f: {  	_ =	shalt  }
0x70: {  	_ =	shalt  }
0x71: {  	_ =	shalt  }
0x72: {  	_ =	shalt  }
0x73: {  	_ =	shalt  }
0x74: {  	_ =	shalt  }
0x75: {  	_ =	shalt  }
0x76: {  	_ =	shalt  }
0x77: {  	_ =	shalt  }
0x78: {  	_ =	shalt  }
0x79: {  	_ =	shalt  }
0x7a: {  	_ =	shalt  }
0x7b: {  	_ =	shalt  }
0x7c: {  	_ =	shalt  }
0x7d: {  	_ =	shalt  }
0x7e: {  	_ =	shalt  }
0x7f: {  	_ =	shalt  }
0x80: {  	_ =	shalt  }
0x81: {  	_ =	shalt  }
0x82: {  	_ =	shalt  }
0x83: {  	_ =	shalt  }
0x84: {  	_ =	shalt  }
0x85: {  	_ =	shalt  }
0x86: {  	_ =	shalt  }
0x87: {  	_ =	shalt  }
.Lfunc_end0:
.L_simem_size_0:
called_computation.3_lowered:
.L_overlay_start_0:
0x88: {  	s2 =	sld [smem:$0x3FD9]  }
0x89: {  	s3 =	sld [smem:$0x3FFE];
	_ =	sdelay $0x1  }
0x8a: {  	s1 =	srdreg.scid  }
0x8b: {  	s0 =	sand.u32 $0x1, s1  }
0x8c: {  	s16 =	sshll.u32 s0, $0xA;
	s2 =	sadd.s32 s3, s2  }
0x8d: {  	s2 =	sadd.s32 s2, s16  }
0x8e: {  	[smem:$0x3FBB] =	sst s2  }
0x8f: {  	_ = 	snop  }
0x90: {  	(tm) =	ssettm $0x1  }
0x91: {  	s17 =	sld [smem:$0x3FFB];
	_ =	sdelay $0x3  }
0x92: {  	_ =	strace s17  }
0x93: {  	s2 =	sld [smem:$0x3FFC];
	_ =	sdelay $0x3  }
0x94: {  	_ =	strace s2  }
0x95: {  	s2 =	sld [smem:$0x3FFD];
	_ =	sdelay $0x3  }
0x96: {  	_ =	strace s2  }
0x97: {  	_ =	strace $0x8FFFFFFF  }
0x98: {  	s18 =	sld [smem:$0x3FDB];
	_ =	sdelay $0x1  }
0x99: {  	s19 =	simm.s32 $_scs_section_size  }
0x9a: {  	s4 =	simm.s32 $_size__tile_overlayer_lowered;
	s5 =	simm.s32 $_tile_overlayer_lowered  }
0x9b: {  	s22 =	simm.s32 $0x1BFF;
	s21 =	sshll.u32 s5, $0x1;
	s2 =	sadd.s32 s19, s18  }
0x9c: {  	s6 =	simm.s32 $0x0;
	s20 =	sshll.u32 s4, $0x1;
	s4 =	sadd.s32 s21, s2  }
0x9d: {  	[timem:s6], [sflag:s22] =	dma.local [hbm:s4], s20  }
0x9e: {  	_ =	swait.ge [sflag:s22], s20  }
0x9f: {  	s3 =	ssub.s32 $0x0, s20;
	[sflag:s22] =	ssyncset.done $0x0  }
0xa0: {  	[sflag:s22] =	ssyncadd.s32 s3;
	_ =	sdelay $0x1  }
0xa1: {  	s23 =	simm.s32 $0x1B8B  }
0xa2: {  	_ =	swait.ge [sflag:s23], $0x1  }
0xa3: {  	[sflag:s23] =	ssyncset.done $0x0  }
0xa4: {  	s25 =	simm.s32 $0x1B8E;
	s24 =	sld [smem:$0x3FFE];
	[sflag:s23] =	ssyncadd.s32 $0xFFFFFFFF  }
0xa5: {  	s26 =	simm.s32 $execute0_lowered;
	[smem:$0x3FD2] =	sst s25  }
0xa6: {  	s4 =	sshll.u32 s26, $0x1;
	_ =	strace $0x8000004F;
	[dreg:$0x1] =	wrdreg $0xFFFFFFFF  }
0xa7: {  	s28 =	simm.s32 $_size_execute0_lowered;
	s2 =	sadd.s32 s2, s4;
	[dreg:$0x0] =	wrdreg $0x0  }
0xa8: {  	s4 =	sshll.u32 s28, $0x1;
	[dreg:$0x2] =	wrdreg s2  }
0xa9: {  	[dreg:$0x3] =	wrdreg s4  }
0xaa: {  	[dreg:$0x4] =	wrdreg $0xC0  }
0xab: {  	_ =	task [dreg:s6], $0x5FFFF  }
0xac: {  	[dreg:$0x1] =	wrdreg $0xFFFFFFFF  }
0xad: {  	[dreg:$0x0] =	wrdreg $0x60  }
0xae: {  	[dreg:$0x2] =	wrdreg s24  }
0xaf: {  	[dreg:$0x3] =	wrdreg $0x41100  }
0xb0: {  	[dreg:$0x4] =	wrdreg $0xF5900  }
0xb1: {  	[dreg:$0x5] =	wrdreg $0x9  }
0xb2: {  	_ =	task.clear_ibuf [dreg:s6], $0x6FFFF;
	_ =	strace $0x9000004F  }
0xb3: {  	s29 =	simm.s32 $0x9;
	_ =	strace $0x80000051  }
0xb4: {  	_ =	swait.ge [sflag:s29], $0x1  }
0xb5: {  	[sflag:s29] =	ssyncadd.s32 $0xFFFFFFFF  }
0xb6: {  	_ =	strace $0x90000051  }
0xb7: {  	_ =	sfence  }
0xb8: {  	s30 =	sld [smem:$0x0];
	_ =	sdelay $0x2  }
0xb9: {  	s31 =	sshll.u32 s1, $0xD;
	s1 =	sshrl.u32 s1, $0x2  }
0xba: {  	s3 =	sand.u32 $0x4000, s31;
	s1 =	sadd.s32 s1, s30  }
0xbb: {  	s0 =	sor.u32 s3, s0;
	s1 =	sshll.u32 s1, $0x11  }
0xbc: {  	s0 =	sor.u32 s1, s0  }
0xbd: {  	s0 =	sadd.s32 $0x8F2B, s0  }
0xbe: {  	[sflag:s0] =	ssyncadd.remote.s32 $0x1  }
0xbf: {  	_ =	sfence.sel $0xFFFF  }
0xc0: {  	[dreg:$0x0] =	wrdreg $0xFFFFFFFF;
	(pc) =	sbr.abs _section_cstart, $3  }
0xc1: {  	[dreg:$0x1] =	wrdreg $0xFFFFFFFF  }
0xc2: {  	_ =	task.clear_ibuf [dreg:s6], $0x2FFFF;
	_ =	strace $0x9FFFFFFF  }
0xc3: {  	(tm) =	ssettm $0x7FFFFFFF  }
tec
execute0_lowered:
.L_overlay_start_1:
0x0: {  	(tag) =	ssettag $0x1  }
0x1: {  	s12 =	rddreg [dreg:$0x0]  }
0x2: {  	s2 =	rddreg [dreg:$0x1]  }
0x3: {  	s4 =	rddreg [dreg:$0x2];
	s5 =	simm.s32 $0x0  }
0x4: {  	s0 =	srdreg.scid;
	s18 =	stileid.u32;
	s28 =	simm.s32 $0x90  }
0x5: {  	s29 =	simm.s32 $0x80;
	s30 =	simm.s32 $0x110;
	s31 =	simm.s32 $0x1  }
0x6: {  	[smem:$0x7FF] =	sst s5;
	s0 =	sand.u32 $0x1, s0;
	s1 =	smul.u32 $0x140, s18  }
0x7: {  	s6 =	sadd.s32 $0x1A00, s12;
	s7 =	sadd.s32 $0x3D400, s12;
	s8 =	sadd.s32 $0x47A00, s12  }
0x8: {  	s9 =	sadd.s32 $0x32E00, s12;
	s10 =	sadd.s32 $0x52200, s12;
	s11 =	smul.u32 $0x29000, s18  }
0x9: {  	s20 =	sadd.s32 $0x1600, s12;
	s21 =	sadd.s32 $0x52600, s12;
	s15 =	smul.u32 $0x5200, s18  }
0xa: {  	s13 =	sadd.s32 $0x52400, s12;
	s24 =	sshll.u32 s18, $0x6;
	s16 =	smul.u32 $0x28000, s18  }
0xb: {  	s17 =	smul.u32 $0x5000, s18;
	_ =	strace $0x80000050;
	[dreg:$0x4] =	wrdreg s10  }
0xc: {  	s18 =	sshll.u32 s18, $0x7;
	s3 =	smul.u32 $0x1400, s0;
	[dreg:$0x5] =	wrdreg s20  }
0xd: {  	[dreg:$0x6] =	wrdreg s21;
	s23 =	ssub.s32 $0x2, s0;
	p0 =	seq.s32 s0, $0x0  }
0xe: {  	s20 =	simm.s32 $0x2;
	s0 =	simm.s32 $0xE510;
	s14 =	sshrl.u32 s23, $0x1  }
0xf: {  	s11 =	sshrl.u32 s11, $0x2;
	s15 =	sshrl.u32 s15, $0x2;
	s25 =	sshrl.u32 s16, $0x2  }
0x10: {  	s26 =	sshrl.u32 s17, $0x2;
	s1 =	sadd.s32 s1, s3;
	s10 =	ssub.s32 s23, s14  }
0x11: {  	s11 =	sadd.s32 s11, s2;
	s14 =	sor.u32 $0x1C02, s24;
	s21 =	sadd.s32 s15, s4  }
0x12: {  	s23 =	simm.s32 $0xED90;
	s22 =	sshll.u32 s1, $0x4;
	s1 =	sshll.u32 s1, $0x1  }
.Ltmp0:
0x13: {  	s17 =	smax.u32 s10, $0x1;
	s19 =	sshrl.u32 s11, $0x3;
	(pc) =	sbr.rel .LBB2_1-.Ltmp0, $4  }
0x14: {  	s21 =	sshrl.u32 s21, $0x3;
	s3 =	sadd.s32 s22, s12;
	s1 =	sadd.s32 s1, s12  }
0x15: {  	s22 =	simm.s32 $0xE590;
	s15 =	sadd.s32 $0x52C00, s3;
	s3 =	sadd.s32 s25, s2  }
0x16: {  	s16 =	sadd.s32 $0x28C00, s1;
	s1 =	sadd.s32 s26, s4;
	s26 =	simm.s32 $0x10  }
0x17: {  	s24 =	sshrl.u32 s3, $0x3;
	s25 =	sshrl.u32 s1, $0x3;
	s3 =	simm.s32 $0x0  }
.LBB2_10:
0x18: {  	s1 =	sadd.s32 s9, s11;
	[sflag:s20] =	ssyncadd.s32 @p1 $0xFFFFF800  }
0x19: {  	[tilespmem:s0], [sflag:$0x2] =	stream.linear.gather [hbm4b:s1+s5], $0x80, $0x38;
	[tilespmem:$0x10A10] =	vst v63  }
0x1a: {  	_ =	swait.ge [sflag:s20], $0x80  }
0x1b: {  	[sflag:s20] =	ssyncset.done $0x0  }
0x1c: {  	[sflag:s20] =	ssyncadd.s32 $0xFFFFFF80  }
0x1d: {  	[spmem:s4] =	stream.indirect.scatter.add.f32 [tilespmem:s23], [sflag:$0x2], $0x10, s0, s29, $0xb8;
	[tilespmem:$0x10A10] =	vst v63  }
0x1e: {  	_ =	swait.ge [sflag:s20], $0x800  }
0x1f: {  	[sflag:s20] =	ssyncset.done $0x0  }
0x20: {  	[sflag:s20] =	ssyncadd.s32 $0xFFFFF800  }
.LBB2_11:
0x21: {  	[bflag:$0x0] =	sbarrier.arrive $0xFFFF  }
0x22: {  	[hbm:s15], [sflag:s14] =	dma.local [spmem:s24], $0x1400  }
0x23: {  	s3 =	sadd.s32 $0x1, s3;
	_ =	swait.ge [sflag:s20], $0x1400  }
0x24: {  	p1 =	sne.s32 s3, s17;
	[sflag:s20] =	ssyncset.done $0x0  }
.Ltmp1:
0x25: {  	[sflag:s20] =	ssyncadd.s32 $0xFFFFEC00;
	(pc) =	sbr.rel @!p1 .LBB2_12-.Ltmp1, $4  }
0x26: {  	[hbm:s16], [sflag:s14] =	dma.local [spmem:s25], $0x280  }
0x27: {  	_ =	swait.ge [sflag:s20], $0x280  }
0x28: {  	[sflag:s20] =	ssyncset.done $0x0  }
0x29: {  	[sflag:s20] =	ssyncadd.s32 $0xFFFFFD80  }
.LBB2_1:
0x2a: {  	s1 =	rddreg [dreg:$0x0]  }
0x2b: {  	[spmem:s19], [sflag:s14] =	dma.local [hbm:s1], $0x1480  }
0x2c: {  	_ =	swait.ge [sflag:s20], $0x1480  }
0x2d: {  	[sflag:s20] =	ssyncset.done $0x0  }
0x2e: {  	s10 =	rddreg [dreg:$0x5];
	[sflag:s20] =	ssyncadd.s32 $0xFFFFEB80  }
0x2f: {  	[spmem:s21], [sflag:s14] =	dma.local [hbm:s10], $0x290  }
0x30: {  	_ =	swait.ge [sflag:s20], $0x290  }
0x31: {  	[sflag:s20] =	ssyncset.done $0x0  }
0x32: {  	s11 =	rddreg [dreg:$0x6];
	[sflag:s20] =	ssyncadd.s32 $0xFFFFFD70  }
0x33: {  	[tilespmem:s22], [sflag:$0x2] =	stream.linear.gather [hbm4b:s11+s5], $0x800, $0x38;
	[tilespmem:$0x10A10] =	vst v63  }
0x34: {  	_ =	swait.ge [sflag:s20], $0x800  }
0x35: {  	[sflag:s20] =	ssyncset.done $0x0  }
0x36: {  	[sflag:s20] =	ssyncadd.s32 $0xFFFFF800  }
0x37: {  	[tilespmem:s23], [sflag:$0x2] =	stream.linear.gather [hbm4b:s13+s5], $0x800, $0x38;
	[tilespmem:$0x10A10] =	vst v63  }
0x38: {  	_ =	swait.ge [sflag:s20], $0x800  }
0x39: {  	[sflag:s20] =	ssyncset.done $0x0  }
0x3a: {  	s12 =	rddreg [dreg:$0x4];
	[sflag:s20] =	ssyncadd.s32 $0xFFFFF800  }
0x3b: {  	[tilespmem:s5], [sflag:$0x2] =	stream.linear.gather [hbm4b:s12+s5], $0x10, $0x38;
	[tilespmem:$0x10A10] =	vst v63  }
0x3c: {  	_ =	swait.ge [sflag:s20], $0x10  }
0x3d: {  	[sflag:s20] =	ssyncset.done $0x0  }
0x3e: {  	[sflag:s20] =	ssyncadd.s32 $0xFFFFFFF0  }
0x3f: {  	[bflag:$0x0] =	sbarrier.arrive $0xFFFF  }
0x40: {  	v0 =	vld [tilespmem:$0x0];
	_ =	sdelay $0x4  }
0x41: {  	(v2sf) =	vpush v0, $0x0  }
0x42: {  	(v2sf) =	vpush v0, $0x2  }
0x43: {  	(v2sf) =	vpush v0, $0x1  }
0x44: {  	(v2sf) =	vpush v0, $0x3;
	_ =	sdelay $0xb  }
0x45: {  	s10 =	spop (v2sf)  }
0x46: {  	s1 =	spop (v2sf)  }
0x47: {  	s12 =	spop (v2sf)  }
0x48: {  	s11 =	spop (v2sf)  }
0x49: {  	s11 =	smov.u32 @p0 s12  }
0x4a: {  	p1 =	slt.s32 s11, $0x1  }
.Ltmp2:
0x4b: {  	_ = 	snop;
	(pc) =	sbr.rel @p1 .LBB2_6-.Ltmp2, $1  }
0x4c: {  	_ =	sdelay $0x3  }
0x4d: {  	p2 =	sne.s32 s11, $0x1  }
.Ltmp3:
0x4e: {  	_ = 	snop;
	(pc) =	sbr.rel @!p2 .LBB2_5-.Ltmp3, $4  }
0x4f: {  	s12 =	smul.u32 s11, s18  }
0x50: {  	s1 =	smov.u32 @p0 s10  }
0x51: {  	s10 =	sadd.s32 s12, s1  }
0x52: {  	p1 =	por $0x0, $0x0;
	s1 =	sadd.s32 $0xFFFFFFFF, s11;
	s11 =	sshrl.u32 s10, $0x3  }
0x53: {  	s12 =	sadd.s32 s7, s11  }
0x54: {  	[tilespmem:s26], [sflag:$0x2] =	stream.linear.gather [hbm4b:s12+s5], $0x80, $0x38;
	[tilespmem:$0x10A10] =	vst v63  }
0x55: {  	_ =	swait.ge [sflag:s20], $0x80  }
0x56: {  	[sflag:s20] =	ssyncset.done $0x0  }
0x57: {  	s12 =	sadd.s32 s8, s11;
	[sflag:s20] =	ssyncadd.s32 $0xFFFFFF80  }
0x58: {  	[tilespmem:s28], [sflag:$0x2] =	stream.linear.gather [hbm4b:s12+s5], $0x80, $0x38;
	[tilespmem:$0x10A10] =	vst v63  }
0x59: {  	_ =	swait.ge [sflag:s20], $0x80  }
0x5a: {  	[sflag:s20] =	ssyncset.done $0x0  }
0x5b: {  	[sflag:s20] =	ssyncadd.s32 $0xFFFFFF80  }
0x5c: {  	[tilespmem:s30], [sflag:$0x1] =	stream.indirect.gather [hbm4b:s6+s29], $0x80, s26, s29, $0xb8;
	[tilespmem:$0x10A10] =	vst v63  }
0x5d: {  	_ =	swait.ge [sflag:s31], $0x4000  }
0x5e: {  	[sflag:s31] =	ssyncset.done $0x0  }
0x5f: {  	[sflag:s31] =	ssyncadd.s32 $0xFFFFC000  }
0x60: {  	[spmem:s2] =	stream.indirect.scatter.add.f32 [tilespmem:s30], [sflag:$0x2], $0x80, s28, s29, $0xb8;
	[tilespmem:$0x10A10] =	vst v63  }
0x61: {  	p2 =	sne.s32 s1, $0x1;
	_ =	swait.ge [sflag:s20], $0x4000  }
.Ltmp4:
0x62: {  	[sflag:s20] =	ssyncset.done $0x0;
	(pc) =	sbr.rel @!p2 .LBB2_5-.Ltmp4, $4  }
0x63: {  	[sflag:s20] =	ssyncadd.s32 $0xFFFFC000  }
0x64: {  	[spmem:s4] =	stream.indirect.scatter.add.f32 [tilespmem:s22], [sflag:$0x2], $0x10, s28, s29, $0xb8;
	[tilespmem:$0x10A10] =	vst v63  }
0x65: {  	s1 =	sadd.s32 $0xFFFFFFFF, s1;
	s10 =	sadd.s32 $0x80, s10;
	_ =	swait.ge [sflag:s20], $0x800  }
0x66: {  	p1 =	por $0x1, $0x1;
	s11 =	sshrl.u32 s10, $0x3;
	[sflag:s20] =	ssyncset.done $0x0  }
.LBB2_4:
0x67: {  	p2 =	sne.s32 s1, $0x1;
	s12 =	sadd.s32 s7, s11;
	[sflag:s20] =	ssyncadd.s32 $0xFFFFF800  }
0x68: {  	[tilespmem:s26], [sflag:$0x2] =	stream.linear.gather [hbm4b:s12+s5], $0x80, $0x38;
	[tilespmem:$0x10A10] =	vst v63  }
0x69: {  	s1 =	sadd.s32 $0xFFFFFFFF, s1;
	_ =	swait.ge [sflag:s20], $0x80  }
0x6a: {  	[sflag:s20] =	ssyncset.done $0x0  }
0x6b: {  	s11 =	sadd.s32 s8, s11;
	[sflag:s20] =	ssyncadd.s32 $0xFFFFFF80  }
0x6c: {  	[tilespmem:s28], [sflag:$0x2] =	stream.linear.gather [hbm4b:s11+s5], $0x80, $0x38;
	[tilespmem:$0x10A10] =	vst v63  }
0x6d: {  	_ =	swait.ge [sflag:s20], $0x80  }
0x6e: {  	[sflag:s20] =	ssyncset.done $0x0  }
0x6f: {  	[sflag:s20] =	ssyncadd.s32 $0xFFFFFF80  }
0x70: {  	[tilespmem:s30], [sflag:$0x1] =	stream.indirect.gather [hbm4b:s6+s29], $0x80, s26, s29, $0xb8;
	[tilespmem:$0x10A10] =	vst v63  }
0x71: {  	_ =	swait.ge [sflag:s31], $0x4000  }
0x72: {  	[sflag:s31] =	ssyncset.done $0x0  }
0x73: {  	[sflag:s31] =	ssyncadd.s32 $0xFFFFC000  }
0x74: {  	[spmem:s2] =	stream.indirect.scatter.add.f32 [tilespmem:s30], [sflag:$0x2], $0x80, s28, s29, $0xb8;
	[tilespmem:$0x10A10] =	vst v63  }
0x75: {  	_ =	swait.ge [sflag:s20], $0x4000  }
.Ltmp5:
0x76: {  	[sflag:s20] =	ssyncset.done $0x0;
	(pc) =	sbr.rel @p2 .LBB2_4-.Ltmp5, $4  }
0x77: {  	[sflag:s20] =	ssyncadd.s32 $0xFFFFC000  }
0x78: {  	[spmem:s4] =	stream.indirect.scatter.add.f32 [tilespmem:s22], [sflag:$0x2], $0x10, s28, s29, $0xb8;
	[tilespmem:$0x10A10] =	vst v63  }
0x79: {  	s10 =	sadd.s32 $0x80, s10;
	_ =	swait.ge [sflag:s20], $0x800  }
0x7a: {  	s11 =	sshrl.u32 s10, $0x3;
	[sflag:s20] =	ssyncset.done $0x0  }
.LBB2_5:
0x7b: {  	s1 =	sadd.s32 s7, s11;
	[sflag:s20] =	ssyncadd.s32 @p1 $0xFFFFF800  }
0x7c: {  	[tilespmem:s26], [sflag:$0x2] =	stream.linear.gather [hbm4b:s1+s5], $0x80, $0x38;
	[tilespmem:$0x10A10] =	vst v63  }
0x7d: {  	_ =	swait.ge [sflag:s20], $0x80  }
0x7e: {  	[sflag:s20] =	ssyncset.done $0x0  }
0x7f: {  	s12 =	sadd.s32 s8, s11;
	[sflag:s20] =	ssyncadd.s32 $0xFFFFFF80  }
0x80: {  	[tilespmem:s28], [sflag:$0x2] =	stream.linear.gather [hbm4b:s12+s5], $0x80, $0x38;
	[tilespmem:$0x10A10] =	vst v63  }
0x81: {  	_ =	swait.ge [sflag:s20], $0x80  }
0x82: {  	[sflag:s20] =	ssyncset.done $0x0  }
0x83: {  	[sflag:s20] =	ssyncadd.s32 $0xFFFFFF80  }
0x84: {  	[tilespmem:s30], [sflag:$0x1] =	stream.indirect.gather [hbm4b:s6+s29], $0x80, s26, s29, $0xb8;
	[tilespmem:$0x10A10] =	vst v63  }
0x85: {  	_ =	swait.ge [sflag:s31], $0x4000  }
0x86: {  	[sflag:s31] =	ssyncset.done $0x0  }
0x87: {  	[sflag:s31] =	ssyncadd.s32 $0xFFFFC000  }
0x88: {  	[spmem:s2] =	stream.indirect.scatter.add.f32 [tilespmem:s30], [sflag:$0x2], $0x80, s28, s29, $0xb8;
	[tilespmem:$0x10A10] =	vst v63  }
0x89: {  	_ =	swait.ge [sflag:s20], $0x4000  }
0x8a: {  	[sflag:s20] =	ssyncset.done $0x0  }
0x8b: {  	[sflag:s20] =	ssyncadd.s32 $0xFFFFC000  }
0x8c: {  	[spmem:s4] =	stream.indirect.scatter.add.f32 [tilespmem:s22], [sflag:$0x2], $0x10, s28, s29, $0xb8;
	[tilespmem:$0x10A10] =	vst v63  }
0x8d: {  	_ =	swait.ge [sflag:s20], $0x800  }
0x8e: {  	[sflag:s20] =	ssyncset.done $0x0  }
0x8f: {  	[sflag:s20] =	ssyncadd.s32 $0xFFFFF800  }
.LBB2_6:
0x90: {  	(v2sf) =	vpush v0, $0x4  }
0x91: {  	(v2sf) =	vpush v0, $0x6  }
0x92: {  	(v2sf) =	vpush v0, $0x5  }
0x93: {  	(v2sf) =	vpush v0, $0x7;
	_ =	sdelay $0xb  }
0x94: {  	s10 =	spop (v2sf)  }
0x95: {  	s1 =	spop (v2sf)  }
0x96: {  	s12 =	spop (v2sf)  }
0x97: {  	s11 =	spop (v2sf)  }
0x98: {  	s11 =	smov.u32 @p0 s12  }
0x99: {  	p1 =	slt.s32 s11, $0x1  }
.Ltmp6:
0x9a: {  	_ = 	snop;
	(pc) =	sbr.rel @p1 .LBB2_11-.Ltmp6, $1  }
0x9b: {  	_ =	sdelay $0x3  }
0x9c: {  	p2 =	sne.s32 s11, $0x1  }
.Ltmp7:
0x9d: {  	_ = 	snop;
	(pc) =	sbr.rel @!p2 .LBB2_10-.Ltmp7, $4  }
0x9e: {  	s12 =	smul.u32 s11, s18  }
0x9f: {  	s1 =	smov.u32 @p0 s10  }
0xa0: {  	s10 =	sadd.s32 s12, s1  }
0xa1: {  	p1 =	por $0x0, $0x0;
	s1 =	sadd.s32 $0xFFFFFFFF, s11;
	s11 =	sshrl.u32 s10, $0x3  }
0xa2: {  	s11 =	sadd.s32 s9, s11  }
0xa3: {  	[tilespmem:s0], [sflag:$0x2] =	stream.linear.gather [hbm4b:s11+s5], $0x80, $0x38;
	[tilespmem:$0x10A10] =	vst v63  }
0xa4: {  	p2 =	sne.s32 s1, $0x1;
	_ =	swait.ge [sflag:s20], $0x80  }
.Ltmp8:
0xa5: {  	[sflag:s20] =	ssyncset.done $0x0;
	(pc) =	sbr.rel @!p2 .LBB2_10-.Ltmp8, $4  }
0xa6: {  	[sflag:s20] =	ssyncadd.s32 $0xFFFFFF80  }
0xa7: {  	[spmem:s4] =	stream.indirect.scatter.add.f32 [tilespmem:s23], [sflag:$0x2], $0x10, s0, s29, $0xb8;
	[tilespmem:$0x10A10] =	vst v63  }
0xa8: {  	s1 =	sadd.s32 $0xFFFFFFFF, s1;
	s10 =	sadd.s32 $0x80, s10;
	_ =	swait.ge [sflag:s20], $0x800  }
0xa9: {  	p1 =	por $0x1, $0x1;
	s11 =	sshrl.u32 s10, $0x3;
	[sflag:s20] =	ssyncset.done $0x0  }
.LBB2_9:
0xaa: {  	p2 =	sne.s32 s1, $0x1;
	s11 =	sadd.s32 s9, s11;
	[sflag:s20] =	ssyncadd.s32 $0xFFFFF800  }
0xab: {  	[tilespmem:s0], [sflag:$0x2] =	stream.linear.gather [hbm4b:s11+s5], $0x80, $0x38;
	[tilespmem:$0x10A10] =	vst v63  }
0xac: {  	s1 =	sadd.s32 $0xFFFFFFFF, s1;
	_ =	swait.ge [sflag:s20], $0x80  }
.Ltmp9:
0xad: {  	[sflag:s20] =	ssyncset.done $0x0;
	(pc) =	sbr.rel @p2 .LBB2_9-.Ltmp9, $4  }
0xae: {  	[sflag:s20] =	ssyncadd.s32 $0xFFFFFF80  }
0xaf: {  	[spmem:s4] =	stream.indirect.scatter.add.f32 [tilespmem:s23], [sflag:$0x2], $0x10, s0, s29, $0xb8;
	[tilespmem:$0x10A10] =	vst v63  }
0xb0: {  	s10 =	sadd.s32 $0x80, s10;
	_ =	swait.ge [sflag:s20], $0x800  }
0xb1: {  	s11 =	sshrl.u32 s10, $0x3;
	[sflag:s20] =	ssyncset.done $0x0  }
.Ltmp10:
0xb2: {  	_ = 	snop;
	(pc) =	sbr.rel .LBB2_10-.Ltmp10, $1  }
0xb3: {  	_ =	sdelay $0x3  }
.LBB2_12:
0xb4: {  	_ =	sfence.sel $0x180000  }
0xb5: {  	[bflag:$0x0] =	sbarrier.arrive $0xFFFF  }
0xb6: {  	_ =	strace $0x90000050  }
0xb7: {  	s0 =	stileid.u32;
	[bflag:$0x2] =	sbarrier.arrive $0xFFFF  }
0xb8: {  	p0 =	sne.s32 s0, $0x0;
	s0 =	rddreg [dreg:$0x3]  }
0xb9: {  	s0 =	sadd.s32 @!p0 $0x100000, s0  }
0xba: {  	[sflag:s0] =	ssyncadd.tile.s32 @!p0 $0x1;
	_ =	shalt  }
.Lfunc_end2:
_tile_overlayer_lowered:
.L_overlay_start_2:
0xbb: {  	(tag) =	ssettag $0x2  }
0xbc: {  	s0 =	rddreg [dreg:$0x0];
	s2 =	stileid.u32  }
0xbd: {  	s1 =	rddreg [dreg:$0x1];
	p0 =	sne.s32 s2, $0x0  }
0xbe: {  	s3 =	rddreg [dreg:$0x2];
	[bflag:$0x3] =	sbarrier.arrive $0xFFFF;
	s2 =	simm.s32 @!p0 $0x1C02  }
0xbf: {  	[timem:s3], [sflag:s2] =	dma.local @!p0 [hbm:s0], s1  }
0xc0: {  	s0 =	simm.s32 @!p0 $0x2  }
0xc1: {  	_ =	swait.ge @!p0 [sflag:s0], s1  }
0xc2: {  	s1 =	ssub.s32 @!p0 $0x0, s1;
	[sflag:s0] =	ssyncset.done @!p0 $0x0  }
0xc3: {  	[sflag:s0] =	ssyncadd.s32 @!p0 s1  }
0xc4: {  	[bflag:$0x3] =	sbarrier.arrive $0xFFFF  }
0xc5: {  	_ =	shalt  }

// kernel: kernel.32.cloned.1.call-start
scs
__scs_entry_jumppad:
0x0: {  	(pc) =	sbr.rel $0x88, $3  }
0x1: {  	(tag) =	ssettag $0x0;
	lr =	simm.s32 $0x1  }
0x2: {  	[smem:$0x3F94] =	sst lr;
	_ =	strace $0xD0000000  }
0x3: {  	_ = 	snop  }
0x4: {  	_ = 	snop  }
0x5: {  	_ = 	snop  }
0x6: {  	_ = 	snop  }
0x7: {  	_ = 	snop  }
__scs_overlays_trampoline_lowered:
0x8: {  	[smem:$0x3FA3] =	sst s0  }
0x9: {  	[smem:$0x3FA4] =	sst s1  }
0xa: {  	[smem:$0x3FA5] =	sst s2  }
0xb: {  	[smem:$0x3FA6] =	sst s3  }
0xc: {  	[smem:$0x3FA7] =	sst s4  }
0xd: {  	[smem:$0x3FA8] =	sst s5  }
0xe: {  	[smem:$0x3FA9] =	sst s6  }
0xf: {  	[smem:$0x3FAA] =	sst s7  }
0x10: {  	[smem:$0x3FAB] =	sst s8  }
0x11: {  	[smem:$0x3FAC] =	sst s9;
	s0 =	simm.s32 @!p0 $0x0  }
0x12: {  	s1 =	sld [smem:$0x3F92];
	s0 =	simm.s32 @p0 $0x1  }
0x13: {  	[smem:$0x3FAD] =	sst s0;
	s0 =	simm.s32 @!p1 $0x0  }
0x14: {  	s2 =	sld [smem:$0x3F91];
	s0 =	simm.s32 @p1 $0x1  }
0x15: {  	[smem:$0x3FAE] =	sst s0;
	s0 =	simm.s32 @!p2 $0x0  }
0x16: {  	s3 =	sld [smem:$0x3FDB];
	s0 =	simm.s32 @p2 $0x1  }
0x17: {  	s4 =	simm.s32 $0x1BF5;
	[smem:$0x3FB0] =	sst s0  }
0x18: {  	s0 =	sld [smem:$0x3F93];
	_ =	swait.ge [sflag:s4], $0x0  }
0x19: {  	s7 =	sld [smem:$0x3F94]  }
0x1a: {  	s8 =	sadd.s32 $0xFFFFE003, lr  }
0x1b: {  	s9 =	sadd.s32 $0xFFFFFEF7, lr;
	s5 =	simm.s32 $0xFFFFFFFF;
	p2 =	slt.u32 s8, $0xFFFFF086  }
0x1c: {  	p1 =	slt.u32 s9, $0xF7A;
	s5 =	simm.s32 @!p2 $0x0  }
0x1d: {  	s5 =	simm.s32 @p1 $0x1;
	p0 =	seq.s32 s7, s2  }
0x1e: {  	s7 =	smul.u32 @!p0 $0xF7A, s2;
	p2 =	seq.s32 @!p0 s5, $0x0  }
0x1f: {  	s9 =	smul.u32 $0xF7A, s1;
	s8 =	simm.s32 @!p0 $0x1BF5;
	p2 =	por !p2, p0  }
0x20: {  	[sflag:s8] =	ssyncset.s32 @!p0 $0xFFFFF086;
	s6 =	sadd.s32 @!p0 s3, s7;
	s7 =	simm.s32 @!p0 $0x108  }
0x21: {  	s3 =	sadd.s32 s3, s9;
	s6 =	sadd.s32 @!p0 $0x88, s6;
	s7 =	simm.s32 @p2 $0x1082  }
0x22: {  	[simem:s7], [sflag:s8] =	dma.local @!p0 [hbm:s6], $0xF7A  }
0x23: {  	s9 =	sor.u32 $0xD0000000, s2;
	s6 =	simm.s32 $0x108;
	_ =	swait.ge @!p0 [sflag:s8], $0x0  }
0x24: {  	s3 =	sadd.s32 $0x88, s3;
	s6 =	simm.s32 @!p1 $0x1082;
	[sflag:s4] =	ssyncset.s32 $0xFFFFF086  }
0x25: {  	[simem:s6], [sflag:s4] =	dma.local [hbm:s3], $0xF7A  }
0x26: {  	[smem:$0x3F94] =	sst s1;
	(tag) =	ssettag s2;
	_ =	strace s9  }
0x27: {  	s1 =	sld [smem:$0x3FA4]  }
0x28: {  	s2 =	sld [smem:$0x3FA5]  }
0x29: {  	s4 =	sld [smem:$0x3FA7]  }
0x2a: {  	p0 =	seq.s32 s5, $0x0;
	s5 =	sld [smem:$0x3FA8]  }
0x2b: {  	s6 =	sld [smem:$0x3FA9]  }
0x2c: {  	s7 =	sld [smem:$0x3FAA]  }
0x2d: {  	s3 =	simm.s32 $0x108;
	s8 =	sld [smem:$0x3FAB]  }
0x2e: {  	s3 =	simm.s32 @!p0 $0x1082;
	s9 =	sld [smem:$0x3FAC]  }
0x2f: {  	lr =	sadd.s32 s0, s3;
	s0 =	sld [smem:$0x3FA3]  }
0x30: {  	s3 =	sld [smem:$0x3FA6]  }
0x31: {  	[smem:$0x3FAF] =	sst s10  }
0x32: {  	s10 =	sld [smem:$0x3FAD];
	_ =	sdelay $0x3  }
0x33: {  	p0 =	seq.s32 s10, $0x1;
	s10 =	sld [smem:$0x3FAF];
	_ =	sdelay $0x3  }
0x34: {  	[smem:$0x3FAF] =	sst s10  }
0x35: {  	s10 =	sld [smem:$0x3FAE];
	_ =	sdelay $0x3  }
0x36: {  	p1 =	seq.s32 s10, $0x1;
	s10 =	sld [smem:$0x3FAF];
	_ =	sdelay $0x3  }
0x37: {  	[smem:$0x3FAF] =	sst s10  }
0x38: {  	s10 =	sld [smem:$0x3FB0]  }
0x39: {  	_ = 	snop;
	(pc) =	sbr.ind lr, $3  }
0x3a: {  	_ = 	snop  }
0x3b: {  	_ = 	snop  }
0x3c: {  	p2 =	seq.s32 s10, $0x1;
	s10 =	sld [smem:$0x3FAF]  }
0x3d: {  	_ =	shalt  }
0x3e: {  	_ =	shalt  }
0x3f: {  	_ =	shalt  }
0x40: {  	_ =	shalt  }
0x41: {  	_ =	shalt  }
0x42: {  	_ =	shalt  }
0x43: {  	_ =	shalt  }
0x44: {  	_ =	shalt  }
0x45: {  	_ =	shalt  }
0x46: {  	_ =	shalt  }
0x47: {  	_ =	shalt  }
0x48: {  	_ =	shalt  }
0x49: {  	_ =	shalt  }
0x4a: {  	_ =	shalt  }
0x4b: {  	_ =	shalt  }
0x4c: {  	_ =	shalt  }
0x4d: {  	_ =	shalt  }
0x4e: {  	_ =	shalt  }
0x4f: {  	_ =	shalt  }
0x50: {  	_ =	shalt  }
0x51: {  	_ =	shalt  }
0x52: {  	_ =	shalt  }
0x53: {  	_ =	shalt  }
0x54: {  	_ =	shalt  }
0x55: {  	_ =	shalt  }
0x56: {  	_ =	shalt  }
0x57: {  	_ =	shalt  }
0x58: {  	_ =	shalt  }
0x59: {  	_ =	shalt  }
0x5a: {  	_ =	shalt  }
0x5b: {  	_ =	shalt  }
0x5c: {  	_ =	shalt  }
0x5d: {  	_ =	shalt  }
0x5e: {  	_ =	shalt  }
0x5f: {  	_ =	shalt  }
0x60: {  	_ =	shalt  }
0x61: {  	_ =	shalt  }
0x62: {  	_ =	shalt  }
0x63: {  	_ =	shalt  }
0x64: {  	_ =	shalt  }
0x65: {  	_ =	shalt  }
0x66: {  	_ =	shalt  }
0x67: {  	_ =	shalt  }
0x68: {  	_ =	shalt  }
0x69: {  	_ =	shalt  }
0x6a: {  	_ =	shalt  }
0x6b: {  	_ =	shalt  }
0x6c: {  	_ =	shalt  }
0x6d: {  	_ =	shalt  }
0x6e: {  	_ =	shalt  }
0x6f: {  	_ =	shalt  }
0x70: {  	_ =	shalt  }
0x71: {  	_ =	shalt  }
0x72: {  	_ =	shalt  }
0x73: {  	_ =	shalt  }
0x74: {  	_ =	shalt  }
0x75: {  	_ =	shalt  }
0x76: {  	_ =	shalt  }
0x77: {  	_ =	shalt  }
0x78: {  	_ =	shalt  }
0x79: {  	_ =	shalt  }
0x7a: {  	_ =	shalt  }
0x7b: {  	_ =	shalt  }
0x7c: {  	_ =	shalt  }
0x7d: {  	_ =	shalt  }
0x7e: {  	_ =	shalt  }
0x7f: {  	_ =	shalt  }
0x80: {  	_ =	shalt  }
0x81: {  	_ =	shalt  }
0x82: {  	_ =	shalt  }
0x83: {  	_ =	shalt  }
0x84: {  	_ =	shalt  }
0x85: {  	_ =	shalt  }
0x86: {  	_ =	shalt  }
0x87: {  	_ =	shalt  }
.Lfunc_end0:
.L_simem_size_0:
called_computation.4_lowered:
.L_overlay_start_0:
0x88: {  	s2 =	sld [smem:$0x3FD9]  }
0x89: {  	s3 =	sld [smem:$0x3FFE];
	_ =	sdelay $0x1  }
0x8a: {  	s1 =	srdreg.scid  }
0x8b: {  	s0 =	sand.u32 $0x1, s1  }
0x8c: {  	s16 =	sshll.u32 s0, $0xA;
	s2 =	sadd.s32 s3, s2  }
0x8d: {  	s2 =	sadd.s32 s2, s16  }
0x8e: {  	[smem:$0x3FBB] =	sst s2  }
0x8f: {  	_ = 	snop  }
0x90: {  	(tm) =	ssettm $0x1  }
0x91: {  	s17 =	sld [smem:$0x3FFB];
	_ =	sdelay $0x3  }
0x92: {  	_ =	strace s17  }
0x93: {  	s2 =	sld [smem:$0x3FFC];
	_ =	sdelay $0x3  }
0x94: {  	_ =	strace s2  }
0x95: {  	s2 =	sld [smem:$0x3FFD];
	_ =	sdelay $0x3  }
0x96: {  	_ =	strace s2  }
0x97: {  	_ =	strace $0x8FFFFFFF  }
0x98: {  	s18 =	sld [smem:$0x3FDB];
	_ =	sdelay $0x1  }
0x99: {  	s19 =	simm.s32 $_scs_section_size  }
0x9a: {  	s4 =	simm.s32 $_size__tile_overlayer_lowered;
	s5 =	simm.s32 $_tile_overlayer_lowered  }
0x9b: {  	s22 =	simm.s32 $0x1BFF;
	s21 =	sshll.u32 s5, $0x1;
	s2 =	sadd.s32 s19, s18  }
0x9c: {  	s6 =	simm.s32 $0x0;
	s20 =	sshll.u32 s4, $0x1;
	s4 =	sadd.s32 s21, s2  }
0x9d: {  	[timem:s6], [sflag:s22] =	dma.local [hbm:s4], s20  }
0x9e: {  	_ =	swait.ge [sflag:s22], s20  }
0x9f: {  	s3 =	ssub.s32 $0x0, s20;
	[sflag:s22] =	ssyncset.done $0x0  }
0xa0: {  	[sflag:s22] =	ssyncadd.s32 s3;
	_ =	sdelay $0x1  }
0xa1: {  	s23 =	simm.s32 $0x1B8B  }
0xa2: {  	_ =	swait.ge [sflag:s23], $0x1  }
0xa3: {  	[sflag:s23] =	ssyncset.done $0x0  }
0xa4: {  	s25 =	simm.s32 $0x1B8E;
	s24 =	sld [smem:$0x3FFE];
	[sflag:s23] =	ssyncadd.s32 $0xFFFFFFFF  }
0xa5: {  	s26 =	simm.s32 $execute0_lowered;
	[smem:$0x3FD2] =	sst s25  }
0xa6: {  	s4 =	sshll.u32 s26, $0x1;
	_ =	strace $0x80000052;
	[dreg:$0x1] =	wrdreg $0xFFFFFFFF  }
0xa7: {  	s28 =	simm.s32 $_size_execute0_lowered;
	s2 =	sadd.s32 s2, s4;
	[dreg:$0x0] =	wrdreg $0x0  }
0xa8: {  	s4 =	sshll.u32 s28, $0x1;
	[dreg:$0x2] =	wrdreg s2  }
0xa9: {  	[dreg:$0x3] =	wrdreg s4  }
0xaa: {  	[dreg:$0x4] =	wrdreg $0xC0  }
0xab: {  	_ =	task [dreg:s6], $0x5FFFF  }
0xac: {  	[dreg:$0x1] =	wrdreg $0xFFFFFFFF  }
0xad: {  	[dreg:$0x0] =	wrdreg $0x60  }
0xae: {  	[dreg:$0x2] =	wrdreg s24  }
0xaf: {  	[dreg:$0x3] =	wrdreg $0x41100  }
0xb0: {  	[dreg:$0x4] =	wrdreg $0x9  }
0xb1: {  	_ =	task.clear_ibuf [dreg:s6], $0x5FFFF;
	_ =	strace $0x90000052  }
0xb2: {  	s29 =	simm.s32 $0x9;
	_ =	strace $0x80000054  }
0xb3: {  	_ =	swait.ge [sflag:s29], $0x1  }
0xb4: {  	[sflag:s29] =	ssyncadd.s32 $0xFFFFFFFF  }
0xb5: {  	_ =	strace $0x90000054  }
0xb6: {  	_ =	sfence  }
0xb7: {  	s30 =	sld [smem:$0x0];
	_ =	sdelay $0x2  }
0xb8: {  	s31 =	sshll.u32 s1, $0xD;
	s1 =	sshrl.u32 s1, $0x2  }
0xb9: {  	s3 =	sand.u32 $0x4000, s31;
	s1 =	sadd.s32 s1, s30  }
0xba: {  	s0 =	sor.u32 s3, s0;
	s1 =	sshll.u32 s1, $0x11  }
0xbb: {  	s0 =	sor.u32 s1, s0  }
0xbc: {  	s0 =	sadd.s32 $0x8F2B, s0  }
0xbd: {  	[sflag:s0] =	ssyncadd.remote.s32 $0x1  }
0xbe: {  	_ =	sfence.sel $0xFFFF  }
0xbf: {  	[dreg:$0x0] =	wrdreg $0xFFFFFFFF;
	(pc) =	sbr.abs _section_cstart, $3  }
0xc0: {  	[dreg:$0x1] =	wrdreg $0xFFFFFFFF  }
0xc1: {  	_ =	task.clear_ibuf [dreg:s6], $0x2FFFF;
	_ =	strace $0x9FFFFFFF  }
0xc2: {  	(tm) =	ssettm $0x7FFFFFFF  }
0xc3: {  	_ =	shalt  }
tec
execute0_lowered:
.L_overlay_start_1:
0x0: {  	(tag) =	ssettag $0x1  }
0x1: {  	s1 =	rddreg [dreg:$0x0]  }
0x2: {  	s2 =	rddreg [dreg:$0x1]  }
0x3: {  	s0 =	rddreg [dreg:$0x2]  }
0x4: {  	s3 =	simm.s32 $0x0;
	s4 =	srdreg.scid;
	s17 =	simm.s32 $0x80  }
0x5: {  	s18 =	simm.s32 $0x110;
	s19 =	simm.s32 $0x1;
	s21 =	simm.s32 $0x0  }
0x6: {  	[smem:$0x7FF] =	sst s3;
	s13 =	sand.u32 $0x1, s4;
	s5 =	sadd.s32 $0x52C00, s1  }
0x7: {  	s4 =	stileid.u32;
	s6 =	sadd.s32 $0x3D400, s1;
	s9 =	smul.u32 $0x14000, s13  }
0x8: {  	s7 =	sadd.s32 $0x47A00, s1;
	s8 =	sadd.s32 $0x52200, s1;
	s10 =	smul.u32 $0x1400, s4  }
0x9: {  	_ =	strace $0x80000053;
	s11 =	ssub.s32 $0x2, s13;
	s12 =	smul.u32 $0x29000, s4  }
0xa: {  	s14 =	smul.u32 $0x28000, s4;
	s30 =	sshll.u32 s4, $0x6;
	s28 =	sshrl.u32 s11, $0x1  }
0xb: {  	p0 =	seq.s32 s13, $0x0;
	s9 =	sadd.s32 s10, s9;
	s11 =	ssub.s32 s11, s28  }
.Ltmp0:
0xc: {  	s29 =	sshrl.u32 s12, $0x2;
	s31 =	sshrl.u32 s14, $0x2;
	(pc) =	sbr.rel .LBB2_1-.Ltmp0, $4  }
0xd: {  	s12 =	sshll.u32 s4, $0x7;
	s14 =	simm.s32 $0x2;
	s15 =	sadd.s32 s9, s1  }
0xe: {  	s16 =	sadd.s32 s29, s2;
	s9 =	sor.u32 $0x1C02, s30;
	s20 =	sadd.s32 s31, s2  }
0xf: {  	s11 =	smax.u32 s11, $0x1;
	s10 =	sadd.s32 $0x1A00, s15;
	s13 =	sshrl.u32 s16, $0x3  }
0x10: {  	s15 =	simm.s32 $0x10;
	s16 =	simm.s32 $0x90;
	s20 =	sshrl.u32 s20, $0x3  }
.LBB2_5:
0x11: {  	s22 =	sadd.s32 s6, s24;
	[sflag:s14] =	ssyncadd.s32 @p1 $0xFFFFC000  }
0x12: {  	[tilespmem:s15], [sflag:$0x2] =	stream.linear.gather [hbm4b:s22+s3], $0x80, $0x38;
	[tilespmem:$0xE510] =	vst v63  }
0x13: {  	_ =	swait.ge [sflag:s14], $0x80  }
0x14: {  	[sflag:s14] =	ssyncset.done $0x0  }
0x15: {  	s31 =	sadd.s32 s7, s24;
	[sflag:s14] =	ssyncadd.s32 $0xFFFFFF80  }
0x16: {  	[tilespmem:s16], [sflag:$0x2] =	stream.linear.gather [hbm4b:s31+s3], $0x80, $0x38;
	[tilespmem:$0xE510] =	vst v63  }
0x17: {  	_ =	swait.ge [sflag:s14], $0x80  }
0x18: {  	[sflag:s14] =	ssyncset.done $0x0  }
0x19: {  	[sflag:s14] =	ssyncadd.s32 $0xFFFFFF80  }
0x1a: {  	[tilespmem:s18], [sflag:$0x1] =	stream.indirect.gather [hbm4b:s5+s17], $0x80, s15, s17, $0xb8;
	[tilespmem:$0xE510] =	vst v63  }
0x1b: {  	_ =	swait.ge [sflag:s19], $0x4000  }
0x1c: {  	[sflag:s19] =	ssyncset.done $0x0  }
0x1d: {  	[sflag:s19] =	ssyncadd.s32 $0xFFFFC000  }
0x1e: {  	[spmem:s2] =	stream.indirect.scatter.add.f32 [tilespmem:s18], [sflag:$0x2], $0x80, s16, s17, $0xb8;
	[tilespmem:$0xE510] =	vst v63  }
0x1f: {  	_ =	swait.ge [sflag:s14], $0x4000  }
0x20: {  	[sflag:s14] =	ssyncset.done $0x0  }
0x21: {  	[sflag:s14] =	ssyncadd.s32 $0xFFFFC000  }
.LBB2_6:
0x22: {  	s21 =	sadd.s32 $0x1, s21  }
0x23: {  	p1 =	sne.s32 s21, s11  }
.Ltmp1:
0x24: {  	[bflag:$0x0] =	sbarrier.arrive $0xFFFF;
	(pc) =	sbr.rel @!p1 .LBB2_7-.Ltmp1, $4  }
0x25: {  	[hbm:s10], [sflag:s9] =	dma.local [spmem:s20], $0x1400  }
0x26: {  	_ =	swait.ge [sflag:s14], $0x1400  }
0x27: {  	[sflag:s14] =	ssyncset.done $0x0  }
0x28: {  	[sflag:s14] =	ssyncadd.s32 $0xFFFFEC00  }
.LBB2_1:
0x29: {  	[spmem:s13], [sflag:s9] =	dma.local [hbm:s1], $0x1480  }
0x2a: {  	_ =	swait.ge [sflag:s14], $0x1480  }
0x2b: {  	[sflag:s14] =	ssyncset.done $0x0  }
0x2c: {  	[sflag:s14] =	ssyncadd.s32 $0xFFFFEB80  }
0x2d: {  	[tilespmem:s3], [sflag:$0x2] =	stream.linear.gather [hbm4b:s8+s3], $0x10, $0x38;
	[tilespmem:$0xE510] =	vst v63  }
0x2e: {  	_ =	swait.ge [sflag:s14], $0x10  }
0x2f: {  	[sflag:s14] =	ssyncset.done $0x0  }
0x30: {  	[sflag:s14] =	ssyncadd.s32 $0xFFFFFFF0  }
0x31: {  	[bflag:$0x0] =	sbarrier.arrive $0xFFFF  }
0x32: {  	v0 =	vld [tilespmem:$0x0];
	_ =	sdelay $0x4  }
0x33: {  	(v2sf) =	vpush v0, $0x0  }
0x34: {  	(v2sf) =	vpush v0, $0x2  }
0x35: {  	(v2sf) =	vpush v0, $0x1  }
0x36: {  	(v2sf) =	vpush v0, $0x3;
	_ =	sdelay $0xb  }
0x37: {  	s23 =	spop (v2sf)  }
0x38: {  	s22 =	spop (v2sf)  }
0x39: {  	s25 =	spop (v2sf)  }
0x3a: {  	s24 =	spop (v2sf)  }
0x3b: {  	s24 =	smov.u32 @p0 s25  }
0x3c: {  	p1 =	slt.s32 s24, $0x1  }
.Ltmp2:
0x3d: {  	_ = 	snop;
	(pc) =	sbr.rel @p1 .LBB2_6-.Ltmp2, $1  }
0x3e: {  	_ =	sdelay $0x3  }
0x3f: {  	p2 =	sne.s32 s24, $0x1  }
.Ltmp3:
0x40: {  	_ = 	snop;
	(pc) =	sbr.rel @!p2 .LBB2_5-.Ltmp3, $4  }
0x41: {  	s25 =	smul.u32 s24, s12  }
0x42: {  	s22 =	smov.u32 @p0 s23  }
0x43: {  	s23 =	sadd.s32 s25, s22  }
0x44: {  	p1 =	por $0x0, $0x0;
	s22 =	sadd.s32 $0xFFFFFFFF, s24;
	s24 =	sshrl.u32 s23, $0x3  }
0x45: {  	s25 =	sadd.s32 s6, s24  }
0x46: {  	[tilespmem:s15], [sflag:$0x2] =	stream.linear.gather [hbm4b:s25+s3], $0x80, $0x38;
	[tilespmem:$0xE510] =	vst v63  }
0x47: {  	_ =	swait.ge [sflag:s14], $0x80  }
0x48: {  	[sflag:s14] =	ssyncset.done $0x0  }
0x49: {  	s31 =	sadd.s32 s7, s24;
	[sflag:s14] =	ssyncadd.s32 $0xFFFFFF80  }
0x4a: {  	[tilespmem:s16], [sflag:$0x2] =	stream.linear.gather [hbm4b:s31+s3], $0x80, $0x38;
	[tilespmem:$0xE510] =	vst v63  }
0x4b: {  	_ =	swait.ge [sflag:s14], $0x80  }
0x4c: {  	[sflag:s14] =	ssyncset.done $0x0  }
0x4d: {  	[sflag:s14] =	ssyncadd.s32 $0xFFFFFF80  }
0x4e: {  	[tilespmem:s18], [sflag:$0x1] =	stream.indirect.gather [hbm4b:s5+s17], $0x80, s15, s17, $0xb8;
	[tilespmem:$0xE510] =	vst v63  }
0x4f: {  	p2 =	sne.s32 s22, $0x1;
	_ =	swait.ge [sflag:s19], $0x4000  }
.Ltmp4:
0x50: {  	[sflag:s19] =	ssyncset.done $0x0;
	(pc) =	sbr.rel @!p2 .LBB2_5-.Ltmp4, $4  }
0x51: {  	[sflag:s19] =	ssyncadd.s32 $0xFFFFC000  }
0x52: {  	[spmem:s2] =	stream.indirect.scatter.add.f32 [tilespmem:s18], [sflag:$0x2], $0x80, s16, s17, $0xb8;
	[tilespmem:$0xE510] =	vst v63  }
0x53: {  	s22 =	sadd.s32 $0xFFFFFFFF, s22;
	s23 =	sadd.s32 $0x80, s23;
	_ =	swait.ge [sflag:s14], $0x4000  }
0x54: {  	p1 =	por $0x1, $0x1;
	s24 =	sshrl.u32 s23, $0x3;
	[sflag:s14] =	ssyncset.done $0x0  }
.LBB2_4:
0x55: {  	p2 =	sne.s32 s22, $0x1;
	s25 =	sadd.s32 s6, s24;
	[sflag:s14] =	ssyncadd.s32 $0xFFFFC000  }
0x56: {  	[tilespmem:s15], [sflag:$0x2] =	stream.linear.gather [hbm4b:s25+s3], $0x80, $0x38;
	[tilespmem:$0xE510] =	vst v63  }
0x57: {  	s22 =	sadd.s32 $0xFFFFFFFF, s22;
	_ =	swait.ge [sflag:s14], $0x80  }
0x58: {  	[sflag:s14] =	ssyncset.done $0x0  }
0x59: {  	s24 =	sadd.s32 s7, s24;
	[sflag:s14] =	ssyncadd.s32 $0xFFFFFF80  }
0x5a: {  	[tilespmem:s16], [sflag:$0x2] =	stream.linear.gather [hbm4b:s24+s3], $0x80, $0x38;
	[tilespmem:$0xE510] =	vst v63  }
0x5b: {  	_ =	swait.ge [sflag:s14], $0x80  }
0x5c: {  	[sflag:s14] =	ssyncset.done $0x0  }
0x5d: {  	[sflag:s14] =	ssyncadd.s32 $0xFFFFFF80  }
0x5e: {  	[tilespmem:s18], [sflag:$0x1] =	stream.indirect.gather [hbm4b:s5+s17], $0x80, s15, s17, $0xb8;
	[tilespmem:$0xE510] =	vst v63  }
0x5f: {  	_ =	swait.ge [sflag:s19], $0x4000  }
.Ltmp5:
0x60: {  	[sflag:s19] =	ssyncset.done $0x0;
	(pc) =	sbr.rel @p2 .LBB2_4-.Ltmp5, $4  }
0x61: {  	[sflag:s19] =	ssyncadd.s32 $0xFFFFC000  }
0x62: {  	[spmem:s2] =	stream.indirect.scatter.add.f32 [tilespmem:s18], [sflag:$0x2], $0x80, s16, s17, $0xb8;
	[tilespmem:$0xE510] =	vst v63  }
0x63: {  	s23 =	sadd.s32 $0x80, s23;
	_ =	swait.ge [sflag:s14], $0x4000  }
0x64: {  	s24 =	sshrl.u32 s23, $0x3;
	[sflag:s14] =	ssyncset.done $0x0  }
.Ltmp6:
0x65: {  	_ = 	snop;
	(pc) =	sbr.rel .LBB2_5-.Ltmp6, $1  }
0x66: {  	_ =	sdelay $0x3  }
.LBB2_7:
0x67: {  	_ =	sfence.sel $0x180000  }
0x68: {  	[bflag:$0x0] =	sbarrier.arrive $0xFFFF  }
0x69: {  	p0 =	sne.s32 s4, $0x0;
	_ =	strace $0x90000053  }
0x6a: {  	s0 =	sadd.s32 @!p0 $0x100000, s0;
	[bflag:$0x2] =	sbarrier.arrive $0xFFFF  }
0x6b: {  	[sflag:s0] =	ssyncadd.tile.s32 @!p0 $0x1;
	_ =	shalt  }
.Lfunc_end2:
_tile_overlayer_lowered:
.L_overlay_start_2:
0x6c: {  	(tag) =	ssettag $0x2  }
0x6d: {  	s0 =	rddreg [dreg:$0x0];
	s2 =	stileid.u32  }
0x6e: {  	s1 =	rddreg [dreg:$0x1];
	p0 =	sne.s32 s2, $0x0  }
0x6f: {  	s3 =	rddreg [dreg:$0x2];
	[bflag:$0x3] =	sbarrier.arrive $0xFFFF;
	s2 =	simm.s32 @!p0 $0x1C02  }
0x70: {  	[timem:s3], [sflag:s2] =	dma.local @!p0 [hbm:s0], s1  }
0x71: {  	s0 =	simm.s32 @!p0 $0x2  }
0x72: {  	_ =	swait.ge @!p0 [sflag:s0], s1  }
0x73: {  	s1 =	ssub.s32 @!p0 $0x0, s1;
	[sflag:s0] =	ssyncset.done @!p0 $0x0  }
0x74: {  	[sflag:s0] =	ssyncadd.s32 @!p0 s1  }
0x75: {  	[bflag:$0x3] =	sbarrier.arrive $0xFFFF  }
0x76: {  	_ =	shalt  }

// kernel: kernel.35.cloned.1.call-start
scs
__scs_entry_jumppad:
0x0: {  	(pc) =	sbr.rel $0x88, $3  }
0x1: {  	(tag) =	ssettag $0x0;
	lr =	simm.s32 $0x1  }
0x2: {  	[smem:$0x3F94] =	sst lr;
	_ =	strace $0xD0000000  }
0x3: {  	_ = 	snop  }
0x4: {  	_ = 	snop  }
0x5: {  	_ = 	snop  }
0x6: {  	_ = 	snop  }
0x7: {  	_ = 	snop  }
__scs_overlays_trampoline_lowered:
0x8: {  	[smem:$0x3FA3] =	sst s0  }
0x9: {  	[smem:$0x3FA4] =	sst s1  }
0xa: {  	[smem:$0x3FA5] =	sst s2  }
0xb: {  	[smem:$0x3FA6] =	sst s3  }
0xc: {  	[smem:$0x3FA7] =	sst s4  }
0xd: {  	[smem:$0x3FA8] =	sst s5  }
0xe: {  	[smem:$0x3FA9] =	sst s6  }
0xf: {  	[smem:$0x3FAA] =	sst s7  }
0x10: {  	[smem:$0x3FAB] =	sst s8  }
0x11: {  	[smem:$0x3FAC] =	sst s9;
	s0 =	simm.s32 @!p0 $0x0  }
0x12: {  	s1 =	sld [smem:$0x3F92];
	s0 =	simm.s32 @p0 $0x1  }
0x13: {  	[smem:$0x3FAD] =	sst s0;
	s0 =	simm.s32 @!p1 $0x0  }
0x14: {  	s2 =	sld [smem:$0x3F91];
	s0 =	simm.s32 @p1 $0x1  }
0x15: {  	[smem:$0x3FAE] =	sst s0;
	s0 =	simm.s32 @!p2 $0x0  }
0x16: {  	s3 =	sld [smem:$0x3FDB];
	s0 =	simm.s32 @p2 $0x1  }
0x17: {  	s4 =	simm.s32 $0x1BF5;
	[smem:$0x3FB0] =	sst s0  }
0x18: {  	s0 =	sld [smem:$0x3F93];
	_ =	swait.ge [sflag:s4], $0x0  }
0x19: {  	s7 =	sld [smem:$0x3F94]  }
0x1a: {  	s8 =	sadd.s32 $0xFFFFE003, lr  }
0x1b: {  	s9 =	sadd.s32 $0xFFFFFEF7, lr;
	s5 =	simm.s32 $0xFFFFFFFF;
	p2 =	slt.u32 s8, $0xFFFFF086  }
0x1c: {  	p1 =	slt.u32 s9, $0xF7A;
	s5 =	simm.s32 @!p2 $0x0  }
0x1d: {  	s5 =	simm.s32 @p1 $0x1;
	p0 =	seq.s32 s7, s2  }
0x1e: {  	s7 =	smul.u32 @!p0 $0xF7A, s2;
	p2 =	seq.s32 @!p0 s5, $0x0  }
0x1f: {  	s9 =	smul.u32 $0xF7A, s1;
	s8 =	simm.s32 @!p0 $0x1BF5;
	p2 =	por !p2, p0  }
0x20: {  	[sflag:s8] =	ssyncset.s32 @!p0 $0xFFFFF086;
	s6 =	sadd.s32 @!p0 s3, s7;
	s7 =	simm.s32 @!p0 $0x108  }
0x21: {  	s3 =	sadd.s32 s3, s9;
	s6 =	sadd.s32 @!p0 $0x88, s6;
	s7 =	simm.s32 @p2 $0x1082  }
0x22: {  	[simem:s7], [sflag:s8] =	dma.local @!p0 [hbm:s6], $0xF7A  }
0x23: {  	s9 =	sor.u32 $0xD0000000, s2;
	s6 =	simm.s32 $0x108;
	_ =	swait.ge @!p0 [sflag:s8], $0x0  }
0x24: {  	s3 =	sadd.s32 $0x88, s3;
	s6 =	simm.s32 @!p1 $0x1082;
	[sflag:s4] =	ssyncset.s32 $0xFFFFF086  }
0x25: {  	[simem:s6], [sflag:s4] =	dma.local [hbm:s3], $0xF7A  }
0x26: {  	[smem:$0x3F94] =	sst s1;
	(tag) =	ssettag s2;
	_ =	strace s9  }
0x27: {  	s1 =	sld [smem:$0x3FA4]  }
0x28: {  	s2 =	sld [smem:$0x3FA5]  }
0x29: {  	s4 =	sld [smem:$0x3FA7]  }
0x2a: {  	p0 =	seq.s32 s5, $0x0;
	s5 =	sld [smem:$0x3FA8]  }
0x2b: {  	s6 =	sld [smem:$0x3FA9]  }
0x2c: {  	s7 =	sld [smem:$0x3FAA]  }
0x2d: {  	s3 =	simm.s32 $0x108;
	s8 =	sld [smem:$0x3FAB]  }
0x2e: {  	s3 =	simm.s32 @!p0 $0x1082;
	s9 =	sld [smem:$0x3FAC]  }
0x2f: {  	lr =	sadd.s32 s0, s3;
	s0 =	sld [smem:$0x3FA3]  }
0x30: {  	s3 =	sld [smem:$0x3FA6]  }
0x31: {  	[smem:$0x3FAF] =	sst s10  }
0x32: {  	s10 =	sld [smem:$0x3FAD];
	_ =	sdelay $0x3  }
0x33: {  	p0 =	seq.s32 s10, $0x1;
	s10 =	sld [smem:$0x3FAF];
	_ =	sdelay $0x3  }
0x34: {  	[smem:$0x3FAF] =	sst s10  }
0x35: {  	s10 =	sld [smem:$0x3FAE];
	_ =	sdelay $0x3  }
0x36: {  	p1 =	seq.s32 s10, $0x1;
	s10 =	sld [smem:$0x3FAF];
	_ =	sdelay $0x3  }
0x37: {  	[smem:$0x3FAF] =	sst s10  }
0x38: {  	s10 =	sld [smem:$0x3FB0]  }
0x39: {  	_ = 	snop;
	(pc) =	sbr.ind lr, $3  }
0x3a: {  	_ = 	snop  }
0x3b: {  	_ = 	snop  }
0x3c: {  	p2 =	seq.s32 s10, $0x1;
	s10 =	sld [smem:$0x3FAF]  }
0x3d: {  	_ =	shalt  }
0x3e: {  	_ =	shalt  }
0x3f: {  	_ =	shalt  }
0x40: {  	_ =	shalt  }
0x41: {  	_ =	shalt  }
0x42: {  	_ =	shalt  }
0x43: {  	_ =	shalt  }
0x44: {  	_ =	shalt  }
0x45: {  	_ =	shalt  }
0x46: {  	_ =	shalt  }
0x47: {  	_ =	shalt  }
0x48: {  	_ =	shalt  }
0x49: {  	_ =	shalt  }
0x4a: {  	_ =	shalt  }
0x4b: {  	_ =	shalt  }
0x4c: {  	_ =	shalt  }
0x4d: {  	_ =	shalt  }
0x4e: {  	_ =	shalt  }
0x4f: {  	_ =	shalt  }
0x50: {  	_ =	shalt  }
0x51: {  	_ =	shalt  }
0x52: {  	_ =	shalt  }
0x53: {  	_ =	shalt  }
0x54: {  	_ =	shalt  }
0x55: {  	_ =	shalt  }
0x56: {  	_ =	shalt  }
0x57: {  	_ =	shalt  }
0x58: {  	_ =	shalt  }
0x59: {  	_ =	shalt  }
0x5a: {  	_ =	shalt  }
0x5b: {  	_ =	shalt  }
0x5c: {  	_ =	shalt  }
0x5d: {  	_ =	shalt  }
0x5e: {  	_ =	shalt  }
0x5f: {  	_ =	shalt  }
0x60: {  	_ =	shalt  }
0x61: {  	_ =	shalt  }
0x62: {  	_ =	shalt  }
0x63: {  	_ =	shalt  }
0x64: {  	_ =	shalt  }
0x65: {  	_ =	shalt  }
0x66: {  	_ =	shalt  }
0x67: {  	_ =	shalt  }
0x68: {  	_ =	shalt  }
0x69: {  	_ =	shalt  }
0x6a: {  	_ =	shalt  }
0x6b: {  	_ =	shalt  }
0x6c: {  	_ =	shalt  }
0x6d: {  	_ =	shalt  }
0x6e: {  	_ =	shalt  }
0x6f: {  	_ =	shalt  }
0x70: {  	_ =	shalt  }
0x71: {  	_ =	shalt  }
0x72: {  	_ =	shalt  }
0x73: {  	_ =	shalt  }
0x74: {  	_ =	shalt  }
0x75: {  	_ =	shalt  }
0x76: {  	_ =	shalt  }
0x77: {  	_ =	shalt  }
0x78: {  	_ =	shalt  }
0x79: {  	_ =	shalt  }
0x7a: {  	_ =	shalt  }
0x7b: {  	_ =	shalt  }
0x7c: {  	_ =	shalt  }
0x7d: {  	_ =	shalt  }
0x7e: {  	_ =	shalt  }
0x7f: {  	_ =	shalt  }
0x80: {  	_ =	shalt  }
0x81: {  	_ =	shalt  }
0x82: {  	_ =	shalt  }
0x83: {  	_ =	shalt  }
0x84: {  	_ =	shalt  }
0x85: {  	_ =	shalt  }
0x86: {  	_ =	shalt  }
0x87: {  	_ =	shalt  }
.Lfunc_end0:
.L_simem_size_0:
called_computation.5_lowered:
.L_overlay_start_0:
0x88: {  	s2 =	sld [smem:$0x3FD9]  }
0x89: {  	s3 =	sld [smem:$0x3FFE];
	_ =	sdelay $0x1  }
0x8a: {  	s1 =	srdreg.scid  }
0x8b: {  	s0 =	sand.u32 $0x1, s1  }
0x8c: {  	s16 =	sshll.u32 s0, $0xA;
	s2 =	sadd.s32 s3, s2  }
0x8d: {  	s2 =	sadd.s32 s2, s16  }
0x8e: {  	[smem:$0x3FBB] =	sst s2  }
0x8f: {  	_ = 	snop  }
0x90: {  	(tm) =	ssettm $0x1  }
0x91: {  	s17 =	sld [smem:$0x3FFB];
	_ =	sdelay $0x3  }
0x92: {  	_ =	strace s17  }
0x93: {  	s2 =	sld [smem:$0x3FFC];
	_ =	sdelay $0x3  }
0x94: {  	_ =	strace s2  }
0x95: {  	s2 =	sld [smem:$0x3FFD];
	_ =	sdelay $0x3  }
0x96: {  	_ =	strace s2  }
0x97: {  	_ =	strace $0x8FFFFFFF  }
0x98: {  	s18 =	sld [smem:$0x3FDB];
	_ =	sdelay $0x1  }
0x99: {  	s19 =	simm.s32 $_scs_section_size  }
0x9a: {  	s4 =	simm.s32 $_size__tile_overlayer_lowered;
	s5 =	simm.s32 $_tile_overlayer_lowered  }
0x9b: {  	s22 =	simm.s32 $0x1BFF;
	s21 =	sshll.u32 s5, $0x1;
	s2 =	sadd.s32 s19, s18  }
0x9c: {  	s6 =	simm.s32 $0x0;
	s20 =	sshll.u32 s4, $0x1;
	s4 =	sadd.s32 s21, s2  }
0x9d: {  	[timem:s6], [sflag:s22] =	dma.local [hbm:s4], s20  }
0x9e: {  	_ =	swait.ge [sflag:s22], s20  }
0x9f: {  	s3 =	ssub.s32 $0x0, s20;
	[sflag:s22] =	ssyncset.done $0x0  }
0xa0: {  	[sflag:s22] =	ssyncadd.s32 s3;
	_ =	sdelay $0x1  }
0xa1: {  	s23 =	simm.s32 $0x1B8B  }
0xa2: {  	_ =	swait.ge [sflag:s23], $0x1  }
0xa3: {  	[sflag:s23] =	ssyncset.done $0x0  }
0xa4: {  	s25 =	simm.s32 $0x1B8E;
	s24 =	sld [smem:$0x3FFE];
	[sflag:s23] =	ssyncadd.s32 $0xFFFFFFFF  }
0xa5: {  	s26 =	simm.s32 $execute0_lowered;
	[smem:$0x3FD2] =	sst s25  }
0xa6: {  	s4 =	sshll.u32 s26, $0x1;
	_ =	strace $0x80000055;
	[dreg:$0x1] =	wrdreg $0xFFFFFFFF  }
0xa7: {  	s28 =	simm.s32 $_size_execute0_lowered;
	s2 =	sadd.s32 s2, s4;
	[dreg:$0x0] =	wrdreg $0x0  }
0xa8: {  	s4 =	sshll.u32 s28, $0x1;
	[dreg:$0x2] =	wrdreg s2  }
0xa9: {  	[dreg:$0x3] =	wrdreg s4  }
0xaa: {  	[dreg:$0x4] =	wrdreg $0xC0  }
0xab: {  	_ =	task [dreg:s6], $0x5FFFF  }
0xac: {  	[dreg:$0x1] =	wrdreg $0xFFFFFFFF  }
0xad: {  	[dreg:$0x0] =	wrdreg $0x60  }
0xae: {  	[dreg:$0x2] =	wrdreg s24  }
0xaf: {  	[dreg:$0x3] =	wrdreg $0x41100  }
0xb0: {  	[dreg:$0x4] =	wrdreg $0xF5900  }
0xb1: {  	[dreg:$0x5] =	wrdreg $0x9  }
0xb2: {  	_ =	task.clear_ibuf [dreg:s6], $0x6FFFF;
	_ =	strace $0x90000055  }
0xb3: {  	s29 =	simm.s32 $0x9;
	_ =	strace $0x80000057  }
0xb4: {  	_ =	swait.ge [sflag:s29], $0x1  }
0xb5: {  	[sflag:s29] =	ssyncadd.s32 $0xFFFFFFFF  }
0xb6: {  	_ =	strace $0x90000057  }
0xb7: {  	_ =	sfence  }
0xb8: {  	s30 =	sld [smem:$0x0];
	_ =	sdelay $0x2  }
0xb9: {  	s31 =	sshll.u32 s1, $0xD;
	s1 =	sshrl.u32 s1, $0x2  }
0xba: {  	s3 =	sand.u32 $0x4000, s31;
	s1 =	sadd.s32 s1, s30  }
0xbb: {  	s0 =	sor.u32 s3, s0;
	s1 =	sshll.u32 s1, $0x11  }
0xbc: {  	s0 =	sor.u32 s1, s0  }
0xbd: {  	s0 =	sadd.s32 $0x8F2B, s0  }
0xbe: {  	[sflag:s0] =	ssyncadd.remote.s32 $0x1  }
0xbf: {  	_ =	sfence.sel $0xFFFF  }
0xc0: {  	[dreg:$0x0] =	wrdreg $0xFFFFFFFF;
	(pc) =	sbr.abs _section_cstart, $3  }
0xc1: {  	[dreg:$0x1] =	wrdreg $0xFFFFFFFF  }
0xc2: {  	_ =	task.clear_ibuf [dreg:s6], $0x2FFFF;
	_ =	strace $0x9FFFFFFF  }
0xc3: {  	(tm) =	ssettm $0x7FFFFFFF  }
tec
execute0_lowered:
.L_overlay_start_1:
0x0: {  	(tag) =	ssettag $0x1  }
0x1: {  	s12 =	rddreg [dreg:$0x0]  }
0x2: {  	s2 =	rddreg [dreg:$0x1]  }
0x3: {  	s4 =	rddreg [dreg:$0x2];
	s5 =	simm.s32 $0x0  }
0x4: {  	s0 =	srdreg.scid;
	s18 =	stileid.u32;
	s28 =	simm.s32 $0x90  }
0x5: {  	s29 =	simm.s32 $0x80;
	s30 =	simm.s32 $0x110;
	s31 =	simm.s32 $0x1  }
0x6: {  	[smem:$0x7FF] =	sst s5;
	s0 =	sand.u32 $0x1, s0;
	s1 =	smul.u32 $0x140, s18  }
0x7: {  	s6 =	sadd.s32 $0x1A00, s12;
	s7 =	sadd.s32 $0x3D400, s12;
	s8 =	sadd.s32 $0x47A00, s12  }
0x8: {  	s9 =	sadd.s32 $0x32E00, s12;
	s10 =	sadd.s32 $0x52800, s12;
	s11 =	smul.u32 $0x29000, s18  }
0x9: {  	s20 =	sadd.s32 $0x1600, s12;
	s21 =	sadd.s32 $0x52600, s12;
	s15 =	smul.u32 $0x5200, s18  }
0xa: {  	s13 =	sadd.s32 $0x52400, s12;
	s24 =	sshll.u32 s18, $0x6;
	s16 =	smul.u32 $0x28000, s18  }
0xb: {  	s17 =	smul.u32 $0x5000, s18;
	_ =	strace $0x80000056;
	[dreg:$0x4] =	wrdreg s10  }
0xc: {  	s18 =	sshll.u32 s18, $0x7;
	s3 =	smul.u32 $0x1400, s0;
	[dreg:$0x5] =	wrdreg s20  }
0xd: {  	[dreg:$0x6] =	wrdreg s21;
	s23 =	ssub.s32 $0x2, s0;
	p0 =	seq.s32 s0, $0x0  }
0xe: {  	s20 =	simm.s32 $0x2;
	s0 =	simm.s32 $0xE510;
	s14 =	sshrl.u32 s23, $0x1  }
0xf: {  	s11 =	sshrl.u32 s11, $0x2;
	s15 =	sshrl.u32 s15, $0x2;
	s25 =	sshrl.u32 s16, $0x2  }
0x10: {  	s26 =	sshrl.u32 s17, $0x2;
	s1 =	sadd.s32 s1, s3;
	s10 =	ssub.s32 s23, s14  }
0x11: {  	s11 =	sadd.s32 s11, s2;
	s14 =	sor.u32 $0x1C02, s24;
	s21 =	sadd.s32 s15, s4  }
0x12: {  	s23 =	simm.s32 $0xED90;
	s22 =	sshll.u32 s1, $0x4;
	s1 =	sshll.u32 s1, $0x1  }
.Ltmp0:
0x13: {  	s17 =	smax.u32 s10, $0x1;
	s19 =	sshrl.u32 s11, $0x3;
	(pc) =	sbr.rel .LBB2_1-.Ltmp0, $4  }
0x14: {  	s21 =	sshrl.u32 s21, $0x3;
	s3 =	sadd.s32 s22, s12;
	s1 =	sadd.s32 s1, s12  }
0x15: {  	s22 =	simm.s32 $0xE590;
	s15 =	sadd.s32 $0x52C00, s3;
	s3 =	sadd.s32 s25, s2  }
0x16: {  	s16 =	sadd.s32 $0x28C00, s1;
	s1 =	sadd.s32 s26, s4;
	s26 =	simm.s32 $0x10  }
0x17: {  	s24 =	sshrl.u32 s3, $0x3;
	s25 =	sshrl.u32 s1, $0x3;
	s3 =	simm.s32 $0x0  }
.LBB2_10:
0x18: {  	s1 =	sadd.s32 s9, s11;
	[sflag:s20] =	ssyncadd.s32 @p1 $0xFFFFF800  }
0x19: {  	[tilespmem:s0], [sflag:$0x2] =	stream.linear.gather [hbm4b:s1+s5], $0x80, $0x38;
	[tilespmem:$0x10A10] =	vst v63  }
0x1a: {  	_ =	swait.ge [sflag:s20], $0x80  }
0x1b: {  	[sflag:s20] =	ssyncset.done $0x0  }
0x1c: {  	[sflag:s20] =	ssyncadd.s32 $0xFFFFFF80  }
0x1d: {  	[spmem:s4] =	stream.indirect.scatter.add.f32 [tilespmem:s23], [sflag:$0x2], $0x10, s0, s29, $0xb8;
	[tilespmem:$0x10A10] =	vst v63  }
0x1e: {  	_ =	swait.ge [sflag:s20], $0x800  }
0x1f: {  	[sflag:s20] =	ssyncset.done $0x0  }
0x20: {  	[sflag:s20] =	ssyncadd.s32 $0xFFFFF800  }
.LBB2_11:
0x21: {  	[bflag:$0x0] =	sbarrier.arrive $0xFFFF  }
0x22: {  	[hbm:s15], [sflag:s14] =	dma.local [spmem:s24], $0x1400  }
0x23: {  	s3 =	sadd.s32 $0x1, s3;
	_ =	swait.ge [sflag:s20], $0x1400  }
0x24: {  	p1 =	sne.s32 s3, s17;
	[sflag:s20] =	ssyncset.done $0x0  }
.Ltmp1:
0x25: {  	[sflag:s20] =	ssyncadd.s32 $0xFFFFEC00;
	(pc) =	sbr.rel @!p1 .LBB2_12-.Ltmp1, $4  }
0x26: {  	[hbm:s16], [sflag:s14] =	dma.local [spmem:s25], $0x280  }
0x27: {  	_ =	swait.ge [sflag:s20], $0x280  }
0x28: {  	[sflag:s20] =	ssyncset.done $0x0  }
0x29: {  	[sflag:s20] =	ssyncadd.s32 $0xFFFFFD80  }
.LBB2_1:
0x2a: {  	s1 =	rddreg [dreg:$0x0]  }
0x2b: {  	[spmem:s19], [sflag:s14] =	dma.local [hbm:s1], $0x1480  }
0x2c: {  	_ =	swait.ge [sflag:s20], $0x1480  }
0x2d: {  	[sflag:s20] =	ssyncset.done $0x0  }
0x2e: {  	s10 =	rddreg [dreg:$0x5];
	[sflag:s20] =	ssyncadd.s32 $0xFFFFEB80  }
0x2f: {  	[spmem:s21], [sflag:s14] =	dma.local [hbm:s10], $0x290  }
0x30: {  	_ =	swait.ge [sflag:s20], $0x290  }
0x31: {  	[sflag:s20] =	ssyncset.done $0x0  }
0x32: {  	s11 =	rddreg [dreg:$0x6];
	[sflag:s20] =	ssyncadd.s32 $0xFFFFFD70  }
0x33: {  	[tilespmem:s22], [sflag:$0x2] =	stream.linear.gather [hbm4b:s11+s5], $0x800, $0x38;
	[tilespmem:$0x10A10] =	vst v63  }
0x34: {  	_ =	swait.ge [sflag:s20], $0x800  }
0x35: {  	[sflag:s20] =	ssyncset.done $0x0  }
0x36: {  	[sflag:s20] =	ssyncadd.s32 $0xFFFFF800  }
0x37: {  	[tilespmem:s23], [sflag:$0x2] =	stream.linear.gather [hbm4b:s13+s5], $0x800, $0x38;
	[tilespmem:$0x10A10] =	vst v63  }
0x38: {  	_ =	swait.ge [sflag:s20], $0x800  }
0x39: {  	[sflag:s20] =	ssyncset.done $0x0  }
0x3a: {  	s12 =	rddreg [dreg:$0x4];
	[sflag:s20] =	ssyncadd.s32 $0xFFFFF800  }
0x3b: {  	[tilespmem:s5], [sflag:$0x2] =	stream.linear.gather [hbm4b:s12+s5], $0x10, $0x38;
	[tilespmem:$0x10A10] =	vst v63  }
0x3c: {  	_ =	swait.ge [sflag:s20], $0x10  }
0x3d: {  	[sflag:s20] =	ssyncset.done $0x0  }
0x3e: {  	[sflag:s20] =	ssyncadd.s32 $0xFFFFFFF0  }
0x3f: {  	[bflag:$0x0] =	sbarrier.arrive $0xFFFF  }
0x40: {  	v0 =	vld [tilespmem:$0x0];
	_ =	sdelay $0x4  }
0x41: {  	(v2sf) =	vpush v0, $0x0  }
0x42: {  	(v2sf) =	vpush v0, $0x2  }
0x43: {  	(v2sf) =	vpush v0, $0x1  }
0x44: {  	(v2sf) =	vpush v0, $0x3;
	_ =	sdelay $0xb  }
0x45: {  	s10 =	spop (v2sf)  }
0x46: {  	s1 =	spop (v2sf)  }
0x47: {  	s12 =	spop (v2sf)  }
0x48: {  	s11 =	spop (v2sf)  }
0x49: {  	s11 =	smov.u32 @p0 s12  }
0x4a: {  	p1 =	slt.s32 s11, $0x1  }
.Ltmp2:
0x4b: {  	_ = 	snop;
	(pc) =	sbr.rel @p1 .LBB2_6-.Ltmp2, $1  }
0x4c: {  	_ =	sdelay $0x3  }
0x4d: {  	p2 =	sne.s32 s11, $0x1  }
.Ltmp3:
0x4e: {  	_ = 	snop;
	(pc) =	sbr.rel @!p2 .LBB2_5-.Ltmp3, $4  }
0x4f: {  	s12 =	smul.u32 s11, s18  }
0x50: {  	s1 =	smov.u32 @p0 s10  }
0x51: {  	s10 =	sadd.s32 s12, s1  }
0x52: {  	p1 =	por $0x0, $0x0;
	s1 =	sadd.s32 $0xFFFFFFFF, s11;
	s11 =	sshrl.u32 s10, $0x3  }
0x53: {  	s12 =	sadd.s32 s7, s11  }
0x54: {  	[tilespmem:s26], [sflag:$0x2] =	stream.linear.gather [hbm4b:s12+s5], $0x80, $0x38;
	[tilespmem:$0x10A10] =	vst v63  }
0x55: {  	_ =	swait.ge [sflag:s20], $0x80  }
0x56: {  	[sflag:s20] =	ssyncset.done $0x0  }
0x57: {  	s12 =	sadd.s32 s8, s11;
	[sflag:s20] =	ssyncadd.s32 $0xFFFFFF80  }
0x58: {  	[tilespmem:s28], [sflag:$0x2] =	stream.linear.gather [hbm4b:s12+s5], $0x80, $0x38;
	[tilespmem:$0x10A10] =	vst v63  }
0x59: {  	_ =	swait.ge [sflag:s20], $0x80  }
0x5a: {  	[sflag:s20] =	ssyncset.done $0x0  }
0x5b: {  	[sflag:s20] =	ssyncadd.s32 $0xFFFFFF80  }
0x5c: {  	[tilespmem:s30], [sflag:$0x1] =	stream.indirect.gather [hbm4b:s6+s29], $0x80, s26, s29, $0xb8;
	[tilespmem:$0x10A10] =	vst v63  }
0x5d: {  	_ =	swait.ge [sflag:s31], $0x4000  }
0x5e: {  	[sflag:s31] =	ssyncset.done $0x0  }
0x5f: {  	[sflag:s31] =	ssyncadd.s32 $0xFFFFC000  }
0x60: {  	[spmem:s2] =	stream.indirect.scatter.add.f32 [tilespmem:s30], [sflag:$0x2], $0x80, s28, s29, $0xb8;
	[tilespmem:$0x10A10] =	vst v63  }
0x61: {  	p2 =	sne.s32 s1, $0x1;
	_ =	swait.ge [sflag:s20], $0x4000  }
.Ltmp4:
0x62: {  	[sflag:s20] =	ssyncset.done $0x0;
	(pc) =	sbr.rel @!p2 .LBB2_5-.Ltmp4, $4  }
0x63: {  	[sflag:s20] =	ssyncadd.s32 $0xFFFFC000  }
0x64: {  	[spmem:s4] =	stream.indirect.scatter.add.f32 [tilespmem:s22], [sflag:$0x2], $0x10, s28, s29, $0xb8;
	[tilespmem:$0x10A10] =	vst v63  }
0x65: {  	s1 =	sadd.s32 $0xFFFFFFFF, s1;
	s10 =	sadd.s32 $0x80, s10;
	_ =	swait.ge [sflag:s20], $0x800  }
0x66: {  	p1 =	por $0x1, $0x1;
	s11 =	sshrl.u32 s10, $0x3;
	[sflag:s20] =	ssyncset.done $0x0  }
.LBB2_4:
0x67: {  	p2 =	sne.s32 s1, $0x1;
	s12 =	sadd.s32 s7, s11;
	[sflag:s20] =	ssyncadd.s32 $0xFFFFF800  }
0x68: {  	[tilespmem:s26], [sflag:$0x2] =	stream.linear.gather [hbm4b:s12+s5], $0x80, $0x38;
	[tilespmem:$0x10A10] =	vst v63  }
0x69: {  	s1 =	sadd.s32 $0xFFFFFFFF, s1;
	_ =	swait.ge [sflag:s20], $0x80  }
0x6a: {  	[sflag:s20] =	ssyncset.done $0x0  }
0x6b: {  	s11 =	sadd.s32 s8, s11;
	[sflag:s20] =	ssyncadd.s32 $0xFFFFFF80  }
0x6c: {  	[tilespmem:s28], [sflag:$0x2] =	stream.linear.gather [hbm4b:s11+s5], $0x80, $0x38;
	[tilespmem:$0x10A10] =	vst v63  }
0x6d: {  	_ =	swait.ge [sflag:s20], $0x80  }
0x6e: {  	[sflag:s20] =	ssyncset.done $0x0  }
0x6f: {  	[sflag:s20] =	ssyncadd.s32 $0xFFFFFF80  }
0x70: {  	[tilespmem:s30], [sflag:$0x1] =	stream.indirect.gather [hbm4b:s6+s29], $0x80, s26, s29, $0xb8;
	[tilespmem:$0x10A10] =	vst v63  }
0x71: {  	_ =	swait.ge [sflag:s31], $0x4000  }
0x72: {  	[sflag:s31] =	ssyncset.done $0x0  }
0x73: {  	[sflag:s31] =	ssyncadd.s32 $0xFFFFC000  }
0x74: {  	[spmem:s2] =	stream.indirect.scatter.add.f32 [tilespmem:s30], [sflag:$0x2], $0x80, s28, s29, $0xb8;
	[tilespmem:$0x10A10] =	vst v63  }
0x75: {  	_ =	swait.ge [sflag:s20], $0x4000  }
.Ltmp5:
0x76: {  	[sflag:s20] =	ssyncset.done $0x0;
	(pc) =	sbr.rel @p2 .LBB2_4-.Ltmp5, $4  }
0x77: {  	[sflag:s20] =	ssyncadd.s32 $0xFFFFC000  }
0x78: {  	[spmem:s4] =	stream.indirect.scatter.add.f32 [tilespmem:s22], [sflag:$0x2], $0x10, s28, s29, $0xb8;
	[tilespmem:$0x10A10] =	vst v63  }
0x79: {  	s10 =	sadd.s32 $0x80, s10;
	_ =	swait.ge [sflag:s20], $0x800  }
0x7a: {  	s11 =	sshrl.u32 s10, $0x3;
	[sflag:s20] =	ssyncset.done $0x0  }
.LBB2_5:
0x7b: {  	s1 =	sadd.s32 s7, s11;
	[sflag:s20] =	ssyncadd.s32 @p1 $0xFFFFF800  }
0x7c: {  	[tilespmem:s26], [sflag:$0x2] =	stream.linear.gather [hbm4b:s1+s5], $0x80, $0x38;
	[tilespmem:$0x10A10] =	vst v63  }
0x7d: {  	_ =	swait.ge [sflag:s20], $0x80  }
0x7e: {  	[sflag:s20] =	ssyncset.done $0x0  }
0x7f: {  	s12 =	sadd.s32 s8, s11;
	[sflag:s20] =	ssyncadd.s32 $0xFFFFFF80  }
0x80: {  	[tilespmem:s28], [sflag:$0x2] =	stream.linear.gather [hbm4b:s12+s5], $0x80, $0x38;
	[tilespmem:$0x10A10] =	vst v63  }
0x81: {  	_ =	swait.ge [sflag:s20], $0x80  }
0x82: {  	[sflag:s20] =	ssyncset.done $0x0  }
0x83: {  	[sflag:s20] =	ssyncadd.s32 $0xFFFFFF80  }
0x84: {  	[tilespmem:s30], [sflag:$0x1] =	stream.indirect.gather [hbm4b:s6+s29], $0x80, s26, s29, $0xb8;
	[tilespmem:$0x10A10] =	vst v63  }
0x85: {  	_ =	swait.ge [sflag:s31], $0x4000  }
0x86: {  	[sflag:s31] =	ssyncset.done $0x0  }
0x87: {  	[sflag:s31] =	ssyncadd.s32 $0xFFFFC000  }
0x88: {  	[spmem:s2] =	stream.indirect.scatter.add.f32 [tilespmem:s30], [sflag:$0x2], $0x80, s28, s29, $0xb8;
	[tilespmem:$0x10A10] =	vst v63  }
0x89: {  	_ =	swait.ge [sflag:s20], $0x4000  }
0x8a: {  	[sflag:s20] =	ssyncset.done $0x0  }
0x8b: {  	[sflag:s20] =	ssyncadd.s32 $0xFFFFC000  }
0x8c: {  	[spmem:s4] =	stream.indirect.scatter.add.f32 [tilespmem:s22], [sflag:$0x2], $0x10, s28, s29, $0xb8;
	[tilespmem:$0x10A10] =	vst v63  }
0x8d: {  	_ =	swait.ge [sflag:s20], $0x800  }
0x8e: {  	[sflag:s20] =	ssyncset.done $0x0  }
0x8f: {  	[sflag:s20] =	ssyncadd.s32 $0xFFFFF800  }
.LBB2_6:
0x90: {  	(v2sf) =	vpush v0, $0x4  }
0x91: {  	(v2sf) =	vpush v0, $0x6  }
0x92: {  	(v2sf) =	vpush v0, $0x5  }
0x93: {  	(v2sf) =	vpush v0, $0x7;
	_ =	sdelay $0xb  }
0x94: {  	s10 =	spop (v2sf)  }
0x95: {  	s1 =	spop (v2sf)  }
0x96: {  	s12 =	spop (v2sf)  }
0x97: {  	s11 =	spop (v2sf)  }
0x98: {  	s11 =	smov.u32 @p0 s12  }
0x99: {  	p1 =	slt.s32 s11, $0x1  }
.Ltmp6:
0x9a: {  	_ = 	snop;
	(pc) =	sbr.rel @p1 .LBB2_11-.Ltmp6, $1  }
0x9b: {  	_ =	sdelay $0x3  }
0x9c: {  	p2 =	sne.s32 s11, $0x1  }
.Ltmp7:
0x9d: {  	_ = 	snop;
	(pc) =	sbr.rel @!p2 .LBB2_10-.Ltmp7, $4  }
0x9e: {  	s12 =	smul.u32 s11, s18  }
0x9f: {  	s1 =	smov.u32 @p0 s10  }
0xa0: {  	s10 =	sadd.s32 s12, s1  }
0xa1: {  	p1 =	por $0x0, $0x0;
	s1 =	sadd.s32 $0xFFFFFFFF, s11;
	s11 =	sshrl.u32 s10, $0x3  }
0xa2: {  	s11 =	sadd.s32 s9, s11  }
0xa3: {  	[tilespmem:s0], [sflag:$0x2] =	stream.linear.gather [hbm4b:s11+s5], $0x80, $0x38;
	[tilespmem:$0x10A10] =	vst v63  }
0xa4: {  	p2 =	sne.s32 s1, $0x1;
	_ =	swait.ge [sflag:s20], $0x80  }
.Ltmp8:
0xa5: {  	[sflag:s20] =	ssyncset.done $0x0;
	(pc) =	sbr.rel @!p2 .LBB2_10-.Ltmp8, $4  }
0xa6: {  	[sflag:s20] =	ssyncadd.s32 $0xFFFFFF80  }
0xa7: {  	[spmem:s4] =	stream.indirect.scatter.add.f32 [tilespmem:s23], [sflag:$0x2], $0x10, s0, s29, $0xb8;
	[tilespmem:$0x10A10] =	vst v63  }
0xa8: {  	s1 =	sadd.s32 $0xFFFFFFFF, s1;
	s10 =	sadd.s32 $0x80, s10;
	_ =	swait.ge [sflag:s20], $0x800  }
0xa9: {  	p1 =	por $0x1, $0x1;
	s11 =	sshrl.u32 s10, $0x3;
	[sflag:s20] =	ssyncset.done $0x0  }
.LBB2_9:
0xaa: {  	p2 =	sne.s32 s1, $0x1;
	s11 =	sadd.s32 s9, s11;
	[sflag:s20] =	ssyncadd.s32 $0xFFFFF800  }
0xab: {  	[tilespmem:s0], [sflag:$0x2] =	stream.linear.gather [hbm4b:s11+s5], $0x80, $0x38;
	[tilespmem:$0x10A10] =	vst v63  }
0xac: {  	s1 =	sadd.s32 $0xFFFFFFFF, s1;
	_ =	swait.ge [sflag:s20], $0x80  }
.Ltmp9:
0xad: {  	[sflag:s20] =	ssyncset.done $0x0;
	(pc) =	sbr.rel @p2 .LBB2_9-.Ltmp9, $4  }
0xae: {  	[sflag:s20] =	ssyncadd.s32 $0xFFFFFF80  }
0xaf: {  	[spmem:s4] =	stream.indirect.scatter.add.f32 [tilespmem:s23], [sflag:$0x2], $0x10, s0, s29, $0xb8;
	[tilespmem:$0x10A10] =	vst v63  }
0xb0: {  	s10 =	sadd.s32 $0x80, s10;
	_ =	swait.ge [sflag:s20], $0x800  }
0xb1: {  	s11 =	sshrl.u32 s10, $0x3;
	[sflag:s20] =	ssyncset.done $0x0  }
.Ltmp10:
0xb2: {  	_ = 	snop;
	(pc) =	sbr.rel .LBB2_10-.Ltmp10, $1  }
0xb3: {  	_ =	sdelay $0x3  }
.LBB2_12:
0xb4: {  	_ =	sfence.sel $0x180000  }
0xb5: {  	[bflag:$0x0] =	sbarrier.arrive $0xFFFF  }
0xb6: {  	_ =	strace $0x90000056  }
0xb7: {  	s0 =	stileid.u32;
	[bflag:$0x2] =	sbarrier.arrive $0xFFFF  }
0xb8: {  	p0 =	sne.s32 s0, $0x0;
	s0 =	rddreg [dreg:$0x3]  }
0xb9: {  	s0 =	sadd.s32 @!p0 $0x100000, s0  }
0xba: {  	[sflag:s0] =	ssyncadd.tile.s32 @!p0 $0x1;
	_ =	shalt  }
.Lfunc_end2:
_tile_overlayer_lowered:
.L_overlay_start_2:
0xbb: {  	(tag) =	ssettag $0x2  }
0xbc: {  	s0 =	rddreg [dreg:$0x0];
	s2 =	stileid.u32  }
0xbd: {  	s1 =	rddreg [dreg:$0x1];
	p0 =	sne.s32 s2, $0x0  }
0xbe: {  	s3 =	rddreg [dreg:$0x2];
	[bflag:$0x3] =	sbarrier.arrive $0xFFFF;
	s2 =	simm.s32 @!p0 $0x1C02  }
0xbf: {  	[timem:s3], [sflag:s2] =	dma.local @!p0 [hbm:s0], s1  }
0xc0: {  	s0 =	simm.s32 @!p0 $0x2  }
0xc1: {  	_ =	swait.ge @!p0 [sflag:s0], s1  }
0xc2: {  	s1 =	ssub.s32 @!p0 $0x0, s1;
	[sflag:s0] =	ssyncset.done @!p0 $0x0  }
0xc3: {  	[sflag:s0] =	ssyncadd.s32 @!p0 s1  }
0xc4: {  	[bflag:$0x3] =	sbarrier.arrive $0xFFFF  }
0xc5: {  	_ =	shalt  }

// kernel: kernel.38.cloned.1.call-start
scs
__scs_entry_jumppad:
0x0: {  	(pc) =	sbr.rel $0x88, $3  }
0x1: {  	(tag) =	ssettag $0x0;
	lr =	simm.s32 $0x1  }
0x2: {  	[smem:$0x3F94] =	sst lr;
	_ =	strace $0xD0000000  }
0x3: {  	_ = 	snop  }
0x4: {  	_ = 	snop  }
0x5: {  	_ = 	snop  }
0x6: {  	_ = 	snop  }
0x7: {  	_ = 	snop  }
__scs_overlays_trampoline_lowered:
0x8: {  	[smem:$0x3FA3] =	sst s0  }
0x9: {  	[smem:$0x3FA4] =	sst s1  }
0xa: {  	[smem:$0x3FA5] =	sst s2  }
0xb: {  	[smem:$0x3FA6] =	sst s3  }
0xc: {  	[smem:$0x3FA7] =	sst s4  }
0xd: {  	[smem:$0x3FA8] =	sst s5  }
0xe: {  	[smem:$0x3FA9] =	sst s6  }
0xf: {  	[smem:$0x3FAA] =	sst s7  }
0x10: {  	[smem:$0x3FAB] =	sst s8  }
0x11: {  	[smem:$0x3FAC] =	sst s9;
	s0 =	simm.s32 @!p0 $0x0  }
0x12: {  	s1 =	sld [smem:$0x3F92];
	s0 =	simm.s32 @p0 $0x1  }
0x13: {  	[smem:$0x3FAD] =	sst s0;
	s0 =	simm.s32 @!p1 $0x0  }
0x14: {  	s2 =	sld [smem:$0x3F91];
	s0 =	simm.s32 @p1 $0x1  }
0x15: {  	[smem:$0x3FAE] =	sst s0;
	s0 =	simm.s32 @!p2 $0x0  }
0x16: {  	s3 =	sld [smem:$0x3FDB];
	s0 =	simm.s32 @p2 $0x1  }
0x17: {  	s4 =	simm.s32 $0x1BF5;
	[smem:$0x3FB0] =	sst s0  }
0x18: {  	s0 =	sld [smem:$0x3F93];
	_ =	swait.ge [sflag:s4], $0x0  }
0x19: {  	s7 =	sld [smem:$0x3F94]  }
0x1a: {  	s8 =	sadd.s32 $0xFFFFE003, lr  }
0x1b: {  	s9 =	sadd.s32 $0xFFFFFEF7, lr;
	s5 =	simm.s32 $0xFFFFFFFF;
	p2 =	slt.u32 s8, $0xFFFFF086  }
0x1c: {  	p1 =	slt.u32 s9, $0xF7A;
	s5 =	simm.s32 @!p2 $0x0  }
0x1d: {  	s5 =	simm.s32 @p1 $0x1;
	p0 =	seq.s32 s7, s2  }
0x1e: {  	s7 =	smul.u32 @!p0 $0xF7A, s2;
	p2 =	seq.s32 @!p0 s5, $0x0  }
0x1f: {  	s9 =	smul.u32 $0xF7A, s1;
	s8 =	simm.s32 @!p0 $0x1BF5;
	p2 =	por !p2, p0  }
0x20: {  	[sflag:s8] =	ssyncset.s32 @!p0 $0xFFFFF086;
	s6 =	sadd.s32 @!p0 s3, s7;
	s7 =	simm.s32 @!p0 $0x108  }
0x21: {  	s3 =	sadd.s32 s3, s9;
	s6 =	sadd.s32 @!p0 $0x88, s6;
	s7 =	simm.s32 @p2 $0x1082  }
0x22: {  	[simem:s7], [sflag:s8] =	dma.local @!p0 [hbm:s6], $0xF7A  }
0x23: {  	s9 =	sor.u32 $0xD0000000, s2;
	s6 =	simm.s32 $0x108;
	_ =	swait.ge @!p0 [sflag:s8], $0x0  }
0x24: {  	s3 =	sadd.s32 $0x88, s3;
	s6 =	simm.s32 @!p1 $0x1082;
	[sflag:s4] =	ssyncset.s32 $0xFFFFF086  }
0x25: {  	[simem:s6], [sflag:s4] =	dma.local [hbm:s3], $0xF7A  }
0x26: {  	[smem:$0x3F94] =	sst s1;
	(tag) =	ssettag s2;
	_ =	strace s9  }
0x27: {  	s1 =	sld [smem:$0x3FA4]  }
0x28: {  	s2 =	sld [smem:$0x3FA5]  }
0x29: {  	s4 =	sld [smem:$0x3FA7]  }
0x2a: {  	p0 =	seq.s32 s5, $0x0;
	s5 =	sld [smem:$0x3FA8]  }
0x2b: {  	s6 =	sld [smem:$0x3FA9]  }
0x2c: {  	s7 =	sld [smem:$0x3FAA]  }
0x2d: {  	s3 =	simm.s32 $0x108;
	s8 =	sld [smem:$0x3FAB]  }
0x2e: {  	s3 =	simm.s32 @!p0 $0x1082;
	s9 =	sld [smem:$0x3FAC]  }
0x2f: {  	lr =	sadd.s32 s0, s3;
	s0 =	sld [smem:$0x3FA3]  }
0x30: {  	s3 =	sld [smem:$0x3FA6]  }
0x31: {  	[smem:$0x3FAF] =	sst s10  }
0x32: {  	s10 =	sld [smem:$0x3FAD];
	_ =	sdelay $0x3  }
0x33: {  	p0 =	seq.s32 s10, $0x1;
	s10 =	sld [smem:$0x3FAF];
	_ =	sdelay $0x3  }
0x34: {  	[smem:$0x3FAF] =	sst s10  }
0x35: {  	s10 =	sld [smem:$0x3FAE];
	_ =	sdelay $0x3  }
0x36: {  	p1 =	seq.s32 s10, $0x1;
	s10 =	sld [smem:$0x3FAF];
	_ =	sdelay $0x3  }
0x37: {  	[smem:$0x3FAF] =	sst s10  }
0x38: {  	s10 =	sld [smem:$0x3FB0]  }
0x39: {  	_ = 	snop;
	(pc) =	sbr.ind lr, $3  }
0x3a: {  	_ = 	snop  }
0x3b: {  	_ = 	snop  }
0x3c: {  	p2 =	seq.s32 s10, $0x1;
	s10 =	sld [smem:$0x3FAF]  }
0x3d: {  	_ =	shalt  }
0x3e: {  	_ =	shalt  }
0x3f: {  	_ =	shalt  }
0x40: {  	_ =	shalt  }
0x41: {  	_ =	shalt  }
0x42: {  	_ =	shalt  }
0x43: {  	_ =	shalt  }
0x44: {  	_ =	shalt  }
0x45: {  	_ =	shalt  }
0x46: {  	_ =	shalt  }
0x47: {  	_ =	shalt  }
0x48: {  	_ =	shalt  }
0x49: {  	_ =	shalt  }
0x4a: {  	_ =	shalt  }
0x4b: {  	_ =	shalt  }
0x4c: {  	_ =	shalt  }
0x4d: {  	_ =	shalt  }
0x4e: {  	_ =	shalt  }
0x4f: {  	_ =	shalt  }
0x50: {  	_ =	shalt  }
0x51: {  	_ =	shalt  }
0x52: {  	_ =	shalt  }
0x53: {  	_ =	shalt  }
0x54: {  	_ =	shalt  }
0x55: {  	_ =	shalt  }
0x56: {  	_ =	shalt  }
0x57: {  	_ =	shalt  }
0x58: {  	_ =	shalt  }
0x59: {  	_ =	shalt  }
0x5a: {  	_ =	shalt  }
0x5b: {  	_ =	shalt  }
0x5c: {  	_ =	shalt  }
0x5d: {  	_ =	shalt  }
0x5e: {  	_ =	shalt  }
0x5f: {  	_ =	shalt  }
0x60: {  	_ =	shalt  }
0x61: {  	_ =	shalt  }
0x62: {  	_ =	shalt  }
0x63: {  	_ =	shalt  }
0x64: {  	_ =	shalt  }
0x65: {  	_ =	shalt  }
0x66: {  	_ =	shalt  }
0x67: {  	_ =	shalt  }
0x68: {  	_ =	shalt  }
0x69: {  	_ =	shalt  }
0x6a: {  	_ =	shalt  }
0x6b: {  	_ =	shalt  }
0x6c: {  	_ =	shalt  }
0x6d: {  	_ =	shalt  }
0x6e: {  	_ =	shalt  }
0x6f: {  	_ =	shalt  }
0x70: {  	_ =	shalt  }
0x71: {  	_ =	shalt  }
0x72: {  	_ =	shalt  }
0x73: {  	_ =	shalt  }
0x74: {  	_ =	shalt  }
0x75: {  	_ =	shalt  }
0x76: {  	_ =	shalt  }
0x77: {  	_ =	shalt  }
0x78: {  	_ =	shalt  }
0x79: {  	_ =	shalt  }
0x7a: {  	_ =	shalt  }
0x7b: {  	_ =	shalt  }
0x7c: {  	_ =	shalt  }
0x7d: {  	_ =	shalt  }
0x7e: {  	_ =	shalt  }
0x7f: {  	_ =	shalt  }
0x80: {  	_ =	shalt  }
0x81: {  	_ =	shalt  }
0x82: {  	_ =	shalt  }
0x83: {  	_ =	shalt  }
0x84: {  	_ =	shalt  }
0x85: {  	_ =	shalt  }
0x86: {  	_ =	shalt  }
0x87: {  	_ =	shalt  }
.Lfunc_end0:
.L_simem_size_0:
called_computation.6_lowered:
.L_overlay_start_0:
0x88: {  	s2 =	sld [smem:$0x3FD9]  }
0x89: {  	s3 =	sld [smem:$0x3FFE];
	_ =	sdelay $0x1  }
0x8a: {  	s1 =	srdreg.scid  }
0x8b: {  	s0 =	sand.u32 $0x1, s1  }
0x8c: {  	s16 =	sshll.u32 s0, $0xA;
	s2 =	sadd.s32 s3, s2  }
0x8d: {  	s2 =	sadd.s32 s2, s16  }
0x8e: {  	[smem:$0x3FBB] =	sst s2  }
0x8f: {  	_ = 	snop  }
0x90: {  	(tm) =	ssettm $0x1  }
0x91: {  	s17 =	sld [smem:$0x3FFB];
	_ =	sdelay $0x3  }
0x92: {  	_ =	strace s17  }
0x93: {  	s2 =	sld [smem:$0x3FFC];
	_ =	sdelay $0x3  }
0x94: {  	_ =	strace s2  }
0x95: {  	s2 =	sld [smem:$0x3FFD];
	_ =	sdelay $0x3  }
0x96: {  	_ =	strace s2  }
0x97: {  	_ =	strace $0x8FFFFFFF  }
0x98: {  	s18 =	sld [smem:$0x3FDB];
	_ =	sdelay $0x1  }
0x99: {  	s19 =	simm.s32 $_scs_section_size  }
0x9a: {  	s4 =	simm.s32 $_size__tile_overlayer_lowered;
	s5 =	simm.s32 $_tile_overlayer_lowered  }
0x9b: {  	s22 =	simm.s32 $0x1BFF;
	s21 =	sshll.u32 s5, $0x1;
	s2 =	sadd.s32 s19, s18  }
0x9c: {  	s6 =	simm.s32 $0x0;
	s20 =	sshll.u32 s4, $0x1;
	s4 =	sadd.s32 s21, s2  }
0x9d: {  	[timem:s6], [sflag:s22] =	dma.local [hbm:s4], s20  }
0x9e: {  	_ =	swait.ge [sflag:s22], s20  }
0x9f: {  	s3 =	ssub.s32 $0x0, s20;
	[sflag:s22] =	ssyncset.done $0x0  }
0xa0: {  	[sflag:s22] =	ssyncadd.s32 s3;
	_ =	sdelay $0x1  }
0xa1: {  	s23 =	simm.s32 $0x1B8B  }
0xa2: {  	_ =	swait.ge [sflag:s23], $0x1  }
0xa3: {  	[sflag:s23] =	ssyncset.done $0x0  }
0xa4: {  	s25 =	simm.s32 $0x1B8E;
	s24 =	sld [smem:$0x3FFE];
	[sflag:s23] =	ssyncadd.s32 $0xFFFFFFFF  }
0xa5: {  	s26 =	simm.s32 $execute0_lowered;
	[smem:$0x3FD2] =	sst s25  }
0xa6: {  	s4 =	sshll.u32 s26, $0x1;
	_ =	strace $0x80000058;
	[dreg:$0x1] =	wrdreg $0xFFFFFFFF  }
0xa7: {  	s28 =	simm.s32 $_size_execute0_lowered;
	s2 =	sadd.s32 s2, s4;
	[dreg:$0x0] =	wrdreg $0x0  }
0xa8: {  	s4 =	sshll.u32 s28, $0x1;
	[dreg:$0x2] =	wrdreg s2  }
0xa9: {  	[dreg:$0x3] =	wrdreg s4  }
0xaa: {  	[dreg:$0x4] =	wrdreg $0xC0  }
0xab: {  	_ =	task [dreg:s6], $0x5FFFF  }
0xac: {  	[dreg:$0x1] =	wrdreg $0xFFFFFFFF  }
0xad: {  	[dreg:$0x0] =	wrdreg $0x60  }
0xae: {  	[dreg:$0x2] =	wrdreg s24  }
0xaf: {  	[dreg:$0x3] =	wrdreg $0x41100  }
0xb0: {  	[dreg:$0x4] =	wrdreg $0x9  }
0xb1: {  	_ =	task.clear_ibuf [dreg:s6], $0x5FFFF;
	_ =	strace $0x90000058  }
0xb2: {  	s29 =	simm.s32 $0x9;
	_ =	strace $0x8000005A  }
0xb3: {  	_ =	swait.ge [sflag:s29], $0x1  }
0xb4: {  	[sflag:s29] =	ssyncadd.s32 $0xFFFFFFFF  }
0xb5: {  	_ =	strace $0x9000005A  }
0xb6: {  	_ =	sfence  }
0xb7: {  	s30 =	sld [smem:$0x0];
	_ =	sdelay $0x2  }
0xb8: {  	s31 =	sshll.u32 s1, $0xD;
	s1 =	sshrl.u32 s1, $0x2  }
0xb9: {  	s3 =	sand.u32 $0x4000, s31;
	s1 =	sadd.s32 s1, s30  }
0xba: {  	s0 =	sor.u32 s3, s0;
	s1 =	sshll.u32 s1, $0x11  }
0xbb: {  	s0 =	sor.u32 s1, s0  }
0xbc: {  	s0 =	sadd.s32 $0x8F2B, s0  }
0xbd: {  	[sflag:s0] =	ssyncadd.remote.s32 $0x1  }
0xbe: {  	_ =	sfence.sel $0xFFFF  }
0xbf: {  	[dreg:$0x0] =	wrdreg $0xFFFFFFFF;
	(pc) =	sbr.abs _section_cstart, $3  }
0xc0: {  	[dreg:$0x1] =	wrdreg $0xFFFFFFFF  }
0xc1: {  	_ =	task.clear_ibuf [dreg:s6], $0x2FFFF;
	_ =	strace $0x9FFFFFFF  }
0xc2: {  	(tm) =	ssettm $0x7FFFFFFF  }
0xc3: {  	_ =	shalt  }
tec
execute0_lowered:
.L_overlay_start_1:
0x0: {  	(tag) =	ssettag $0x1  }
0x1: {  	s1 =	rddreg [dreg:$0x0]  }
0x2: {  	s2 =	rddreg [dreg:$0x1]  }
0x3: {  	s0 =	rddreg [dreg:$0x2]  }
0x4: {  	s3 =	simm.s32 $0x0;
	s4 =	srdreg.scid;
	s17 =	simm.s32 $0x80  }
0x5: {  	s18 =	simm.s32 $0x110;
	s19 =	simm.s32 $0x1;
	s21 =	simm.s32 $0x0  }
0x6: {  	[smem:$0x7FF] =	sst s3;
	s13 =	sand.u32 $0x1, s4;
	s5 =	sadd.s32 $0x52C00, s1  }
0x7: {  	s4 =	stileid.u32;
	s6 =	sadd.s32 $0x3D400, s1;
	s9 =	smul.u32 $0x14000, s13  }
0x8: {  	s7 =	sadd.s32 $0x47A00, s1;
	s8 =	sadd.s32 $0x52800, s1;
	s10 =	smul.u32 $0x1400, s4  }
0x9: {  	_ =	strace $0x80000059;
	s11 =	ssub.s32 $0x2, s13;
	s12 =	smul.u32 $0x29000, s4  }
0xa: {  	s14 =	smul.u32 $0x28000, s4;
	s30 =	sshll.u32 s4, $0x6;
	s28 =	sshrl.u32 s11, $0x1  }
0xb: {  	p0 =	seq.s32 s13, $0x0;
	s9 =	sadd.s32 s10, s9;
	s11 =	ssub.s32 s11, s28  }
.Ltmp0:
0xc: {  	s29 =	sshrl.u32 s12, $0x2;
	s31 =	sshrl.u32 s14, $0x2;
	(pc) =	sbr.rel .LBB2_1-.Ltmp0, $4  }
0xd: {  	s12 =	sshll.u32 s4, $0x7;
	s14 =	simm.s32 $0x2;
	s15 =	sadd.s32 s9, s1  }
0xe: {  	s16 =	sadd.s32 s29, s2;
	s9 =	sor.u32 $0x1C02, s30;
	s20 =	sadd.s32 s31, s2  }
0xf: {  	s11 =	smax.u32 s11, $0x1;
	s10 =	sadd.s32 $0x1A00, s15;
	s13 =	sshrl.u32 s16, $0x3  }
0x10: {  	s15 =	simm.s32 $0x10;
	s16 =	simm.s32 $0x90;
	s20 =	sshrl.u32 s20, $0x3  }
.LBB2_5:
0x11: {  	s22 =	sadd.s32 s6, s24;
	[sflag:s14] =	ssyncadd.s32 @p1 $0xFFFFC000  }
0x12: {  	[tilespmem:s15], [sflag:$0x2] =	stream.linear.gather [hbm4b:s22+s3], $0x80, $0x38;
	[tilespmem:$0xE510] =	vst v63  }
0x13: {  	_ =	swait.ge [sflag:s14], $0x80  }
0x14: {  	[sflag:s14] =	ssyncset.done $0x0  }
0x15: {  	s31 =	sadd.s32 s7, s24;
	[sflag:s14] =	ssyncadd.s32 $0xFFFFFF80  }
0x16: {  	[tilespmem:s16], [sflag:$0x2] =	stream.linear.gather [hbm4b:s31+s3], $0x80, $0x38;
	[tilespmem:$0xE510] =	vst v63  }
0x17: {  	_ =	swait.ge [sflag:s14], $0x80  }
0x18: {  	[sflag:s14] =	ssyncset.done $0x0  }
0x19: {  	[sflag:s14] =	ssyncadd.s32 $0xFFFFFF80  }
0x1a: {  	[tilespmem:s18], [sflag:$0x1] =	stream.indirect.gather [hbm4b:s5+s17], $0x80, s15, s17, $0xb8;
	[tilespmem:$0xE510] =	vst v63  }
0x1b: {  	_ =	swait.ge [sflag:s19], $0x4000  }
0x1c: {  	[sflag:s19] =	ssyncset.done $0x0  }
0x1d: {  	[sflag:s19] =	ssyncadd.s32 $0xFFFFC000  }
0x1e: {  	[spmem:s2] =	stream.indirect.scatter.add.f32 [tilespmem:s18], [sflag:$0x2], $0x80, s16, s17, $0xb8;
	[tilespmem:$0xE510] =	vst v63  }
0x1f: {  	_ =	swait.ge [sflag:s14], $0x4000  }
0x20: {  	[sflag:s14] =	ssyncset.done $0x0  }
0x21: {  	[sflag:s14] =	ssyncadd.s32 $0xFFFFC000  }
.LBB2_6:
0x22: {  	s21 =	sadd.s32 $0x1, s21  }
0x23: {  	p1 =	sne.s32 s21, s11  }
.Ltmp1:
0x24: {  	[bflag:$0x0] =	sbarrier.arrive $0xFFFF;
	(pc) =	sbr.rel @!p1 .LBB2_7-.Ltmp1, $4  }
0x25: {  	[hbm:s10], [sflag:s9] =	dma.local [spmem:s20], $0x1400  }
0x26: {  	_ =	swait.ge [sflag:s14], $0x1400  }
0x27: {  	[sflag:s14] =	ssyncset.done $0x0  }
0x28: {  	[sflag:s14] =	ssyncadd.s32 $0xFFFFEC00  }
.LBB2_1:
0x29: {  	[spmem:s13], [sflag:s9] =	dma.local [hbm:s1], $0x1480  }
0x2a: {  	_ =	swait.ge [sflag:s14], $0x1480  }
0x2b: {  	[sflag:s14] =	ssyncset.done $0x0  }
0x2c: {  	[sflag:s14] =	ssyncadd.s32 $0xFFFFEB80  }
0x2d: {  	[tilespmem:s3], [sflag:$0x2] =	stream.linear.gather [hbm4b:s8+s3], $0x10, $0x38;
	[tilespmem:$0xE510] =	vst v63  }
0x2e: {  	_ =	swait.ge [sflag:s14], $0x10  }
0x2f: {  	[sflag:s14] =	ssyncset.done $0x0  }
0x30: {  	[sflag:s14] =	ssyncadd.s32 $0xFFFFFFF0  }
0x31: {  	[bflag:$0x0] =	sbarrier.arrive $0xFFFF  }
0x32: {  	v0 =	vld [tilespmem:$0x0];
	_ =	sdelay $0x4  }
0x33: {  	(v2sf) =	vpush v0, $0x0  }
0x34: {  	(v2sf) =	vpush v0, $0x2  }
0x35: {  	(v2sf) =	vpush v0, $0x1  }
0x36: {  	(v2sf) =	vpush v0, $0x3;
	_ =	sdelay $0xb  }
0x37: {  	s23 =	spop (v2sf)  }
0x38: {  	s22 =	spop (v2sf)  }
0x39: {  	s25 =	spop (v2sf)  }
0x3a: {  	s24 =	spop (v2sf)  }
0x3b: {  	s24 =	smov.u32 @p0 s25  }
0x3c: {  	p1 =	slt.s32 s24, $0x1  }
.Ltmp2:
0x3d: {  	_ = 	snop;
	(pc) =	sbr.rel @p1 .LBB2_6-.Ltmp2, $1  }
0x3e: {  	_ =	sdelay $0x3  }
0x3f: {  	p2 =	sne.s32 s24, $0x1  }
.Ltmp3:
0x40: {  	_ = 	snop;
	(pc) =	sbr.rel @!p2 .LBB2_5-.Ltmp3, $4  }
0x41: {  	s25 =	smul.u32 s24, s12  }
0x42: {  	s22 =	smov.u32 @p0 s23  }
0x43: {  	s23 =	sadd.s32 s25, s22  }
0x44: {  	p1 =	por $0x0, $0x0;
	s22 =	sadd.s32 $0xFFFFFFFF, s24;
	s24 =	sshrl.u32 s23, $0x3  }
0x45: {  	s25 =	sadd.s32 s6, s24  }
0x46: {  	[tilespmem:s15], [sflag:$0x2] =	stream.linear.gather [hbm4b:s25+s3], $0x80, $0x38;
	[tilespmem:$0xE510] =	vst v63  }
0x47: {  	_ =	swait.ge [sflag:s14], $0x80  }
0x48: {  	[sflag:s14] =	ssyncset.done $0x0  }
0x49: {  	s31 =	sadd.s32 s7, s24;
	[sflag:s14] =	ssyncadd.s32 $0xFFFFFF80  }
0x4a: {  	[tilespmem:s16], [sflag:$0x2] =	stream.linear.gather [hbm4b:s31+s3], $0x80, $0x38;
	[tilespmem:$0xE510] =	vst v63  }
0x4b: {  	_ =	swait.ge [sflag:s14], $0x80  }
0x4c: {  	[sflag:s14] =	ssyncset.done $0x0  }
0x4d: {  	[sflag:s14] =	ssyncadd.s32 $0xFFFFFF80  }
0x4e: {  	[tilespmem:s18], [sflag:$0x1] =	stream.indirect.gather [hbm4b:s5+s17], $0x80, s15, s17, $0xb8;
	[tilespmem:$0xE510] =	vst v63  }
0x4f: {  	p2 =	sne.s32 s22, $0x1;
	_ =	swait.ge [sflag:s19], $0x4000  }
.Ltmp4:
0x50: {  	[sflag:s19] =	ssyncset.done $0x0;
	(pc) =	sbr.rel @!p2 .LBB2_5-.Ltmp4, $4  }
0x51: {  	[sflag:s19] =	ssyncadd.s32 $0xFFFFC000  }
0x52: {  	[spmem:s2] =	stream.indirect.scatter.add.f32 [tilespmem:s18], [sflag:$0x2], $0x80, s16, s17, $0xb8;
	[tilespmem:$0xE510] =	vst v63  }
0x53: {  	s22 =	sadd.s32 $0xFFFFFFFF, s22;
	s23 =	sadd.s32 $0x80, s23;
	_ =	swait.ge [sflag:s14], $0x4000  }
0x54: {  	p1 =	por $0x1, $0x1;
	s24 =	sshrl.u32 s23, $0x3;
	[sflag:s14] =	ssyncset.done $0x0  }
.LBB2_4:
0x55: {  	p2 =	sne.s32 s22, $0x1;
	s25 =	sadd.s32 s6, s24;
	[sflag:s14] =	ssyncadd.s32 $0xFFFFC000  }
0x56: {  	[tilespmem:s15], [sflag:$0x2] =	stream.linear.gather [hbm4b:s25+s3], $0x80, $0x38;
	[tilespmem:$0xE510] =	vst v63  }
0x57: {  	s22 =	sadd.s32 $0xFFFFFFFF, s22;
	_ =	swait.ge [sflag:s14], $0x80  }
0x58: {  	[sflag:s14] =	ssyncset.done $0x0  }
0x59: {  	s24 =	sadd.s32 s7, s24;
	[sflag:s14] =	ssyncadd.s32 $0xFFFFFF80  }
0x5a: {  	[tilespmem:s16], [sflag:$0x2] =	stream.linear.gather [hbm4b:s24+s3], $0x80, $0x38;
	[tilespmem:$0xE510] =	vst v63  }
0x5b: {  	_ =	swait.ge [sflag:s14], $0x80  }
0x5c: {  	[sflag:s14] =	ssyncset.done $0x0  }
0x5d: {  	[sflag:s14] =	ssyncadd.s32 $0xFFFFFF80  }
0x5e: {  	[tilespmem:s18], [sflag:$0x1] =	stream.indirect.gather [hbm4b:s5+s17], $0x80, s15, s17, $0xb8;
	[tilespmem:$0xE510] =	vst v63  }
0x5f: {  	_ =	swait.ge [sflag:s19], $0x4000  }
.Ltmp5:
0x60: {  	[sflag:s19] =	ssyncset.done $0x0;
	(pc) =	sbr.rel @p2 .LBB2_4-.Ltmp5, $4  }
0x61: {  	[sflag:s19] =	ssyncadd.s32 $0xFFFFC000  }
0x62: {  	[spmem:s2] =	stream.indirect.scatter.add.f32 [tilespmem:s18], [sflag:$0x2], $0x80, s16, s17, $0xb8;
	[tilespmem:$0xE510] =	vst v63  }
0x63: {  	s23 =	sadd.s32 $0x80, s23;
	_ =	swait.ge [sflag:s14], $0x4000  }
0x64: {  	s24 =	sshrl.u32 s23, $0x3;
	[sflag:s14] =	ssyncset.done $0x0  }
.Ltmp6:
0x65: {  	_ = 	snop;
	(pc) =	sbr.rel .LBB2_5-.Ltmp6, $1  }
0x66: {  	_ =	sdelay $0x3  }
.LBB2_7:
0x67: {  	_ =	sfence.sel $0x180000  }
0x68: {  	[bflag:$0x0] =	sbarrier.arrive $0xFFFF  }
0x69: {  	p0 =	sne.s32 s4, $0x0;
	_ =	strace $0x90000059  }
0x6a: {  	s0 =	sadd.s32 @!p0 $0x100000, s0;
	[bflag:$0x2] =	sbarrier.arrive $0xFFFF  }
0x6b: {  	[sflag:s0] =	ssyncadd.tile.s32 @!p0 $0x1;
	_ =	shalt  }
.Lfunc_end2:
_tile_overlayer_lowered:
.L_overlay_start_2:
0x6c: {  	(tag) =	ssettag $0x2  }
0x6d: {  	s0 =	rddreg [dreg:$0x0];
	s2 =	stileid.u32  }
0x6e: {  	s1 =	rddreg [dreg:$0x1];
	p0 =	sne.s32 s2, $0x0  }
0x6f: {  	s3 =	rddreg [dreg:$0x2];
	[bflag:$0x3] =	sbarrier.arrive $0xFFFF;
	s2 =	simm.s32 @!p0 $0x1C02  }
0x70: {  	[timem:s3], [sflag:s2] =	dma.local @!p0 [hbm:s0], s1  }
0x71: {  	s0 =	simm.s32 @!p0 $0x2  }
0x72: {  	_ =	swait.ge @!p0 [sflag:s0], s1  }
0x73: {  	s1 =	ssub.s32 @!p0 $0x0, s1;
	[sflag:s0] =	ssyncset.done @!p0 $0x0  }
0x74: {  	[sflag:s0] =	ssyncadd.s32 @!p0 s1  }
0x75: {  	[bflag:$0x3] =	sbarrier.arrive $0xFFFF  }
0x76: {  	_ =	shalt  }

// kernel: kernel.41.cloned.1.call-start
scs
__scs_entry_jumppad:
0x0: {  	(pc) =	sbr.rel $0x88, $3  }
0x1: {  	(tag) =	ssettag $0x0;
	lr =	simm.s32 $0x1  }
0x2: {  	[smem:$0x3F94] =	sst lr;
	_ =	strace $0xD0000000  }
0x3: {  	_ = 	snop  }
0x4: {  	_ = 	snop  }
0x5: {  	_ = 	snop  }
0x6: {  	_ = 	snop  }
0x7: {  	_ = 	snop  }
__scs_overlays_trampoline_lowered:
0x8: {  	[smem:$0x3FA3] =	sst s0  }
0x9: {  	[smem:$0x3FA4] =	sst s1  }
0xa: {  	[smem:$0x3FA5] =	sst s2  }
0xb: {  	[smem:$0x3FA6] =	sst s3  }
0xc: {  	[smem:$0x3FA7] =	sst s4  }
0xd: {  	[smem:$0x3FA8] =	sst s5  }
0xe: {  	[smem:$0x3FA9] =	sst s6  }
0xf: {  	[smem:$0x3FAA] =	sst s7  }
0x10: {  	[smem:$0x3FAB] =	sst s8  }
0x11: {  	[smem:$0x3FAC] =	sst s9;
	s0 =	simm.s32 @!p0 $0x0  }
0x12: {  	s1 =	sld [smem:$0x3F92];
	s0 =	simm.s32 @p0 $0x1  }
0x13: {  	[smem:$0x3FAD] =	sst s0;
	s0 =	simm.s32 @!p1 $0x0  }
0x14: {  	s2 =	sld [smem:$0x3F91];
	s0 =	simm.s32 @p1 $0x1  }
0x15: {  	[smem:$0x3FAE] =	sst s0;
	s0 =	simm.s32 @!p2 $0x0  }
0x16: {  	s3 =	sld [smem:$0x3FDB];
	s0 =	simm.s32 @p2 $0x1  }
0x17: {  	s4 =	simm.s32 $0x1BF5;
	[smem:$0x3FB0] =	sst s0  }
0x18: {  	s0 =	sld [smem:$0x3F93];
	_ =	swait.ge [sflag:s4], $0x0  }
0x19: {  	s7 =	sld [smem:$0x3F94]  }
0x1a: {  	s8 =	sadd.s32 $0xFFFFE003, lr  }
0x1b: {  	s9 =	sadd.s32 $0xFFFFFEF7, lr;
	s5 =	simm.s32 $0xFFFFFFFF;
	p2 =	slt.u32 s8, $0xFFFFF086  }
0x1c: {  	p1 =	slt.u32 s9, $0xF7A;
	s5 =	simm.s32 @!p2 $0x0  }
0x1d: {  	s5 =	simm.s32 @p1 $0x1;
	p0 =	seq.s32 s7, s2  }
0x1e: {  	s7 =	smul.u32 @!p0 $0xF7A, s2;
	p2 =	seq.s32 @!p0 s5, $0x0  }
0x1f: {  	s9 =	smul.u32 $0xF7A, s1;
	s8 =	simm.s32 @!p0 $0x1BF5;
	p2 =	por !p2, p0  }
0x20: {  	[sflag:s8] =	ssyncset.s32 @!p0 $0xFFFFF086;
	s6 =	sadd.s32 @!p0 s3, s7;
	s7 =	simm.s32 @!p0 $0x108  }
0x21: {  	s3 =	sadd.s32 s3, s9;
	s6 =	sadd.s32 @!p0 $0x88, s6;
	s7 =	simm.s32 @p2 $0x1082  }
0x22: {  	[simem:s7], [sflag:s8] =	dma.local @!p0 [hbm:s6], $0xF7A  }
0x23: {  	s9 =	sor.u32 $0xD0000000, s2;
	s6 =	simm.s32 $0x108;
	_ =	swait.ge @!p0 [sflag:s8], $0x0  }
0x24: {  	s3 =	sadd.s32 $0x88, s3;
	s6 =	simm.s32 @!p1 $0x1082;
	[sflag:s4] =	ssyncset.s32 $0xFFFFF086  }
0x25: {  	[simem:s6], [sflag:s4] =	dma.local [hbm:s3], $0xF7A  }
0x26: {  	[smem:$0x3F94] =	sst s1;
	(tag) =	ssettag s2;
	_ =	strace s9  }
0x27: {  	s1 =	sld [smem:$0x3FA4]  }
0x28: {  	s2 =	sld [smem:$0x3FA5]  }
0x29: {  	s4 =	sld [smem:$0x3FA7]  }
0x2a: {  	p0 =	seq.s32 s5, $0x0;
	s5 =	sld [smem:$0x3FA8]  }
0x2b: {  	s6 =	sld [smem:$0x3FA9]  }
0x2c: {  	s7 =	sld [smem:$0x3FAA]  }
0x2d: {  	s3 =	simm.s32 $0x108;
	s8 =	sld [smem:$0x3FAB]  }
0x2e: {  	s3 =	simm.s32 @!p0 $0x1082;
	s9 =	sld [smem:$0x3FAC]  }
0x2f: {  	lr =	sadd.s32 s0, s3;
	s0 =	sld [smem:$0x3FA3]  }
0x30: {  	s3 =	sld [smem:$0x3FA6]  }
0x31: {  	[smem:$0x3FAF] =	sst s10  }
0x32: {  	s10 =	sld [smem:$0x3FAD];
	_ =	sdelay $0x3  }
0x33: {  	p0 =	seq.s32 s10, $0x1;
	s10 =	sld [smem:$0x3FAF];
	_ =	sdelay $0x3  }
0x34: {  	[smem:$0x3FAF] =	sst s10  }
0x35: {  	s10 =	sld [smem:$0x3FAE];
	_ =	sdelay $0x3  }
0x36: {  	p1 =	seq.s32 s10, $0x1;
	s10 =	sld [smem:$0x3FAF];
	_ =	sdelay $0x3  }
0x37: {  	[smem:$0x3FAF] =	sst s10  }
0x38: {  	s10 =	sld [smem:$0x3FB0]  }
0x39: {  	_ = 	snop;
	(pc) =	sbr.ind lr, $3  }
0x3a: {  	_ = 	snop  }
0x3b: {  	_ = 	snop  }
0x3c: {  	p2 =	seq.s32 s10, $0x1;
	s10 =	sld [smem:$0x3FAF]  }
0x3d: {  	_ =	shalt  }
0x3e: {  	_ =	shalt  }
0x3f: {  	_ =	shalt  }
0x40: {  	_ =	shalt  }
0x41: {  	_ =	shalt  }
0x42: {  	_ =	shalt  }
0x43: {  	_ =	shalt  }
0x44: {  	_ =	shalt  }
0x45: {  	_ =	shalt  }
0x46: {  	_ =	shalt  }
0x47: {  	_ =	shalt  }
0x48: {  	_ =	shalt  }
0x49: {  	_ =	shalt  }
0x4a: {  	_ =	shalt  }
0x4b: {  	_ =	shalt  }
0x4c: {  	_ =	shalt  }
0x4d: {  	_ =	shalt  }
0x4e: {  	_ =	shalt  }
0x4f: {  	_ =	shalt  }
0x50: {  	_ =	shalt  }
0x51: {  	_ =	shalt  }
0x52: {  	_ =	shalt  }
0x53: {  	_ =	shalt  }
0x54: {  	_ =	shalt  }
0x55: {  	_ =	shalt  }
0x56: {  	_ =	shalt  }
0x57: {  	_ =	shalt  }
0x58: {  	_ =	shalt  }
0x59: {  	_ =	shalt  }
0x5a: {  	_ =	shalt  }
0x5b: {  	_ =	shalt  }
0x5c: {  	_ =	shalt  }
0x5d: {  	_ =	shalt  }
0x5e: {  	_ =	shalt  }
0x5f: {  	_ =	shalt  }
0x60: {  	_ =	shalt  }
0x61: {  	_ =	shalt  }
0x62: {  	_ =	shalt  }
0x63: {  	_ =	shalt  }
0x64: {  	_ =	shalt  }
0x65: {  	_ =	shalt  }
0x66: {  	_ =	shalt  }
0x67: {  	_ =	shalt  }
0x68: {  	_ =	shalt  }
0x69: {  	_ =	shalt  }
0x6a: {  	_ =	shalt  }
0x6b: {  	_ =	shalt  }
0x6c: {  	_ =	shalt  }
0x6d: {  	_ =	shalt  }
0x6e: {  	_ =	shalt  }
0x6f: {  	_ =	shalt  }
0x70: {  	_ =	shalt  }
0x71: {  	_ =	shalt  }
0x72: {  	_ =	shalt  }
0x73: {  	_ =	shalt  }
0x74: {  	_ =	shalt  }
0x75: {  	_ =	shalt  }
0x76: {  	_ =	shalt  }
0x77: {  	_ =	shalt  }
0x78: {  	_ =	shalt  }
0x79: {  	_ =	shalt  }
0x7a: {  	_ =	shalt  }
0x7b: {  	_ =	shalt  }
0x7c: {  	_ =	shalt  }
0x7d: {  	_ =	shalt  }
0x7e: {  	_ =	shalt  }
0x7f: {  	_ =	shalt  }
0x80: {  	_ =	shalt  }
0x81: {  	_ =	shalt  }
0x82: {  	_ =	shalt  }
0x83: {  	_ =	shalt  }
0x84: {  	_ =	shalt  }
0x85: {  	_ =	shalt  }
0x86: {  	_ =	shalt  }
0x87: {  	_ =	shalt  }
.Lfunc_end0:
.L_simem_size_0:
called_computation.7_lowered:
.L_overlay_start_0:
0x88: {  	s2 =	sld [smem:$0x3FD9]  }
0x89: {  	s3 =	sld [smem:$0x3FFE];
	_ =	sdelay $0x1  }
0x8a: {  	s1 =	srdreg.scid  }
0x8b: {  	s0 =	sand.u32 $0x1, s1  }
0x8c: {  	s16 =	sshll.u32 s0, $0xA;
	s2 =	sadd.s32 s3, s2  }
0x8d: {  	s2 =	sadd.s32 s2, s16  }
0x8e: {  	[smem:$0x3FBB] =	sst s2  }
0x8f: {  	_ = 	snop  }
0x90: {  	(tm) =	ssettm $0x1  }
0x91: {  	s17 =	sld [smem:$0x3FFB];
	_ =	sdelay $0x3  }
0x92: {  	_ =	strace s17  }
0x93: {  	s2 =	sld [smem:$0x3FFC];
	_ =	sdelay $0x3  }
0x94: {  	_ =	strace s2  }
0x95: {  	s2 =	sld [smem:$0x3FFD];
	_ =	sdelay $0x3  }
0x96: {  	_ =	strace s2  }
0x97: {  	_ =	strace $0x8FFFFFFF  }
0x98: {  	s18 =	sld [smem:$0x3FDB];
	_ =	sdelay $0x1  }
0x99: {  	s19 =	simm.s32 $_scs_section_size  }
0x9a: {  	s4 =	simm.s32 $_size__tile_overlayer_lowered;
	s5 =	simm.s32 $_tile_overlayer_lowered  }
0x9b: {  	s22 =	simm.s32 $0x1BFF;
	s21 =	sshll.u32 s5, $0x1;
	s2 =	sadd.s32 s19, s18  }
0x9c: {  	s6 =	simm.s32 $0x0;
	s20 =	sshll.u32 s4, $0x1;
	s4 =	sadd.s32 s21, s2  }
0x9d: {  	[timem:s6], [sflag:s22] =	dma.local [hbm:s4], s20  }
0x9e: {  	_ =	swait.ge [sflag:s22], s20  }
0x9f: {  	s3 =	ssub.s32 $0x0, s20;
	[sflag:s22] =	ssyncset.done $0x0  }
0xa0: {  	[sflag:s22] =	ssyncadd.s32 s3;
	_ =	sdelay $0x1  }
0xa1: {  	s23 =	simm.s32 $0x1B8B  }
0xa2: {  	_ =	swait.ge [sflag:s23], $0x1  }
0xa3: {  	[sflag:s23] =	ssyncset.done $0x0  }
0xa4: {  	s25 =	simm.s32 $0x1B8E;
	s24 =	sld [smem:$0x3FFE];
	[sflag:s23] =	ssyncadd.s32 $0xFFFFFFFF  }
0xa5: {  	s26 =	simm.s32 $execute0_lowered;
	[smem:$0x3FD2] =	sst s25  }
0xa6: {  	s4 =	sshll.u32 s26, $0x1;
	_ =	strace $0x8000005B;
	[dreg:$0x1] =	wrdreg $0xFFFFFFFF  }
0xa7: {  	s28 =	simm.s32 $_size_execute0_lowered;
	s2 =	sadd.s32 s2, s4;
	[dreg:$0x0] =	wrdreg $0x0  }
0xa8: {  	s4 =	sshll.u32 s28, $0x1;
	[dreg:$0x2] =	wrdreg s2  }
0xa9: {  	[dreg:$0x3] =	wrdreg s4  }
0xaa: {  	[dreg:$0x4] =	wrdreg $0xC0  }
0xab: {  	_ =	task [dreg:s6], $0x5FFFF  }
0xac: {  	[dreg:$0x1] =	wrdreg $0xFFFFFFFF  }
0xad: {  	[dreg:$0x0] =	wrdreg $0x60  }
0xae: {  	[dreg:$0x2] =	wrdreg s24  }
0xaf: {  	[dreg:$0x3] =	wrdreg $0x41100  }
0xb0: {  	[dreg:$0x4] =	wrdreg $0xF5900  }
0xb1: {  	[dreg:$0x5] =	wrdreg $0x9  }
0xb2: {  	_ =	task.clear_ibuf [dreg:s6], $0x6FFFF;
	_ =	strace $0x9000005B  }
0xb3: {  	s29 =	simm.s32 $0x9;
	_ =	strace $0x8000005D  }
0xb4: {  	_ =	swait.ge [sflag:s29], $0x1  }
0xb5: {  	[sflag:s29] =	ssyncadd.s32 $0xFFFFFFFF  }
0xb6: {  	_ =	strace $0x9000005D  }
0xb7: {  	_ =	sfence  }
0xb8: {  	s30 =	sld [smem:$0x0];
	_ =	sdelay $0x2  }
0xb9: {  	s31 =	sshll.u32 s1, $0xD;
	s1 =	sshrl.u32 s1, $0x2  }
0xba: {  	s3 =	sand.u32 $0x4000, s31;
	s1 =	sadd.s32 s1, s30  }
0xbb: {  	s0 =	sor.u32 s3, s0;
	s1 =	sshll.u32 s1, $0x11  }
0xbc: {  	s0 =	sor.u32 s1, s0  }
0xbd: {  	s0 =	sadd.s32 $0x8F2B, s0  }
0xbe: {  	[sflag:s0] =	ssyncadd.remote.s32 $0x1  }
0xbf: {  	_ =	sfence.sel $0xFFFF  }
0xc0: {  	[dreg:$0x0] =	wrdreg $0xFFFFFFFF;
	(pc) =	sbr.abs _section_cstart, $3  }
0xc1: {  	[dreg:$0x1] =	wrdreg $0xFFFFFFFF  }
0xc2: {  	_ =	task.clear_ibuf [dreg:s6], $0x2FFFF;
	_ =	strace $0x9FFFFFFF  }
0xc3: {  	(tm) =	ssettm $0x7FFFFFFF  }
tec
execute0_lowered:
.L_overlay_start_1:
0x0: {  	(tag) =	ssettag $0x1  }
0x1: {  	s12 =	rddreg [dreg:$0x0]  }
0x2: {  	s2 =	rddreg [dreg:$0x1]  }
0x3: {  	s4 =	rddreg [dreg:$0x2];
	s5 =	simm.s32 $0x0  }
0x4: {  	s0 =	srdreg.scid;
	s18 =	stileid.u32;
	s28 =	simm.s32 $0x90  }
0x5: {  	s29 =	simm.s32 $0x80;
	s30 =	simm.s32 $0x110;
	s31 =	simm.s32 $0x1  }
0x6: {  	[smem:$0x7FF] =	sst s5;
	s0 =	sand.u32 $0x1, s0;
	s1 =	smul.u32 $0x140, s18  }
0x7: {  	s6 =	sadd.s32 $0x1A00, s12;
	s7 =	sadd.s32 $0x3D400, s12;
	s8 =	sadd.s32 $0x47A00, s12  }
0x8: {  	s9 =	sadd.s32 $0x32E00, s12;
	s10 =	sadd.s32 $0x52A00, s12;
	s11 =	smul.u32 $0x29000, s18  }
0x9: {  	s20 =	sadd.s32 $0x1600, s12;
	s21 =	sadd.s32 $0x52600, s12;
	s15 =	smul.u32 $0x5200, s18  }
0xa: {  	s13 =	sadd.s32 $0x52400, s12;
	s24 =	sshll.u32 s18, $0x6;
	s16 =	smul.u32 $0x28000, s18  }
0xb: {  	s17 =	smul.u32 $0x5000, s18;
	_ =	strace $0x8000005C;
	[dreg:$0x4] =	wrdreg s10  }
0xc: {  	s18 =	sshll.u32 s18, $0x7;
	s3 =	smul.u32 $0x1400, s0;
	[dreg:$0x5] =	wrdreg s20  }
0xd: {  	[dreg:$0x6] =	wrdreg s21;
	s23 =	ssub.s32 $0x2, s0;
	p0 =	seq.s32 s0, $0x0  }
0xe: {  	s20 =	simm.s32 $0x2;
	s0 =	simm.s32 $0xE510;
	s14 =	sshrl.u32 s23, $0x1  }
0xf: {  	s11 =	sshrl.u32 s11, $0x2;
	s15 =	sshrl.u32 s15, $0x2;
	s25 =	sshrl.u32 s16, $0x2  }
0x10: {  	s26 =	sshrl.u32 s17, $0x2;
	s1 =	sadd.s32 s1, s3;
	s10 =	ssub.s32 s23, s14  }
0x11: {  	s11 =	sadd.s32 s11, s2;
	s14 =	sor.u32 $0x1C02, s24;
	s21 =	sadd.s32 s15, s4  }
0x12: {  	s23 =	simm.s32 $0xED90;
	s22 =	sshll.u32 s1, $0x4;
	s1 =	sshll.u32 s1, $0x1  }
.Ltmp0:
0x13: {  	s17 =	smax.u32 s10, $0x1;
	s19 =	sshrl.u32 s11, $0x3;
	(pc) =	sbr.rel .LBB2_1-.Ltmp0, $4  }
0x14: {  	s21 =	sshrl.u32 s21, $0x3;
	s3 =	sadd.s32 s22, s12;
	s1 =	sadd.s32 s1, s12  }
0x15: {  	s22 =	simm.s32 $0xE590;
	s15 =	sadd.s32 $0x52C00, s3;
	s3 =	sadd.s32 s25, s2  }
0x16: {  	s16 =	sadd.s32 $0x28C00, s1;
	s1 =	sadd.s32 s26, s4;
	s26 =	simm.s32 $0x10  }
0x17: {  	s24 =	sshrl.u32 s3, $0x3;
	s25 =	sshrl.u32 s1, $0x3;
	s3 =	simm.s32 $0x0  }
.LBB2_10:
0x18: {  	s1 =	sadd.s32 s9, s11;
	[sflag:s20] =	ssyncadd.s32 @p1 $0xFFFFF800  }
0x19: {  	[tilespmem:s0], [sflag:$0x2] =	stream.linear.gather [hbm4b:s1+s5], $0x80, $0x38;
	[tilespmem:$0x10A10] =	vst v63  }
0x1a: {  	_ =	swait.ge [sflag:s20], $0x80  }
0x1b: {  	[sflag:s20] =	ssyncset.done $0x0  }
0x1c: {  	[sflag:s20] =	ssyncadd.s32 $0xFFFFFF80  }
0x1d: {  	[spmem:s4] =	stream.indirect.scatter.add.f32 [tilespmem:s23], [sflag:$0x2], $0x10, s0, s29, $0xb8;
	[tilespmem:$0x10A10] =	vst v63  }
0x1e: {  	_ =	swait.ge [sflag:s20], $0x800  }
0x1f: {  	[sflag:s20] =	ssyncset.done $0x0  }
0x20: {  	[sflag:s20] =	ssyncadd.s32 $0xFFFFF800  }
.LBB2_11:
0x21: {  	[bflag:$0x0] =	sbarrier.arrive $0xFFFF  }
0x22: {  	[hbm:s15], [sflag:s14] =	dma.local [spmem:s24], $0x1400  }
0x23: {  	s3 =	sadd.s32 $0x1, s3;
	_ =	swait.ge [sflag:s20], $0x1400  }
0x24: {  	p1 =	sne.s32 s3, s17;
	[sflag:s20] =	ssyncset.done $0x0  }
.Ltmp1:
0x25: {  	[sflag:s20] =	ssyncadd.s32 $0xFFFFEC00;
	(pc) =	sbr.rel @!p1 .LBB2_12-.Ltmp1, $4  }
0x26: {  	[hbm:s16], [sflag:s14] =	dma.local [spmem:s25], $0x280  }
0x27: {  	_ =	swait.ge [sflag:s20], $0x280  }
0x28: {  	[sflag:s20] =	ssyncset.done $0x0  }
0x29: {  	[sflag:s20] =	ssyncadd.s32 $0xFFFFFD80  }
.LBB2_1:
0x2a: {  	s1 =	rddreg [dreg:$0x0]  }
0x2b: {  	[spmem:s19], [sflag:s14] =	dma.local [hbm:s1], $0x1480  }
0x2c: {  	_ =	swait.ge [sflag:s20], $0x1480  }
0x2d: {  	[sflag:s20] =	ssyncset.done $0x0  }
0x2e: {  	s10 =	rddreg [dreg:$0x5];
	[sflag:s20] =	ssyncadd.s32 $0xFFFFEB80  }
0x2f: {  	[spmem:s21], [sflag:s14] =	dma.local [hbm:s10], $0x290  }
0x30: {  	_ =	swait.ge [sflag:s20], $0x290  }
0x31: {  	[sflag:s20] =	ssyncset.done $0x0  }
0x32: {  	s11 =	rddreg [dreg:$0x6];
	[sflag:s20] =	ssyncadd.s32 $0xFFFFFD70  }
0x33: {  	[tilespmem:s22], [sflag:$0x2] =	stream.linear.gather [hbm4b:s11+s5], $0x800, $0x38;
	[tilespmem:$0x10A10] =	vst v63  }
0x34: {  	_ =	swait.ge [sflag:s20], $0x800  }
0x35: {  	[sflag:s20] =	ssyncset.done $0x0  }
0x36: {  	[sflag:s20] =	ssyncadd.s32 $0xFFFFF800  }
0x37: {  	[tilespmem:s23], [sflag:$0x2] =	stream.linear.gather [hbm4b:s13+s5], $0x800, $0x38;
	[tilespmem:$0x10A10] =	vst v63  }
0x38: {  	_ =	swait.ge [sflag:s20], $0x800  }
0x39: {  	[sflag:s20] =	ssyncset.done $0x0  }
0x3a: {  	s12 =	rddreg [dreg:$0x4];
	[sflag:s20] =	ssyncadd.s32 $0xFFFFF800  }
0x3b: {  	[tilespmem:s5], [sflag:$0x2] =	stream.linear.gather [hbm4b:s12+s5], $0x10, $0x38;
	[tilespmem:$0x10A10] =	vst v63  }
0x3c: {  	_ =	swait.ge [sflag:s20], $0x10  }
0x3d: {  	[sflag:s20] =	ssyncset.done $0x0  }
0x3e: {  	[sflag:s20] =	ssyncadd.s32 $0xFFFFFFF0  }
0x3f: {  	[bflag:$0x0] =	sbarrier.arrive $0xFFFF  }
0x40: {  	v0 =	vld [tilespmem:$0x0];
	_ =	sdelay $0x4  }
0x41: {  	(v2sf) =	vpush v0, $0x0  }
0x42: {  	(v2sf) =	vpush v0, $0x2  }
0x43: {  	(v2sf) =	vpush v0, $0x1  }
0x44: {  	(v2sf) =	vpush v0, $0x3;
	_ =	sdelay $0xb  }
0x45: {  	s10 =	spop (v2sf)  }
0x46: {  	s1 =	spop (v2sf)  }
0x47: {  	s12 =	spop (v2sf)  }
0x48: {  	s11 =	spop (v2sf)  }
0x49: {  	s11 =	smov.u32 @p0 s12  }
0x4a: {  	p1 =	slt.s32 s11, $0x1  }
.Ltmp2:
0x4b: {  	_ = 	snop;
	(pc) =	sbr.rel @p1 .LBB2_6-.Ltmp2, $1  }
0x4c: {  	_ =	sdelay $0x3  }
0x4d: {  	p2 =	sne.s32 s11, $0x1  }
.Ltmp3:
0x4e: {  	_ = 	snop;
	(pc) =	sbr.rel @!p2 .LBB2_5-.Ltmp3, $4  }
0x4f: {  	s12 =	smul.u32 s11, s18  }
0x50: {  	s1 =	smov.u32 @p0 s10  }
0x51: {  	s10 =	sadd.s32 s12, s1  }
0x52: {  	p1 =	por $0x0, $0x0;
	s1 =	sadd.s32 $0xFFFFFFFF, s11;
	s11 =	sshrl.u32 s10, $0x3  }
0x53: {  	s12 =	sadd.s32 s7, s11  }
0x54: {  	[tilespmem:s26], [sflag:$0x2] =	stream.linear.gather [hbm4b:s12+s5], $0x80, $0x38;
	[tilespmem:$0x10A10] =	vst v63  }
0x55: {  	_ =	swait.ge [sflag:s20], $0x80  }
0x56: {  	[sflag:s20] =	ssyncset.done $0x0  }
0x57: {  	s12 =	sadd.s32 s8, s11;
	[sflag:s20] =	ssyncadd.s32 $0xFFFFFF80  }
0x58: {  	[tilespmem:s28], [sflag:$0x2] =	stream.linear.gather [hbm4b:s12+s5], $0x80, $0x38;
	[tilespmem:$0x10A10] =	vst v63  }
0x59: {  	_ =	swait.ge [sflag:s20], $0x80  }
0x5a: {  	[sflag:s20] =	ssyncset.done $0x0  }
0x5b: {  	[sflag:s20] =	ssyncadd.s32 $0xFFFFFF80  }
0x5c: {  	[tilespmem:s30], [sflag:$0x1] =	stream.indirect.gather [hbm4b:s6+s29], $0x80, s26, s29, $0xb8;
	[tilespmem:$0x10A10] =	vst v63  }
0x5d: {  	_ =	swait.ge [sflag:s31], $0x4000  }
0x5e: {  	[sflag:s31] =	ssyncset.done $0x0  }
0x5f: {  	[sflag:s31] =	ssyncadd.s32 $0xFFFFC000  }
0x60: {  	[spmem:s2] =	stream.indirect.scatter.add.f32 [tilespmem:s30], [sflag:$0x2], $0x80, s28, s29, $0xb8;
	[tilespmem:$0x10A10] =	vst v63  }
0x61: {  	p2 =	sne.s32 s1, $0x1;
	_ =	swait.ge [sflag:s20], $0x4000  }
.Ltmp4:
0x62: {  	[sflag:s20] =	ssyncset.done $0x0;
	(pc) =	sbr.rel @!p2 .LBB2_5-.Ltmp4, $4  }
0x63: {  	[sflag:s20] =	ssyncadd.s32 $0xFFFFC000  }
0x64: {  	[spmem:s4] =	stream.indirect.scatter.add.f32 [tilespmem:s22], [sflag:$0x2], $0x10, s28, s29, $0xb8;
	[tilespmem:$0x10A10] =	vst v63  }
0x65: {  	s1 =	sadd.s32 $0xFFFFFFFF, s1;
	s10 =	sadd.s32 $0x80, s10;
	_ =	swait.ge [sflag:s20], $0x800  }
0x66: {  	p1 =	por $0x1, $0x1;
	s11 =	sshrl.u32 s10, $0x3;
	[sflag:s20] =	ssyncset.done $0x0  }
.LBB2_4:
0x67: {  	p2 =	sne.s32 s1, $0x1;
	s12 =	sadd.s32 s7, s11;
	[sflag:s20] =	ssyncadd.s32 $0xFFFFF800  }
0x68: {  	[tilespmem:s26], [sflag:$0x2] =	stream.linear.gather [hbm4b:s12+s5], $0x80, $0x38;
	[tilespmem:$0x10A10] =	vst v63  }
0x69: {  	s1 =	sadd.s32 $0xFFFFFFFF, s1;
	_ =	swait.ge [sflag:s20], $0x80  }
0x6a: {  	[sflag:s20] =	ssyncset.done $0x0  }
0x6b: {  	s11 =	sadd.s32 s8, s11;
	[sflag:s20] =	ssyncadd.s32 $0xFFFFFF80  }
0x6c: {  	[tilespmem:s28], [sflag:$0x2] =	stream.linear.gather [hbm4b:s11+s5], $0x80, $0x38;
	[tilespmem:$0x10A10] =	vst v63  }
0x6d: {  	_ =	swait.ge [sflag:s20], $0x80  }
0x6e: {  	[sflag:s20] =	ssyncset.done $0x0  }
0x6f: {  	[sflag:s20] =	ssyncadd.s32 $0xFFFFFF80  }
0x70: {  	[tilespmem:s30], [sflag:$0x1] =	stream.indirect.gather [hbm4b:s6+s29], $0x80, s26, s29, $0xb8;
	[tilespmem:$0x10A10] =	vst v63  }
0x71: {  	_ =	swait.ge [sflag:s31], $0x4000  }
0x72: {  	[sflag:s31] =	ssyncset.done $0x0  }
0x73: {  	[sflag:s31] =	ssyncadd.s32 $0xFFFFC000  }
0x74: {  	[spmem:s2] =	stream.indirect.scatter.add.f32 [tilespmem:s30], [sflag:$0x2], $0x80, s28, s29, $0xb8;
	[tilespmem:$0x10A10] =	vst v63  }
0x75: {  	_ =	swait.ge [sflag:s20], $0x4000  }
.Ltmp5:
0x76: {  	[sflag:s20] =	ssyncset.done $0x0;
	(pc) =	sbr.rel @p2 .LBB2_4-.Ltmp5, $4  }
0x77: {  	[sflag:s20] =	ssyncadd.s32 $0xFFFFC000  }
0x78: {  	[spmem:s4] =	stream.indirect.scatter.add.f32 [tilespmem:s22], [sflag:$0x2], $0x10, s28, s29, $0xb8;
	[tilespmem:$0x10A10] =	vst v63  }
0x79: {  	s10 =	sadd.s32 $0x80, s10;
	_ =	swait.ge [sflag:s20], $0x800  }
0x7a: {  	s11 =	sshrl.u32 s10, $0x3;
	[sflag:s20] =	ssyncset.done $0x0  }
.LBB2_5:
0x7b: {  	s1 =	sadd.s32 s7, s11;
	[sflag:s20] =	ssyncadd.s32 @p1 $0xFFFFF800  }
0x7c: {  	[tilespmem:s26], [sflag:$0x2] =	stream.linear.gather [hbm4b:s1+s5], $0x80, $0x38;
	[tilespmem:$0x10A10] =	vst v63  }
0x7d: {  	_ =	swait.ge [sflag:s20], $0x80  }
0x7e: {  	[sflag:s20] =	ssyncset.done $0x0  }
0x7f: {  	s12 =	sadd.s32 s8, s11;
	[sflag:s20] =	ssyncadd.s32 $0xFFFFFF80  }
0x80: {  	[tilespmem:s28], [sflag:$0x2] =	stream.linear.gather [hbm4b:s12+s5], $0x80, $0x38;
	[tilespmem:$0x10A10] =	vst v63  }
0x81: {  	_ =	swait.ge [sflag:s20], $0x80  }
0x82: {  	[sflag:s20] =	ssyncset.done $0x0  }
0x83: {  	[sflag:s20] =	ssyncadd.s32 $0xFFFFFF80  }
0x84: {  	[tilespmem:s30], [sflag:$0x1] =	stream.indirect.gather [hbm4b:s6+s29], $0x80, s26, s29, $0xb8;
	[tilespmem:$0x10A10] =	vst v63  }
0x85: {  	_ =	swait.ge [sflag:s31], $0x4000  }
0x86: {  	[sflag:s31] =	ssyncset.done $0x0  }
0x87: {  	[sflag:s31] =	ssyncadd.s32 $0xFFFFC000  }
0x88: {  	[spmem:s2] =	stream.indirect.scatter.add.f32 [tilespmem:s30], [sflag:$0x2], $0x80, s28, s29, $0xb8;
	[tilespmem:$0x10A10] =	vst v63  }
0x89: {  	_ =	swait.ge [sflag:s20], $0x4000  }
0x8a: {  	[sflag:s20] =	ssyncset.done $0x0  }
0x8b: {  	[sflag:s20] =	ssyncadd.s32 $0xFFFFC000  }
0x8c: {  	[spmem:s4] =	stream.indirect.scatter.add.f32 [tilespmem:s22], [sflag:$0x2], $0x10, s28, s29, $0xb8;
	[tilespmem:$0x10A10] =	vst v63  }
0x8d: {  	_ =	swait.ge [sflag:s20], $0x800  }
0x8e: {  	[sflag:s20] =	ssyncset.done $0x0  }
0x8f: {  	[sflag:s20] =	ssyncadd.s32 $0xFFFFF800  }
.LBB2_6:
0x90: {  	(v2sf) =	vpush v0, $0x4  }
0x91: {  	(v2sf) =	vpush v0, $0x6  }
0x92: {  	(v2sf) =	vpush v0, $0x5  }
0x93: {  	(v2sf) =	vpush v0, $0x7;
	_ =	sdelay $0xb  }
0x94: {  	s10 =	spop (v2sf)  }
0x95: {  	s1 =	spop (v2sf)  }
0x96: {  	s12 =	spop (v2sf)  }
0x97: {  	s11 =	spop (v2sf)  }
0x98: {  	s11 =	smov.u32 @p0 s12  }
0x99: {  	p1 =	slt.s32 s11, $0x1  }
.Ltmp6:
0x9a: {  	_ = 	snop;
	(pc) =	sbr.rel @p1 .LBB2_11-.Ltmp6, $1  }
0x9b: {  	_ =	sdelay $0x3  }
0x9c: {  	p2 =	sne.s32 s11, $0x1  }
.Ltmp7:
0x9d: {  	_ = 	snop;
	(pc) =	sbr.rel @!p2 .LBB2_10-.Ltmp7, $4  }
0x9e: {  	s12 =	smul.u32 s11, s18  }
0x9f: {  	s1 =	smov.u32 @p0 s10  }
0xa0: {  	s10 =	sadd.s32 s12, s1  }
0xa1: {  	p1 =	por $0x0, $0x0;
	s1 =	sadd.s32 $0xFFFFFFFF, s11;
	s11 =	sshrl.u32 s10, $0x3  }
0xa2: {  	s11 =	sadd.s32 s9, s11  }
0xa3: {  	[tilespmem:s0], [sflag:$0x2] =	stream.linear.gather [hbm4b:s11+s5], $0x80, $0x38;
	[tilespmem:$0x10A10] =	vst v63  }
0xa4: {  	p2 =	sne.s32 s1, $0x1;
	_ =	swait.ge [sflag:s20], $0x80  }
.Ltmp8:
0xa5: {  	[sflag:s20] =	ssyncset.done $0x0;
	(pc) =	sbr.rel @!p2 .LBB2_10-.Ltmp8, $4  }
0xa6: {  	[sflag:s20] =	ssyncadd.s32 $0xFFFFFF80  }
0xa7: {  	[spmem:s4] =	stream.indirect.scatter.add.f32 [tilespmem:s23], [sflag:$0x2], $0x10, s0, s29, $0xb8;
	[tilespmem:$0x10A10] =	vst v63  }
0xa8: {  	s1 =	sadd.s32 $0xFFFFFFFF, s1;
	s10 =	sadd.s32 $0x80, s10;
	_ =	swait.ge [sflag:s20], $0x800  }
0xa9: {  	p1 =	por $0x1, $0x1;
	s11 =	sshrl.u32 s10, $0x3;
	[sflag:s20] =	ssyncset.done $0x0  }
.LBB2_9:
0xaa: {  	p2 =	sne.s32 s1, $0x1;
	s11 =	sadd.s32 s9, s11;
	[sflag:s20] =	ssyncadd.s32 $0xFFFFF800  }
0xab: {  	[tilespmem:s0], [sflag:$0x2] =	stream.linear.gather [hbm4b:s11+s5], $0x80, $0x38;
	[tilespmem:$0x10A10] =	vst v63  }
0xac: {  	s1 =	sadd.s32 $0xFFFFFFFF, s1;
	_ =	swait.ge [sflag:s20], $0x80  }
.Ltmp9:
0xad: {  	[sflag:s20] =	ssyncset.done $0x0;
	(pc) =	sbr.rel @p2 .LBB2_9-.Ltmp9, $4  }
0xae: {  	[sflag:s20] =	ssyncadd.s32 $0xFFFFFF80  }
0xaf: {  	[spmem:s4] =	stream.indirect.scatter.add.f32 [tilespmem:s23], [sflag:$0x2], $0x10, s0, s29, $0xb8;
	[tilespmem:$0x10A10] =	vst v63  }
0xb0: {  	s10 =	sadd.s32 $0x80, s10;
	_ =	swait.ge [sflag:s20], $0x800  }
0xb1: {  	s11 =	sshrl.u32 s10, $0x3;
	[sflag:s20] =	ssyncset.done $0x0  }
.Ltmp10:
0xb2: {  	_ = 	snop;
	(pc) =	sbr.rel .LBB2_10-.Ltmp10, $1  }
0xb3: {  	_ =	sdelay $0x3  }
.LBB2_12:
0xb4: {  	_ =	sfence.sel $0x180000  }
0xb5: {  	[bflag:$0x0] =	sbarrier.arrive $0xFFFF  }
0xb6: {  	_ =	strace $0x9000005C  }
0xb7: {  	s0 =	stileid.u32;
	[bflag:$0x2] =	sbarrier.arrive $0xFFFF  }
0xb8: {  	p0 =	sne.s32 s0, $0x0;
	s0 =	rddreg [dreg:$0x3]  }
0xb9: {  	s0 =	sadd.s32 @!p0 $0x100000, s0  }
0xba: {  	[sflag:s0] =	ssyncadd.tile.s32 @!p0 $0x1;
	_ =	shalt  }
.Lfunc_end2:
_tile_overlayer_lowered:
.L_overlay_start_2:
0xbb: {  	(tag) =	ssettag $0x2  }
0xbc: {  	s0 =	rddreg [dreg:$0x0];
	s2 =	stileid.u32  }
0xbd: {  	s1 =	rddreg [dreg:$0x1];
	p0 =	sne.s32 s2, $0x0  }
0xbe: {  	s3 =	rddreg [dreg:$0x2];
	[bflag:$0x3] =	sbarrier.arrive $0xFFFF;
	s2 =	simm.s32 @!p0 $0x1C02  }
0xbf: {  	[timem:s3], [sflag:s2] =	dma.local @!p0 [hbm:s0], s1  }
0xc0: {  	s0 =	simm.s32 @!p0 $0x2  }
0xc1: {  	_ =	swait.ge @!p0 [sflag:s0], s1  }
0xc2: {  	s1 =	ssub.s32 @!p0 $0x0, s1;
	[sflag:s0] =	ssyncset.done @!p0 $0x0  }
0xc3: {  	[sflag:s0] =	ssyncadd.s32 @!p0 s1  }
0xc4: {  	[bflag:$0x3] =	sbarrier.arrive $0xFFFF  }
0xc5: {  	_ =	shalt  }

// kernel: kernel.44.cloned.1.call-start
scs
__scs_entry_jumppad:
0x0: {  	(pc) =	sbr.rel $0x88, $3  }
0x1: {  	(tag) =	ssettag $0x0;
	lr =	simm.s32 $0x1  }
0x2: {  	[smem:$0x3F94] =	sst lr;
	_ =	strace $0xD0000000  }
0x3: {  	_ = 	snop  }
0x4: {  	_ = 	snop  }
0x5: {  	_ = 	snop  }
0x6: {  	_ = 	snop  }
0x7: {  	_ = 	snop  }
__scs_overlays_trampoline_lowered:
0x8: {  	[smem:$0x3FA3] =	sst s0  }
0x9: {  	[smem:$0x3FA4] =	sst s1  }
0xa: {  	[smem:$0x3FA5] =	sst s2  }
0xb: {  	[smem:$0x3FA6] =	sst s3  }
0xc: {  	[smem:$0x3FA7] =	sst s4  }
0xd: {  	[smem:$0x3FA8] =	sst s5  }
0xe: {  	[smem:$0x3FA9] =	sst s6  }
0xf: {  	[smem:$0x3FAA] =	sst s7  }
0x10: {  	[smem:$0x3FAB] =	sst s8  }
0x11: {  	[smem:$0x3FAC] =	sst s9;
	s0 =	simm.s32 @!p0 $0x0  }
0x12: {  	s1 =	sld [smem:$0x3F92];
	s0 =	simm.s32 @p0 $0x1  }
0x13: {  	[smem:$0x3FAD] =	sst s0;
	s0 =	simm.s32 @!p1 $0x0  }
0x14: {  	s2 =	sld [smem:$0x3F91];
	s0 =	simm.s32 @p1 $0x1  }
0x15: {  	[smem:$0x3FAE] =	sst s0;
	s0 =	simm.s32 @!p2 $0x0  }
0x16: {  	s3 =	sld [smem:$0x3FDB];
	s0 =	simm.s32 @p2 $0x1  }
0x17: {  	s4 =	simm.s32 $0x1BF5;
	[smem:$0x3FB0] =	sst s0  }
0x18: {  	s0 =	sld [smem:$0x3F93];
	_ =	swait.ge [sflag:s4], $0x0  }
0x19: {  	s7 =	sld [smem:$0x3F94]  }
0x1a: {  	s8 =	sadd.s32 $0xFFFFE003, lr  }
0x1b: {  	s9 =	sadd.s32 $0xFFFFFEF7, lr;
	s5 =	simm.s32 $0xFFFFFFFF;
	p2 =	slt.u32 s8, $0xFFFFF086  }
0x1c: {  	p1 =	slt.u32 s9, $0xF7A;
	s5 =	simm.s32 @!p2 $0x0  }
0x1d: {  	s5 =	simm.s32 @p1 $0x1;
	p0 =	seq.s32 s7, s2  }
0x1e: {  	s7 =	smul.u32 @!p0 $0xF7A, s2;
	p2 =	seq.s32 @!p0 s5, $0x0  }
0x1f: {  	s9 =	smul.u32 $0xF7A, s1;
	s8 =	simm.s32 @!p0 $0x1BF5;
	p2 =	por !p2, p0  }
0x20: {  	[sflag:s8] =	ssyncset.s32 @!p0 $0xFFFFF086;
	s6 =	sadd.s32 @!p0 s3, s7;
	s7 =	simm.s32 @!p0 $0x108  }
0x21: {  	s3 =	sadd.s32 s3, s9;
	s6 =	sadd.s32 @!p0 $0x88, s6;
	s7 =	simm.s32 @p2 $0x1082  }
0x22: {  	[simem:s7], [sflag:s8] =	dma.local @!p0 [hbm:s6], $0xF7A  }
0x23: {  	s9 =	sor.u32 $0xD0000000, s2;
	s6 =	simm.s32 $0x108;
	_ =	swait.ge @!p0 [sflag:s8], $0x0  }
0x24: {  	s3 =	sadd.s32 $0x88, s3;
	s6 =	simm.s32 @!p1 $0x1082;
	[sflag:s4] =	ssyncset.s32 $0xFFFFF086  }
0x25: {  	[simem:s6], [sflag:s4] =	dma.local [hbm:s3], $0xF7A  }
0x26: {  	[smem:$0x3F94] =	sst s1;
	(tag) =	ssettag s2;
	_ =	strace s9  }
0x27: {  	s1 =	sld [smem:$0x3FA4]  }
0x28: {  	s2 =	sld [smem:$0x3FA5]  }
0x29: {  	s4 =	sld [smem:$0x3FA7]  }
0x2a: {  	p0 =	seq.s32 s5, $0x0;
	s5 =	sld [smem:$0x3FA8]  }
0x2b: {  	s6 =	sld [smem:$0x3FA9]  }
0x2c: {  	s7 =	sld [smem:$0x3FAA]  }
0x2d: {  	s3 =	simm.s32 $0x108;
	s8 =	sld [smem:$0x3FAB]  }
0x2e: {  	s3 =	simm.s32 @!p0 $0x1082;
	s9 =	sld [smem:$0x3FAC]  }
0x2f: {  	lr =	sadd.s32 s0, s3;
	s0 =	sld [smem:$0x3FA3]  }
0x30: {  	s3 =	sld [smem:$0x3FA6]  }
0x31: {  	[smem:$0x3FAF] =	sst s10  }
0x32: {  	s10 =	sld [smem:$0x3FAD];
	_ =	sdelay $0x3  }
0x33: {  	p0 =	seq.s32 s10, $0x1;
	s10 =	sld [smem:$0x3FAF];
	_ =	sdelay $0x3  }
0x34: {  	[smem:$0x3FAF] =	sst s10  }
0x35: {  	s10 =	sld [smem:$0x3FAE];
	_ =	sdelay $0x3  }
0x36: {  	p1 =	seq.s32 s10, $0x1;
	s10 =	sld [smem:$0x3FAF];
	_ =	sdelay $0x3  }
0x37: {  	[smem:$0x3FAF] =	sst s10  }
0x38: {  	s10 =	sld [smem:$0x3FB0]  }
0x39: {  	_ = 	snop;
	(pc) =	sbr.ind lr, $3  }
0x3a: {  	_ = 	snop  }
0x3b: {  	_ = 	snop  }
0x3c: {  	p2 =	seq.s32 s10, $0x1;
	s10 =	sld [smem:$0x3FAF]  }
0x3d: {  	_ =	shalt  }
0x3e: {  	_ =	shalt  }
0x3f: {  	_ =	shalt  }
0x40: {  	_ =	shalt  }
0x41: {  	_ =	shalt  }
0x42: {  	_ =	shalt  }
0x43: {  	_ =	shalt  }
0x44: {  	_ =	shalt  }
0x45: {  	_ =	shalt  }
0x46: {  	_ =	shalt  }
0x47: {  	_ =	shalt  }
0x48: {  	_ =	shalt  }
0x49: {  	_ =	shalt  }
0x4a: {  	_ =	shalt  }
0x4b: {  	_ =	shalt  }
0x4c: {  	_ =	shalt  }
0x4d: {  	_ =	shalt  }
0x4e: {  	_ =	shalt  }
0x4f: {  	_ =	shalt  }
0x50: {  	_ =	shalt  }
0x51: {  	_ =	shalt  }
0x52: {  	_ =	shalt  }
0x53: {  	_ =	shalt  }
0x54: {  	_ =	shalt  }
0x55: {  	_ =	shalt  }
0x56: {  	_ =	shalt  }
0x57: {  	_ =	shalt  }
0x58: {  	_ =	shalt  }
0x59: {  	_ =	shalt  }
0x5a: {  	_ =	shalt  }
0x5b: {  	_ =	shalt  }
0x5c: {  	_ =	shalt  }
0x5d: {  	_ =	shalt  }
0x5e: {  	_ =	shalt  }
0x5f: {  	_ =	shalt  }
0x60: {  	_ =	shalt  }
0x61: {  	_ =	shalt  }
0x62: {  	_ =	shalt  }
0x63: {  	_ =	shalt  }
0x64: {  	_ =	shalt  }
0x65: {  	_ =	shalt  }
0x66: {  	_ =	shalt  }
0x67: {  	_ =	shalt  }
0x68: {  	_ =	shalt  }
0x69: {  	_ =	shalt  }
0x6a: {  	_ =	shalt  }
0x6b: {  	_ =	shalt  }
0x6c: {  	_ =	shalt  }
0x6d: {  	_ =	shalt  }
0x6e: {  	_ =	shalt  }
0x6f: {  	_ =	shalt  }
0x70: {  	_ =	shalt  }
0x71: {  	_ =	shalt  }
0x72: {  	_ =	shalt  }
0x73: {  	_ =	shalt  }
0x74: {  	_ =	shalt  }
0x75: {  	_ =	shalt  }
0x76: {  	_ =	shalt  }
0x77: {  	_ =	shalt  }
0x78: {  	_ =	shalt  }
0x79: {  	_ =	shalt  }
0x7a: {  	_ =	shalt  }
0x7b: {  	_ =	shalt  }
0x7c: {  	_ =	shalt  }
0x7d: {  	_ =	shalt  }
0x7e: {  	_ =	shalt  }
0x7f: {  	_ =	shalt  }
0x80: {  	_ =	shalt  }
0x81: {  	_ =	shalt  }
0x82: {  	_ =	shalt  }
0x83: {  	_ =	shalt  }
0x84: {  	_ =	shalt  }
0x85: {  	_ =	shalt  }
0x86: {  	_ =	shalt  }
0x87: {  	_ =	shalt  }
.Lfunc_end0:
.L_simem_size_0:
called_computation.8_lowered:
.L_overlay_start_0:
0x88: {  	s2 =	sld [smem:$0x3FD9]  }
0x89: {  	s3 =	sld [smem:$0x3FFE];
	_ =	sdelay $0x1  }
0x8a: {  	s1 =	srdreg.scid  }
0x8b: {  	s0 =	sand.u32 $0x1, s1  }
0x8c: {  	s16 =	sshll.u32 s0, $0xA;
	s2 =	sadd.s32 s3, s2  }
0x8d: {  	s2 =	sadd.s32 s2, s16  }
0x8e: {  	[smem:$0x3FBB] =	sst s2  }
0x8f: {  	_ = 	snop  }
0x90: {  	(tm) =	ssettm $0x1  }
0x91: {  	s17 =	sld [smem:$0x3FFB];
	_ =	sdelay $0x3  }
0x92: {  	_ =	strace s17  }
0x93: {  	s2 =	sld [smem:$0x3FFC];
	_ =	sdelay $0x3  }
0x94: {  	_ =	strace s2  }
0x95: {  	s2 =	sld [smem:$0x3FFD];
	_ =	sdelay $0x3  }
0x96: {  	_ =	strace s2  }
0x97: {  	_ =	strace $0x8FFFFFFF  }
0x98: {  	s18 =	sld [smem:$0x3FDB];
	_ =	sdelay $0x1  }
0x99: {  	s19 =	simm.s32 $_scs_section_size  }
0x9a: {  	s4 =	simm.s32 $_size__tile_overlayer_lowered;
	s5 =	simm.s32 $_tile_overlayer_lowered  }
0x9b: {  	s22 =	simm.s32 $0x1BFF;
	s21 =	sshll.u32 s5, $0x1;
	s2 =	sadd.s32 s19, s18  }
0x9c: {  	s6 =	simm.s32 $0x0;
	s20 =	sshll.u32 s4, $0x1;
	s4 =	sadd.s32 s21, s2  }
0x9d: {  	[timem:s6], [sflag:s22] =	dma.local [hbm:s4], s20  }
0x9e: {  	_ =	swait.ge [sflag:s22], s20  }
0x9f: {  	s3 =	ssub.s32 $0x0, s20;
	[sflag:s22] =	ssyncset.done $0x0  }
0xa0: {  	[sflag:s22] =	ssyncadd.s32 s3;
	_ =	sdelay $0x1  }
0xa1: {  	s23 =	simm.s32 $0x1B8B  }
0xa2: {  	_ =	swait.ge [sflag:s23], $0x1  }
0xa3: {  	[sflag:s23] =	ssyncset.done $0x0  }
0xa4: {  	s25 =	simm.s32 $0x1B8E;
	s24 =	sld [smem:$0x3FFE];
	[sflag:s23] =	ssyncadd.s32 $0xFFFFFFFF  }
0xa5: {  	s26 =	simm.s32 $execute0_lowered;
	[smem:$0x3FD2] =	sst s25  }
0xa6: {  	s4 =	sshll.u32 s26, $0x1;
	_ =	strace $0x8000005E;
	[dreg:$0x1] =	wrdreg $0xFFFFFFFF  }
0xa7: {  	s28 =	simm.s32 $_size_execute0_lowered;
	s2 =	sadd.s32 s2, s4;
	[dreg:$0x0] =	wrdreg $0x0  }
0xa8: {  	s4 =	sshll.u32 s28, $0x1;
	[dreg:$0x2] =	wrdreg s2  }
0xa9: {  	[dreg:$0x3] =	wrdreg s4  }
0xaa: {  	[dreg:$0x4] =	wrdreg $0xC0  }
0xab: {  	_ =	task [dreg:s6], $0x5FFFF  }
0xac: {  	[dreg:$0x1] =	wrdreg $0xFFFFFFFF  }
0xad: {  	[dreg:$0x0] =	wrdreg $0x60  }
0xae: {  	[dreg:$0x2] =	wrdreg s24  }
0xaf: {  	[dreg:$0x3] =	wrdreg $0x41100  }
0xb0: {  	[dreg:$0x4] =	wrdreg $0x9  }
0xb1: {  	_ =	task.clear_ibuf [dreg:s6], $0x5FFFF;
	_ =	strace $0x9000005E  }
0xb2: {  	s29 =	simm.s32 $0x9;
	_ =	strace $0x80000060  }
0xb3: {  	_ =	swait.ge [sflag:s29], $0x1  }
0xb4: {  	[sflag:s29] =	ssyncadd.s32 $0xFFFFFFFF  }
0xb5: {  	_ =	strace $0x90000060  }
0xb6: {  	_ =	sfence  }
0xb7: {  	s30 =	sld [smem:$0x0];
	_ =	sdelay $0x2  }
0xb8: {  	s31 =	sshll.u32 s1, $0xD;
	s1 =	sshrl.u32 s1, $0x2  }
0xb9: {  	s3 =	sand.u32 $0x4000, s31;
	s1 =	sadd.s32 s1, s30  }
0xba: {  	s0 =	sor.u32 s3, s0;
	s1 =	sshll.u32 s1, $0x11  }
0xbb: {  	s0 =	sor.u32 s1, s0  }
0xbc: {  	s0 =	sadd.s32 $0x8F2B, s0  }
0xbd: {  	[sflag:s0] =	ssyncadd.remote.s32 $0x1  }
0xbe: {  	_ =	sfence.sel $0xFFFF  }
0xbf: {  	[dreg:$0x0] =	wrdreg $0xFFFFFFFF;
	(pc) =	sbr.abs _section_cstart, $3  }
0xc0: {  	[dreg:$0x1] =	wrdreg $0xFFFFFFFF  }
0xc1: {  	_ =	task.clear_ibuf [dreg:s6], $0x2FFFF;
	_ =	strace $0x9FFFFFFF  }
0xc2: {  	(tm) =	ssettm $0x7FFFFFFF  }
0xc3: {  	_ =	shalt  }
tec
execute0_lowered:
.L_overlay_start_1:
0x0: {  	(tag) =	ssettag $0x1  }
0x1: {  	s1 =	rddreg [dreg:$0x0]  }
0x2: {  	s2 =	rddreg [dreg:$0x1]  }
0x3: {  	s0 =	rddreg [dreg:$0x2]  }
0x4: {  	s3 =	simm.s32 $0x0;
	s4 =	srdreg.scid;
	s17 =	simm.s32 $0x80  }
0x5: {  	s18 =	simm.s32 $0x110;
	s19 =	simm.s32 $0x1;
	s21 =	simm.s32 $0x0  }
0x6: {  	[smem:$0x7FF] =	sst s3;
	s13 =	sand.u32 $0x1, s4;
	s5 =	sadd.s32 $0x52C00, s1  }
0x7: {  	s4 =	stileid.u32;
	s6 =	sadd.s32 $0x3D400, s1;
	s9 =	smul.u32 $0x14000, s13  }
0x8: {  	s7 =	sadd.s32 $0x47A00, s1;
	s8 =	sadd.s32 $0x52A00, s1;
	s10 =	smul.u32 $0x1400, s4  }
0x9: {  	_ =	strace $0x8000005F;
	s11 =	ssub.s32 $0x2, s13;
	s12 =	smul.u32 $0x29000, s4  }
0xa: {  	s14 =	smul.u32 $0x28000, s4;
	s30 =	sshll.u32 s4, $0x6;
	s28 =	sshrl.u32 s11, $0x1  }
0xb: {  	p0 =	seq.s32 s13, $0x0;
	s9 =	sadd.s32 s10, s9;
	s11 =	ssub.s32 s11, s28  }
.Ltmp0:
0xc: {  	s29 =	sshrl.u32 s12, $0x2;
	s31 =	sshrl.u32 s14, $0x2;
	(pc) =	sbr.rel .LBB2_1-.Ltmp0, $4  }
0xd: {  	s12 =	sshll.u32 s4, $0x7;
	s14 =	simm.s32 $0x2;
	s15 =	sadd.s32 s9, s1  }
0xe: {  	s16 =	sadd.s32 s29, s2;
	s9 =	sor.u32 $0x1C02, s30;
	s20 =	sadd.s32 s31, s2  }
0xf: {  	s11 =	smax.u32 s11, $0x1;
	s10 =	sadd.s32 $0x1600, s15;
	s13 =	sshrl.u32 s16, $0x3  }
0x10: {  	s15 =	simm.s32 $0x10;
	s16 =	simm.s32 $0x90;
	s20 =	sshrl.u32 s20, $0x3  }
.LBB2_5:
0x11: {  	s22 =	sadd.s32 s6, s24;
	[sflag:s14] =	ssyncadd.s32 @p1 $0xFFFFC000  }
0x12: {  	[tilespmem:s15], [sflag:$0x2] =	stream.linear.gather [hbm4b:s22+s3], $0x80, $0x38;
	[tilespmem:$0xE510] =	vst v63  }
0x13: {  	_ =	swait.ge [sflag:s14], $0x80  }
0x14: {  	[sflag:s14] =	ssyncset.done $0x0  }
0x15: {  	s31 =	sadd.s32 s7, s24;
	[sflag:s14] =	ssyncadd.s32 $0xFFFFFF80  }
0x16: {  	[tilespmem:s16], [sflag:$0x2] =	stream.linear.gather [hbm4b:s31+s3], $0x80, $0x38;
	[tilespmem:$0xE510] =	vst v63  }
0x17: {  	_ =	swait.ge [sflag:s14], $0x80  }
0x18: {  	[sflag:s14] =	ssyncset.done $0x0  }
0x19: {  	[sflag:s14] =	ssyncadd.s32 $0xFFFFFF80  }
0x1a: {  	[tilespmem:s18], [sflag:$0x1] =	stream.indirect.gather [hbm4b:s5+s17], $0x80, s15, s17, $0xb8;
	[tilespmem:$0xE510] =	vst v63  }
0x1b: {  	_ =	swait.ge [sflag:s19], $0x4000  }
0x1c: {  	[sflag:s19] =	ssyncset.done $0x0  }
0x1d: {  	[sflag:s19] =	ssyncadd.s32 $0xFFFFC000  }
0x1e: {  	[spmem:s2] =	stream.indirect.scatter.add.f32 [tilespmem:s18], [sflag:$0x2], $0x80, s16, s17, $0xb8;
	[tilespmem:$0xE510] =	vst v63  }
0x1f: {  	_ =	swait.ge [sflag:s14], $0x4000  }
0x20: {  	[sflag:s14] =	ssyncset.done $0x0  }
0x21: {  	[sflag:s14] =	ssyncadd.s32 $0xFFFFC000  }
.LBB2_6:
0x22: {  	s21 =	sadd.s32 $0x1, s21  }
0x23: {  	p1 =	sne.s32 s21, s11  }
.Ltmp1:
0x24: {  	[bflag:$0x0] =	sbarrier.arrive $0xFFFF;
	(pc) =	sbr.rel @!p1 .LBB2_7-.Ltmp1, $4  }
0x25: {  	[hbm:s10], [sflag:s9] =	dma.local [spmem:s20], $0x1400  }
0x26: {  	_ =	swait.ge [sflag:s14], $0x1400  }
0x27: {  	[sflag:s14] =	ssyncset.done $0x0  }
0x28: {  	[sflag:s14] =	ssyncadd.s32 $0xFFFFEC00  }
.LBB2_1:
0x29: {  	[spmem:s13], [sflag:s9] =	dma.local [hbm:s1], $0x1480  }
0x2a: {  	_ =	swait.ge [sflag:s14], $0x1480  }
0x2b: {  	[sflag:s14] =	ssyncset.done $0x0  }
0x2c: {  	[sflag:s14] =	ssyncadd.s32 $0xFFFFEB80  }
0x2d: {  	[tilespmem:s3], [sflag:$0x2] =	stream.linear.gather [hbm4b:s8+s3], $0x10, $0x38;
	[tilespmem:$0xE510] =	vst v63  }
0x2e: {  	_ =	swait.ge [sflag:s14], $0x10  }
0x2f: {  	[sflag:s14] =	ssyncset.done $0x0  }
0x30: {  	[sflag:s14] =	ssyncadd.s32 $0xFFFFFFF0  }
0x31: {  	[bflag:$0x0] =	sbarrier.arrive $0xFFFF  }
0x32: {  	v0 =	vld [tilespmem:$0x0];
	_ =	sdelay $0x4  }
0x33: {  	(v2sf) =	vpush v0, $0x0  }
0x34: {  	(v2sf) =	vpush v0, $0x2  }
0x35: {  	(v2sf) =	vpush v0, $0x1  }
0x36: {  	(v2sf) =	vpush v0, $0x3;
	_ =	sdelay $0xb  }
0x37: {  	s23 =	spop (v2sf)  }
0x38: {  	s22 =	spop (v2sf)  }
0x39: {  	s25 =	spop (v2sf)  }
0x3a: {  	s24 =	spop (v2sf)  }
0x3b: {  	s24 =	smov.u32 @p0 s25  }
0x3c: {  	p1 =	slt.s32 s24, $0x1  }
.Ltmp2:
0x3d: {  	_ = 	snop;
	(pc) =	sbr.rel @p1 .LBB2_6-.Ltmp2, $1  }
0x3e: {  	_ =	sdelay $0x3  }
0x3f: {  	p2 =	sne.s32 s24, $0x1  }
.Ltmp3:
0x40: {  	_ = 	snop;
	(pc) =	sbr.rel @!p2 .LBB2_5-.Ltmp3, $4  }
0x41: {  	s25 =	smul.u32 s24, s12  }
0x42: {  	s22 =	smov.u32 @p0 s23  }
0x43: {  	s23 =	sadd.s32 s25, s22  }
0x44: {  	p1 =	por $0x0, $0x0;
	s22 =	sadd.s32 $0xFFFFFFFF, s24;
	s24 =	sshrl.u32 s23, $0x3  }
0x45: {  	s25 =	sadd.s32 s6, s24  }
0x46: {  	[tilespmem:s15], [sflag:$0x2] =	stream.linear.gather [hbm4b:s25+s3], $0x80, $0x38;
	[tilespmem:$0xE510] =	vst v63  }
0x47: {  	_ =	swait.ge [sflag:s14], $0x80  }
0x48: {  	[sflag:s14] =	ssyncset.done $0x0  }
0x49: {  	s31 =	sadd.s32 s7, s24;
	[sflag:s14] =	ssyncadd.s32 $0xFFFFFF80  }
0x4a: {  	[tilespmem:s16], [sflag:$0x2] =	stream.linear.gather [hbm4b:s31+s3], $0x80, $0x38;
	[tilespmem:$0xE510] =	vst v63  }
0x4b: {  	_ =	swait.ge [sflag:s14], $0x80  }
0x4c: {  	[sflag:s14] =	ssyncset.done $0x0  }
0x4d: {  	[sflag:s14] =	ssyncadd.s32 $0xFFFFFF80  }
0x4e: {  	[tilespmem:s18], [sflag:$0x1] =	stream.indirect.gather [hbm4b:s5+s17], $0x80, s15, s17, $0xb8;
	[tilespmem:$0xE510] =	vst v63  }
0x4f: {  	p2 =	sne.s32 s22, $0x1;
	_ =	swait.ge [sflag:s19], $0x4000  }
.Ltmp4:
0x50: {  	[sflag:s19] =	ssyncset.done $0x0;
	(pc) =	sbr.rel @!p2 .LBB2_5-.Ltmp4, $4  }
0x51: {  	[sflag:s19] =	ssyncadd.s32 $0xFFFFC000  }
0x52: {  	[spmem:s2] =	stream.indirect.scatter.add.f32 [tilespmem:s18], [sflag:$0x2], $0x80, s16, s17, $0xb8;
	[tilespmem:$0xE510] =	vst v63  }
0x53: {  	s22 =	sadd.s32 $0xFFFFFFFF, s22;
	s23 =	sadd.s32 $0x80, s23;
	_ =	swait.ge [sflag:s14], $0x4000  }
0x54: {  	p1 =	por $0x1, $0x1;
	s24 =	sshrl.u32 s23, $0x3;
	[sflag:s14] =	ssyncset.done $0x0  }
.LBB2_4:
0x55: {  	p2 =	sne.s32 s22, $0x1;
	s25 =	sadd.s32 s6, s24;
	[sflag:s14] =	ssyncadd.s32 $0xFFFFC000  }
0x56: {  	[tilespmem:s15], [sflag:$0x2] =	stream.linear.gather [hbm4b:s25+s3], $0x80, $0x38;
	[tilespmem:$0xE510] =	vst v63  }
0x57: {  	s22 =	sadd.s32 $0xFFFFFFFF, s22;
	_ =	swait.ge [sflag:s14], $0x80  }
0x58: {  	[sflag:s14] =	ssyncset.done $0x0  }
0x59: {  	s24 =	sadd.s32 s7, s24;
	[sflag:s14] =	ssyncadd.s32 $0xFFFFFF80  }
0x5a: {  	[tilespmem:s16], [sflag:$0x2] =	stream.linear.gather [hbm4b:s24+s3], $0x80, $0x38;
	[tilespmem:$0xE510] =	vst v63  }
0x5b: {  	_ =	swait.ge [sflag:s14], $0x80  }
0x5c: {  	[sflag:s14] =	ssyncset.done $0x0  }
0x5d: {  	[sflag:s14] =	ssyncadd.s32 $0xFFFFFF80  }
0x5e: {  	[tilespmem:s18], [sflag:$0x1] =	stream.indirect.gather [hbm4b:s5+s17], $0x80, s15, s17, $0xb8;
	[tilespmem:$0xE510] =	vst v63  }
0x5f: {  	_ =	swait.ge [sflag:s19], $0x4000  }
.Ltmp5:
0x60: {  	[sflag:s19] =	ssyncset.done $0x0;
	(pc) =	sbr.rel @p2 .LBB2_4-.Ltmp5, $4  }
0x61: {  	[sflag:s19] =	ssyncadd.s32 $0xFFFFC000  }
0x62: {  	[spmem:s2] =	stream.indirect.scatter.add.f32 [tilespmem:s18], [sflag:$0x2], $0x80, s16, s17, $0xb8;
	[tilespmem:$0xE510] =	vst v63  }
0x63: {  	s23 =	sadd.s32 $0x80, s23;
	_ =	swait.ge [sflag:s14], $0x4000  }
0x64: {  	s24 =	sshrl.u32 s23, $0x3;
	[sflag:s14] =	ssyncset.done $0x0  }
.Ltmp6:
0x65: {  	_ = 	snop;
	(pc) =	sbr.rel .LBB2_5-.Ltmp6, $1  }
0x66: {  	_ =	sdelay $0x3  }
.LBB2_7:
0x67: {  	_ =	sfence.sel $0x180000  }
0x68: {  	[bflag:$0x0] =	sbarrier.arrive $0xFFFF  }
0x69: {  	p0 =	sne.s32 s4, $0x0;
	_ =	strace $0x9000005F  }
0x6a: {  	s0 =	sadd.s32 @!p0 $0x100000, s0;
	[bflag:$0x2] =	sbarrier.arrive $0xFFFF  }
0x6b: {  	[sflag:s0] =	ssyncadd.tile.s32 @!p0 $0x1;
	_ =	shalt  }
.Lfunc_end2:
_tile_overlayer_lowered:
.L_overlay_start_2:
0x6c: {  	(tag) =	ssettag $0x2  }
0x6d: {  	s0 =	rddreg [dreg:$0x0];
	s2 =	stileid.u32  }
0x6e: {  	s1 =	rddreg [dreg:$0x1];
	p0 =	sne.s32 s2, $0x0  }
0x6f: {  	s3 =	rddreg [dreg:$0x2];
	[bflag:$0x3] =	sbarrier.arrive $0xFFFF;
	s2 =	simm.s32 @!p0 $0x1C02  }
0x70: {  	[timem:s3], [sflag:s2] =	dma.local @!p0 [hbm:s0], s1  }
0x71: {  	s0 =	simm.s32 @!p0 $0x2  }
0x72: {  	_ =	swait.ge @!p0 [sflag:s0], s1  }
0x73: {  	s1 =	ssub.s32 @!p0 $0x0, s1;
	[sflag:s0] =	ssyncset.done @!p0 $0x0  }
0x74: {  	[sflag:s0] =	ssyncadd.s32 @!p0 s1  }
0x75: {  	[bflag:$0x3] =	sbarrier.arrive $0xFFFF  }
0x76: {  	_ =	shalt  }

</sc_bundles>
